<compile_context>
chip_gen: v7x
topology: tpu7x:2x2x1
jax: 0.10.2.dev20260603
libtpu: 0.0.44.dev20260713+nightly
codegen_flags: <defaults>
</compile_context>

<pallas_src>
import functools

import jax
import jax.numpy as jnp
from jax import lax
from jax.experimental import pallas as pl
from jax.experimental.pallas import tpu as pltpu
from jax.experimental.pallas import tpu_sc as plsc

NC = 2
NS = 16
NW = NC * NS
L = 16


def _sc_kernel(B, DIM, CH):
  RPW = B // NW
  NCH = RPW // CH
  NBUF = 2
  assert RPW % CH == 0 and NCH % NBUF == 0 and CH % L == 0
  mesh = plsc.VectorSubcoreMesh(core_axis_name="c", subcore_axis_name="s")

  box_scratch = [pltpu.VMEM((CH, DIM), jnp.float32) for _ in range(8 * NBUF)]

  @functools.partial(
      pl.kernel,
      out_type=jax.ShapeDtypeStruct((B,), jnp.float32),
      mesh=mesh,
      scratch_types=[
          pltpu.VMEM((RPW,), jnp.int32),
          pltpu.VMEM((RPW,), jnp.int32),
          pltpu.VMEM((RPW,), jnp.int32),
          pltpu.VMEM((RPW,), jnp.int32),
          pltpu.VMEM((RPW,), jnp.float32),
          pltpu.VMEM((RPW,), jnp.float32),
      ] + box_scratch + [pltpu.SemaphoreType.DMA] * NBUF,
  )
  def body(min_hbm, max_hbm, rsc_hbm, rtr_hbm, ia_hbm, ib_hbm, ic_hbm,
           ir_hbm, f4_hbm, out_hbm, *scr):
    ia_v, ib_v, ic_v, ir_v, f4_v, out_v = scr[:6]
    bufs = [scr[6 + 8 * p:14 + 8 * p] for p in range(NBUF)]
    sems = scr[6 + 8 * NBUF:]
    tabs = [min_hbm, max_hbm, min_hbm, max_hbm, min_hbm, max_hbm,
            rsc_hbm, rtr_hbm]
    idxs = [ia_v, ia_v, ib_v, ib_v, ic_v, ic_v, ir_v, ir_v]

    wid = lax.axis_index("s") * NC + lax.axis_index("c")
    base = wid * RPW

    cps = [
        pltpu.async_copy(ia_hbm.at[pl.ds(base, RPW)], ia_v, sems[0]),
        pltpu.async_copy(ib_hbm.at[pl.ds(base, RPW)], ib_v, sems[0]),
        pltpu.async_copy(ic_hbm.at[pl.ds(base, RPW)], ic_v, sems[0]),
        pltpu.async_copy(ir_hbm.at[pl.ds(base, RPW)], ir_v, sems[0]),
        pltpu.async_copy(f4_hbm.at[pl.ds(base, RPW)], f4_v, sems[0]),
    ]
    for cp in cps:
      cp.wait()

    def issue(ch, p):
      for t in range(8):
        pltpu.async_copy(tabs[t].at[idxs[t].at[pl.ds(ch * CH, CH)]],
                         bufs[p][t], sems[p])

    def drain(p):
      for t in range(8):
        pltpu.make_async_copy(tabs[t].at[pl.ds(0, CH)], bufs[p][t],
                              sems[p]).wait()

    def compute(ch, p):
      minA, maxA, minB, maxB, minC, maxC, scv, trv = bufs[p]

      def grp_body(g, carry):
        off = ch * CH + g * L
        f4vec = f4_v[pl.ds(off, L)]
        lane = lax.iota(jnp.int32, L)
        lo8 = lane < 8
        x8 = lane ^ 8
        z16 = jnp.zeros((L,), jnp.int32)
        c8 = jnp.full((L,), 8, jnp.int32)

        def row_reduce(j, jf):
          z = jnp.zeros((L,), jnp.float32)
          f4b = f4vec.at[jnp.full((L,), jf, jnp.int32)].get(
              mode="promise_in_bounds")
          an, aden = z, z
          for c in range(DIM // L):
            sl = pl.ds(c * L, L)
            mA = minA[j, sl]
            MA = maxA[j, sl]
            mB = minB[j, sl]
            MB = maxB[j, sl]
            mC = minC[j, sl]
            MC = maxC[j, sl]
            sc = scv[j, sl]
            tr = trv[j, sl]
            mCp = mC * sc + tr
            MCp = MC * sc + tr
            m12 = jnp.maximum(mA, mB)
            M12 = jnp.minimum(MA, MB)
            mI = jnp.maximum(m12, mCp)
            MI = jnp.minimum(M12, MCp)
            dn = MI - mI
            d12 = M12 - m12
            dC = MCp - mCp
            dsel = d12 + f4b * (dC - d12)
            an = an + dn * dn
            aden = aden + dsel * dsel
          an = an + an.at[x8].get(mode="promise_in_bounds",
                                  unique_indices=True)
          aden = aden + aden.at[x8].get(mode="promise_in_bounds",
                                        unique_indices=True)
          m = jnp.where(lo8, an,
                        aden.at[x8].get(mode="promise_in_bounds",
                                        unique_indices=True))
          for s in (4, 2, 1):
            m = m + m.at[lane ^ s].get(mode="promise_in_bounds",
                                       unique_indices=True)
          nb = m.at[z16].get(mode="promise_in_bounds")
          db = m.at[c8].get(mode="promise_in_bounds")
          return nb / db

        def row_body(j2, res):
          j0 = g * L + 2 * j2
          jl = 2 * j2
          rv0 = row_reduce(j0, jl)
          rv1 = row_reduce(j0 + 1, jl + 1)
          res = jnp.where(lane == jl, rv0, res)
          res = jnp.where(lane == jl + 1, rv1, res)
          return res

        res = lax.fori_loop(0, L // 2, row_body,
                            jnp.zeros((L,), jnp.float32))
        out_v[pl.ds(off, L)] = res
        return carry

      lax.fori_loop(0, CH // L, grp_body, 0)

    for p in range(NBUF):
      issue(p, p)

    def round_body(i, carry):
      ch0 = NBUF * i
      for p in range(NBUF):
        drain(p)
        compute(ch0 + p, p)

        @pl.when(ch0 + p + NBUF < NCH)
        def _():
          issue(ch0 + p + NBUF, p)

      return carry

    lax.fori_loop(0, NCH // NBUF, round_body, 0)
    pltpu.sync_copy(out_v, out_hbm.at[pl.ds(base, RPW)])

  return body


def kernel(min_embeddings, max_embeddings, rel_scale_embeddings,
           rel_trans_embeddings, x):
  B = x.shape[0]
  DIM = min_embeddings.shape[1]
  REL = rel_scale_embeddings.shape[0]

  tag = x[:, 0]
  onehot = (tag[:, None] == jnp.arange(1, 5)[None, :]).astype(jnp.int32)
  ranks = jnp.cumsum(onehot, axis=0)
  offs = jnp.concatenate(
      [jnp.zeros((1,), jnp.int32), jnp.cumsum(ranks[-1])[:3]])
  pos = jnp.sum(onehot * (offs[None, :] + ranks - 1), axis=1)
  ts = tag
  c1, c2, c3 = x[:, 1], x[:, 2], x[:, 3]
  is12 = ts <= 2
  NID = 512
  ia = jnp.where(ts == 1, c2, c1)
  ib = jnp.where(is12, c2, c1)
  ic = jnp.where(is12, c3, c2)
  ir = jnp.where(is12, REL + (jnp.arange(B, dtype=jnp.int32) % NID), c3)
  f4 = (ts == 4).astype(jnp.float32)

  rsc = jnp.concatenate(
      [rel_scale_embeddings, jnp.ones((NID, DIM), jnp.float32)], axis=0)
  rtr = jnp.concatenate(
      [rel_trans_embeddings, jnp.zeros((NID, DIM), jnp.float32)], axis=0)

  res = _sc_kernel(B, DIM, CH=16)(
      min_embeddings, max_embeddings, rsc, rtr, ia, ib, ic, ir, f4)
  out = jnp.zeros((B,), jnp.float32).at[pos].set(
      res, mode="promise_in_bounds", unique_indices=True)
  return out[:, None]

# --- scband reference (transcript-rebuilt; emitter-appended) ---
"""Pipeline reference for scband-stat-box-el-32452772888751 (READ-ONLY COPY).

The authoritative reference and input builder live on the scoring server;
editing this copy changes nothing except your own understanding.
"""

import jax, jax.numpy as jnp
import numpy as np

VOCAB = 100000
REL = 1000
DIM = 128
BATCH = 16384


def _vol(dmin, dmax):
    # volume_metric == 'square_sum'
    return jnp.square(dmax - dmin).sum(1, keepdims=True)


def _gather(tab, idx):
    return jnp.take(tab, idx, axis=0)


def setup_inputs(seed: int = 0) -> dict:
    key = jax.random.key(seed)
    ks = jax.random.split(key, 9)
    # x[:,0] is the normal-form tag in {1,2,3,4}; remaining columns are class
    # indices (< VOCAB) except column 3 for NF3/NF4 which is a relation index (< REL).
    col0 = jax.random.randint(ks[0], (BATCH,), 1, 5)
    c1 = jax.random.randint(ks[1], (BATCH,), 0, VOCAB)
    c2 = jax.random.randint(ks[2], (BATCH,), 0, VOCAB)
    c3_class = jax.random.randint(ks[3], (BATCH,), 0, VOCAB)
    c3_rel = jax.random.randint(ks[4], (BATCH,), 0, REL)
    col3 = jnp.where(col0 <= 2, c3_class, c3_rel)
    x = jnp.stack([col0, c1, c2, col3], axis=1).astype(jnp.int32)
    min_embeddings = jax.random.uniform(ks[5], (VOCAB, DIM), minval=0.0, maxval=0.5, dtype=jnp.float32)
    max_embeddings = jax.random.uniform(ks[6], (VOCAB, DIM), minval=0.5, maxval=1.0, dtype=jnp.float32)
    rel_scale_embeddings = jax.random.uniform(ks[7], (REL, DIM), minval=0.8, maxval=1.2, dtype=jnp.float32)
    rel_trans_embeddings = jax.random.uniform(ks[8], (REL, DIM), minval=-0.1, maxval=0.1, dtype=jnp.float32)
    return {"min_embeddings": min_embeddings, "max_embeddings": max_embeddings,
            "rel_scale_embeddings": rel_scale_embeddings, "rel_trans_embeddings": rel_trans_embeddings,
            "x": x}


def reference(min_embeddings, max_embeddings, rel_scale_embeddings, rel_trans_embeddings, x):
    min_e, max_e, rscale, rtrans = min_embeddings, max_embeddings, rel_scale_embeddings, rel_trans_embeddings
    order = jnp.argsort(x[:, 0], stable=True)
    xs = x[order]
    tag = xs[:, 0:1]
    # NF1: C subclassOf D  (uses columns 2,3 as class indices)
    iA = xs[:, 2]; iB = xs[:, 3]
    minA, maxA = _gather(min_e, iA), _gather(max_e, iA)
    minB, maxB = _gather(min_e, iB), _gather(max_e, iB)
    imin = jnp.maximum(minA, minB); imax = jnp.minimum(maxA, maxB)
    p1 = _vol(imin, imax) / _vol(minA, maxA)
    # NF2: C1 and C2 subclassOf D
    iA1 = xs[:, 1]; iA2 = xs[:, 2]; iB2 = xs[:, 3]
    minA1, maxA1 = _gather(min_e, iA1), _gather(max_e, iA1)
    minA2, maxA2 = _gather(min_e, iA2), _gather(max_e, iA2)
    minB2, maxB2 = _gather(min_e, iB2), _gather(max_e, iB2)
    m12 = jnp.maximum(minA1, minA2); M12 = jnp.minimum(maxA1, maxA2)
    m2 = jnp.maximum(m12, minB2); M2 = jnp.minimum(M12, maxB2)
    p2 = _vol(m2, M2) / _vol(m12, M12)
    # NF3: C subclassOf r.D  /  NF4: r.C subclassOf D (shared gathers)
    iA3 = xs[:, 1]; iB3 = xs[:, 2]; ir = xs[:, 3]
    minA3, maxA3 = _gather(min_e, iA3), _gather(max_e, iA3)
    minB3, maxB3 = _gather(min_e, iB3), _gather(max_e, iB3)
    sc, tr = _gather(rscale, ir), _gather(rtrans, ir)
    minrB = minB3 * sc + tr; maxrB = maxB3 * sc + tr
    m3 = jnp.maximum(minA3, minrB); M3 = jnp.minimum(maxA3, maxrB)
    p3 = _vol(m3, M3) / _vol(minA3, maxA3)
    p4 = _vol(m3, M3) / _vol(minrB, maxrB)
    return jnp.where(tag == 1, p1, jnp.where(tag == 2, p2, jnp.where(tag == 3, p3, p4)))


if False:  # reference __main__ guard neutralized (emitter)
    out = reference(**setup_inputs())
    print(out.shape, out.dtype)

if __name__ == "__main__":
    import jax
    _d = setup_inputs()
    print(jax.jit(kernel)(*tuple(_d.values())))

</pallas_src>

<mosaic_0001>
#map = affine_map<(d0, d1) -> (0, 0)>
#map1 = affine_map<(d0, d1) -> (0)>
module attributes {stable_mosaic.version = 14 : i64} {
  func.func @body(%arg0: i32, %arg1: i32, %arg2: memref<100000x128xf32, #tpu.memory_space<hbm>>, %arg3: memref<100000x128xf32, #tpu.memory_space<hbm>>, %arg4: memref<1512x128xf32, #tpu.memory_space<hbm>>, %arg5: memref<1512x128xf32, #tpu.memory_space<hbm>>, %arg6: memref<16384xi32, #tpu.memory_space<hbm>>, %arg7: memref<16384xi32, #tpu.memory_space<hbm>>, %arg8: memref<16384xi32, #tpu.memory_space<hbm>>, %arg9: memref<16384xi32, #tpu.memory_space<hbm>>, %arg10: memref<16384xf32, #tpu.memory_space<hbm>>, %arg11: memref<16384xf32, #tpu.memory_space<hbm>>, %arg12: memref<512xi32, #tpu.memory_space<vmem>>, %arg13: memref<512xi32, #tpu.memory_space<vmem>>, %arg14: memref<512xi32, #tpu.memory_space<vmem>>, %arg15: memref<512xi32, #tpu.memory_space<vmem>>, %arg16: memref<512xf32, #tpu.memory_space<vmem>>, %arg17: memref<512xf32, #tpu.memory_space<vmem>>, %arg18: memref<16x128xf32, #tpu.memory_space<vmem>>, %arg19: memref<16x128xf32, #tpu.memory_space<vmem>>, %arg20: memref<16x128xf32, #tpu.memory_space<vmem>>, %arg21: memref<16x128xf32, #tpu.memory_space<vmem>>, %arg22: memref<16x128xf32, #tpu.memory_space<vmem>>, %arg23: memref<16x128xf32, #tpu.memory_space<vmem>>, %arg24: memref<16x128xf32, #tpu.memory_space<vmem>>, %arg25: memref<16x128xf32, #tpu.memory_space<vmem>>, %arg26: memref<16x128xf32, #tpu.memory_space<vmem>>, %arg27: memref<16x128xf32, #tpu.memory_space<vmem>>, %arg28: memref<16x128xf32, #tpu.memory_space<vmem>>, %arg29: memref<16x128xf32, #tpu.memory_space<vmem>>, %arg30: memref<16x128xf32, #tpu.memory_space<vmem>>, %arg31: memref<16x128xf32, #tpu.memory_space<vmem>>, %arg32: memref<16x128xf32, #tpu.memory_space<vmem>>, %arg33: memref<16x128xf32, #tpu.memory_space<vmem>>, %arg34: memref<!tpu.dma_semaphore, #tpu.memory_space<semaphore_mem>>, %arg35: memref<!tpu.dma_semaphore, #tpu.memory_space<semaphore_mem>>) attributes {dimension_semantics = [#tpu.dimension_semantics<core_parallel>, #tpu.dimension_semantics<subcore_parallel>], iteration_bounds = array<i64: 2, 16>, scalar_prefetch = 0 : i64, scratch_operands = 24 : i64, tpu.core_type = #tpu.core_type<sc_vector_subcore>, window_params = [{transform_indices = #map}, {transform_indices = #map}, {transform_indices = #map}, {transform_indices = #map}, {transform_indices = #map1}, {transform_indices = #map1}, {transform_indices = #map1}, {transform_indices = #map1}, {transform_indices = #map1}, {transform_indices = #map1}]} {
    %mul3A = arith.constant 2 : i32
    %mul3A_0 = arith.muli %arg1, %mul3A : i32
    %add3A = arith.addi %mul3A_0, %arg0 : i32
    %mul3A_1 = arith.constant 512 : i32
    %mul3A_2 = arith.muli %add3A, %mul3A_1 : i32
    %dma_start3A = tpu.memref_slice %arg6[%mul3A_2] : memref<16384xi32, #tpu.memory_space<hbm>> -> memref<512xi32, #tpu.memory_space<hbm>>
    %dma_start3A_3 = tpu.memref_slice %arg6[%mul3A_2] : memref<16384xi32, #tpu.memory_space<hbm>> -> memref<512xi32, #tpu.memory_space<hbm>>
    tpu.enqueue_dma source(%dma_start3A_3 : memref<512xi32, #tpu.memory_space<hbm>>) target(%arg12 : memref<512xi32, #tpu.memory_space<vmem>>) target_semaphore(%arg34 : memref<!tpu.dma_semaphore, #tpu.memory_space<semaphore_mem>>)
    %dma_start3A_4 = tpu.memref_slice %arg7[%mul3A_2] : memref<16384xi32, #tpu.memory_space<hbm>> -> memref<512xi32, #tpu.memory_space<hbm>>
    %dma_start3A_5 = tpu.memref_slice %arg7[%mul3A_2] : memref<16384xi32, #tpu.memory_space<hbm>> -> memref<512xi32, #tpu.memory_space<hbm>>
    tpu.enqueue_dma source(%dma_start3A_5 : memref<512xi32, #tpu.memory_space<hbm>>) target(%arg13 : memref<512xi32, #tpu.memory_space<vmem>>) target_semaphore(%arg34 : memref<!tpu.dma_semaphore, #tpu.memory_space<semaphore_mem>>)
    %dma_start3A_6 = tpu.memref_slice %arg8[%mul3A_2] : memref<16384xi32, #tpu.memory_space<hbm>> -> memref<512xi32, #tpu.memory_space<hbm>>
    %dma_start3A_7 = tpu.memref_slice %arg8[%mul3A_2] : memref<16384xi32, #tpu.memory_space<hbm>> -> memref<512xi32, #tpu.memory_space<hbm>>
    tpu.enqueue_dma source(%dma_start3A_7 : memref<512xi32, #tpu.memory_space<hbm>>) target(%arg14 : memref<512xi32, #tpu.memory_space<vmem>>) target_semaphore(%arg34 : memref<!tpu.dma_semaphore, #tpu.memory_space<semaphore_mem>>)
    %dma_start3A_8 = tpu.memref_slice %arg9[%mul3A_2] : memref<16384xi32, #tpu.memory_space<hbm>> -> memref<512xi32, #tpu.memory_space<hbm>>
    %dma_start3A_9 = tpu.memref_slice %arg9[%mul3A_2] : memref<16384xi32, #tpu.memory_space<hbm>> -> memref<512xi32, #tpu.memory_space<hbm>>
    tpu.enqueue_dma source(%dma_start3A_9 : memref<512xi32, #tpu.memory_space<hbm>>) target(%arg15 : memref<512xi32, #tpu.memory_space<vmem>>) target_semaphore(%arg34 : memref<!tpu.dma_semaphore, #tpu.memory_space<semaphore_mem>>)
    %dma_start3A_10 = tpu.memref_slice %arg10[%mul3A_2] : memref<16384xf32, #tpu.memory_space<hbm>> -> memref<512xf32, #tpu.memory_space<hbm>>
    %dma_start3A_11 = tpu.memref_slice %arg10[%mul3A_2] : memref<16384xf32, #tpu.memory_space<hbm>> -> memref<512xf32, #tpu.memory_space<hbm>>
    tpu.enqueue_dma source(%dma_start3A_11 : memref<512xf32, #tpu.memory_space<hbm>>) target(%arg16 : memref<512xf32, #tpu.memory_space<vmem>>) target_semaphore(%arg34 : memref<!tpu.dma_semaphore, #tpu.memory_space<semaphore_mem>>)
    %dma_wait3A = tpu.memref_slice %arg6[%mul3A_2] : memref<16384xi32, #tpu.memory_space<hbm>> -> memref<512xi32, #tpu.memory_space<hbm>>
    %dma_wait3A_12 = tpu.memref_slice %arg6[%mul3A_2] : memref<16384xi32, #tpu.memory_space<hbm>> -> memref<512xi32, #tpu.memory_space<hbm>>
    tpu.wait_dma2 semaphore(%arg34 : memref<!tpu.dma_semaphore, #tpu.memory_space<semaphore_mem>>) src(%dma_wait3A_12 : memref<512xi32, #tpu.memory_space<hbm>>) dst(%arg12 : memref<512xi32, #tpu.memory_space<vmem>>)
    %dma_wait3A_13 = tpu.memref_slice %arg7[%mul3A_2] : memref<16384xi32, #tpu.memory_space<hbm>> -> memref<512xi32, #tpu.memory_space<hbm>>
    %dma_wait3A_14 = tpu.memref_slice %arg7[%mul3A_2] : memref<16384xi32, #tpu.memory_space<hbm>> -> memref<512xi32, #tpu.memory_space<hbm>>
    tpu.wait_dma2 semaphore(%arg34 : memref<!tpu.dma_semaphore, #tpu.memory_space<semaphore_mem>>) src(%dma_wait3A_14 : memref<512xi32, #tpu.memory_space<hbm>>) dst(%arg13 : memref<512xi32, #tpu.memory_space<vmem>>)
    %dma_wait3A_15 = tpu.memref_slice %arg8[%mul3A_2] : memref<16384xi32, #tpu.memory_space<hbm>> -> memref<512xi32, #tpu.memory_space<hbm>>
    %dma_wait3A_16 = tpu.memref_slice %arg8[%mul3A_2] : memref<16384xi32, #tpu.memory_space<hbm>> -> memref<512xi32, #tpu.memory_space<hbm>>
    tpu.wait_dma2 semaphore(%arg34 : memref<!tpu.dma_semaphore, #tpu.memory_space<semaphore_mem>>) src(%dma_wait3A_16 : memref<512xi32, #tpu.memory_space<hbm>>) dst(%arg14 : memref<512xi32, #tpu.memory_space<vmem>>)
    %dma_wait3A_17 = tpu.memref_slice %arg9[%mul3A_2] : memref<16384xi32, #tpu.memory_space<hbm>> -> memref<512xi32, #tpu.memory_space<hbm>>
    %dma_wait3A_18 = tpu.memref_slice %arg9[%mul3A_2] : memref<16384xi32, #tpu.memory_space<hbm>> -> memref<512xi32, #tpu.memory_space<hbm>>
    tpu.wait_dma2 semaphore(%arg34 : memref<!tpu.dma_semaphore, #tpu.memory_space<semaphore_mem>>) src(%dma_wait3A_18 : memref<512xi32, #tpu.memory_space<hbm>>) dst(%arg15 : memref<512xi32, #tpu.memory_space<vmem>>)
    %dma_wait3A_19 = tpu.memref_slice %arg10[%mul3A_2] : memref<16384xf32, #tpu.memory_space<hbm>> -> memref<512xf32, #tpu.memory_space<hbm>>
    %dma_wait3A_20 = tpu.memref_slice %arg10[%mul3A_2] : memref<16384xf32, #tpu.memory_space<hbm>> -> memref<512xf32, #tpu.memory_space<hbm>>
    tpu.wait_dma2 semaphore(%arg34 : memref<!tpu.dma_semaphore, #tpu.memory_space<semaphore_mem>>) src(%dma_wait3A_20 : memref<512xf32, #tpu.memory_space<hbm>>) dst(%arg16 : memref<512xf32, #tpu.memory_space<vmem>>)
    %dma_start3A_21 = arith.constant 0 : i32
    %dma_start3A_22 = tpu.memref_slice %arg12[%dma_start3A_21] : memref<512xi32, #tpu.memory_space<vmem>> -> memref<16xi32, #tpu.memory_space<vmem>>
    %dma_start3A_23 = arith.constant 0 : i32
    %dma_start3A_24 = arith.constant 0 : i32
    %dma_start3A_25 = tpu.memref_slice %arg2[%dma_start3A_23, %dma_start3A_24] : memref<100000x128xf32, #tpu.memory_space<hbm>> -> memref<100000x128xf32, #tpu.memory_space<hbm>>
    tpu.enqueue_indirect_dma source(%dma_start3A_25 : memref<100000x128xf32, #tpu.memory_space<hbm>>) target(%arg18 : memref<16x128xf32, #tpu.memory_space<vmem>>) offsets(%dma_start3A_22 : memref<16xi32, #tpu.memory_space<vmem>>) semaphore(%arg34 : memref<!tpu.dma_semaphore, #tpu.memory_space<semaphore_mem>>)
    %dma_start3A_26 = arith.constant 0 : i32
    %dma_start3A_27 = tpu.memref_slice %arg12[%dma_start3A_26] : memref<512xi32, #tpu.memory_space<vmem>> -> memref<16xi32, #tpu.memory_space<vmem>>
    %dma_start3A_28 = arith.constant 0 : i32
    %dma_start3A_29 = arith.constant 0 : i32
    %dma_start3A_30 = tpu.memref_slice %arg3[%dma_start3A_28, %dma_start3A_29] : memref<100000x128xf32, #tpu.memory_space<hbm>> -> memref<100000x128xf32, #tpu.memory_space<hbm>>
    tpu.enqueue_indirect_dma source(%dma_start3A_30 : memref<100000x128xf32, #tpu.memory_space<hbm>>) target(%arg19 : memref<16x128xf32, #tpu.memory_space<vmem>>) offsets(%dma_start3A_27 : memref<16xi32, #tpu.memory_space<vmem>>) semaphore(%arg34 : memref<!tpu.dma_semaphore, #tpu.memory_space<semaphore_mem>>)
    %dma_start3A_31 = arith.constant 0 : i32
    %dma_start3A_32 = tpu.memref_slice %arg13[%dma_start3A_31] : memref<512xi32, #tpu.memory_space<vmem>> -> memref<16xi32, #tpu.memory_space<vmem>>
    %dma_start3A_33 = arith.constant 0 : i32
    %dma_start3A_34 = arith.constant 0 : i32
    %dma_start3A_35 = tpu.memref_slice %arg2[%dma_start3A_33, %dma_start3A_34] : memref<100000x128xf32, #tpu.memory_space<hbm>> -> memref<100000x128xf32, #tpu.memory_space<hbm>>
    tpu.enqueue_indirect_dma source(%dma_start3A_35 : memref<100000x128xf32, #tpu.memory_space<hbm>>) target(%arg20 : memref<16x128xf32, #tpu.memory_space<vmem>>) offsets(%dma_start3A_32 : memref<16xi32, #tpu.memory_space<vmem>>) semaphore(%arg34 : memref<!tpu.dma_semaphore, #tpu.memory_space<semaphore_mem>>)
    %dma_start3A_36 = arith.constant 0 : i32
    %dma_start3A_37 = tpu.memref_slice %arg13[%dma_start3A_36] : memref<512xi32, #tpu.memory_space<vmem>> -> memref<16xi32, #tpu.memory_space<vmem>>
    %dma_start3A_38 = arith.constant 0 : i32
    %dma_start3A_39 = arith.constant 0 : i32
    %dma_start3A_40 = tpu.memref_slice %arg3[%dma_start3A_38, %dma_start3A_39] : memref<100000x128xf32, #tpu.memory_space<hbm>> -> memref<100000x128xf32, #tpu.memory_space<hbm>>
    tpu.enqueue_indirect_dma source(%dma_start3A_40 : memref<100000x128xf32, #tpu.memory_space<hbm>>) target(%arg21 : memref<16x128xf32, #tpu.memory_space<vmem>>) offsets(%dma_start3A_37 : memref<16xi32, #tpu.memory_space<vmem>>) semaphore(%arg34 : memref<!tpu.dma_semaphore, #tpu.memory_space<semaphore_mem>>)
    %dma_start3A_41 = arith.constant 0 : i32
    %dma_start3A_42 = tpu.memref_slice %arg14[%dma_start3A_41] : memref<512xi32, #tpu.memory_space<vmem>> -> memref<16xi32, #tpu.memory_space<vmem>>
    %dma_start3A_43 = arith.constant 0 : i32
    %dma_start3A_44 = arith.constant 0 : i32
    %dma_start3A_45 = tpu.memref_slice %arg2[%dma_start3A_43, %dma_start3A_44] : memref<100000x128xf32, #tpu.memory_space<hbm>> -> memref<100000x128xf32, #tpu.memory_space<hbm>>
    tpu.enqueue_indirect_dma source(%dma_start3A_45 : memref<100000x128xf32, #tpu.memory_space<hbm>>) target(%arg22 : memref<16x128xf32, #tpu.memory_space<vmem>>) offsets(%dma_start3A_42 : memref<16xi32, #tpu.memory_space<vmem>>) semaphore(%arg34 : memref<!tpu.dma_semaphore, #tpu.memory_space<semaphore_mem>>)
    %dma_start3A_46 = arith.constant 0 : i32
    %dma_start3A_47 = tpu.memref_slice %arg14[%dma_start3A_46] : memref<512xi32, #tpu.memory_space<vmem>> -> memref<16xi32, #tpu.memory_space<vmem>>
    %dma_start3A_48 = arith.constant 0 : i32
    %dma_start3A_49 = arith.constant 0 : i32
    %dma_start3A_50 = tpu.memref_slice %arg3[%dma_start3A_48, %dma_start3A_49] : memref<100000x128xf32, #tpu.memory_space<hbm>> -> memref<100000x128xf32, #tpu.memory_space<hbm>>
    tpu.enqueue_indirect_dma source(%dma_start3A_50 : memref<100000x128xf32, #tpu.memory_space<hbm>>) target(%arg23 : memref<16x128xf32, #tpu.memory_space<vmem>>) offsets(%dma_start3A_47 : memref<16xi32, #tpu.memory_space<vmem>>) semaphore(%arg34 : memref<!tpu.dma_semaphore, #tpu.memory_space<semaphore_mem>>)
    %dma_start3A_51 = arith.constant 0 : i32
    %dma_start3A_52 = tpu.memref_slice %arg15[%dma_start3A_51] : memref<512xi32, #tpu.memory_space<vmem>> -> memref<16xi32, #tpu.memory_space<vmem>>
    %dma_start3A_53 = arith.constant 0 : i32
    %dma_start3A_54 = arith.constant 0 : i32
    %dma_start3A_55 = tpu.memref_slice %arg4[%dma_start3A_53, %dma_start3A_54] : memref<1512x128xf32, #tpu.memory_space<hbm>> -> memref<1512x128xf32, #tpu.memory_space<hbm>>
    tpu.enqueue_indirect_dma source(%dma_start3A_55 : memref<1512x128xf32, #tpu.memory_space<hbm>>) target(%arg24 : memref<16x128xf32, #tpu.memory_space<vmem>>) offsets(%dma_start3A_52 : memref<16xi32, #tpu.memory_space<vmem>>) semaphore(%arg34 : memref<!tpu.dma_semaphore, #tpu.memory_space<semaphore_mem>>)
    %dma_start3A_56 = arith.constant 0 : i32
    %dma_start3A_57 = tpu.memref_slice %arg15[%dma_start3A_56] : memref<512xi32, #tpu.memory_space<vmem>> -> memref<16xi32, #tpu.memory_space<vmem>>
    %dma_start3A_58 = arith.constant 0 : i32
    %dma_start3A_59 = arith.constant 0 : i32
    %dma_start3A_60 = tpu.memref_slice %arg5[%dma_start3A_58, %dma_start3A_59] : memref<1512x128xf32, #tpu.memory_space<hbm>> -> memref<1512x128xf32, #tpu.memory_space<hbm>>
    tpu.enqueue_indirect_dma source(%dma_start3A_60 : memref<1512x128xf32, #tpu.memory_space<hbm>>) target(%arg25 : memref<16x128xf32, #tpu.memory_space<vmem>>) offsets(%dma_start3A_57 : memref<16xi32, #tpu.memory_space<vmem>>) semaphore(%arg34 : memref<!tpu.dma_semaphore, #tpu.memory_space<semaphore_mem>>)
    %dma_start3A_61 = arith.constant 16 : i32
    %dma_start3A_62 = tpu.memref_slice %arg12[%dma_start3A_61] : memref<512xi32, #tpu.memory_space<vmem>> -> memref<16xi32, #tpu.memory_space<vmem>>
    %dma_start3A_63 = arith.constant 0 : i32
    %dma_start3A_64 = arith.constant 0 : i32
    %dma_start3A_65 = tpu.memref_slice %arg2[%dma_start3A_63, %dma_start3A_64] : memref<100000x128xf32, #tpu.memory_space<hbm>> -> memref<100000x128xf32, #tpu.memory_space<hbm>>
    tpu.enqueue_indirect_dma source(%dma_start3A_65 : memref<100000x128xf32, #tpu.memory_space<hbm>>) target(%arg26 : memref<16x128xf32, #tpu.memory_space<vmem>>) offsets(%dma_start3A_62 : memref<16xi32, #tpu.memory_space<vmem>>) semaphore(%arg35 : memref<!tpu.dma_semaphore, #tpu.memory_space<semaphore_mem>>)
    %dma_start3A_66 = arith.constant 16 : i32
    %dma_start3A_67 = tpu.memref_slice %arg12[%dma_start3A_66] : memref<512xi32, #tpu.memory_space<vmem>> -> memref<16xi32, #tpu.memory_space<vmem>>
    %dma_start3A_68 = arith.constant 0 : i32
    %dma_start3A_69 = arith.constant 0 : i32
    %dma_start3A_70 = tpu.memref_slice %arg3[%dma_start3A_68, %dma_start3A_69] : memref<100000x128xf32, #tpu.memory_space<hbm>> -> memref<100000x128xf32, #tpu.memory_space<hbm>>
    tpu.enqueue_indirect_dma source(%dma_start3A_70 : memref<100000x128xf32, #tpu.memory_space<hbm>>) target(%arg27 : memref<16x128xf32, #tpu.memory_space<vmem>>) offsets(%dma_start3A_67 : memref<16xi32, #tpu.memory_space<vmem>>) semaphore(%arg35 : memref<!tpu.dma_semaphore, #tpu.memory_space<semaphore_mem>>)
    %dma_start3A_71 = arith.constant 16 : i32
    %dma_start3A_72 = tpu.memref_slice %arg13[%dma_start3A_71] : memref<512xi32, #tpu.memory_space<vmem>> -> memref<16xi32, #tpu.memory_space<vmem>>
    %dma_start3A_73 = arith.constant 0 : i32
    %dma_start3A_74 = arith.constant 0 : i32
    %dma_start3A_75 = tpu.memref_slice %arg2[%dma_start3A_73, %dma_start3A_74] : memref<100000x128xf32, #tpu.memory_space<hbm>> -> memref<100000x128xf32, #tpu.memory_space<hbm>>
    tpu.enqueue_indirect_dma source(%dma_start3A_75 : memref<100000x128xf32, #tpu.memory_space<hbm>>) target(%arg28 : memref<16x128xf32, #tpu.memory_space<vmem>>) offsets(%dma_start3A_72 : memref<16xi32, #tpu.memory_space<vmem>>) semaphore(%arg35 : memref<!tpu.dma_semaphore, #tpu.memory_space<semaphore_mem>>)
    %dma_start3A_76 = arith.constant 16 : i32
    %dma_start3A_77 = tpu.memref_slice %arg13[%dma_start3A_76] : memref<512xi32, #tpu.memory_space<vmem>> -> memref<16xi32, #tpu.memory_space<vmem>>
    %dma_start3A_78 = arith.constant 0 : i32
    %dma_start3A_79 = arith.constant 0 : i32
    %dma_start3A_80 = tpu.memref_slice %arg3[%dma_start3A_78, %dma_start3A_79] : memref<100000x128xf32, #tpu.memory_space<hbm>> -> memref<100000x128xf32, #tpu.memory_space<hbm>>
    tpu.enqueue_indirect_dma source(%dma_start3A_80 : memref<100000x128xf32, #tpu.memory_space<hbm>>) target(%arg29 : memref<16x128xf32, #tpu.memory_space<vmem>>) offsets(%dma_start3A_77 : memref<16xi32, #tpu.memory_space<vmem>>) semaphore(%arg35 : memref<!tpu.dma_semaphore, #tpu.memory_space<semaphore_mem>>)
    %dma_start3A_81 = arith.constant 16 : i32
    %dma_start3A_82 = tpu.memref_slice %arg14[%dma_start3A_81] : memref<512xi32, #tpu.memory_space<vmem>> -> memref<16xi32, #tpu.memory_space<vmem>>
    %dma_start3A_83 = arith.constant 0 : i32
    %dma_start3A_84 = arith.constant 0 : i32
    %dma_start3A_85 = tpu.memref_slice %arg2[%dma_start3A_83, %dma_start3A_84] : memref<100000x128xf32, #tpu.memory_space<hbm>> -> memref<100000x128xf32, #tpu.memory_space<hbm>>
    tpu.enqueue_indirect_dma source(%dma_start3A_85 : memref<100000x128xf32, #tpu.memory_space<hbm>>) target(%arg30 : memref<16x128xf32, #tpu.memory_space<vmem>>) offsets(%dma_start3A_82 : memref<16xi32, #tpu.memory_space<vmem>>) semaphore(%arg35 : memref<!tpu.dma_semaphore, #tpu.memory_space<semaphore_mem>>)
    %dma_start3A_86 = arith.constant 16 : i32
    %dma_start3A_87 = tpu.memref_slice %arg14[%dma_start3A_86] : memref<512xi32, #tpu.memory_space<vmem>> -> memref<16xi32, #tpu.memory_space<vmem>>
    %dma_start3A_88 = arith.constant 0 : i32
    %dma_start3A_89 = arith.constant 0 : i32
    %dma_start3A_90 = tpu.memref_slice %arg3[%dma_start3A_88, %dma_start3A_89] : memref<100000x128xf32, #tpu.memory_space<hbm>> -> memref<100000x128xf32, #tpu.memory_space<hbm>>
    tpu.enqueue_indirect_dma source(%dma_start3A_90 : memref<100000x128xf32, #tpu.memory_space<hbm>>) target(%arg31 : memref<16x128xf32, #tpu.memory_space<vmem>>) offsets(%dma_start3A_87 : memref<16xi32, #tpu.memory_space<vmem>>) semaphore(%arg35 : memref<!tpu.dma_semaphore, #tpu.memory_space<semaphore_mem>>)
    %dma_start3A_91 = arith.constant 16 : i32
    %dma_start3A_92 = tpu.memref_slice %arg15[%dma_start3A_91] : memref<512xi32, #tpu.memory_space<vmem>> -> memref<16xi32, #tpu.memory_space<vmem>>
    %dma_start3A_93 = arith.constant 0 : i32
    %dma_start3A_94 = arith.constant 0 : i32
    %dma_start3A_95 = tpu.memref_slice %arg4[%dma_start3A_93, %dma_start3A_94] : memref<1512x128xf32, #tpu.memory_space<hbm>> -> memref<1512x128xf32, #tpu.memory_space<hbm>>
    tpu.enqueue_indirect_dma source(%dma_start3A_95 : memref<1512x128xf32, #tpu.memory_space<hbm>>) target(%arg32 : memref<16x128xf32, #tpu.memory_space<vmem>>) offsets(%dma_start3A_92 : memref<16xi32, #tpu.memory_space<vmem>>) semaphore(%arg35 : memref<!tpu.dma_semaphore, #tpu.memory_space<semaphore_mem>>)
    %dma_start3A_96 = arith.constant 16 : i32
    %dma_start3A_97 = tpu.memref_slice %arg15[%dma_start3A_96] : memref<512xi32, #tpu.memory_space<vmem>> -> memref<16xi32, #tpu.memory_space<vmem>>
    %dma_start3A_98 = arith.constant 0 : i32
    %dma_start3A_99 = arith.constant 0 : i32
    %dma_start3A_100 = tpu.memref_slice %arg5[%dma_start3A_98, %dma_start3A_99] : memref<1512x128xf32, #tpu.memory_space<hbm>> -> memref<1512x128xf32, #tpu.memory_space<hbm>>
    tpu.enqueue_indirect_dma source(%dma_start3A_100 : memref<1512x128xf32, #tpu.memory_space<hbm>>) target(%arg33 : memref<16x128xf32, #tpu.memory_space<vmem>>) offsets(%dma_start3A_97 : memref<16xi32, #tpu.memory_space<vmem>>) semaphore(%arg35 : memref<!tpu.dma_semaphore, #tpu.memory_space<semaphore_mem>>)
    %scan3A = arith.constant 0 : i32
    %scan3A_101 = arith.constant 0 : i32
    %scan3A_102 = arith.constant 16 : i32
    %scan3A_103 = arith.addi %scan3A_101, %scan3A_102 : i32
    %scan3A_104 = arith.constant 1 : i32
    scf.for %scan3A_106 = %scan3A_101 to %scan3A_103 step %scan3A_104  : i32 {
      %mul3A_107 = arith.constant 2 : i32
      %mul3A_108 = arith.muli %mul3A_107, %scan3A_106 : i32
      %dma_wait3A_109 = arith.constant 0 : i32
      %dma_wait3A_110 = arith.constant 0 : i32
      %dma_wait3A_111 = tpu.memref_slice %arg2[%dma_wait3A_109, %dma_wait3A_110] : memref<100000x128xf32, #tpu.memory_space<hbm>> -> memref<16x128xf32, #tpu.memory_space<hbm>>
      %dma_wait3A_112 = arith.constant 0 : i32
      %dma_wait3A_113 = arith.constant 0 : i32
      %dma_wait3A_114 = tpu.memref_slice %arg2[%dma_wait3A_112, %dma_wait3A_113] : memref<100000x128xf32, #tpu.memory_space<hbm>> -> memref<16x128xf32, #tpu.memory_space<hbm>>
      tpu.wait_dma2 semaphore(%arg34 : memref<!tpu.dma_semaphore, #tpu.memory_space<semaphore_mem>>) src(%dma_wait3A_114 : memref<16x128xf32, #tpu.memory_space<hbm>>) dst(%arg18 : memref<16x128xf32, #tpu.memory_space<vmem>>)
      %dma_wait3A_115 = arith.constant 0 : i32
      %dma_wait3A_116 = arith.constant 0 : i32
      %dma_wait3A_117 = tpu.memref_slice %arg3[%dma_wait3A_115, %dma_wait3A_116] : memref<100000x128xf32, #tpu.memory_space<hbm>> -> memref<16x128xf32, #tpu.memory_space<hbm>>
      %dma_wait3A_118 = arith.constant 0 : i32
      %dma_wait3A_119 = arith.constant 0 : i32
      %dma_wait3A_120 = tpu.memref_slice %arg3[%dma_wait3A_118, %dma_wait3A_119] : memref<100000x128xf32, #tpu.memory_space<hbm>> -> memref<16x128xf32, #tpu.memory_space<hbm>>
      tpu.wait_dma2 semaphore(%arg34 : memref<!tpu.dma_semaphore, #tpu.memory_space<semaphore_mem>>) src(%dma_wait3A_120 : memref<16x128xf32, #tpu.memory_space<hbm>>) dst(%arg19 : memref<16x128xf32, #tpu.memory_space<vmem>>)
      %dma_wait3A_121 = arith.constant 0 : i32
      %dma_wait3A_122 = arith.constant 0 : i32
      %dma_wait3A_123 = tpu.memref_slice %arg2[%dma_wait3A_121, %dma_wait3A_122] : memref<100000x128xf32, #tpu.memory_space<hbm>> -> memref<16x128xf32, #tpu.memory_space<hbm>>
      %dma_wait3A_124 = arith.constant 0 : i32
      %dma_wait3A_125 = arith.constant 0 : i32
      %dma_wait3A_126 = tpu.memref_slice %arg2[%dma_wait3A_124, %dma_wait3A_125] : memref<100000x128xf32, #tpu.memory_space<hbm>> -> memref<16x128xf32, #tpu.memory_space<hbm>>
      tpu.wait_dma2 semaphore(%arg34 : memref<!tpu.dma_semaphore, #tpu.memory_space<semaphore_mem>>) src(%dma_wait3A_126 : memref<16x128xf32, #tpu.memory_space<hbm>>) dst(%arg20 : memref<16x128xf32, #tpu.memory_space<vmem>>)
      %dma_wait3A_127 = arith.constant 0 : i32
      %dma_wait3A_128 = arith.constant 0 : i32
      %dma_wait3A_129 = tpu.memref_slice %arg3[%dma_wait3A_127, %dma_wait3A_128] : memref<100000x128xf32, #tpu.memory_space<hbm>> -> memref<16x128xf32, #tpu.memory_space<hbm>>
      %dma_wait3A_130 = arith.constant 0 : i32
      %dma_wait3A_131 = arith.constant 0 : i32
      %dma_wait3A_132 = tpu.memref_slice %arg3[%dma_wait3A_130, %dma_wait3A_131] : memref<100000x128xf32, #tpu.memory_space<hbm>> -> memref<16x128xf32, #tpu.memory_space<hbm>>
      tpu.wait_dma2 semaphore(%arg34 : memref<!tpu.dma_semaphore, #tpu.memory_space<semaphore_mem>>) src(%dma_wait3A_132 : memref<16x128xf32, #tpu.memory_space<hbm>>) dst(%arg21 : memref<16x128xf32, #tpu.memory_space<vmem>>)
      %dma_wait3A_133 = arith.constant 0 : i32
      %dma_wait3A_134 = arith.constant 0 : i32
      %dma_wait3A_135 = tpu.memref_slice %arg2[%dma_wait3A_133, %dma_wait3A_134] : memref<100000x128xf32, #tpu.memory_space<hbm>> -> memref<16x128xf32, #tpu.memory_space<hbm>>
      %dma_wait3A_136 = arith.constant 0 : i32
      %dma_wait3A_137 = arith.constant 0 : i32
      %dma_wait3A_138 = tpu.memref_slice %arg2[%dma_wait3A_136, %dma_wait3A_137] : memref<100000x128xf32, #tpu.memory_space<hbm>> -> memref<16x128xf32, #tpu.memory_space<hbm>>
      tpu.wait_dma2 semaphore(%arg34 : memref<!tpu.dma_semaphore, #tpu.memory_space<semaphore_mem>>) src(%dma_wait3A_138 : memref<16x128xf32, #tpu.memory_space<hbm>>) dst(%arg22 : memref<16x128xf32, #tpu.memory_space<vmem>>)
      %dma_wait3A_139 = arith.constant 0 : i32
      %dma_wait3A_140 = arith.constant 0 : i32
      %dma_wait3A_141 = tpu.memref_slice %arg3[%dma_wait3A_139, %dma_wait3A_140] : memref<100000x128xf32, #tpu.memory_space<hbm>> -> memref<16x128xf32, #tpu.memory_space<hbm>>
      %dma_wait3A_142 = arith.constant 0 : i32
      %dma_wait3A_143 = arith.constant 0 : i32
      %dma_wait3A_144 = tpu.memref_slice %arg3[%dma_wait3A_142, %dma_wait3A_143] : memref<100000x128xf32, #tpu.memory_space<hbm>> -> memref<16x128xf32, #tpu.memory_space<hbm>>
      tpu.wait_dma2 semaphore(%arg34 : memref<!tpu.dma_semaphore, #tpu.memory_space<semaphore_mem>>) src(%dma_wait3A_144 : memref<16x128xf32, #tpu.memory_space<hbm>>) dst(%arg23 : memref<16x128xf32, #tpu.memory_space<vmem>>)
      %dma_wait3A_145 = arith.constant 0 : i32
      %dma_wait3A_146 = arith.constant 0 : i32
      %dma_wait3A_147 = tpu.memref_slice %arg4[%dma_wait3A_145, %dma_wait3A_146] : memref<1512x128xf32, #tpu.memory_space<hbm>> -> memref<16x128xf32, #tpu.memory_space<hbm>>
      %dma_wait3A_148 = arith.constant 0 : i32
      %dma_wait3A_149 = arith.constant 0 : i32
      %dma_wait3A_150 = tpu.memref_slice %arg4[%dma_wait3A_148, %dma_wait3A_149] : memref<1512x128xf32, #tpu.memory_space<hbm>> -> memref<16x128xf32, #tpu.memory_space<hbm>>
      tpu.wait_dma2 semaphore(%arg34 : memref<!tpu.dma_semaphore, #tpu.memory_space<semaphore_mem>>) src(%dma_wait3A_150 : memref<16x128xf32, #tpu.memory_space<hbm>>) dst(%arg24 : memref<16x128xf32, #tpu.memory_space<vmem>>)
      %dma_wait3A_151 = arith.constant 0 : i32
      %dma_wait3A_152 = arith.constant 0 : i32
      %dma_wait3A_153 = tpu.memref_slice %arg5[%dma_wait3A_151, %dma_wait3A_152] : memref<1512x128xf32, #tpu.memory_space<hbm>> -> memref<16x128xf32, #tpu.memory_space<hbm>>
      %dma_wait3A_154 = arith.constant 0 : i32
      %dma_wait3A_155 = arith.constant 0 : i32
      %dma_wait3A_156 = tpu.memref_slice %arg5[%dma_wait3A_154, %dma_wait3A_155] : memref<1512x128xf32, #tpu.memory_space<hbm>> -> memref<16x128xf32, #tpu.memory_space<hbm>>
      tpu.wait_dma2 semaphore(%arg34 : memref<!tpu.dma_semaphore, #tpu.memory_space<semaphore_mem>>) src(%dma_wait3A_156 : memref<16x128xf32, #tpu.memory_space<hbm>>) dst(%arg25 : memref<16x128xf32, #tpu.memory_space<vmem>>)
      %add3A_157 = arith.constant 0 : i32
      %add3A_158 = arith.addi %mul3A_108, %add3A_157 : i32
      %scan3A_159 = arith.constant 0 : i32
      %scan3A_160 = arith.constant 0 : i32
      %mul3A_161 = arith.constant 16 : i32
      %mul3A_162 = arith.muli %add3A_158, %mul3A_161 : i32
      %mul3A_163 = arith.constant 16 : i32
      %mul3A_164 = arith.muli %scan3A_160, %mul3A_163 : i32
      %add3A_165 = arith.addi %mul3A_162, %mul3A_164 : i32
      %get3A = arith.index_cast %add3A_165 : i32 to index
      %get3A_166 = tpu.vector_load %arg16[%get3A] {strides = array<i32>} : memref<512xf32, #tpu.memory_space<vmem>>, vector<16xf32>,
      %get3A_167 = vector.shape_cast %get3A_166 : vector<16xf32> to vector<16xf32>
      %iota3A = tpu.iota {dimensions = array<i32: 0>} : vector<16xi32>
      %lt3A = arith.constant 8 : i32
      %lt3A_168 = vector.broadcast %lt3A : i32 to vector<16xi32>
      %lt3A_169 = arith.cmpi slt, %iota3A, %lt3A_168 : vector<16xi32>
      %xor3A = arith.constant 8 : i32
      %xor3A_170 = vector.broadcast %xor3A : i32 to vector<16xi32>
      %xor3A_171 = arith.xori %iota3A, %xor3A_170 : vector<16xi32>
      %broadcast_in_dim3A = arith.constant 0 : i32
      %broadcast_in_dim3A_172 = vector.broadcast %broadcast_in_dim3A : i32 to vector<16xi32>
      %broadcast_in_dim3A_173 = arith.constant 8 : i32
      %broadcast_in_dim3A_174 = vector.broadcast %broadcast_in_dim3A_173 : i32 to vector<16xi32>
      %broadcast_in_dim3A_175 = arith.constant 0.000000e+00 : f32
      %broadcast_in_dim3A_176 = vector.broadcast %broadcast_in_dim3A_175 : f32 to vector<16xf32>
      %scan3A_177 = arith.constant 0 : i32
      %scan3A_178 = arith.constant 8 : i32
      %scan3A_179 = arith.addi %scan3A_177, %scan3A_178 : i32
      %scan3A_180 = arith.constant 1 : i32
      %scan3A_181 = scf.for %scan3A_287 = %scan3A_177 to %scan3A_179 step %scan3A_180 iter_args(%scan3A_288 = %broadcast_in_dim3A_176) -> (vector<16xf32>)  : i32 {
        %mul3A_289 = arith.constant 16 : i32
        %mul3A_290 = arith.muli %scan3A_160, %mul3A_289 : i32
        %mul3A_291 = arith.constant 2 : i32
        %mul3A_292 = arith.muli %mul3A_291, %scan3A_287 : i32
        %add3A_293 = arith.addi %mul3A_290, %mul3A_292 : i32
        %mul3A_294 = arith.constant 2 : i32
        %mul3A_295 = arith.muli %mul3A_294, %scan3A_287 : i32
        %broadcast_in_dim3A_296 = arith.constant 0.000000e+00 : f32
        %broadcast_in_dim3A_297 = vector.broadcast %broadcast_in_dim3A_296 : f32 to vector<16xf32>
        %broadcast_in_dim3A_298 = vector.broadcast %mul3A_295 : i32 to vector<16xi32>
        %lt3A_299 = arith.constant 0 : i32
        %lt3A_300 = vector.broadcast %lt3A_299 : i32 to vector<16xi32>
        %lt3A_301 = arith.cmpi slt, %broadcast_in_dim3A_298, %lt3A_300 : vector<16xi32>
        %add3A_302 = arith.constant 16 : i32
        %add3A_303 = vector.broadcast %add3A_302 : i32 to vector<16xi32>
        %add3A_304 = arith.addi %broadcast_in_dim3A_298, %add3A_303 : vector<16xi32>
        %select_n3A = arith.select %lt3A_301, %add3A_304, %broadcast_in_dim3A_298 : vector<16xi1>, vector<16xi32>
        %broadcast_in_dim3A_305 = vector.shape_cast %select_n3A : vector<16xi32> to vector<16x1xi32>
        %gather3A = vector.shape_cast %broadcast_in_dim3A_305 : vector<16x1xi32> to vector<16xi32>
        %gather3A_306 = tpu.dynamic_gather %get3A_167[%gather3A] in [0] : vector<16xf32>, vector<16xi32> -> vector<16xf32>
        %get3A_307 = arith.index_cast %add3A_293 : i32 to index
        %get3A_308 = arith.constant 0 : index
        %get3A_309 = tpu.vector_load %arg18[%get3A_307, %get3A_308] {strides = array<i32>} : memref<16x128xf32, #tpu.memory_space<vmem>>, vector<1x16xf32>,
        %get3A_310 = vector.shape_cast %get3A_309 : vector<1x16xf32> to vector<16xf32>
        %get3A_311 = arith.index_cast %add3A_293 : i32 to index
        %get3A_312 = arith.constant 0 : index
        %get3A_313 = tpu.vector_load %arg19[%get3A_311, %get3A_312] {strides = array<i32>} : memref<16x128xf32, #tpu.memory_space<vmem>>, vector<1x16xf32>,
        %get3A_314 = vector.shape_cast %get3A_313 : vector<1x16xf32> to vector<16xf32>
        %get3A_315 = arith.index_cast %add3A_293 : i32 to index
        %get3A_316 = arith.constant 0 : index
        %get3A_317 = tpu.vector_load %arg20[%get3A_315, %get3A_316] {strides = array<i32>} : memref<16x128xf32, #tpu.memory_space<vmem>>, vector<1x16xf32>,
        %get3A_318 = vector.shape_cast %get3A_317 : vector<1x16xf32> to vector<16xf32>
        %get3A_319 = arith.index_cast %add3A_293 : i32 to index
        %get3A_320 = arith.constant 0 : index
        %get3A_321 = tpu.vector_load %arg21[%get3A_319, %get3A_320] {strides = array<i32>} : memref<16x128xf32, #tpu.memory_space<vmem>>, vector<1x16xf32>,
        %get3A_322 = vector.shape_cast %get3A_321 : vector<1x16xf32> to vector<16xf32>
        %get3A_323 = arith.index_cast %add3A_293 : i32 to index
        %get3A_324 = arith.constant 0 : index
        %get3A_325 = tpu.vector_load %arg22[%get3A_323, %get3A_324] {strides = array<i32>} : memref<16x128xf32, #tpu.memory_space<vmem>>, vector<1x16xf32>,
        %get3A_326 = vector.shape_cast %get3A_325 : vector<1x16xf32> to vector<16xf32>
        %get3A_327 = arith.index_cast %add3A_293 : i32 to index
        %get3A_328 = arith.constant 0 : index
        %get3A_329 = tpu.vector_load %arg23[%get3A_327, %get3A_328] {strides = array<i32>} : memref<16x128xf32, #tpu.memory_space<vmem>>, vector<1x16xf32>,
        %get3A_330 = vector.shape_cast %get3A_329 : vector<1x16xf32> to vector<16xf32>
        %get3A_331 = arith.index_cast %add3A_293 : i32 to index
        %get3A_332 = arith.constant 0 : index
        %get3A_333 = tpu.vector_load %arg24[%get3A_331, %get3A_332] {strides = array<i32>} : memref<16x128xf32, #tpu.memory_space<vmem>>, vector<1x16xf32>,
        %get3A_334 = vector.shape_cast %get3A_333 : vector<1x16xf32> to vector<16xf32>
        %get3A_335 = arith.index_cast %add3A_293 : i32 to index
        %get3A_336 = arith.constant 0 : index
        %get3A_337 = tpu.vector_load %arg25[%get3A_335, %get3A_336] {strides = array<i32>} : memref<16x128xf32, #tpu.memory_space<vmem>>, vector<1x16xf32>,
        %get3A_338 = vector.shape_cast %get3A_337 : vector<1x16xf32> to vector<16xf32>
        %mul3A_339 = arith.mulf %get3A_326, %get3A_334 : vector<16xf32>
        %add3A_340 = arith.addf %mul3A_339, %get3A_338 : vector<16xf32>
        %mul3A_341 = arith.mulf %get3A_330, %get3A_334 : vector<16xf32>
        %add3A_342 = arith.addf %mul3A_341, %get3A_338 : vector<16xf32>
        %max3A = arith.maximumf %get3A_310, %get3A_318 : vector<16xf32>
        %min3A = arith.minimumf %get3A_314, %get3A_322 : vector<16xf32>
        %max3A_343 = arith.maximumf %max3A, %add3A_340 : vector<16xf32>
        %min3A_344 = arith.minimumf %min3A, %add3A_342 : vector<16xf32>
        %sub3A = arith.subf %min3A_344, %max3A_343 : vector<16xf32>
        %sub3A_345 = arith.subf %min3A, %max3A : vector<16xf32>
        %sub3A_346 = arith.subf %add3A_342, %add3A_340 : vector<16xf32>
        %sub3A_347 = arith.subf %sub3A_346, %sub3A_345 : vector<16xf32>
        %mul3A_348 = arith.mulf %gather3A_306, %sub3A_347 : vector<16xf32>
        %add3A_349 = arith.addf %sub3A_345, %mul3A_348 : vector<16xf32>
        %mul3A_350 = arith.mulf %sub3A, %sub3A : vector<16xf32>
        %add3A_351 = arith.addf %broadcast_in_dim3A_297, %mul3A_350 : vector<16xf32>
        %mul3A_352 = arith.mulf %add3A_349, %add3A_349 : vector<16xf32>
        %add3A_353 = arith.addf %broadcast_in_dim3A_297, %mul3A_352 : vector<16xf32>
        %get3A_354 = arith.index_cast %add3A_293 : i32 to index
        %get3A_355 = arith.constant 16 : index
        %get3A_356 = tpu.vector_load %arg18[%get3A_354, %get3A_355] {strides = array<i32>} : memref<16x128xf32, #tpu.memory_space<vmem>>, vector<1x16xf32>,
        %get3A_357 = vector.shape_cast %get3A_356 : vector<1x16xf32> to vector<16xf32>
        %get3A_358 = arith.index_cast %add3A_293 : i32 to index
        %get3A_359 = arith.constant 16 : index
        %get3A_360 = tpu.vector_load %arg19[%get3A_358, %get3A_359] {strides = array<i32>} : memref<16x128xf32, #tpu.memory_space<vmem>>, vector<1x16xf32>,
        %get3A_361 = vector.shape_cast %get3A_360 : vector<1x16xf32> to vector<16xf32>
        %get3A_362 = arith.index_cast %add3A_293 : i32 to index
        %get3A_363 = arith.constant 16 : index
        %get3A_364 = tpu.vector_load %arg20[%get3A_362, %get3A_363] {strides = array<i32>} : memref<16x128xf32, #tpu.memory_space<vmem>>, vector<1x16xf32>,
        %get3A_365 = vector.shape_cast %get3A_364 : vector<1x16xf32> to vector<16xf32>
        %get3A_366 = arith.index_cast %add3A_293 : i32 to index
        %get3A_367 = arith.constant 16 : index
        %get3A_368 = tpu.vector_load %arg21[%get3A_366, %get3A_367] {strides = array<i32>} : memref<16x128xf32, #tpu.memory_space<vmem>>, vector<1x16xf32>,
        %get3A_369 = vector.shape_cast %get3A_368 : vector<1x16xf32> to vector<16xf32>
        %get3A_370 = arith.index_cast %add3A_293 : i32 to index
        %get3A_371 = arith.constant 16 : index
        %get3A_372 = tpu.vector_load %arg22[%get3A_370, %get3A_371] {strides = array<i32>} : memref<16x128xf32, #tpu.memory_space<vmem>>, vector<1x16xf32>,
        %get3A_373 = vector.shape_cast %get3A_372 : vector<1x16xf32> to vector<16xf32>
        %get3A_374 = arith.index_cast %add3A_293 : i32 to index
        %get3A_375 = arith.constant 16 : index
        %get3A_376 = tpu.vector_load %arg23[%get3A_374, %get3A_375] {strides = array<i32>} : memref<16x128xf32, #tpu.memory_space<vmem>>, vector<1x16xf32>,
        %get3A_377 = vector.shape_cast %get3A_376 : vector<1x16xf32> to vector<16xf32>
        %get3A_378 = arith.index_cast %add3A_293 : i32 to index
        %get3A_379 = arith.constant 16 : index
        %get3A_380 = tpu.vector_load %arg24[%get3A_378, %get3A_379] {strides = array<i32>} : memref<16x128xf32, #tpu.memory_space<vmem>>, vector<1x16xf32>,
        %get3A_381 = vector.shape_cast %get3A_380 : vector<1x16xf32> to vector<16xf32>
        %get3A_382 = arith.index_cast %add3A_293 : i32 to index
        %get3A_383 = arith.constant 16 : index
        %get3A_384 = tpu.vector_load %arg25[%get3A_382, %get3A_383] {strides = array<i32>} : memref<16x128xf32, #tpu.memory_space<vmem>>, vector<1x16xf32>,
        %get3A_385 = vector.shape_cast %get3A_384 : vector<1x16xf32> to vector<16xf32>
        %mul3A_386 = arith.mulf %get3A_373, %get3A_381 : vector<16xf32>
        %add3A_387 = arith.addf %mul3A_386, %get3A_385 : vector<16xf32>
        %mul3A_388 = arith.mulf %get3A_377, %get3A_381 : vector<16xf32>
        %add3A_389 = arith.addf %mul3A_388, %get3A_385 : vector<16xf32>
        %max3A_390 = arith.maximumf %get3A_357, %get3A_365 : vector<16xf32>
        %min3A_391 = arith.minimumf %get3A_361, %get3A_369 : vector<16xf32>
        %max3A_392 = arith.maximumf %max3A_390, %add3A_387 : vector<16xf32>
        %min3A_393 = arith.minimumf %min3A_391, %add3A_389 : vector<16xf32>
        %sub3A_394 = arith.subf %min3A_393, %max3A_392 : vector<16xf32>
        %sub3A_395 = arith.subf %min3A_391, %max3A_390 : vector<16xf32>
        %sub3A_396 = arith.subf %add3A_389, %add3A_387 : vector<16xf32>
        %sub3A_397 = arith.subf %sub3A_396, %sub3A_395 : vector<16xf32>
        %mul3A_398 = arith.mulf %gather3A_306, %sub3A_397 : vector<16xf32>
        %add3A_399 = arith.addf %sub3A_395, %mul3A_398 : vector<16xf32>
        %mul3A_400 = arith.mulf %sub3A_394, %sub3A_394 : vector<16xf32>
        %add3A_401 = arith.addf %add3A_351, %mul3A_400 : vector<16xf32>
        %mul3A_402 = arith.mulf %add3A_399, %add3A_399 : vector<16xf32>
        %add3A_403 = arith.addf %add3A_353, %mul3A_402 : vector<16xf32>
        %get3A_404 = arith.index_cast %add3A_293 : i32 to index
        %get3A_405 = arith.constant 32 : index
        %get3A_406 = tpu.vector_load %arg18[%get3A_404, %get3A_405] {strides = array<i32>} : memref<16x128xf32, #tpu.memory_space<vmem>>, vector<1x16xf32>,
        %get3A_407 = vector.shape_cast %get3A_406 : vector<1x16xf32> to vector<16xf32>
        %get3A_408 = arith.index_cast %add3A_293 : i32 to index
        %get3A_409 = arith.constant 32 : index
        %get3A_410 = tpu.vector_load %arg19[%get3A_408, %get3A_409] {strides = array<i32>} : memref<16x128xf32, #tpu.memory_space<vmem>>, vector<1x16xf32>,
        %get3A_411 = vector.shape_cast %get3A_410 : vector<1x16xf32> to vector<16xf32>
        %get3A_412 = arith.index_cast %add3A_293 : i32 to index
        %get3A_413 = arith.constant 32 : index
        %get3A_414 = tpu.vector_load %arg20[%get3A_412, %get3A_413] {strides = array<i32>} : memref<16x128xf32, #tpu.memory_space<vmem>>, vector<1x16xf32>,
        %get3A_415 = vector.shape_cast %get3A_414 : vector<1x16xf32> to vector<16xf32>
        %get3A_416 = arith.index_cast %add3A_293 : i32 to index
        %get3A_417 = arith.constant 32 : index
        %get3A_418 = tpu.vector_load %arg21[%get3A_416, %get3A_417] {strides = array<i32>} : memref<16x128xf32, #tpu.memory_space<vmem>>, vector<1x16xf32>,
        %get3A_419 = vector.shape_cast %get3A_418 : vector<1x16xf32> to vector<16xf32>
        %get3A_420 = arith.index_cast %add3A_293 : i32 to index
        %get3A_421 = arith.constant 32 : index
        %get3A_422 = tpu.vector_load %arg22[%get3A_420, %get3A_421] {strides = array<i32>} : memref<16x128xf32, #tpu.memory_space<vmem>>, vector<1x16xf32>,
        %get3A_423 = vector.shape_cast %get3A_422 : vector<1x16xf32> to vector<16xf32>
        %get3A_424 = arith.index_cast %add3A_293 : i32 to index
        %get3A_425 = arith.constant 32 : index
        %get3A_426 = tpu.vector_load %arg23[%get3A_424, %get3A_425] {strides = array<i32>} : memref<16x128xf32, #tpu.memory_space<vmem>>, vector<1x16xf32>,
        %get3A_427 = vector.shape_cast %get3A_426 : vector<1x16xf32> to vector<16xf32>
        %get3A_428 = arith.index_cast %add3A_293 : i32 to index
        %get3A_429 = arith.constant 32 : index
        %get3A_430 = tpu.vector_load %arg24[%get3A_428, %get3A_429] {strides = array<i32>} : memref<16x128xf32, #tpu.memory_space<vmem>>, vector<1x16xf32>,
        %get3A_431 = vector.shape_cast %get3A_430 : vector<1x16xf32> to vector<16xf32>
        %get3A_432 = arith.index_cast %add3A_293 : i32 to index
        %get3A_433 = arith.constant 32 : index
        %get3A_434 = tpu.vector_load %arg25[%get3A_432, %get3A_433] {strides = array<i32>} : memref<16x128xf32, #tpu.memory_space<vmem>>, vector<1x16xf32>,
        %get3A_435 = vector.shape_cast %get3A_434 : vector<1x16xf32> to vector<16xf32>
        %mul3A_436 = arith.mulf %get3A_423, %get3A_431 : vector<16xf32>
        %add3A_437 = arith.addf %mul3A_436, %get3A_435 : vector<16xf32>
        %mul3A_438 = arith.mulf %get3A_427, %get3A_431 : vector<16xf32>
        %add3A_439 = arith.addf %mul3A_438, %get3A_435 : vector<16xf32>
        %max3A_440 = arith.maximumf %get3A_407, %get3A_415 : vector<16xf32>
        %min3A_441 = arith.minimumf %get3A_411, %get3A_419 : vector<16xf32>
        %max3A_442 = arith.maximumf %max3A_440, %add3A_437 : vector<16xf32>
        %min3A_443 = arith.minimumf %min3A_441, %add3A_439 : vector<16xf32>
        %sub3A_444 = arith.subf %min3A_443, %max3A_442 : vector<16xf32>
        %sub3A_445 = arith.subf %min3A_441, %max3A_440 : vector<16xf32>
        %sub3A_446 = arith.subf %add3A_439, %add3A_437 : vector<16xf32>
        %sub3A_447 = arith.subf %sub3A_446, %sub3A_445 : vector<16xf32>
        %mul3A_448 = arith.mulf %gather3A_306, %sub3A_447 : vector<16xf32>
        %add3A_449 = arith.addf %sub3A_445, %mul3A_448 : vector<16xf32>
        %mul3A_450 = arith.mulf %sub3A_444, %sub3A_444 : vector<16xf32>
        %add3A_451 = arith.addf %add3A_401, %mul3A_450 : vector<16xf32>
        %mul3A_452 = arith.mulf %add3A_449, %add3A_449 : vector<16xf32>
        %add3A_453 = arith.addf %add3A_403, %mul3A_452 : vector<16xf32>
        %get3A_454 = arith.index_cast %add3A_293 : i32 to index
        %get3A_455 = arith.constant 48 : index
        %get3A_456 = tpu.vector_load %arg18[%get3A_454, %get3A_455] {strides = array<i32>} : memref<16x128xf32, #tpu.memory_space<vmem>>, vector<1x16xf32>,
        %get3A_457 = vector.shape_cast %get3A_456 : vector<1x16xf32> to vector<16xf32>
        %get3A_458 = arith.index_cast %add3A_293 : i32 to index
        %get3A_459 = arith.constant 48 : index
        %get3A_460 = tpu.vector_load %arg19[%get3A_458, %get3A_459] {strides = array<i32>} : memref<16x128xf32, #tpu.memory_space<vmem>>, vector<1x16xf32>,
        %get3A_461 = vector.shape_cast %get3A_460 : vector<1x16xf32> to vector<16xf32>
        %get3A_462 = arith.index_cast %add3A_293 : i32 to index
        %get3A_463 = arith.constant 48 : index
        %get3A_464 = tpu.vector_load %arg20[%get3A_462, %get3A_463] {strides = array<i32>} : memref<16x128xf32, #tpu.memory_space<vmem>>, vector<1x16xf32>,
        %get3A_465 = vector.shape_cast %get3A_464 : vector<1x16xf32> to vector<16xf32>
        %get3A_466 = arith.index_cast %add3A_293 : i32 to index
        %get3A_467 = arith.constant 48 : index
        %get3A_468 = tpu.vector_load %arg21[%get3A_466, %get3A_467] {strides = array<i32>} : memref<16x128xf32, #tpu.memory_space<vmem>>, vector<1x16xf32>,
        %get3A_469 = vector.shape_cast %get3A_468 : vector<1x16xf32> to vector<16xf32>
        %get3A_470 = arith.index_cast %add3A_293 : i32 to index
        %get3A_471 = arith.constant 48 : index
        %get3A_472 = tpu.vector_load %arg22[%get3A_470, %get3A_471] {strides = array<i32>} : memref<16x128xf32, #tpu.memory_space<vmem>>, vector<1x16xf32>,
        %get3A_473 = vector.shape_cast %get3A_472 : vector<1x16xf32> to vector<16xf32>
        %get3A_474 = arith.index_cast %add3A_293 : i32 to index
        %get3A_475 = arith.constant 48 : index
        %get3A_476 = tpu.vector_load %arg23[%get3A_474, %get3A_475] {strides = array<i32>} : memref<16x128xf32, #tpu.memory_space<vmem>>, vector<1x16xf32>,
        %get3A_477 = vector.shape_cast %get3A_476 : vector<1x16xf32> to vector<16xf32>
        %get3A_478 = arith.index_cast %add3A_293 : i32 to index
        %get3A_479 = arith.constant 48 : index
        %get3A_480 = tpu.vector_load %arg24[%get3A_478, %get3A_479] {strides = array<i32>} : memref<16x128xf32, #tpu.memory_space<vmem>>, vector<1x16xf32>,
        %get3A_481 = vector.shape_cast %get3A_480 : vector<1x16xf32> to vector<16xf32>
        %get3A_482 = arith.index_cast %add3A_293 : i32 to index
        %get3A_483 = arith.constant 48 : index
        %get3A_484 = tpu.vector_load %arg25[%get3A_482, %get3A_483] {strides = array<i32>} : memref<16x128xf32, #tpu.memory_space<vmem>>, vector<1x16xf32>,
        %get3A_485 = vector.shape_cast %get3A_484 : vector<1x16xf32> to vector<16xf32>
        %mul3A_486 = arith.mulf %get3A_473, %get3A_481 : vector<16xf32>
        %add3A_487 = arith.addf %mul3A_486, %get3A_485 : vector<16xf32>
        %mul3A_488 = arith.mulf %get3A_477, %get3A_481 : vector<16xf32>
        %add3A_489 = arith.addf %mul3A_488, %get3A_485 : vector<16xf32>
        %max3A_490 = arith.maximumf %get3A_457, %get3A_465 : vector<16xf32>
        %min3A_491 = arith.minimumf %get3A_461, %get3A_469 : vector<16xf32>
        %max3A_492 = arith.maximumf %max3A_490, %add3A_487 : vector<16xf32>
        %min3A_493 = arith.minimumf %min3A_491, %add3A_489 : vector<16xf32>
        %sub3A_494 = arith.subf %min3A_493, %max3A_492 : vector<16xf32>
        %sub3A_495 = arith.subf %min3A_491, %max3A_490 : vector<16xf32>
        %sub3A_496 = arith.subf %add3A_489, %add3A_487 : vector<16xf32>
        %sub3A_497 = arith.subf %sub3A_496, %sub3A_495 : vector<16xf32>
        %mul3A_498 = arith.mulf %gather3A_306, %sub3A_497 : vector<16xf32>
        %add3A_499 = arith.addf %sub3A_495, %mul3A_498 : vector<16xf32>
        %mul3A_500 = arith.mulf %sub3A_494, %sub3A_494 : vector<16xf32>
        %add3A_501 = arith.addf %add3A_451, %mul3A_500 : vector<16xf32>
        %mul3A_502 = arith.mulf %add3A_499, %add3A_499 : vector<16xf32>
        %add3A_503 = arith.addf %add3A_453, %mul3A_502 : vector<16xf32>
        %get3A_504 = arith.index_cast %add3A_293 : i32 to index
        %get3A_505 = arith.constant 64 : index
        %get3A_506 = tpu.vector_load %arg18[%get3A_504, %get3A_505] {strides = array<i32>} : memref<16x128xf32, #tpu.memory_space<vmem>>, vector<1x16xf32>,
        %get3A_507 = vector.shape_cast %get3A_506 : vector<1x16xf32> to vector<16xf32>
        %get3A_508 = arith.index_cast %add3A_293 : i32 to index
        %get3A_509 = arith.constant 64 : index
        %get3A_510 = tpu.vector_load %arg19[%get3A_508, %get3A_509] {strides = array<i32>} : memref<16x128xf32, #tpu.memory_space<vmem>>, vector<1x16xf32>,
        %get3A_511 = vector.shape_cast %get3A_510 : vector<1x16xf32> to vector<16xf32>
        %get3A_512 = arith.index_cast %add3A_293 : i32 to index
        %get3A_513 = arith.constant 64 : index
        %get3A_514 = tpu.vector_load %arg20[%get3A_512, %get3A_513] {strides = array<i32>} : memref<16x128xf32, #tpu.memory_space<vmem>>, vector<1x16xf32>,
        %get3A_515 = vector.shape_cast %get3A_514 : vector<1x16xf32> to vector<16xf32>
        %get3A_516 = arith.index_cast %add3A_293 : i32 to index
        %get3A_517 = arith.constant 64 : index
        %get3A_518 = tpu.vector_load %arg21[%get3A_516, %get3A_517] {strides = array<i32>} : memref<16x128xf32, #tpu.memory_space<vmem>>, vector<1x16xf32>,
        %get3A_519 = vector.shape_cast %get3A_518 : vector<1x16xf32> to vector<16xf32>
        %get3A_520 = arith.index_cast %add3A_293 : i32 to index
        %get3A_521 = arith.constant 64 : index
        %get3A_522 = tpu.vector_load %arg22[%get3A_520, %get3A_521] {strides = array<i32>} : memref<16x128xf32, #tpu.memory_space<vmem>>, vector<1x16xf32>,
        %get3A_523 = vector.shape_cast %get3A_522 : vector<1x16xf32> to vector<16xf32>
        %get3A_524 = arith.index_cast %add3A_293 : i32 to index
        %get3A_525 = arith.constant 64 : index
        %get3A_526 = tpu.vector_load %arg23[%get3A_524, %get3A_525] {strides = array<i32>} : memref<16x128xf32, #tpu.memory_space<vmem>>, vector<1x16xf32>,
        %get3A_527 = vector.shape_cast %get3A_526 : vector<1x16xf32> to vector<16xf32>
        %get3A_528 = arith.index_cast %add3A_293 : i32 to index
        %get3A_529 = arith.constant 64 : index
        %get3A_530 = tpu.vector_load %arg24[%get3A_528, %get3A_529] {strides = array<i32>} : memref<16x128xf32, #tpu.memory_space<vmem>>, vector<1x16xf32>,
        %get3A_531 = vector.shape_cast %get3A_530 : vector<1x16xf32> to vector<16xf32>
        %get3A_532 = arith.index_cast %add3A_293 : i32 to index
        %get3A_533 = arith.constant 64 : index
        %get3A_534 = tpu.vector_load %arg25[%get3A_532, %get3A_533] {strides = array<i32>} : memref<16x128xf32, #tpu.memory_space<vmem>>, vector<1x16xf32>,
        %get3A_535 = vector.shape_cast %get3A_534 : vector<1x16xf32> to vector<16xf32>
        %mul3A_536 = arith.mulf %get3A_523, %get3A_531 : vector<16xf32>
        %add3A_537 = arith.addf %mul3A_536, %get3A_535 : vector<16xf32>
        %mul3A_538 = arith.mulf %get3A_527, %get3A_531 : vector<16xf32>
        %add3A_539 = arith.addf %mul3A_538, %get3A_535 : vector<16xf32>
        %max3A_540 = arith.maximumf %get3A_507, %get3A_515 : vector<16xf32>
        %min3A_541 = arith.minimumf %get3A_511, %get3A_519 : vector<16xf32>
        %max3A_542 = arith.maximumf %max3A_540, %add3A_537 : vector<16xf32>
        %min3A_543 = arith.minimumf %min3A_541, %add3A_539 : vector<16xf32>
        %sub3A_544 = arith.subf %min3A_543, %max3A_542 : vector<16xf32>
        %sub3A_545 = arith.subf %min3A_541, %max3A_540 : vector<16xf32>
        %sub3A_546 = arith.subf %add3A_539, %add3A_537 : vector<16xf32>
        %sub3A_547 = arith.subf %sub3A_546, %sub3A_545 : vector<16xf32>
        %mul3A_548 = arith.mulf %gather3A_306, %sub3A_547 : vector<16xf32>
        %add3A_549 = arith.addf %sub3A_545, %mul3A_548 : vector<16xf32>
        %mul3A_550 = arith.mulf %sub3A_544, %sub3A_544 : vector<16xf32>
        %add3A_551 = arith.addf %add3A_501, %mul3A_550 : vector<16xf32>
        %mul3A_552 = arith.mulf %add3A_549, %add3A_549 : vector<16xf32>
        %add3A_553 = arith.addf %add3A_503, %mul3A_552 : vector<16xf32>
        %get3A_554 = arith.index_cast %add3A_293 : i32 to index
        %get3A_555 = arith.constant 80 : index
        %get3A_556 = tpu.vector_load %arg18[%get3A_554, %get3A_555] {strides = array<i32>} : memref<16x128xf32, #tpu.memory_space<vmem>>, vector<1x16xf32>,
        %get3A_557 = vector.shape_cast %get3A_556 : vector<1x16xf32> to vector<16xf32>
        %get3A_558 = arith.index_cast %add3A_293 : i32 to index
        %get3A_559 = arith.constant 80 : index
        %get3A_560 = tpu.vector_load %arg19[%get3A_558, %get3A_559] {strides = array<i32>} : memref<16x128xf32, #tpu.memory_space<vmem>>, vector<1x16xf32>,
        %get3A_561 = vector.shape_cast %get3A_560 : vector<1x16xf32> to vector<16xf32>
        %get3A_562 = arith.index_cast %add3A_293 : i32 to index
        %get3A_563 = arith.constant 80 : index
        %get3A_564 = tpu.vector_load %arg20[%get3A_562, %get3A_563] {strides = array<i32>} : memref<16x128xf32, #tpu.memory_space<vmem>>, vector<1x16xf32>,
        %get3A_565 = vector.shape_cast %get3A_564 : vector<1x16xf32> to vector<16xf32>
        %get3A_566 = arith.index_cast %add3A_293 : i32 to index
        %get3A_567 = arith.constant 80 : index
        %get3A_568 = tpu.vector_load %arg21[%get3A_566, %get3A_567] {strides = array<i32>} : memref<16x128xf32, #tpu.memory_space<vmem>>, vector<1x16xf32>,
        %get3A_569 = vector.shape_cast %get3A_568 : vector<1x16xf32> to vector<16xf32>
        %get3A_570 = arith.index_cast %add3A_293 : i32 to index
        %get3A_571 = arith.constant 80 : index
        %get3A_572 = tpu.vector_load %arg22[%get3A_570, %get3A_571] {strides = array<i32>} : memref<16x128xf32, #tpu.memory_space<vmem>>, vector<1x16xf32>,
        %get3A_573 = vector.shape_cast %get3A_572 : vector<1x16xf32> to vector<16xf32>
        %get3A_574 = arith.index_cast %add3A_293 : i32 to index
        %get3A_575 = arith.constant 80 : index
        %get3A_576 = tpu.vector_load %arg23[%get3A_574, %get3A_575] {strides = array<i32>} : memref<16x128xf32, #tpu.memory_space<vmem>>, vector<1x16xf32>,
        %get3A_577 = vector.shape_cast %get3A_576 : vector<1x16xf32> to vector<16xf32>
        %get3A_578 = arith.index_cast %add3A_293 : i32 to index
        %get3A_579 = arith.constant 80 : index
        %get3A_580 = tpu.vector_load %arg24[%get3A_578, %get3A_579] {strides = array<i32>} : memref<16x128xf32, #tpu.memory_space<vmem>>, vector<1x16xf32>,
        %get3A_581 = vector.shape_cast %get3A_580 : vector<1x16xf32> to vector<16xf32>
        %get3A_582 = arith.index_cast %add3A_293 : i32 to index
        %get3A_583 = arith.constant 80 : index
        %get3A_584 = tpu.vector_load %arg25[%get3A_582, %get3A_583] {strides = array<i32>} : memref<16x128xf32, #tpu.memory_space<vmem>>, vector<1x16xf32>,
        %get3A_585 = vector.shape_cast %get3A_584 : vector<1x16xf32> to vector<16xf32>
        %mul3A_586 = arith.mulf %get3A_573, %get3A_581 : vector<16xf32>
        %add3A_587 = arith.addf %mul3A_586, %get3A_585 : vector<16xf32>
        %mul3A_588 = arith.mulf %get3A_577, %get3A_581 : vector<16xf32>
        %add3A_589 = arith.addf %mul3A_588, %get3A_585 : vector<16xf32>
        %max3A_590 = arith.maximumf %get3A_557, %get3A_565 : vector<16xf32>
        %min3A_591 = arith.minimumf %get3A_561, %get3A_569 : vector<16xf32>
        %max3A_592 = arith.maximumf %max3A_590, %add3A_587 : vector<16xf32>
        %min3A_593 = arith.minimumf %min3A_591, %add3A_589 : vector<16xf32>
        %sub3A_594 = arith.subf %min3A_593, %max3A_592 : vector<16xf32>
        %sub3A_595 = arith.subf %min3A_591, %max3A_590 : vector<16xf32>
        %sub3A_596 = arith.subf %add3A_589, %add3A_587 : vector<16xf32>
        %sub3A_597 = arith.subf %sub3A_596, %sub3A_595 : vector<16xf32>
        %mul3A_598 = arith.mulf %gather3A_306, %sub3A_597 : vector<16xf32>
        %add3A_599 = arith.addf %sub3A_595, %mul3A_598 : vector<16xf32>
        %mul3A_600 = arith.mulf %sub3A_594, %sub3A_594 : vector<16xf32>
        %add3A_601 = arith.addf %add3A_551, %mul3A_600 : vector<16xf32>
        %mul3A_602 = arith.mulf %add3A_599, %add3A_599 : vector<16xf32>
        %add3A_603 = arith.addf %add3A_553, %mul3A_602 : vector<16xf32>
        %get3A_604 = arith.index_cast %add3A_293 : i32 to index
        %get3A_605 = arith.constant 96 : index
        %get3A_606 = tpu.vector_load %arg18[%get3A_604, %get3A_605] {strides = array<i32>} : memref<16x128xf32, #tpu.memory_space<vmem>>, vector<1x16xf32>,
        %get3A_607 = vector.shape_cast %get3A_606 : vector<1x16xf32> to vector<16xf32>
        %get3A_608 = arith.index_cast %add3A_293 : i32 to index
        %get3A_609 = arith.constant 96 : index
        %get3A_610 = tpu.vector_load %arg19[%get3A_608, %get3A_609] {strides = array<i32>} : memref<16x128xf32, #tpu.memory_space<vmem>>, vector<1x16xf32>,
        %get3A_611 = vector.shape_cast %get3A_610 : vector<1x16xf32> to vector<16xf32>
        %get3A_612 = arith.index_cast %add3A_293 : i32 to index
        %get3A_613 = arith.constant 96 : index
        %get3A_614 = tpu.vector_load %arg20[%get3A_612, %get3A_613] {strides = array<i32>} : memref<16x128xf32, #tpu.memory_space<vmem>>, vector<1x16xf32>,
        %get3A_615 = vector.shape_cast %get3A_614 : vector<1x16xf32> to vector<16xf32>
        %get3A_616 = arith.index_cast %add3A_293 : i32 to index
        %get3A_617 = arith.constant 96 : index
        %get3A_618 = tpu.vector_load %arg21[%get3A_616, %get3A_617] {strides = array<i32>} : memref<16x128xf32, #tpu.memory_space<vmem>>, vector<1x16xf32>,
        %get3A_619 = vector.shape_cast %get3A_618 : vector<1x16xf32> to vector<16xf32>
        %get3A_620 = arith.index_cast %add3A_293 : i32 to index
        %get3A_621 = arith.constant 96 : index
        %get3A_622 = tpu.vector_load %arg22[%get3A_620, %get3A_621] {strides = array<i32>} : memref<16x128xf32, #tpu.memory_space<vmem>>, vector<1x16xf32>,
        %get3A_623 = vector.shape_cast %get3A_622 : vector<1x16xf32> to vector<16xf32>
        %get3A_624 = arith.index_cast %add3A_293 : i32 to index
        %get3A_625 = arith.constant 96 : index
        %get3A_626 = tpu.vector_load %arg23[%get3A_624, %get3A_625] {strides = array<i32>} : memref<16x128xf32, #tpu.memory_space<vmem>>, vector<1x16xf32>,
        %get3A_627 = vector.shape_cast %get3A_626 : vector<1x16xf32> to vector<16xf32>
        %get3A_628 = arith.index_cast %add3A_293 : i32 to index
        %get3A_629 = arith.constant 96 : index
        %get3A_630 = tpu.vector_load %arg24[%get3A_628, %get3A_629] {strides = array<i32>} : memref<16x128xf32, #tpu.memory_space<vmem>>, vector<1x16xf32>,
        %get3A_631 = vector.shape_cast %get3A_630 : vector<1x16xf32> to vector<16xf32>
        %get3A_632 = arith.index_cast %add3A_293 : i32 to index
        %get3A_633 = arith.constant 96 : index
        %get3A_634 = tpu.vector_load %arg25[%get3A_632, %get3A_633] {strides = array<i32>} : memref<16x128xf32, #tpu.memory_space<vmem>>, vector<1x16xf32>,
        %get3A_635 = vector.shape_cast %get3A_634 : vector<1x16xf32> to vector<16xf32>
        %mul3A_636 = arith.mulf %get3A_623, %get3A_631 : vector<16xf32>
        %add3A_637 = arith.addf %mul3A_636, %get3A_635 : vector<16xf32>
        %mul3A_638 = arith.mulf %get3A_627, %get3A_631 : vector<16xf32>
        %add3A_639 = arith.addf %mul3A_638, %get3A_635 : vector<16xf32>
        %max3A_640 = arith.maximumf %get3A_607, %get3A_615 : vector<16xf32>
        %min3A_641 = arith.minimumf %get3A_611, %get3A_619 : vector<16xf32>
        %max3A_642 = arith.maximumf %max3A_640, %add3A_637 : vector<16xf32>
        %min3A_643 = arith.minimumf %min3A_641, %add3A_639 : vector<16xf32>
        %sub3A_644 = arith.subf %min3A_643, %max3A_642 : vector<16xf32>
        %sub3A_645 = arith.subf %min3A_641, %max3A_640 : vector<16xf32>
        %sub3A_646 = arith.subf %add3A_639, %add3A_637 : vector<16xf32>
        %sub3A_647 = arith.subf %sub3A_646, %sub3A_645 : vector<16xf32>
        %mul3A_648 = arith.mulf %gather3A_306, %sub3A_647 : vector<16xf32>
        %add3A_649 = arith.addf %sub3A_645, %mul3A_648 : vector<16xf32>
        %mul3A_650 = arith.mulf %sub3A_644, %sub3A_644 : vector<16xf32>
        %add3A_651 = arith.addf %add3A_601, %mul3A_650 : vector<16xf32>
        %mul3A_652 = arith.mulf %add3A_649, %add3A_649 : vector<16xf32>
        %add3A_653 = arith.addf %add3A_603, %mul3A_652 : vector<16xf32>
        %get3A_654 = arith.index_cast %add3A_293 : i32 to index
        %get3A_655 = arith.constant 112 : index
        %get3A_656 = tpu.vector_load %arg18[%get3A_654, %get3A_655] {strides = array<i32>} : memref<16x128xf32, #tpu.memory_space<vmem>>, vector<1x16xf32>,
        %get3A_657 = vector.shape_cast %get3A_656 : vector<1x16xf32> to vector<16xf32>
        %get3A_658 = arith.index_cast %add3A_293 : i32 to index
        %get3A_659 = arith.constant 112 : index
        %get3A_660 = tpu.vector_load %arg19[%get3A_658, %get3A_659] {strides = array<i32>} : memref<16x128xf32, #tpu.memory_space<vmem>>, vector<1x16xf32>,
        %get3A_661 = vector.shape_cast %get3A_660 : vector<1x16xf32> to vector<16xf32>
        %get3A_662 = arith.index_cast %add3A_293 : i32 to index
        %get3A_663 = arith.constant 112 : index
        %get3A_664 = tpu.vector_load %arg20[%get3A_662, %get3A_663] {strides = array<i32>} : memref<16x128xf32, #tpu.memory_space<vmem>>, vector<1x16xf32>,
        %get3A_665 = vector.shape_cast %get3A_664 : vector<1x16xf32> to vector<16xf32>
        %get3A_666 = arith.index_cast %add3A_293 : i32 to index
        %get3A_667 = arith.constant 112 : index
        %get3A_668 = tpu.vector_load %arg21[%get3A_666, %get3A_667] {strides = array<i32>} : memref<16x128xf32, #tpu.memory_space<vmem>>, vector<1x16xf32>,
        %get3A_669 = vector.shape_cast %get3A_668 : vector<1x16xf32> to vector<16xf32>
        %get3A_670 = arith.index_cast %add3A_293 : i32 to index
        %get3A_671 = arith.constant 112 : index
        %get3A_672 = tpu.vector_load %arg22[%get3A_670, %get3A_671] {strides = array<i32>} : memref<16x128xf32, #tpu.memory_space<vmem>>, vector<1x16xf32>,
        %get3A_673 = vector.shape_cast %get3A_672 : vector<1x16xf32> to vector<16xf32>
        %get3A_674 = arith.index_cast %add3A_293 : i32 to index
        %get3A_675 = arith.constant 112 : index
        %get3A_676 = tpu.vector_load %arg23[%get3A_674, %get3A_675] {strides = array<i32>} : memref<16x128xf32, #tpu.memory_space<vmem>>, vector<1x16xf32>,
        %get3A_677 = vector.shape_cast %get3A_676 : vector<1x16xf32> to vector<16xf32>
        %get3A_678 = arith.index_cast %add3A_293 : i32 to index
        %get3A_679 = arith.constant 112 : index
        %get3A_680 = tpu.vector_load %arg24[%get3A_678, %get3A_679] {strides = array<i32>} : memref<16x128xf32, #tpu.memory_space<vmem>>, vector<1x16xf32>,
        %get3A_681 = vector.shape_cast %get3A_680 : vector<1x16xf32> to vector<16xf32>
        %get3A_682 = arith.index_cast %add3A_293 : i32 to index
        %get3A_683 = arith.constant 112 : index
        %get3A_684 = tpu.vector_load %arg25[%get3A_682, %get3A_683] {strides = array<i32>} : memref<16x128xf32, #tpu.memory_space<vmem>>, vector<1x16xf32>,
        %get3A_685 = vector.shape_cast %get3A_684 : vector<1x16xf32> to vector<16xf32>
        %mul3A_686 = arith.mulf %get3A_673, %get3A_681 : vector<16xf32>
        %add3A_687 = arith.addf %mul3A_686, %get3A_685 : vector<16xf32>
        %mul3A_688 = arith.mulf %get3A_677, %get3A_681 : vector<16xf32>
        %add3A_689 = arith.addf %mul3A_688, %get3A_685 : vector<16xf32>
        %max3A_690 = arith.maximumf %get3A_657, %get3A_665 : vector<16xf32>
        %min3A_691 = arith.minimumf %get3A_661, %get3A_669 : vector<16xf32>
        %max3A_692 = arith.maximumf %max3A_690, %add3A_687 : vector<16xf32>
        %min3A_693 = arith.minimumf %min3A_691, %add3A_689 : vector<16xf32>
        %sub3A_694 = arith.subf %min3A_693, %max3A_692 : vector<16xf32>
        %sub3A_695 = arith.subf %min3A_691, %max3A_690 : vector<16xf32>
        %sub3A_696 = arith.subf %add3A_689, %add3A_687 : vector<16xf32>
        %sub3A_697 = arith.subf %sub3A_696, %sub3A_695 : vector<16xf32>
        %mul3A_698 = arith.mulf %gather3A_306, %sub3A_697 : vector<16xf32>
        %add3A_699 = arith.addf %sub3A_695, %mul3A_698 : vector<16xf32>
        %mul3A_700 = arith.mulf %sub3A_694, %sub3A_694 : vector<16xf32>
        %add3A_701 = arith.addf %add3A_651, %mul3A_700 : vector<16xf32>
        %mul3A_702 = arith.mulf %add3A_699, %add3A_699 : vector<16xf32>
        %add3A_703 = arith.addf %add3A_653, %mul3A_702 : vector<16xf32>
        %lt3A_704 = arith.constant 0 : i32
        %lt3A_705 = vector.broadcast %lt3A_704 : i32 to vector<16xi32>
        %lt3A_706 = arith.cmpi slt, %xor3A_171, %lt3A_705 : vector<16xi32>
        %add3A_707 = arith.constant 16 : i32
        %add3A_708 = vector.broadcast %add3A_707 : i32 to vector<16xi32>
        %add3A_709 = arith.addi %xor3A_171, %add3A_708 : vector<16xi32>
        %select_n3A_710 = arith.select %lt3A_706, %add3A_709, %xor3A_171 : vector<16xi1>, vector<16xi32>
        %broadcast_in_dim3A_711 = vector.shape_cast %select_n3A_710 : vector<16xi32> to vector<16x1xi32>
        %gather3A_712 = vector.shape_cast %broadcast_in_dim3A_711 : vector<16x1xi32> to vector<16xi32>
        %gather3A_713 = tpu.dynamic_gather %add3A_701[%gather3A_712] in [0] : vector<16xf32>, vector<16xi32> -> vector<16xf32>
        %add3A_714 = arith.addf %add3A_701, %gather3A_713 : vector<16xf32>
        %lt3A_715 = arith.constant 0 : i32
        %lt3A_716 = vector.broadcast %lt3A_715 : i32 to vector<16xi32>
        %lt3A_717 = arith.cmpi slt, %xor3A_171, %lt3A_716 : vector<16xi32>
        %add3A_718 = arith.constant 16 : i32
        %add3A_719 = vector.broadcast %add3A_718 : i32 to vector<16xi32>
        %add3A_720 = arith.addi %xor3A_171, %add3A_719 : vector<16xi32>
        %select_n3A_721 = arith.select %lt3A_717, %add3A_720, %xor3A_171 : vector<16xi1>, vector<16xi32>
        %broadcast_in_dim3A_722 = vector.shape_cast %select_n3A_721 : vector<16xi32> to vector<16x1xi32>
        %gather3A_723 = vector.shape_cast %broadcast_in_dim3A_722 : vector<16x1xi32> to vector<16xi32>
        %gather3A_724 = tpu.dynamic_gather %add3A_703[%gather3A_723] in [0] : vector<16xf32>, vector<16xi32> -> vector<16xf32>
        %add3A_725 = arith.addf %add3A_703, %gather3A_724 : vector<16xf32>
        %lt3A_726 = arith.constant 0 : i32
        %lt3A_727 = vector.broadcast %lt3A_726 : i32 to vector<16xi32>
        %lt3A_728 = arith.cmpi slt, %xor3A_171, %lt3A_727 : vector<16xi32>
        %add3A_729 = arith.constant 16 : i32
        %add3A_730 = vector.broadcast %add3A_729 : i32 to vector<16xi32>
        %add3A_731 = arith.addi %xor3A_171, %add3A_730 : vector<16xi32>
        %select_n3A_732 = arith.select %lt3A_728, %add3A_731, %xor3A_171 : vector<16xi1>, vector<16xi32>
        %broadcast_in_dim3A_733 = vector.shape_cast %select_n3A_732 : vector<16xi32> to vector<16x1xi32>
        %gather3A_734 = vector.shape_cast %broadcast_in_dim3A_733 : vector<16x1xi32> to vector<16xi32>
        %gather3A_735 = tpu.dynamic_gather %add3A_725[%gather3A_734] in [0] : vector<16xf32>, vector<16xi32> -> vector<16xf32>
        %select_n3A_736 = arith.select %lt3A_169, %add3A_714, %gather3A_735 : vector<16xi1>, vector<16xf32>
        %xor3A_737 = arith.constant 4 : i32
        %xor3A_738 = vector.broadcast %xor3A_737 : i32 to vector<16xi32>
        %xor3A_739 = arith.xori %iota3A, %xor3A_738 : vector<16xi32>
        %lt3A_740 = arith.constant 0 : i32
        %lt3A_741 = vector.broadcast %lt3A_740 : i32 to vector<16xi32>
        %lt3A_742 = arith.cmpi slt, %xor3A_739, %lt3A_741 : vector<16xi32>
        %add3A_743 = arith.constant 16 : i32
        %add3A_744 = vector.broadcast %add3A_743 : i32 to vector<16xi32>
        %add3A_745 = arith.addi %xor3A_739, %add3A_744 : vector<16xi32>
        %select_n3A_746 = arith.select %lt3A_742, %add3A_745, %xor3A_739 : vector<16xi1>, vector<16xi32>
        %broadcast_in_dim3A_747 = vector.shape_cast %select_n3A_746 : vector<16xi32> to vector<16x1xi32>
        %gather3A_748 = vector.shape_cast %broadcast_in_dim3A_747 : vector<16x1xi32> to vector<16xi32>
        %gather3A_749 = tpu.dynamic_gather %select_n3A_736[%gather3A_748] in [0] : vector<16xf32>, vector<16xi32> -> vector<16xf32>
        %add3A_750 = arith.addf %select_n3A_736, %gather3A_749 : vector<16xf32>
        %xor3A_751 = arith.constant 2 : i32
        %xor3A_752 = vector.broadcast %xor3A_751 : i32 to vector<16xi32>
        %xor3A_753 = arith.xori %iota3A, %xor3A_752 : vector<16xi32>
        %lt3A_754 = arith.constant 0 : i32
        %lt3A_755 = vector.broadcast %lt3A_754 : i32 to vector<16xi32>
        %lt3A_756 = arith.cmpi slt, %xor3A_753, %lt3A_755 : vector<16xi32>
        %add3A_757 = arith.constant 16 : i32
        %add3A_758 = vector.broadcast %add3A_757 : i32 to vector<16xi32>
        %add3A_759 = arith.addi %xor3A_753, %add3A_758 : vector<16xi32>
        %select_n3A_760 = arith.select %lt3A_756, %add3A_759, %xor3A_753 : vector<16xi1>, vector<16xi32>
        %broadcast_in_dim3A_761 = vector.shape_cast %select_n3A_760 : vector<16xi32> to vector<16x1xi32>
        %gather3A_762 = vector.shape_cast %broadcast_in_dim3A_761 : vector<16x1xi32> to vector<16xi32>
        %gather3A_763 = tpu.dynamic_gather %add3A_750[%gather3A_762] in [0] : vector<16xf32>, vector<16xi32> -> vector<16xf32>
        %add3A_764 = arith.addf %add3A_750, %gather3A_763 : vector<16xf32>
        %xor3A_765 = arith.constant 1 : i32
        %xor3A_766 = vector.broadcast %xor3A_765 : i32 to vector<16xi32>
        %xor3A_767 = arith.xori %iota3A, %xor3A_766 : vector<16xi32>
        %lt3A_768 = arith.constant 0 : i32
        %lt3A_769 = vector.broadcast %lt3A_768 : i32 to vector<16xi32>
        %lt3A_770 = arith.cmpi slt, %xor3A_767, %lt3A_769 : vector<16xi32>
        %add3A_771 = arith.constant 16 : i32
        %add3A_772 = vector.broadcast %add3A_771 : i32 to vector<16xi32>
        %add3A_773 = arith.addi %xor3A_767, %add3A_772 : vector<16xi32>
        %select_n3A_774 = arith.select %lt3A_770, %add3A_773, %xor3A_767 : vector<16xi1>, vector<16xi32>
        %broadcast_in_dim3A_775 = vector.shape_cast %select_n3A_774 : vector<16xi32> to vector<16x1xi32>
        %gather3A_776 = vector.shape_cast %broadcast_in_dim3A_775 : vector<16x1xi32> to vector<16xi32>
        %gather3A_777 = tpu.dynamic_gather %add3A_764[%gather3A_776] in [0] : vector<16xf32>, vector<16xi32> -> vector<16xf32>
        %add3A_778 = arith.addf %add3A_764, %gather3A_777 : vector<16xf32>
        %lt3A_779 = arith.constant 0 : i32
        %lt3A_780 = vector.broadcast %lt3A_779 : i32 to vector<16xi32>
        %lt3A_781 = arith.cmpi slt, %broadcast_in_dim3A_172, %lt3A_780 : vector<16xi32>
        %add3A_782 = arith.constant 16 : i32
        %add3A_783 = vector.broadcast %add3A_782 : i32 to vector<16xi32>
        %add3A_784 = arith.addi %broadcast_in_dim3A_172, %add3A_783 : vector<16xi32>
        %select_n3A_785 = arith.select %lt3A_781, %add3A_784, %broadcast_in_dim3A_172 : vector<16xi1>, vector<16xi32>
        %broadcast_in_dim3A_786 = vector.shape_cast %select_n3A_785 : vector<16xi32> to vector<16x1xi32>
        %gather3A_787 = vector.shape_cast %broadcast_in_dim3A_786 : vector<16x1xi32> to vector<16xi32>
        %gather3A_788 = tpu.dynamic_gather %add3A_778[%gather3A_787] in [0] : vector<16xf32>, vector<16xi32> -> vector<16xf32>
        %lt3A_789 = arith.constant 0 : i32
        %lt3A_790 = vector.broadcast %lt3A_789 : i32 to vector<16xi32>
        %lt3A_791 = arith.cmpi slt, %broadcast_in_dim3A_174, %lt3A_790 : vector<16xi32>
        %add3A_792 = arith.constant 16 : i32
        %add3A_793 = vector.broadcast %add3A_792 : i32 to vector<16xi32>
        %add3A_794 = arith.addi %broadcast_in_dim3A_174, %add3A_793 : vector<16xi32>
        %select_n3A_795 = arith.select %lt3A_791, %add3A_794, %broadcast_in_dim3A_174 : vector<16xi1>, vector<16xi32>
        %broadcast_in_dim3A_796 = vector.shape_cast %select_n3A_795 : vector<16xi32> to vector<16x1xi32>
        %gather3A_797 = vector.shape_cast %broadcast_in_dim3A_796 : vector<16x1xi32> to vector<16xi32>
        %gather3A_798 = tpu.dynamic_gather %add3A_778[%gather3A_797] in [0] : vector<16xf32>, vector<16xi32> -> vector<16xf32>
        %div3A = arith.divf %gather3A_788, %gather3A_798 : vector<16xf32>
        %add3A_799 = arith.constant 1 : i32
        %add3A_800 = arith.addi %add3A_293, %add3A_799 : i32
        %add3A_801 = arith.constant 1 : i32
        %add3A_802 = arith.addi %mul3A_295, %add3A_801 : i32
        %broadcast_in_dim3A_803 = arith.constant 0.000000e+00 : f32
        %broadcast_in_dim3A_804 = vector.broadcast %broadcast_in_dim3A_803 : f32 to vector<16xf32>
        %broadcast_in_dim3A_805 = vector.broadcast %add3A_802 : i32 to vector<16xi32>
        %lt3A_806 = arith.constant 0 : i32
        %lt3A_807 = vector.broadcast %lt3A_806 : i32 to vector<16xi32>
        %lt3A_808 = arith.cmpi slt, %broadcast_in_dim3A_805, %lt3A_807 : vector<16xi32>
        %add3A_809 = arith.constant 16 : i32
        %add3A_810 = vector.broadcast %add3A_809 : i32 to vector<16xi32>
        %add3A_811 = arith.addi %broadcast_in_dim3A_805, %add3A_810 : vector<16xi32>
        %select_n3A_812 = arith.select %lt3A_808, %add3A_811, %broadcast_in_dim3A_805 : vector<16xi1>, vector<16xi32>
        %broadcast_in_dim3A_813 = vector.shape_cast %select_n3A_812 : vector<16xi32> to vector<16x1xi32>
        %gather3A_814 = vector.shape_cast %broadcast_in_dim3A_813 : vector<16x1xi32> to vector<16xi32>
        %gather3A_815 = tpu.dynamic_gather %get3A_167[%gather3A_814] in [0] : vector<16xf32>, vector<16xi32> -> vector<16xf32>
        %get3A_816 = arith.index_cast %add3A_800 : i32 to index
        %get3A_817 = arith.constant 0 : index
        %get3A_818 = tpu.vector_load %arg18[%get3A_816, %get3A_817] {strides = array<i32>} : memref<16x128xf32, #tpu.memory_space<vmem>>, vector<1x16xf32>,
        %get3A_819 = vector.shape_cast %get3A_818 : vector<1x16xf32> to vector<16xf32>
        %get3A_820 = arith.index_cast %add3A_800 : i32 to index
        %get3A_821 = arith.constant 0 : index
        %get3A_822 = tpu.vector_load %arg19[%get3A_820, %get3A_821] {strides = array<i32>} : memref<16x128xf32, #tpu.memory_space<vmem>>, vector<1x16xf32>,
        %get3A_823 = vector.shape_cast %get3A_822 : vector<1x16xf32> to vector<16xf32>
        %get3A_824 = arith.index_cast %add3A_800 : i32 to index
        %get3A_825 = arith.constant 0 : index
        %get3A_826 = tpu.vector_load %arg20[%get3A_824, %get3A_825] {strides = array<i32>} : memref<16x128xf32, #tpu.memory_space<vmem>>, vector<1x16xf32>,
        %get3A_827 = vector.shape_cast %get3A_826 : vector<1x16xf32> to vector<16xf32>
        %get3A_828 = arith.index_cast %add3A_800 : i32 to index
        %get3A_829 = arith.constant 0 : index
        %get3A_830 = tpu.vector_load %arg21[%get3A_828, %get3A_829] {strides = array<i32>} : memref<16x128xf32, #tpu.memory_space<vmem>>, vector<1x16xf32>,
        %get3A_831 = vector.shape_cast %get3A_830 : vector<1x16xf32> to vector<16xf32>
        %get3A_832 = arith.index_cast %add3A_800 : i32 to index
        %get3A_833 = arith.constant 0 : index
        %get3A_834 = tpu.vector_load %arg22[%get3A_832, %get3A_833] {strides = array<i32>} : memref<16x128xf32, #tpu.memory_space<vmem>>, vector<1x16xf32>,
        %get3A_835 = vector.shape_cast %get3A_834 : vector<1x16xf32> to vector<16xf32>
        %get3A_836 = arith.index_cast %add3A_800 : i32 to index
        %get3A_837 = arith.constant 0 : index
        %get3A_838 = tpu.vector_load %arg23[%get3A_836, %get3A_837] {strides = array<i32>} : memref<16x128xf32, #tpu.memory_space<vmem>>, vector<1x16xf32>,
        %get3A_839 = vector.shape_cast %get3A_838 : vector<1x16xf32> to vector<16xf32>
        %get3A_840 = arith.index_cast %add3A_800 : i32 to index
        %get3A_841 = arith.constant 0 : index
        %get3A_842 = tpu.vector_load %arg24[%get3A_840, %get3A_841] {strides = array<i32>} : memref<16x128xf32, #tpu.memory_space<vmem>>, vector<1x16xf32>,
        %get3A_843 = vector.shape_cast %get3A_842 : vector<1x16xf32> to vector<16xf32>
        %get3A_844 = arith.index_cast %add3A_800 : i32 to index
        %get3A_845 = arith.constant 0 : index
        %get3A_846 = tpu.vector_load %arg25[%get3A_844, %get3A_845] {strides = array<i32>} : memref<16x128xf32, #tpu.memory_space<vmem>>, vector<1x16xf32>,
        %get3A_847 = vector.shape_cast %get3A_846 : vector<1x16xf32> to vector<16xf32>
        %mul3A_848 = arith.mulf %get3A_835, %get3A_843 : vector<16xf32>
        %add3A_849 = arith.addf %mul3A_848, %get3A_847 : vector<16xf32>
        %mul3A_850 = arith.mulf %get3A_839, %get3A_843 : vector<16xf32>
        %add3A_851 = arith.addf %mul3A_850, %get3A_847 : vector<16xf32>
        %max3A_852 = arith.maximumf %get3A_819, %get3A_827 : vector<16xf32>
        %min3A_853 = arith.minimumf %get3A_823, %get3A_831 : vector<16xf32>
        %max3A_854 = arith.maximumf %max3A_852, %add3A_849 : vector<16xf32>
        %min3A_855 = arith.minimumf %min3A_853, %add3A_851 : vector<16xf32>
        %sub3A_856 = arith.subf %min3A_855, %max3A_854 : vector<16xf32>
        %sub3A_857 = arith.subf %min3A_853, %max3A_852 : vector<16xf32>
        %sub3A_858 = arith.subf %add3A_851, %add3A_849 : vector<16xf32>
        %sub3A_859 = arith.subf %sub3A_858, %sub3A_857 : vector<16xf32>
        %mul3A_860 = arith.mulf %gather3A_815, %sub3A_859 : vector<16xf32>
        %add3A_861 = arith.addf %sub3A_857, %mul3A_860 : vector<16xf32>
        %mul3A_862 = arith.mulf %sub3A_856, %sub3A_856 : vector<16xf32>
        %add3A_863 = arith.addf %broadcast_in_dim3A_804, %mul3A_862 : vector<16xf32>
        %mul3A_864 = arith.mulf %add3A_861, %add3A_861 : vector<16xf32>
        %add3A_865 = arith.addf %broadcast_in_dim3A_804, %mul3A_864 : vector<16xf32>
        %get3A_866 = arith.index_cast %add3A_800 : i32 to index
        %get3A_867 = arith.constant 16 : index
        %get3A_868 = tpu.vector_load %arg18[%get3A_866, %get3A_867] {strides = array<i32>} : memref<16x128xf32, #tpu.memory_space<vmem>>, vector<1x16xf32>,
        %get3A_869 = vector.shape_cast %get3A_868 : vector<1x16xf32> to vector<16xf32>
        %get3A_870 = arith.index_cast %add3A_800 : i32 to index
        %get3A_871 = arith.constant 16 : index
        %get3A_872 = tpu.vector_load %arg19[%get3A_870, %get3A_871] {strides = array<i32>} : memref<16x128xf32, #tpu.memory_space<vmem>>, vector<1x16xf32>,
        %get3A_873 = vector.shape_cast %get3A_872 : vector<1x16xf32> to vector<16xf32>
        %get3A_874 = arith.index_cast %add3A_800 : i32 to index
        %get3A_875 = arith.constant 16 : index
        %get3A_876 = tpu.vector_load %arg20[%get3A_874, %get3A_875] {strides = array<i32>} : memref<16x128xf32, #tpu.memory_space<vmem>>, vector<1x16xf32>,
        %get3A_877 = vector.shape_cast %get3A_876 : vector<1x16xf32> to vector<16xf32>
        %get3A_878 = arith.index_cast %add3A_800 : i32 to index
        %get3A_879 = arith.constant 16 : index
        %get3A_880 = tpu.vector_load %arg21[%get3A_878, %get3A_879] {strides = array<i32>} : memref<16x128xf32, #tpu.memory_space<vmem>>, vector<1x16xf32>,
        %get3A_881 = vector.shape_cast %get3A_880 : vector<1x16xf32> to vector<16xf32>
        %get3A_882 = arith.index_cast %add3A_800 : i32 to index
        %get3A_883 = arith.constant 16 : index
        %get3A_884 = tpu.vector_load %arg22[%get3A_882, %get3A_883] {strides = array<i32>} : memref<16x128xf32, #tpu.memory_space<vmem>>, vector<1x16xf32>,
        %get3A_885 = vector.shape_cast %get3A_884 : vector<1x16xf32> to vector<16xf32>
        %get3A_886 = arith.index_cast %add3A_800 : i32 to index
        %get3A_887 = arith.constant 16 : index
        %get3A_888 = tpu.vector_load %arg23[%get3A_886, %get3A_887] {strides = array<i32>} : memref<16x128xf32, #tpu.memory_space<vmem>>, vector<1x16xf32>,
        %get3A_889 = vector.shape_cast %get3A_888 : vector<1x16xf32> to vector<16xf32>
        %get3A_890 = arith.index_cast %add3A_800 : i32 to index
        %get3A_891 = arith.constant 16 : index
        %get3A_892 = tpu.vector_load %arg24[%get3A_890, %get3A_891] {strides = array<i32>} : memref<16x128xf32, #tpu.memory_space<vmem>>, vector<1x16xf32>,
        %get3A_893 = vector.shape_cast %get3A_892 : vector<1x16xf32> to vector<16xf32>
        %get3A_894 = arith.index_cast %add3A_800 : i32 to index
        %get3A_895 = arith.constant 16 : index
        %get3A_896 = tpu.vector_load %arg25[%get3A_894, %get3A_895] {strides = array<i32>} : memref<16x128xf32, #tpu.memory_space<vmem>>, vector<1x16xf32>,
        %get3A_897 = vector.shape_cast %get3A_896 : vector<1x16xf32> to vector<16xf32>
        %mul3A_898 = arith.mulf %get3A_885, %get3A_893 : vector<16xf32>
        %add3A_899 = arith.addf %mul3A_898, %get3A_897 : vector<16xf32>
        %mul3A_900 = arith.mulf %get3A_889, %get3A_893 : vector<16xf32>
        %add3A_901 = arith.addf %mul3A_900, %get3A_897 : vector<16xf32>
        %max3A_902 = arith.maximumf %get3A_869, %get3A_877 : vector<16xf32>
        %min3A_903 = arith.minimumf %get3A_873, %get3A_881 : vector<16xf32>
        %max3A_904 = arith.maximumf %max3A_902, %add3A_899 : vector<16xf32>
        %min3A_905 = arith.minimumf %min3A_903, %add3A_901 : vector<16xf32>
        %sub3A_906 = arith.subf %min3A_905, %max3A_904 : vector<16xf32>
        %sub3A_907 = arith.subf %min3A_903, %max3A_902 : vector<16xf32>
        %sub3A_908 = arith.subf %add3A_901, %add3A_899 : vector<16xf32>
        %sub3A_909 = arith.subf %sub3A_908, %sub3A_907 : vector<16xf32>
        %mul3A_910 = arith.mulf %gather3A_815, %sub3A_909 : vector<16xf32>
        %add3A_911 = arith.addf %sub3A_907, %mul3A_910 : vector<16xf32>
        %mul3A_912 = arith.mulf %sub3A_906, %sub3A_906 : vector<16xf32>
        %add3A_913 = arith.addf %add3A_863, %mul3A_912 : vector<16xf32>
        %mul3A_914 = arith.mulf %add3A_911, %add3A_911 : vector<16xf32>
        %add3A_915 = arith.addf %add3A_865, %mul3A_914 : vector<16xf32>
        %get3A_916 = arith.index_cast %add3A_800 : i32 to index
        %get3A_917 = arith.constant 32 : index
        %get3A_918 = tpu.vector_load %arg18[%get3A_916, %get3A_917] {strides = array<i32>} : memref<16x128xf32, #tpu.memory_space<vmem>>, vector<1x16xf32>,
        %get3A_919 = vector.shape_cast %get3A_918 : vector<1x16xf32> to vector<16xf32>
        %get3A_920 = arith.index_cast %add3A_800 : i32 to index
        %get3A_921 = arith.constant 32 : index
        %get3A_922 = tpu.vector_load %arg19[%get3A_920, %get3A_921] {strides = array<i32>} : memref<16x128xf32, #tpu.memory_space<vmem>>, vector<1x16xf32>,
        %get3A_923 = vector.shape_cast %get3A_922 : vector<1x16xf32> to vector<16xf32>
        %get3A_924 = arith.index_cast %add3A_800 : i32 to index
        %get3A_925 = arith.constant 32 : index
        %get3A_926 = tpu.vector_load %arg20[%get3A_924, %get3A_925] {strides = array<i32>} : memref<16x128xf32, #tpu.memory_space<vmem>>, vector<1x16xf32>,
        %get3A_927 = vector.shape_cast %get3A_926 : vector<1x16xf32> to vector<16xf32>
        %get3A_928 = arith.index_cast %add3A_800 : i32 to index
        %get3A_929 = arith.constant 32 : index
        %get3A_930 = tpu.vector_load %arg21[%get3A_928, %get3A_929] {strides = array<i32>} : memref<16x128xf32, #tpu.memory_space<vmem>>, vector<1x16xf32>,
        %get3A_931 = vector.shape_cast %get3A_930 : vector<1x16xf32> to vector<16xf32>
        %get3A_932 = arith.index_cast %add3A_800 : i32 to index
        %get3A_933 = arith.constant 32 : index
        %get3A_934 = tpu.vector_load %arg22[%get3A_932, %get3A_933] {strides = array<i32>} : memref<16x128xf32, #tpu.memory_space<vmem>>, vector<1x16xf32>,
        %get3A_935 = vector.shape_cast %get3A_934 : vector<1x16xf32> to vector<16xf32>
        %get3A_936 = arith.index_cast %add3A_800 : i32 to index
        %get3A_937 = arith.constant 32 : index
        %get3A_938 = tpu.vector_load %arg23[%get3A_936, %get3A_937] {strides = array<i32>} : memref<16x128xf32, #tpu.memory_space<vmem>>, vector<1x16xf32>,
        %get3A_939 = vector.shape_cast %get3A_938 : vector<1x16xf32> to vector<16xf32>
        %get3A_940 = arith.index_cast %add3A_800 : i32 to index
        %get3A_941 = arith.constant 32 : index
        %get3A_942 = tpu.vector_load %arg24[%get3A_940, %get3A_941] {strides = array<i32>} : memref<16x128xf32, #tpu.memory_space<vmem>>, vector<1x16xf32>,
        %get3A_943 = vector.shape_cast %get3A_942 : vector<1x16xf32> to vector<16xf32>
        %get3A_944 = arith.index_cast %add3A_800 : i32 to index
        %get3A_945 = arith.constant 32 : index
        %get3A_946 = tpu.vector_load %arg25[%get3A_944, %get3A_945] {strides = array<i32>} : memref<16x128xf32, #tpu.memory_space<vmem>>, vector<1x16xf32>,
        %get3A_947 = vector.shape_cast %get3A_946 : vector<1x16xf32> to vector<16xf32>
        %mul3A_948 = arith.mulf %get3A_935, %get3A_943 : vector<16xf32>
        %add3A_949 = arith.addf %mul3A_948, %get3A_947 : vector<16xf32>
        %mul3A_950 = arith.mulf %get3A_939, %get3A_943 : vector<16xf32>
        %add3A_951 = arith.addf %mul3A_950, %get3A_947 : vector<16xf32>
        %max3A_952 = arith.maximumf %get3A_919, %get3A_927 : vector<16xf32>
        %min3A_953 = arith.minimumf %get3A_923, %get3A_931 : vector<16xf32>
        %max3A_954 = arith.maximumf %max3A_952, %add3A_949 : vector<16xf32>
        %min3A_955 = arith.minimumf %min3A_953, %add3A_951 : vector<16xf32>
        %sub3A_956 = arith.subf %min3A_955, %max3A_954 : vector<16xf32>
        %sub3A_957 = arith.subf %min3A_953, %max3A_952 : vector<16xf32>
        %sub3A_958 = arith.subf %add3A_951, %add3A_949 : vector<16xf32>
        %sub3A_959 = arith.subf %sub3A_958, %sub3A_957 : vector<16xf32>
        %mul3A_960 = arith.mulf %gather3A_815, %sub3A_959 : vector<16xf32>
        %add3A_961 = arith.addf %sub3A_957, %mul3A_960 : vector<16xf32>
        %mul3A_962 = arith.mulf %sub3A_956, %sub3A_956 : vector<16xf32>
        %add3A_963 = arith.addf %add3A_913, %mul3A_962 : vector<16xf32>
        %mul3A_964 = arith.mulf %add3A_961, %add3A_961 : vector<16xf32>
        %add3A_965 = arith.addf %add3A_915, %mul3A_964 : vector<16xf32>
        %get3A_966 = arith.index_cast %add3A_800 : i32 to index
        %get3A_967 = arith.constant 48 : index
        %get3A_968 = tpu.vector_load %arg18[%get3A_966, %get3A_967] {strides = array<i32>} : memref<16x128xf32, #tpu.memory_space<vmem>>, vector<1x16xf32>,
        %get3A_969 = vector.shape_cast %get3A_968 : vector<1x16xf32> to vector<16xf32>
        %get3A_970 = arith.index_cast %add3A_800 : i32 to index
        %get3A_971 = arith.constant 48 : index
        %get3A_972 = tpu.vector_load %arg19[%get3A_970, %get3A_971] {strides = array<i32>} : memref<16x128xf32, #tpu.memory_space<vmem>>, vector<1x16xf32>,
        %get3A_973 = vector.shape_cast %get3A_972 : vector<1x16xf32> to vector<16xf32>
        %get3A_974 = arith.index_cast %add3A_800 : i32 to index
        %get3A_975 = arith.constant 48 : index
        %get3A_976 = tpu.vector_load %arg20[%get3A_974, %get3A_975] {strides = array<i32>} : memref<16x128xf32, #tpu.memory_space<vmem>>, vector<1x16xf32>,
        %get3A_977 = vector.shape_cast %get3A_976 : vector<1x16xf32> to vector<16xf32>
        %get3A_978 = arith.index_cast %add3A_800 : i32 to index
        %get3A_979 = arith.constant 48 : index
        %get3A_980 = tpu.vector_load %arg21[%get3A_978, %get3A_979] {strides = array<i32>} : memref<16x128xf32, #tpu.memory_space<vmem>>, vector<1x16xf32>,
        %get3A_981 = vector.shape_cast %get3A_980 : vector<1x16xf32> to vector<16xf32>
        %get3A_982 = arith.index_cast %add3A_800 : i32 to index
        %get3A_983 = arith.constant 48 : index
        %get3A_984 = tpu.vector_load %arg22[%get3A_982, %get3A_983] {strides = array<i32>} : memref<16x128xf32, #tpu.memory_space<vmem>>, vector<1x16xf32>,
        %get3A_985 = vector.shape_cast %get3A_984 : vector<1x16xf32> to vector<16xf32>
        %get3A_986 = arith.index_cast %add3A_800 : i32 to index
        %get3A_987 = arith.constant 48 : index
        %get3A_988 = tpu.vector_load %arg23[%get3A_986, %get3A_987] {strides = array<i32>} : memref<16x128xf32, #tpu.memory_space<vmem>>, vector<1x16xf32>,
        %get3A_989 = vector.shape_cast %get3A_988 : vector<1x16xf32> to vector<16xf32>
        %get3A_990 = arith.index_cast %add3A_800 : i32 to index
        %get3A_991 = arith.constant 48 : index
        %get3A_992 = tpu.vector_load %arg24[%get3A_990, %get3A_991] {strides = array<i32>} : memref<16x128xf32, #tpu.memory_space<vmem>>, vector<1x16xf32>,
        %get3A_993 = vector.shape_cast %get3A_992 : vector<1x16xf32> to vector<16xf32>
        %get3A_994 = arith.index_cast %add3A_800 : i32 to index
        %get3A_995 = arith.constant 48 : index
        %get3A_996 = tpu.vector_load %arg25[%get3A_994, %get3A_995] {strides = array<i32>} : memref<16x128xf32, #tpu.memory_space<vmem>>, vector<1x16xf32>,
        %get3A_997 = vector.shape_cast %get3A_996 : vector<1x16xf32> to vector<16xf32>
        %mul3A_998 = arith.mulf %get3A_985, %get3A_993 : vector<16xf32>
        %add3A_999 = arith.addf %mul3A_998, %get3A_997 : vector<16xf32>
        %mul3A_1000 = arith.mulf %get3A_989, %get3A_993 : vector<16xf32>
        %add3A_1001 = arith.addf %mul3A_1000, %get3A_997 : vector<16xf32>
        %max3A_1002 = arith.maximumf %get3A_969, %get3A_977 : vector<16xf32>
        %min3A_1003 = arith.minimumf %get3A_973, %get3A_981 : vector<16xf32>
        %max3A_1004 = arith.maximumf %max3A_1002, %add3A_999 : vector<16xf32>
        %min3A_1005 = arith.minimumf %min3A_1003, %add3A_1001 : vector<16xf32>
        %sub3A_1006 = arith.subf %min3A_1005, %max3A_1004 : vector<16xf32>
        %sub3A_1007 = arith.subf %min3A_1003, %max3A_1002 : vector<16xf32>
        %sub3A_1008 = arith.subf %add3A_1001, %add3A_999 : vector<16xf32>
        %sub3A_1009 = arith.subf %sub3A_1008, %sub3A_1007 : vector<16xf32>
        %mul3A_1010 = arith.mulf %gather3A_815, %sub3A_1009 : vector<16xf32>
        %add3A_1011 = arith.addf %sub3A_1007, %mul3A_1010 : vector<16xf32>
        %mul3A_1012 = arith.mulf %sub3A_1006, %sub3A_1006 : vector<16xf32>
        %add3A_1013 = arith.addf %add3A_963, %mul3A_1012 : vector<16xf32>
        %mul3A_1014 = arith.mulf %add3A_1011, %add3A_1011 : vector<16xf32>
        %add3A_1015 = arith.addf %add3A_965, %mul3A_1014 : vector<16xf32>
        %get3A_1016 = arith.index_cast %add3A_800 : i32 to index
        %get3A_1017 = arith.constant 64 : index
        %get3A_1018 = tpu.vector_load %arg18[%get3A_1016, %get3A_1017] {strides = array<i32>} : memref<16x128xf32, #tpu.memory_space<vmem>>, vector<1x16xf32>,
        %get3A_1019 = vector.shape_cast %get3A_1018 : vector<1x16xf32> to vector<16xf32>
        %get3A_1020 = arith.index_cast %add3A_800 : i32 to index
        %get3A_1021 = arith.constant 64 : index
        %get3A_1022 = tpu.vector_load %arg19[%get3A_1020, %get3A_1021] {strides = array<i32>} : memref<16x128xf32, #tpu.memory_space<vmem>>, vector<1x16xf32>,
        %get3A_1023 = vector.shape_cast %get3A_1022 : vector<1x16xf32> to vector<16xf32>
        %get3A_1024 = arith.index_cast %add3A_800 : i32 to index
        %get3A_1025 = arith.constant 64 : index
        %get3A_1026 = tpu.vector_load %arg20[%get3A_1024, %get3A_1025] {strides = array<i32>} : memref<16x128xf32, #tpu.memory_space<vmem>>, vector<1x16xf32>,
        %get3A_1027 = vector.shape_cast %get3A_1026 : vector<1x16xf32> to vector<16xf32>
        %get3A_1028 = arith.index_cast %add3A_800 : i32 to index
        %get3A_1029 = arith.constant 64 : index
        %get3A_1030 = tpu.vector_load %arg21[%get3A_1028, %get3A_1029] {strides = array<i32>} : memref<16x128xf32, #tpu.memory_space<vmem>>, vector<1x16xf32>,
        %get3A_1031 = vector.shape_cast %get3A_1030 : vector<1x16xf32> to vector<16xf32>
        %get3A_1032 = arith.index_cast %add3A_800 : i32 to index
        %get3A_1033 = arith.constant 64 : index
        %get3A_1034 = tpu.vector_load %arg22[%get3A_1032, %get3A_1033] {strides = array<i32>} : memref<16x128xf32, #tpu.memory_space<vmem>>, vector<1x16xf32>,
        %get3A_1035 = vector.shape_cast %get3A_1034 : vector<1x16xf32> to vector<16xf32>
        %get3A_1036 = arith.index_cast %add3A_800 : i32 to index
        %get3A_1037 = arith.constant 64 : index
        %get3A_1038 = tpu.vector_load %arg23[%get3A_1036, %get3A_1037] {strides = array<i32>} : memref<16x128xf32, #tpu.memory_space<vmem>>, vector<1x16xf32>,
        %get3A_1039 = vector.shape_cast %get3A_1038 : vector<1x16xf32> to vector<16xf32>
        %get3A_1040 = arith.index_cast %add3A_800 : i32 to index
        %get3A_1041 = arith.constant 64 : index
        %get3A_1042 = tpu.vector_load %arg24[%get3A_1040, %get3A_1041] {strides = array<i32>} : memref<16x128xf32, #tpu.memory_space<vmem>>, vector<1x16xf32>,
        %get3A_1043 = vector.shape_cast %get3A_1042 : vector<1x16xf32> to vector<16xf32>
        %get3A_1044 = arith.index_cast %add3A_800 : i32 to index
        %get3A_1045 = arith.constant 64 : index
        %get3A_1046 = tpu.vector_load %arg25[%get3A_1044, %get3A_1045] {strides = array<i32>} : memref<16x128xf32, #tpu.memory_space<vmem>>, vector<1x16xf32>,
        %get3A_1047 = vector.shape_cast %get3A_1046 : vector<1x16xf32> to vector<16xf32>
        %mul3A_1048 = arith.mulf %get3A_1035, %get3A_1043 : vector<16xf32>
        %add3A_1049 = arith.addf %mul3A_1048, %get3A_1047 : vector<16xf32>
        %mul3A_1050 = arith.mulf %get3A_1039, %get3A_1043 : vector<16xf32>
        %add3A_1051 = arith.addf %mul3A_1050, %get3A_1047 : vector<16xf32>
        %max3A_1052 = arith.maximumf %get3A_1019, %get3A_1027 : vector<16xf32>
        %min3A_1053 = arith.minimumf %get3A_1023, %get3A_1031 : vector<16xf32>
        %max3A_1054 = arith.maximumf %max3A_1052, %add3A_1049 : vector<16xf32>
        %min3A_1055 = arith.minimumf %min3A_1053, %add3A_1051 : vector<16xf32>
        %sub3A_1056 = arith.subf %min3A_1055, %max3A_1054 : vector<16xf32>
        %sub3A_1057 = arith.subf %min3A_1053, %max3A_1052 : vector<16xf32>
        %sub3A_1058 = arith.subf %add3A_1051, %add3A_1049 : vector<16xf32>
        %sub3A_1059 = arith.subf %sub3A_1058, %sub3A_1057 : vector<16xf32>
        %mul3A_1060 = arith.mulf %gather3A_815, %sub3A_1059 : vector<16xf32>
        %add3A_1061 = arith.addf %sub3A_1057, %mul3A_1060 : vector<16xf32>
        %mul3A_1062 = arith.mulf %sub3A_1056, %sub3A_1056 : vector<16xf32>
        %add3A_1063 = arith.addf %add3A_1013, %mul3A_1062 : vector<16xf32>
        %mul3A_1064 = arith.mulf %add3A_1061, %add3A_1061 : vector<16xf32>
        %add3A_1065 = arith.addf %add3A_1015, %mul3A_1064 : vector<16xf32>
        %get3A_1066 = arith.index_cast %add3A_800 : i32 to index
        %get3A_1067 = arith.constant 80 : index
        %get3A_1068 = tpu.vector_load %arg18[%get3A_1066, %get3A_1067] {strides = array<i32>} : memref<16x128xf32, #tpu.memory_space<vmem>>, vector<1x16xf32>,
        %get3A_1069 = vector.shape_cast %get3A_1068 : vector<1x16xf32> to vector<16xf32>
        %get3A_1070 = arith.index_cast %add3A_800 : i32 to index
        %get3A_1071 = arith.constant 80 : index
        %get3A_1072 = tpu.vector_load %arg19[%get3A_1070, %get3A_1071] {strides = array<i32>} : memref<16x128xf32, #tpu.memory_space<vmem>>, vector<1x16xf32>,
        %get3A_1073 = vector.shape_cast %get3A_1072 : vector<1x16xf32> to vector<16xf32>
        %get3A_1074 = arith.index_cast %add3A_800 : i32 to index
        %get3A_1075 = arith.constant 80 : index
        %get3A_1076 = tpu.vector_load %arg20[%get3A_1074, %get3A_1075] {strides = array<i32>} : memref<16x128xf32, #tpu.memory_space<vmem>>, vector<1x16xf32>,
        %get3A_1077 = vector.shape_cast %get3A_1076 : vector<1x16xf32> to vector<16xf32>
        %get3A_1078 = arith.index_cast %add3A_800 : i32 to index
        %get3A_1079 = arith.constant 80 : index
        %get3A_1080 = tpu.vector_load %arg21[%get3A_1078, %get3A_1079] {strides = array<i32>} : memref<16x128xf32, #tpu.memory_space<vmem>>, vector<1x16xf32>,
        %get3A_1081 = vector.shape_cast %get3A_1080 : vector<1x16xf32> to vector<16xf32>
        %get3A_1082 = arith.index_cast %add3A_800 : i32 to index
        %get3A_1083 = arith.constant 80 : index
        %get3A_1084 = tpu.vector_load %arg22[%get3A_1082, %get3A_1083] {strides = array<i32>} : memref<16x128xf32, #tpu.memory_space<vmem>>, vector<1x16xf32>,
        %get3A_1085 = vector.shape_cast %get3A_1084 : vector<1x16xf32> to vector<16xf32>
        %get3A_1086 = arith.index_cast %add3A_800 : i32 to index
        %get3A_1087 = arith.constant 80 : index
        %get3A_1088 = tpu.vector_load %arg23[%get3A_1086, %get3A_1087] {strides = array<i32>} : memref<16x128xf32, #tpu.memory_space<vmem>>, vector<1x16xf32>,
        %get3A_1089 = vector.shape_cast %get3A_1088 : vector<1x16xf32> to vector<16xf32>
        %get3A_1090 = arith.index_cast %add3A_800 : i32 to index
        %get3A_1091 = arith.constant 80 : index
        %get3A_1092 = tpu.vector_load %arg24[%get3A_1090, %get3A_1091] {strides = array<i32>} : memref<16x128xf32, #tpu.memory_space<vmem>>, vector<1x16xf32>,
        %get3A_1093 = vector.shape_cast %get3A_1092 : vector<1x16xf32> to vector<16xf32>
        %get3A_1094 = arith.index_cast %add3A_800 : i32 to index
        %get3A_1095 = arith.constant 80 : index
        %get3A_1096 = tpu.vector_load %arg25[%get3A_1094, %get3A_1095] {strides = array<i32>} : memref<16x128xf32, #tpu.memory_space<vmem>>, vector<1x16xf32>,
        %get3A_1097 = vector.shape_cast %get3A_1096 : vector<1x16xf32> to vector<16xf32>
        %mul3A_1098 = arith.mulf %get3A_1085, %get3A_1093 : vector<16xf32>
        %add3A_1099 = arith.addf %mul3A_1098, %get3A_1097 : vector<16xf32>
        %mul3A_1100 = arith.mulf %get3A_1089, %get3A_1093 : vector<16xf32>
        %add3A_1101 = arith.addf %mul3A_1100, %get3A_1097 : vector<16xf32>
        %max3A_1102 = arith.maximumf %get3A_1069, %get3A_1077 : vector<16xf32>
        %min3A_1103 = arith.minimumf %get3A_1073, %get3A_1081 : vector<16xf32>
        %max3A_1104 = arith.maximumf %max3A_1102, %add3A_1099 : vector<16xf32>
        %min3A_1105 = arith.minimumf %min3A_1103, %add3A_1101 : vector<16xf32>
        %sub3A_1106 = arith.subf %min3A_1105, %max3A_1104 : vector<16xf32>
        %sub3A_1107 = arith.subf %min3A_1103, %max3A_1102 : vector<16xf32>
        %sub3A_1108 = arith.subf %add3A_1101, %add3A_1099 : vector<16xf32>
        %sub3A_1109 = arith.subf %sub3A_1108, %sub3A_1107 : vector<16xf32>
        %mul3A_1110 = arith.mulf %gather3A_815, %sub3A_1109 : vector<16xf32>
        %add3A_1111 = arith.addf %sub3A_1107, %mul3A_1110 : vector<16xf32>
        %mul3A_1112 = arith.mulf %sub3A_1106, %sub3A_1106 : vector<16xf32>
        %add3A_1113 = arith.addf %add3A_1063, %mul3A_1112 : vector<16xf32>
        %mul3A_1114 = arith.mulf %add3A_1111, %add3A_1111 : vector<16xf32>
        %add3A_1115 = arith.addf %add3A_1065, %mul3A_1114 : vector<16xf32>
        %get3A_1116 = arith.index_cast %add3A_800 : i32 to index
        %get3A_1117 = arith.constant 96 : index
        %get3A_1118 = tpu.vector_load %arg18[%get3A_1116, %get3A_1117] {strides = array<i32>} : memref<16x128xf32, #tpu.memory_space<vmem>>, vector<1x16xf32>,
        %get3A_1119 = vector.shape_cast %get3A_1118 : vector<1x16xf32> to vector<16xf32>
        %get3A_1120 = arith.index_cast %add3A_800 : i32 to index
        %get3A_1121 = arith.constant 96 : index
        %get3A_1122 = tpu.vector_load %arg19[%get3A_1120, %get3A_1121] {strides = array<i32>} : memref<16x128xf32, #tpu.memory_space<vmem>>, vector<1x16xf32>,
        %get3A_1123 = vector.shape_cast %get3A_1122 : vector<1x16xf32> to vector<16xf32>
        %get3A_1124 = arith.index_cast %add3A_800 : i32 to index
        %get3A_1125 = arith.constant 96 : index
        %get3A_1126 = tpu.vector_load %arg20[%get3A_1124, %get3A_1125] {strides = array<i32>} : memref<16x128xf32, #tpu.memory_space<vmem>>, vector<1x16xf32>,
        %get3A_1127 = vector.shape_cast %get3A_1126 : vector<1x16xf32> to vector<16xf32>
        %get3A_1128 = arith.index_cast %add3A_800 : i32 to index
        %get3A_1129 = arith.constant 96 : index
        %get3A_1130 = tpu.vector_load %arg21[%get3A_1128, %get3A_1129] {strides = array<i32>} : memref<16x128xf32, #tpu.memory_space<vmem>>, vector<1x16xf32>,
        %get3A_1131 = vector.shape_cast %get3A_1130 : vector<1x16xf32> to vector<16xf32>
        %get3A_1132 = arith.index_cast %add3A_800 : i32 to index
        %get3A_1133 = arith.constant 96 : index
        %get3A_1134 = tpu.vector_load %arg22[%get3A_1132, %get3A_1133] {strides = array<i32>} : memref<16x128xf32, #tpu.memory_space<vmem>>, vector<1x16xf32>,
        %get3A_1135 = vector.shape_cast %get3A_1134 : vector<1x16xf32> to vector<16xf32>
        %get3A_1136 = arith.index_cast %add3A_800 : i32 to index
        %get3A_1137 = arith.constant 96 : index
        %get3A_1138 = tpu.vector_load %arg23[%get3A_1136, %get3A_1137] {strides = array<i32>} : memref<16x128xf32, #tpu.memory_space<vmem>>, vector<1x16xf32>,
        %get3A_1139 = vector.shape_cast %get3A_1138 : vector<1x16xf32> to vector<16xf32>
        %get3A_1140 = arith.index_cast %add3A_800 : i32 to index
        %get3A_1141 = arith.constant 96 : index
        %get3A_1142 = tpu.vector_load %arg24[%get3A_1140, %get3A_1141] {strides = array<i32>} : memref<16x128xf32, #tpu.memory_space<vmem>>, vector<1x16xf32>,
        %get3A_1143 = vector.shape_cast %get3A_1142 : vector<1x16xf32> to vector<16xf32>
        %get3A_1144 = arith.index_cast %add3A_800 : i32 to index
        %get3A_1145 = arith.constant 96 : index
        %get3A_1146 = tpu.vector_load %arg25[%get3A_1144, %get3A_1145] {strides = array<i32>} : memref<16x128xf32, #tpu.memory_space<vmem>>, vector<1x16xf32>,
        %get3A_1147 = vector.shape_cast %get3A_1146 : vector<1x16xf32> to vector<16xf32>
        %mul3A_1148 = arith.mulf %get3A_1135, %get3A_1143 : vector<16xf32>
        %add3A_1149 = arith.addf %mul3A_1148, %get3A_1147 : vector<16xf32>
        %mul3A_1150 = arith.mulf %get3A_1139, %get3A_1143 : vector<16xf32>
        %add3A_1151 = arith.addf %mul3A_1150, %get3A_1147 : vector<16xf32>
        %max3A_1152 = arith.maximumf %get3A_1119, %get3A_1127 : vector<16xf32>
        %min3A_1153 = arith.minimumf %get3A_1123, %get3A_1131 : vector<16xf32>
        %max3A_1154 = arith.maximumf %max3A_1152, %add3A_1149 : vector<16xf32>
        %min3A_1155 = arith.minimumf %min3A_1153, %add3A_1151 : vector<16xf32>
        %sub3A_1156 = arith.subf %min3A_1155, %max3A_1154 : vector<16xf32>
        %sub3A_1157 = arith.subf %min3A_1153, %max3A_1152 : vector<16xf32>
        %sub3A_1158 = arith.subf %add3A_1151, %add3A_1149 : vector<16xf32>
        %sub3A_1159 = arith.subf %sub3A_1158, %sub3A_1157 : vector<16xf32>
        %mul3A_1160 = arith.mulf %gather3A_815, %sub3A_1159 : vector<16xf32>
        %add3A_1161 = arith.addf %sub3A_1157, %mul3A_1160 : vector<16xf32>
        %mul3A_1162 = arith.mulf %sub3A_1156, %sub3A_1156 : vector<16xf32>
        %add3A_1163 = arith.addf %add3A_1113, %mul3A_1162 : vector<16xf32>
        %mul3A_1164 = arith.mulf %add3A_1161, %add3A_1161 : vector<16xf32>
        %add3A_1165 = arith.addf %add3A_1115, %mul3A_1164 : vector<16xf32>
        %get3A_1166 = arith.index_cast %add3A_800 : i32 to index
        %get3A_1167 = arith.constant 112 : index
        %get3A_1168 = tpu.vector_load %arg18[%get3A_1166, %get3A_1167] {strides = array<i32>} : memref<16x128xf32, #tpu.memory_space<vmem>>, vector<1x16xf32>,
        %get3A_1169 = vector.shape_cast %get3A_1168 : vector<1x16xf32> to vector<16xf32>
        %get3A_1170 = arith.index_cast %add3A_800 : i32 to index
        %get3A_1171 = arith.constant 112 : index
        %get3A_1172 = tpu.vector_load %arg19[%get3A_1170, %get3A_1171] {strides = array<i32>} : memref<16x128xf32, #tpu.memory_space<vmem>>, vector<1x16xf32>,
        %get3A_1173 = vector.shape_cast %get3A_1172 : vector<1x16xf32> to vector<16xf32>
        %get3A_1174 = arith.index_cast %add3A_800 : i32 to index
        %get3A_1175 = arith.constant 112 : index
        %get3A_1176 = tpu.vector_load %arg20[%get3A_1174, %get3A_1175] {strides = array<i32>} : memref<16x128xf32, #tpu.memory_space<vmem>>, vector<1x16xf32>,
        %get3A_1177 = vector.shape_cast %get3A_1176 : vector<1x16xf32> to vector<16xf32>
        %get3A_1178 = arith.index_cast %add3A_800 : i32 to index
        %get3A_1179 = arith.constant 112 : index
        %get3A_1180 = tpu.vector_load %arg21[%get3A_1178, %get3A_1179] {strides = array<i32>} : memref<16x128xf32, #tpu.memory_space<vmem>>, vector<1x16xf32>,
        %get3A_1181 = vector.shape_cast %get3A_1180 : vector<1x16xf32> to vector<16xf32>
        %get3A_1182 = arith.index_cast %add3A_800 : i32 to index
        %get3A_1183 = arith.constant 112 : index
        %get3A_1184 = tpu.vector_load %arg22[%get3A_1182, %get3A_1183] {strides = array<i32>} : memref<16x128xf32, #tpu.memory_space<vmem>>, vector<1x16xf32>,
        %get3A_1185 = vector.shape_cast %get3A_1184 : vector<1x16xf32> to vector<16xf32>
        %get3A_1186 = arith.index_cast %add3A_800 : i32 to index
        %get3A_1187 = arith.constant 112 : index
        %get3A_1188 = tpu.vector_load %arg23[%get3A_1186, %get3A_1187] {strides = array<i32>} : memref<16x128xf32, #tpu.memory_space<vmem>>, vector<1x16xf32>,
        %get3A_1189 = vector.shape_cast %get3A_1188 : vector<1x16xf32> to vector<16xf32>
        %get3A_1190 = arith.index_cast %add3A_800 : i32 to index
        %get3A_1191 = arith.constant 112 : index
        %get3A_1192 = tpu.vector_load %arg24[%get3A_1190, %get3A_1191] {strides = array<i32>} : memref<16x128xf32, #tpu.memory_space<vmem>>, vector<1x16xf32>,
        %get3A_1193 = vector.shape_cast %get3A_1192 : vector<1x16xf32> to vector<16xf32>
        %get3A_1194 = arith.index_cast %add3A_800 : i32 to index
        %get3A_1195 = arith.constant 112 : index
        %get3A_1196 = tpu.vector_load %arg25[%get3A_1194, %get3A_1195] {strides = array<i32>} : memref<16x128xf32, #tpu.memory_space<vmem>>, vector<1x16xf32>,
        %get3A_1197 = vector.shape_cast %get3A_1196 : vector<1x16xf32> to vector<16xf32>
        %mul3A_1198 = arith.mulf %get3A_1185, %get3A_1193 : vector<16xf32>
        %add3A_1199 = arith.addf %mul3A_1198, %get3A_1197 : vector<16xf32>
        %mul3A_1200 = arith.mulf %get3A_1189, %get3A_1193 : vector<16xf32>
        %add3A_1201 = arith.addf %mul3A_1200, %get3A_1197 : vector<16xf32>
        %max3A_1202 = arith.maximumf %get3A_1169, %get3A_1177 : vector<16xf32>
        %min3A_1203 = arith.minimumf %get3A_1173, %get3A_1181 : vector<16xf32>
        %max3A_1204 = arith.maximumf %max3A_1202, %add3A_1199 : vector<16xf32>
        %min3A_1205 = arith.minimumf %min3A_1203, %add3A_1201 : vector<16xf32>
        %sub3A_1206 = arith.subf %min3A_1205, %max3A_1204 : vector<16xf32>
        %sub3A_1207 = arith.subf %min3A_1203, %max3A_1202 : vector<16xf32>
        %sub3A_1208 = arith.subf %add3A_1201, %add3A_1199 : vector<16xf32>
        %sub3A_1209 = arith.subf %sub3A_1208, %sub3A_1207 : vector<16xf32>
        %mul3A_1210 = arith.mulf %gather3A_815, %sub3A_1209 : vector<16xf32>
        %add3A_1211 = arith.addf %sub3A_1207, %mul3A_1210 : vector<16xf32>
        %mul3A_1212 = arith.mulf %sub3A_1206, %sub3A_1206 : vector<16xf32>
        %add3A_1213 = arith.addf %add3A_1163, %mul3A_1212 : vector<16xf32>
        %mul3A_1214 = arith.mulf %add3A_1211, %add3A_1211 : vector<16xf32>
        %add3A_1215 = arith.addf %add3A_1165, %mul3A_1214 : vector<16xf32>
        %lt3A_1216 = arith.constant 0 : i32
        %lt3A_1217 = vector.broadcast %lt3A_1216 : i32 to vector<16xi32>
        %lt3A_1218 = arith.cmpi slt, %xor3A_171, %lt3A_1217 : vector<16xi32>
        %add3A_1219 = arith.constant 16 : i32
        %add3A_1220 = vector.broadcast %add3A_1219 : i32 to vector<16xi32>
        %add3A_1221 = arith.addi %xor3A_171, %add3A_1220 : vector<16xi32>
        %select_n3A_1222 = arith.select %lt3A_1218, %add3A_1221, %xor3A_171 : vector<16xi1>, vector<16xi32>
        %broadcast_in_dim3A_1223 = vector.shape_cast %select_n3A_1222 : vector<16xi32> to vector<16x1xi32>
        %gather3A_1224 = vector.shape_cast %broadcast_in_dim3A_1223 : vector<16x1xi32> to vector<16xi32>
        %gather3A_1225 = tpu.dynamic_gather %add3A_1213[%gather3A_1224] in [0] : vector<16xf32>, vector<16xi32> -> vector<16xf32>
        %add3A_1226 = arith.addf %add3A_1213, %gather3A_1225 : vector<16xf32>
        %lt3A_1227 = arith.constant 0 : i32
        %lt3A_1228 = vector.broadcast %lt3A_1227 : i32 to vector<16xi32>
        %lt3A_1229 = arith.cmpi slt, %xor3A_171, %lt3A_1228 : vector<16xi32>
        %add3A_1230 = arith.constant 16 : i32
        %add3A_1231 = vector.broadcast %add3A_1230 : i32 to vector<16xi32>
        %add3A_1232 = arith.addi %xor3A_171, %add3A_1231 : vector<16xi32>
        %select_n3A_1233 = arith.select %lt3A_1229, %add3A_1232, %xor3A_171 : vector<16xi1>, vector<16xi32>
        %broadcast_in_dim3A_1234 = vector.shape_cast %select_n3A_1233 : vector<16xi32> to vector<16x1xi32>
        %gather3A_1235 = vector.shape_cast %broadcast_in_dim3A_1234 : vector<16x1xi32> to vector<16xi32>
        %gather3A_1236 = tpu.dynamic_gather %add3A_1215[%gather3A_1235] in [0] : vector<16xf32>, vector<16xi32> -> vector<16xf32>
        %add3A_1237 = arith.addf %add3A_1215, %gather3A_1236 : vector<16xf32>
        %lt3A_1238 = arith.constant 0 : i32
        %lt3A_1239 = vector.broadcast %lt3A_1238 : i32 to vector<16xi32>
        %lt3A_1240 = arith.cmpi slt, %xor3A_171, %lt3A_1239 : vector<16xi32>
        %add3A_1241 = arith.constant 16 : i32
        %add3A_1242 = vector.broadcast %add3A_1241 : i32 to vector<16xi32>
        %add3A_1243 = arith.addi %xor3A_171, %add3A_1242 : vector<16xi32>
        %select_n3A_1244 = arith.select %lt3A_1240, %add3A_1243, %xor3A_171 : vector<16xi1>, vector<16xi32>
        %broadcast_in_dim3A_1245 = vector.shape_cast %select_n3A_1244 : vector<16xi32> to vector<16x1xi32>
        %gather3A_1246 = vector.shape_cast %broadcast_in_dim3A_1245 : vector<16x1xi32> to vector<16xi32>
        %gather3A_1247 = tpu.dynamic_gather %add3A_1237[%gather3A_1246] in [0] : vector<16xf32>, vector<16xi32> -> vector<16xf32>
        %select_n3A_1248 = arith.select %lt3A_169, %add3A_1226, %gather3A_1247 : vector<16xi1>, vector<16xf32>
        %xor3A_1249 = arith.constant 4 : i32
        %xor3A_1250 = vector.broadcast %xor3A_1249 : i32 to vector<16xi32>
        %xor3A_1251 = arith.xori %iota3A, %xor3A_1250 : vector<16xi32>
        %lt3A_1252 = arith.constant 0 : i32
        %lt3A_1253 = vector.broadcast %lt3A_1252 : i32 to vector<16xi32>
        %lt3A_1254 = arith.cmpi slt, %xor3A_1251, %lt3A_1253 : vector<16xi32>
        %add3A_1255 = arith.constant 16 : i32
        %add3A_1256 = vector.broadcast %add3A_1255 : i32 to vector<16xi32>
        %add3A_1257 = arith.addi %xor3A_1251, %add3A_1256 : vector<16xi32>
        %select_n3A_1258 = arith.select %lt3A_1254, %add3A_1257, %xor3A_1251 : vector<16xi1>, vector<16xi32>
        %broadcast_in_dim3A_1259 = vector.shape_cast %select_n3A_1258 : vector<16xi32> to vector<16x1xi32>
        %gather3A_1260 = vector.shape_cast %broadcast_in_dim3A_1259 : vector<16x1xi32> to vector<16xi32>
        %gather3A_1261 = tpu.dynamic_gather %select_n3A_1248[%gather3A_1260] in [0] : vector<16xf32>, vector<16xi32> -> vector<16xf32>
        %add3A_1262 = arith.addf %select_n3A_1248, %gather3A_1261 : vector<16xf32>
        %xor3A_1263 = arith.constant 2 : i32
        %xor3A_1264 = vector.broadcast %xor3A_1263 : i32 to vector<16xi32>
        %xor3A_1265 = arith.xori %iota3A, %xor3A_1264 : vector<16xi32>
        %lt3A_1266 = arith.constant 0 : i32
        %lt3A_1267 = vector.broadcast %lt3A_1266 : i32 to vector<16xi32>
        %lt3A_1268 = arith.cmpi slt, %xor3A_1265, %lt3A_1267 : vector<16xi32>
        %add3A_1269 = arith.constant 16 : i32
        %add3A_1270 = vector.broadcast %add3A_1269 : i32 to vector<16xi32>
        %add3A_1271 = arith.addi %xor3A_1265, %add3A_1270 : vector<16xi32>
        %select_n3A_1272 = arith.select %lt3A_1268, %add3A_1271, %xor3A_1265 : vector<16xi1>, vector<16xi32>
        %broadcast_in_dim3A_1273 = vector.shape_cast %select_n3A_1272 : vector<16xi32> to vector<16x1xi32>
        %gather3A_1274 = vector.shape_cast %broadcast_in_dim3A_1273 : vector<16x1xi32> to vector<16xi32>
        %gather3A_1275 = tpu.dynamic_gather %add3A_1262[%gather3A_1274] in [0] : vector<16xf32>, vector<16xi32> -> vector<16xf32>
        %add3A_1276 = arith.addf %add3A_1262, %gather3A_1275 : vector<16xf32>
        %xor3A_1277 = arith.constant 1 : i32
        %xor3A_1278 = vector.broadcast %xor3A_1277 : i32 to vector<16xi32>
        %xor3A_1279 = arith.xori %iota3A, %xor3A_1278 : vector<16xi32>
        %lt3A_1280 = arith.constant 0 : i32
        %lt3A_1281 = vector.broadcast %lt3A_1280 : i32 to vector<16xi32>
        %lt3A_1282 = arith.cmpi slt, %xor3A_1279, %lt3A_1281 : vector<16xi32>
        %add3A_1283 = arith.constant 16 : i32
        %add3A_1284 = vector.broadcast %add3A_1283 : i32 to vector<16xi32>
        %add3A_1285 = arith.addi %xor3A_1279, %add3A_1284 : vector<16xi32>
        %select_n3A_1286 = arith.select %lt3A_1282, %add3A_1285, %xor3A_1279 : vector<16xi1>, vector<16xi32>
        %broadcast_in_dim3A_1287 = vector.shape_cast %select_n3A_1286 : vector<16xi32> to vector<16x1xi32>
        %gather3A_1288 = vector.shape_cast %broadcast_in_dim3A_1287 : vector<16x1xi32> to vector<16xi32>
        %gather3A_1289 = tpu.dynamic_gather %add3A_1276[%gather3A_1288] in [0] : vector<16xf32>, vector<16xi32> -> vector<16xf32>
        %add3A_1290 = arith.addf %add3A_1276, %gather3A_1289 : vector<16xf32>
        %lt3A_1291 = arith.constant 0 : i32
        %lt3A_1292 = vector.broadcast %lt3A_1291 : i32 to vector<16xi32>
        %lt3A_1293 = arith.cmpi slt, %broadcast_in_dim3A_172, %lt3A_1292 : vector<16xi32>
        %add3A_1294 = arith.constant 16 : i32
        %add3A_1295 = vector.broadcast %add3A_1294 : i32 to vector<16xi32>
        %add3A_1296 = arith.addi %broadcast_in_dim3A_172, %add3A_1295 : vector<16xi32>
        %select_n3A_1297 = arith.select %lt3A_1293, %add3A_1296, %broadcast_in_dim3A_172 : vector<16xi1>, vector<16xi32>
        %broadcast_in_dim3A_1298 = vector.shape_cast %select_n3A_1297 : vector<16xi32> to vector<16x1xi32>
        %gather3A_1299 = vector.shape_cast %broadcast_in_dim3A_1298 : vector<16x1xi32> to vector<16xi32>
        %gather3A_1300 = tpu.dynamic_gather %add3A_1290[%gather3A_1299] in [0] : vector<16xf32>, vector<16xi32> -> vector<16xf32>
        %lt3A_1301 = arith.constant 0 : i32
        %lt3A_1302 = vector.broadcast %lt3A_1301 : i32 to vector<16xi32>
        %lt3A_1303 = arith.cmpi slt, %broadcast_in_dim3A_174, %lt3A_1302 : vector<16xi32>
        %add3A_1304 = arith.constant 16 : i32
        %add3A_1305 = vector.broadcast %add3A_1304 : i32 to vector<16xi32>
        %add3A_1306 = arith.addi %broadcast_in_dim3A_174, %add3A_1305 : vector<16xi32>
        %select_n3A_1307 = arith.select %lt3A_1303, %add3A_1306, %broadcast_in_dim3A_174 : vector<16xi1>, vector<16xi32>
        %broadcast_in_dim3A_1308 = vector.shape_cast %select_n3A_1307 : vector<16xi32> to vector<16x1xi32>
        %gather3A_1309 = vector.shape_cast %broadcast_in_dim3A_1308 : vector<16x1xi32> to vector<16xi32>
        %gather3A_1310 = tpu.dynamic_gather %add3A_1290[%gather3A_1309] in [0] : vector<16xf32>, vector<16xi32> -> vector<16xf32>
        %div3A_1311 = arith.divf %gather3A_1300, %gather3A_1310 : vector<16xf32>
        %eq3A = vector.broadcast %mul3A_295 : i32 to vector<16xi32>
        %eq3A_1312 = arith.cmpi eq, %iota3A, %eq3A : vector<16xi32>
        %select_n3A_1313 = arith.select %eq3A_1312, %div3A, %scan3A_288 : vector<16xi1>, vector<16xf32>
        %add3A_1314 = arith.constant 1 : i32
        %add3A_1315 = arith.addi %mul3A_295, %add3A_1314 : i32
        %eq3A_1316 = vector.broadcast %add3A_1315 : i32 to vector<16xi32>
        %eq3A_1317 = arith.cmpi eq, %iota3A, %eq3A_1316 : vector<16xi32>
        %select_n3A_1318 = arith.select %eq3A_1317, %div3A_1311, %select_n3A_1313 : vector<16xi1>, vector<16xf32>
        scf.yield %select_n3A_1318 : vector<16xf32>
      }
      %scan3A_182 = arith.constant 8 : i32
      %swap3A = arith.index_cast %add3A_165 : i32 to index
      %swap3A_183 = tpu.vector_load %arg17[%swap3A] {strides = array<i32>} : memref<512xf32, #tpu.memory_space<vmem>>, vector<16xf32>,
      %swap3A_184 = vector.shape_cast %swap3A_183 : vector<16xf32> to vector<16xf32>
      %swap3A_185 = vector.shape_cast %scan3A_181 : vector<16xf32> to vector<16xf32>
      tpu.vector_store %arg17[%swap3A], %swap3A_185 {strides = array<i32>} : memref<512xf32, #tpu.memory_space<vmem>>, vector<16xf32>,
      %scan3A_186 = arith.constant 1 : i32
      %add3A_187 = arith.constant 0 : i32
      %add3A_188 = arith.addi %mul3A_108, %add3A_187 : i32
      %add3A_189 = arith.constant 2 : i32
      %add3A_190 = arith.addi %add3A_188, %add3A_189 : i32
      %lt3A_191 = arith.constant 32 : i32
      %lt3A_192 = arith.cmpi slt, %add3A_190, %lt3A_191 : i32
      %convert_element_type3A = arith.extui %lt3A_192 : i1 to i32
      %cond3A = arith.constant 0 : i32
      %cond3A_193 = arith.cmpi ne, %convert_element_type3A, %cond3A : i32
      scf.if %cond3A_193 {
        %add3A_287 = arith.constant 0 : i32
        %add3A_288 = arith.addi %mul3A_108, %add3A_287 : i32
        %add3A_289 = arith.constant 2 : i32
        %add3A_290 = arith.addi %add3A_288, %add3A_289 : i32
        %mul3A_291 = arith.constant 16 : i32
        %mul3A_292 = arith.muli %add3A_290, %mul3A_291 : i32
        %dma_start3A_293 = tpu.memref_slice %arg12[%mul3A_292] : memref<512xi32, #tpu.memory_space<vmem>> -> memref<16xi32, #tpu.memory_space<vmem>>
        %dma_start3A_294 = arith.constant 0 : i32
        %dma_start3A_295 = arith.constant 0 : i32
        %dma_start3A_296 = tpu.memref_slice %arg2[%dma_start3A_294, %dma_start3A_295] : memref<100000x128xf32, #tpu.memory_space<hbm>> -> memref<100000x128xf32, #tpu.memory_space<hbm>>
        tpu.enqueue_indirect_dma source(%dma_start3A_296 : memref<100000x128xf32, #tpu.memory_space<hbm>>) target(%arg18 : memref<16x128xf32, #tpu.memory_space<vmem>>) offsets(%dma_start3A_293 : memref<16xi32, #tpu.memory_space<vmem>>) semaphore(%arg34 : memref<!tpu.dma_semaphore, #tpu.memory_space<semaphore_mem>>)
        %mul3A_297 = arith.constant 16 : i32
        %mul3A_298 = arith.muli %add3A_290, %mul3A_297 : i32
        %dma_start3A_299 = tpu.memref_slice %arg12[%mul3A_298] : memref<512xi32, #tpu.memory_space<vmem>> -> memref<16xi32, #tpu.memory_space<vmem>>
        %dma_start3A_300 = arith.constant 0 : i32
        %dma_start3A_301 = arith.constant 0 : i32
        %dma_start3A_302 = tpu.memref_slice %arg3[%dma_start3A_300, %dma_start3A_301] : memref<100000x128xf32, #tpu.memory_space<hbm>> -> memref<100000x128xf32, #tpu.memory_space<hbm>>
        tpu.enqueue_indirect_dma source(%dma_start3A_302 : memref<100000x128xf32, #tpu.memory_space<hbm>>) target(%arg19 : memref<16x128xf32, #tpu.memory_space<vmem>>) offsets(%dma_start3A_299 : memref<16xi32, #tpu.memory_space<vmem>>) semaphore(%arg34 : memref<!tpu.dma_semaphore, #tpu.memory_space<semaphore_mem>>)
        %mul3A_303 = arith.constant 16 : i32
        %mul3A_304 = arith.muli %add3A_290, %mul3A_303 : i32
        %dma_start3A_305 = tpu.memref_slice %arg13[%mul3A_304] : memref<512xi32, #tpu.memory_space<vmem>> -> memref<16xi32, #tpu.memory_space<vmem>>
        %dma_start3A_306 = arith.constant 0 : i32
        %dma_start3A_307 = arith.constant 0 : i32
        %dma_start3A_308 = tpu.memref_slice %arg2[%dma_start3A_306, %dma_start3A_307] : memref<100000x128xf32, #tpu.memory_space<hbm>> -> memref<100000x128xf32, #tpu.memory_space<hbm>>
        tpu.enqueue_indirect_dma source(%dma_start3A_308 : memref<100000x128xf32, #tpu.memory_space<hbm>>) target(%arg20 : memref<16x128xf32, #tpu.memory_space<vmem>>) offsets(%dma_start3A_305 : memref<16xi32, #tpu.memory_space<vmem>>) semaphore(%arg34 : memref<!tpu.dma_semaphore, #tpu.memory_space<semaphore_mem>>)
        %mul3A_309 = arith.constant 16 : i32
        %mul3A_310 = arith.muli %add3A_290, %mul3A_309 : i32
        %dma_start3A_311 = tpu.memref_slice %arg13[%mul3A_310] : memref<512xi32, #tpu.memory_space<vmem>> -> memref<16xi32, #tpu.memory_space<vmem>>
        %dma_start3A_312 = arith.constant 0 : i32
        %dma_start3A_313 = arith.constant 0 : i32
        %dma_start3A_314 = tpu.memref_slice %arg3[%dma_start3A_312, %dma_start3A_313] : memref<100000x128xf32, #tpu.memory_space<hbm>> -> memref<100000x128xf32, #tpu.memory_space<hbm>>
        tpu.enqueue_indirect_dma source(%dma_start3A_314 : memref<100000x128xf32, #tpu.memory_space<hbm>>) target(%arg21 : memref<16x128xf32, #tpu.memory_space<vmem>>) offsets(%dma_start3A_311 : memref<16xi32, #tpu.memory_space<vmem>>) semaphore(%arg34 : memref<!tpu.dma_semaphore, #tpu.memory_space<semaphore_mem>>)
        %mul3A_315 = arith.constant 16 : i32
        %mul3A_316 = arith.muli %add3A_290, %mul3A_315 : i32
        %dma_start3A_317 = tpu.memref_slice %arg14[%mul3A_316] : memref<512xi32, #tpu.memory_space<vmem>> -> memref<16xi32, #tpu.memory_space<vmem>>
        %dma_start3A_318 = arith.constant 0 : i32
        %dma_start3A_319 = arith.constant 0 : i32
        %dma_start3A_320 = tpu.memref_slice %arg2[%dma_start3A_318, %dma_start3A_319] : memref<100000x128xf32, #tpu.memory_space<hbm>> -> memref<100000x128xf32, #tpu.memory_space<hbm>>
        tpu.enqueue_indirect_dma source(%dma_start3A_320 : memref<100000x128xf32, #tpu.memory_space<hbm>>) target(%arg22 : memref<16x128xf32, #tpu.memory_space<vmem>>) offsets(%dma_start3A_317 : memref<16xi32, #tpu.memory_space<vmem>>) semaphore(%arg34 : memref<!tpu.dma_semaphore, #tpu.memory_space<semaphore_mem>>)
        %mul3A_321 = arith.constant 16 : i32
        %mul3A_322 = arith.muli %add3A_290, %mul3A_321 : i32
        %dma_start3A_323 = tpu.memref_slice %arg14[%mul3A_322] : memref<512xi32, #tpu.memory_space<vmem>> -> memref<16xi32, #tpu.memory_space<vmem>>
        %dma_start3A_324 = arith.constant 0 : i32
        %dma_start3A_325 = arith.constant 0 : i32
        %dma_start3A_326 = tpu.memref_slice %arg3[%dma_start3A_324, %dma_start3A_325] : memref<100000x128xf32, #tpu.memory_space<hbm>> -> memref<100000x128xf32, #tpu.memory_space<hbm>>
        tpu.enqueue_indirect_dma source(%dma_start3A_326 : memref<100000x128xf32, #tpu.memory_space<hbm>>) target(%arg23 : memref<16x128xf32, #tpu.memory_space<vmem>>) offsets(%dma_start3A_323 : memref<16xi32, #tpu.memory_space<vmem>>) semaphore(%arg34 : memref<!tpu.dma_semaphore, #tpu.memory_space<semaphore_mem>>)
        %mul3A_327 = arith.constant 16 : i32
        %mul3A_328 = arith.muli %add3A_290, %mul3A_327 : i32
        %dma_start3A_329 = tpu.memref_slice %arg15[%mul3A_328] : memref<512xi32, #tpu.memory_space<vmem>> -> memref<16xi32, #tpu.memory_space<vmem>>
        %dma_start3A_330 = arith.constant 0 : i32
        %dma_start3A_331 = arith.constant 0 : i32
        %dma_start3A_332 = tpu.memref_slice %arg4[%dma_start3A_330, %dma_start3A_331] : memref<1512x128xf32, #tpu.memory_space<hbm>> -> memref<1512x128xf32, #tpu.memory_space<hbm>>
        tpu.enqueue_indirect_dma source(%dma_start3A_332 : memref<1512x128xf32, #tpu.memory_space<hbm>>) target(%arg24 : memref<16x128xf32, #tpu.memory_space<vmem>>) offsets(%dma_start3A_329 : memref<16xi32, #tpu.memory_space<vmem>>) semaphore(%arg34 : memref<!tpu.dma_semaphore, #tpu.memory_space<semaphore_mem>>)
        %mul3A_333 = arith.constant 16 : i32
        %mul3A_334 = arith.muli %add3A_290, %mul3A_333 : i32
        %dma_start3A_335 = tpu.memref_slice %arg15[%mul3A_334] : memref<512xi32, #tpu.memory_space<vmem>> -> memref<16xi32, #tpu.memory_space<vmem>>
        %dma_start3A_336 = arith.constant 0 : i32
        %dma_start3A_337 = arith.constant 0 : i32
        %dma_start3A_338 = tpu.memref_slice %arg5[%dma_start3A_336, %dma_start3A_337] : memref<1512x128xf32, #tpu.memory_space<hbm>> -> memref<1512x128xf32, #tpu.memory_space<hbm>>
        tpu.enqueue_indirect_dma source(%dma_start3A_338 : memref<1512x128xf32, #tpu.memory_space<hbm>>) target(%arg25 : memref<16x128xf32, #tpu.memory_space<vmem>>) offsets(%dma_start3A_335 : memref<16xi32, #tpu.memory_space<vmem>>) semaphore(%arg34 : memref<!tpu.dma_semaphore, #tpu.memory_space<semaphore_mem>>)
      } else {
      }
      %dma_wait3A_194 = arith.constant 0 : i32
      %dma_wait3A_195 = arith.constant 0 : i32
      %dma_wait3A_196 = tpu.memref_slice %arg2[%dma_wait3A_194, %dma_wait3A_195] : memref<100000x128xf32, #tpu.memory_space<hbm>> -> memref<16x128xf32, #tpu.memory_space<hbm>>
      %dma_wait3A_197 = arith.constant 0 : i32
      %dma_wait3A_198 = arith.constant 0 : i32
      %dma_wait3A_199 = tpu.memref_slice %arg2[%dma_wait3A_197, %dma_wait3A_198] : memref<100000x128xf32, #tpu.memory_space<hbm>> -> memref<16x128xf32, #tpu.memory_space<hbm>>
      tpu.wait_dma2 semaphore(%arg35 : memref<!tpu.dma_semaphore, #tpu.memory_space<semaphore_mem>>) src(%dma_wait3A_199 : memref<16x128xf32, #tpu.memory_space<hbm>>) dst(%arg26 : memref<16x128xf32, #tpu.memory_space<vmem>>)
      %dma_wait3A_200 = arith.constant 0 : i32
      %dma_wait3A_201 = arith.constant 0 : i32
      %dma_wait3A_202 = tpu.memref_slice %arg3[%dma_wait3A_200, %dma_wait3A_201] : memref<100000x128xf32, #tpu.memory_space<hbm>> -> memref<16x128xf32, #tpu.memory_space<hbm>>
      %dma_wait3A_203 = arith.constant 0 : i32
      %dma_wait3A_204 = arith.constant 0 : i32
      %dma_wait3A_205 = tpu.memref_slice %arg3[%dma_wait3A_203, %dma_wait3A_204] : memref<100000x128xf32, #tpu.memory_space<hbm>> -> memref<16x128xf32, #tpu.memory_space<hbm>>
      tpu.wait_dma2 semaphore(%arg35 : memref<!tpu.dma_semaphore, #tpu.memory_space<semaphore_mem>>) src(%dma_wait3A_205 : memref<16x128xf32, #tpu.memory_space<hbm>>) dst(%arg27 : memref<16x128xf32, #tpu.memory_space<vmem>>)
      %dma_wait3A_206 = arith.constant 0 : i32
      %dma_wait3A_207 = arith.constant 0 : i32
      %dma_wait3A_208 = tpu.memref_slice %arg2[%dma_wait3A_206, %dma_wait3A_207] : memref<100000x128xf32, #tpu.memory_space<hbm>> -> memref<16x128xf32, #tpu.memory_space<hbm>>
      %dma_wait3A_209 = arith.constant 0 : i32
      %dma_wait3A_210 = arith.constant 0 : i32
      %dma_wait3A_211 = tpu.memref_slice %arg2[%dma_wait3A_209, %dma_wait3A_210] : memref<100000x128xf32, #tpu.memory_space<hbm>> -> memref<16x128xf32, #tpu.memory_space<hbm>>
      tpu.wait_dma2 semaphore(%arg35 : memref<!tpu.dma_semaphore, #tpu.memory_space<semaphore_mem>>) src(%dma_wait3A_211 : memref<16x128xf32, #tpu.memory_space<hbm>>) dst(%arg28 : memref<16x128xf32, #tpu.memory_space<vmem>>)
      %dma_wait3A_212 = arith.constant 0 : i32
      %dma_wait3A_213 = arith.constant 0 : i32
      %dma_wait3A_214 = tpu.memref_slice %arg3[%dma_wait3A_212, %dma_wait3A_213] : memref<100000x128xf32, #tpu.memory_space<hbm>> -> memref<16x128xf32, #tpu.memory_space<hbm>>
      %dma_wait3A_215 = arith.constant 0 : i32
      %dma_wait3A_216 = arith.constant 0 : i32
      %dma_wait3A_217 = tpu.memref_slice %arg3[%dma_wait3A_215, %dma_wait3A_216] : memref<100000x128xf32, #tpu.memory_space<hbm>> -> memref<16x128xf32, #tpu.memory_space<hbm>>
      tpu.wait_dma2 semaphore(%arg35 : memref<!tpu.dma_semaphore, #tpu.memory_space<semaphore_mem>>) src(%dma_wait3A_217 : memref<16x128xf32, #tpu.memory_space<hbm>>) dst(%arg29 : memref<16x128xf32, #tpu.memory_space<vmem>>)
      %dma_wait3A_218 = arith.constant 0 : i32
      %dma_wait3A_219 = arith.constant 0 : i32
      %dma_wait3A_220 = tpu.memref_slice %arg2[%dma_wait3A_218, %dma_wait3A_219] : memref<100000x128xf32, #tpu.memory_space<hbm>> -> memref<16x128xf32, #tpu.memory_space<hbm>>
      %dma_wait3A_221 = arith.constant 0 : i32
      %dma_wait3A_222 = arith.constant 0 : i32
      %dma_wait3A_223 = tpu.memref_slice %arg2[%dma_wait3A_221, %dma_wait3A_222] : memref<100000x128xf32, #tpu.memory_space<hbm>> -> memref<16x128xf32, #tpu.memory_space<hbm>>
      tpu.wait_dma2 semaphore(%arg35 : memref<!tpu.dma_semaphore, #tpu.memory_space<semaphore_mem>>) src(%dma_wait3A_223 : memref<16x128xf32, #tpu.memory_space<hbm>>) dst(%arg30 : memref<16x128xf32, #tpu.memory_space<vmem>>)
      %dma_wait3A_224 = arith.constant 0 : i32
      %dma_wait3A_225 = arith.constant 0 : i32
      %dma_wait3A_226 = tpu.memref_slice %arg3[%dma_wait3A_224, %dma_wait3A_225] : memref<100000x128xf32, #tpu.memory_space<hbm>> -> memref<16x128xf32, #tpu.memory_space<hbm>>
      %dma_wait3A_227 = arith.constant 0 : i32
      %dma_wait3A_228 = arith.constant 0 : i32
      %dma_wait3A_229 = tpu.memref_slice %arg3[%dma_wait3A_227, %dma_wait3A_228] : memref<100000x128xf32, #tpu.memory_space<hbm>> -> memref<16x128xf32, #tpu.memory_space<hbm>>
      tpu.wait_dma2 semaphore(%arg35 : memref<!tpu.dma_semaphore, #tpu.memory_space<semaphore_mem>>) src(%dma_wait3A_229 : memref<16x128xf32, #tpu.memory_space<hbm>>) dst(%arg31 : memref<16x128xf32, #tpu.memory_space<vmem>>)
      %dma_wait3A_230 = arith.constant 0 : i32
      %dma_wait3A_231 = arith.constant 0 : i32
      %dma_wait3A_232 = tpu.memref_slice %arg4[%dma_wait3A_230, %dma_wait3A_231] : memref<1512x128xf32, #tpu.memory_space<hbm>> -> memref<16x128xf32, #tpu.memory_space<hbm>>
      %dma_wait3A_233 = arith.constant 0 : i32
      %dma_wait3A_234 = arith.constant 0 : i32
      %dma_wait3A_235 = tpu.memref_slice %arg4[%dma_wait3A_233, %dma_wait3A_234] : memref<1512x128xf32, #tpu.memory_space<hbm>> -> memref<16x128xf32, #tpu.memory_space<hbm>>
      tpu.wait_dma2 semaphore(%arg35 : memref<!tpu.dma_semaphore, #tpu.memory_space<semaphore_mem>>) src(%dma_wait3A_235 : memref<16x128xf32, #tpu.memory_space<hbm>>) dst(%arg32 : memref<16x128xf32, #tpu.memory_space<vmem>>)
      %dma_wait3A_236 = arith.constant 0 : i32
      %dma_wait3A_237 = arith.constant 0 : i32
      %dma_wait3A_238 = tpu.memref_slice %arg5[%dma_wait3A_236, %dma_wait3A_237] : memref<1512x128xf32, #tpu.memory_space<hbm>> -> memref<16x128xf32, #tpu.memory_space<hbm>>
      %dma_wait3A_239 = arith.constant 0 : i32
      %dma_wait3A_240 = arith.constant 0 : i32
      %dma_wait3A_241 = tpu.memref_slice %arg5[%dma_wait3A_239, %dma_wait3A_240] : memref<1512x128xf32, #tpu.memory_space<hbm>> -> memref<16x128xf32, #tpu.memory_space<hbm>>
      tpu.wait_dma2 semaphore(%arg35 : memref<!tpu.dma_semaphore, #tpu.memory_space<semaphore_mem>>) src(%dma_wait3A_241 : memref<16x128xf32, #tpu.memory_space<hbm>>) dst(%arg33 : memref<16x128xf32, #tpu.memory_space<vmem>>)
      %add3A_242 = arith.constant 1 : i32
      %add3A_243 = arith.addi %mul3A_108, %add3A_242 : i32
      %scan3A_244 = arith.constant 0 : i32
      %scan3A_245 = arith.constant 0 : i32
      %mul3A_246 = arith.constant 16 : i32
      %mul3A_247 = arith.muli %add3A_243, %mul3A_246 : i32
      %mul3A_248 = arith.constant 16 : i32
      %mul3A_249 = arith.muli %scan3A_245, %mul3A_248 : i32
      %add3A_250 = arith.addi %mul3A_247, %mul3A_249 : i32
      %get3A_251 = arith.index_cast %add3A_250 : i32 to index
      %get3A_252 = tpu.vector_load %arg16[%get3A_251] {strides = array<i32>} : memref<512xf32, #tpu.memory_space<vmem>>, vector<16xf32>,
      %get3A_253 = vector.shape_cast %get3A_252 : vector<16xf32> to vector<16xf32>
      %iota3A_254 = tpu.iota {dimensions = array<i32: 0>} : vector<16xi32>
      %lt3A_255 = arith.constant 8 : i32
      %lt3A_256 = vector.broadcast %lt3A_255 : i32 to vector<16xi32>
      %lt3A_257 = arith.cmpi slt, %iota3A_254, %lt3A_256 : vector<16xi32>
      %xor3A_258 = arith.constant 8 : i32
      %xor3A_259 = vector.broadcast %xor3A_258 : i32 to vector<16xi32>
      %xor3A_260 = arith.xori %iota3A_254, %xor3A_259 : vector<16xi32>
      %broadcast_in_dim3A_261 = arith.constant 0 : i32
      %broadcast_in_dim3A_262 = vector.broadcast %broadcast_in_dim3A_261 : i32 to vector<16xi32>
      %broadcast_in_dim3A_263 = arith.constant 8 : i32
      %broadcast_in_dim3A_264 = vector.broadcast %broadcast_in_dim3A_263 : i32 to vector<16xi32>
      %broadcast_in_dim3A_265 = arith.constant 0.000000e+00 : f32
      %broadcast_in_dim3A_266 = vector.broadcast %broadcast_in_dim3A_265 : f32 to vector<16xf32>
      %scan3A_267 = arith.constant 0 : i32
      %scan3A_268 = arith.constant 8 : i32
      %scan3A_269 = arith.addi %scan3A_267, %scan3A_268 : i32
      %scan3A_270 = arith.constant 1 : i32
      %scan3A_271 = scf.for %scan3A_287 = %scan3A_267 to %scan3A_269 step %scan3A_270 iter_args(%scan3A_288 = %broadcast_in_dim3A_266) -> (vector<16xf32>)  : i32 {
        %mul3A_289 = arith.constant 16 : i32
        %mul3A_290 = arith.muli %scan3A_245, %mul3A_289 : i32
        %mul3A_291 = arith.constant 2 : i32
        %mul3A_292 = arith.muli %mul3A_291, %scan3A_287 : i32
        %add3A_293 = arith.addi %mul3A_290, %mul3A_292 : i32
        %mul3A_294 = arith.constant 2 : i32
        %mul3A_295 = arith.muli %mul3A_294, %scan3A_287 : i32
        %broadcast_in_dim3A_296 = arith.constant 0.000000e+00 : f32
        %broadcast_in_dim3A_297 = vector.broadcast %broadcast_in_dim3A_296 : f32 to vector<16xf32>
        %broadcast_in_dim3A_298 = vector.broadcast %mul3A_295 : i32 to vector<16xi32>
        %lt3A_299 = arith.constant 0 : i32
        %lt3A_300 = vector.broadcast %lt3A_299 : i32 to vector<16xi32>
        %lt3A_301 = arith.cmpi slt, %broadcast_in_dim3A_298, %lt3A_300 : vector<16xi32>
        %add3A_302 = arith.constant 16 : i32
        %add3A_303 = vector.broadcast %add3A_302 : i32 to vector<16xi32>
        %add3A_304 = arith.addi %broadcast_in_dim3A_298, %add3A_303 : vector<16xi32>
        %select_n3A = arith.select %lt3A_301, %add3A_304, %broadcast_in_dim3A_298 : vector<16xi1>, vector<16xi32>
        %broadcast_in_dim3A_305 = vector.shape_cast %select_n3A : vector<16xi32> to vector<16x1xi32>
        %gather3A = vector.shape_cast %broadcast_in_dim3A_305 : vector<16x1xi32> to vector<16xi32>
        %gather3A_306 = tpu.dynamic_gather %get3A_253[%gather3A] in [0] : vector<16xf32>, vector<16xi32> -> vector<16xf32>
        %get3A_307 = arith.index_cast %add3A_293 : i32 to index
        %get3A_308 = arith.constant 0 : index
        %get3A_309 = tpu.vector_load %arg26[%get3A_307, %get3A_308] {strides = array<i32>} : memref<16x128xf32, #tpu.memory_space<vmem>>, vector<1x16xf32>,
        %get3A_310 = vector.shape_cast %get3A_309 : vector<1x16xf32> to vector<16xf32>
        %get3A_311 = arith.index_cast %add3A_293 : i32 to index
        %get3A_312 = arith.constant 0 : index
        %get3A_313 = tpu.vector_load %arg27[%get3A_311, %get3A_312] {strides = array<i32>} : memref<16x128xf32, #tpu.memory_space<vmem>>, vector<1x16xf32>,
        %get3A_314 = vector.shape_cast %get3A_313 : vector<1x16xf32> to vector<16xf32>
        %get3A_315 = arith.index_cast %add3A_293 : i32 to index
        %get3A_316 = arith.constant 0 : index
        %get3A_317 = tpu.vector_load %arg28[%get3A_315, %get3A_316] {strides = array<i32>} : memref<16x128xf32, #tpu.memory_space<vmem>>, vector<1x16xf32>,
        %get3A_318 = vector.shape_cast %get3A_317 : vector<1x16xf32> to vector<16xf32>
        %get3A_319 = arith.index_cast %add3A_293 : i32 to index
        %get3A_320 = arith.constant 0 : index
        %get3A_321 = tpu.vector_load %arg29[%get3A_319, %get3A_320] {strides = array<i32>} : memref<16x128xf32, #tpu.memory_space<vmem>>, vector<1x16xf32>,
        %get3A_322 = vector.shape_cast %get3A_321 : vector<1x16xf32> to vector<16xf32>
        %get3A_323 = arith.index_cast %add3A_293 : i32 to index
        %get3A_324 = arith.constant 0 : index
        %get3A_325 = tpu.vector_load %arg30[%get3A_323, %get3A_324] {strides = array<i32>} : memref<16x128xf32, #tpu.memory_space<vmem>>, vector<1x16xf32>,
        %get3A_326 = vector.shape_cast %get3A_325 : vector<1x16xf32> to vector<16xf32>
        %get3A_327 = arith.index_cast %add3A_293 : i32 to index
        %get3A_328 = arith.constant 0 : index
        %get3A_329 = tpu.vector_load %arg31[%get3A_327, %get3A_328] {strides = array<i32>} : memref<16x128xf32, #tpu.memory_space<vmem>>, vector<1x16xf32>,
        %get3A_330 = vector.shape_cast %get3A_329 : vector<1x16xf32> to vector<16xf32>
        %get3A_331 = arith.index_cast %add3A_293 : i32 to index
        %get3A_332 = arith.constant 0 : index
        %get3A_333 = tpu.vector_load %arg32[%get3A_331, %get3A_332] {strides = array<i32>} : memref<16x128xf32, #tpu.memory_space<vmem>>, vector<1x16xf32>,
        %get3A_334 = vector.shape_cast %get3A_333 : vector<1x16xf32> to vector<16xf32>
        %get3A_335 = arith.index_cast %add3A_293 : i32 to index
        %get3A_336 = arith.constant 0 : index
        %get3A_337 = tpu.vector_load %arg33[%get3A_335, %get3A_336] {strides = array<i32>} : memref<16x128xf32, #tpu.memory_space<vmem>>, vector<1x16xf32>,
        %get3A_338 = vector.shape_cast %get3A_337 : vector<1x16xf32> to vector<16xf32>
        %mul3A_339 = arith.mulf %get3A_326, %get3A_334 : vector<16xf32>
        %add3A_340 = arith.addf %mul3A_339, %get3A_338 : vector<16xf32>
        %mul3A_341 = arith.mulf %get3A_330, %get3A_334 : vector<16xf32>
        %add3A_342 = arith.addf %mul3A_341, %get3A_338 : vector<16xf32>
        %max3A = arith.maximumf %get3A_310, %get3A_318 : vector<16xf32>
        %min3A = arith.minimumf %get3A_314, %get3A_322 : vector<16xf32>
        %max3A_343 = arith.maximumf %max3A, %add3A_340 : vector<16xf32>
        %min3A_344 = arith.minimumf %min3A, %add3A_342 : vector<16xf32>
        %sub3A = arith.subf %min3A_344, %max3A_343 : vector<16xf32>
        %sub3A_345 = arith.subf %min3A, %max3A : vector<16xf32>
        %sub3A_346 = arith.subf %add3A_342, %add3A_340 : vector<16xf32>
        %sub3A_347 = arith.subf %sub3A_346, %sub3A_345 : vector<16xf32>
        %mul3A_348 = arith.mulf %gather3A_306, %sub3A_347 : vector<16xf32>
        %add3A_349 = arith.addf %sub3A_345, %mul3A_348 : vector<16xf32>
        %mul3A_350 = arith.mulf %sub3A, %sub3A : vector<16xf32>
        %add3A_351 = arith.addf %broadcast_in_dim3A_297, %mul3A_350 : vector<16xf32>
        %mul3A_352 = arith.mulf %add3A_349, %add3A_349 : vector<16xf32>
        %add3A_353 = arith.addf %broadcast_in_dim3A_297, %mul3A_352 : vector<16xf32>
        %get3A_354 = arith.index_cast %add3A_293 : i32 to index
        %get3A_355 = arith.constant 16 : index
        %get3A_356 = tpu.vector_load %arg26[%get3A_354, %get3A_355] {strides = array<i32>} : memref<16x128xf32, #tpu.memory_space<vmem>>, vector<1x16xf32>,
        %get3A_357 = vector.shape_cast %get3A_356 : vector<1x16xf32> to vector<16xf32>
        %get3A_358 = arith.index_cast %add3A_293 : i32 to index
        %get3A_359 = arith.constant 16 : index
        %get3A_360 = tpu.vector_load %arg27[%get3A_358, %get3A_359] {strides = array<i32>} : memref<16x128xf32, #tpu.memory_space<vmem>>, vector<1x16xf32>,
        %get3A_361 = vector.shape_cast %get3A_360 : vector<1x16xf32> to vector<16xf32>
        %get3A_362 = arith.index_cast %add3A_293 : i32 to index
        %get3A_363 = arith.constant 16 : index
        %get3A_364 = tpu.vector_load %arg28[%get3A_362, %get3A_363] {strides = array<i32>} : memref<16x128xf32, #tpu.memory_space<vmem>>, vector<1x16xf32>,
        %get3A_365 = vector.shape_cast %get3A_364 : vector<1x16xf32> to vector<16xf32>
        %get3A_366 = arith.index_cast %add3A_293 : i32 to index
        %get3A_367 = arith.constant 16 : index
        %get3A_368 = tpu.vector_load %arg29[%get3A_366, %get3A_367] {strides = array<i32>} : memref<16x128xf32, #tpu.memory_space<vmem>>, vector<1x16xf32>,
        %get3A_369 = vector.shape_cast %get3A_368 : vector<1x16xf32> to vector<16xf32>
        %get3A_370 = arith.index_cast %add3A_293 : i32 to index
        %get3A_371 = arith.constant 16 : index
        %get3A_372 = tpu.vector_load %arg30[%get3A_370, %get3A_371] {strides = array<i32>} : memref<16x128xf32, #tpu.memory_space<vmem>>, vector<1x16xf32>,
        %get3A_373 = vector.shape_cast %get3A_372 : vector<1x16xf32> to vector<16xf32>
        %get3A_374 = arith.index_cast %add3A_293 : i32 to index
        %get3A_375 = arith.constant 16 : index
        %get3A_376 = tpu.vector_load %arg31[%get3A_374, %get3A_375] {strides = array<i32>} : memref<16x128xf32, #tpu.memory_space<vmem>>, vector<1x16xf32>,
        %get3A_377 = vector.shape_cast %get3A_376 : vector<1x16xf32> to vector<16xf32>
        %get3A_378 = arith.index_cast %add3A_293 : i32 to index
        %get3A_379 = arith.constant 16 : index
        %get3A_380 = tpu.vector_load %arg32[%get3A_378, %get3A_379] {strides = array<i32>} : memref<16x128xf32, #tpu.memory_space<vmem>>, vector<1x16xf32>,
        %get3A_381 = vector.shape_cast %get3A_380 : vector<1x16xf32> to vector<16xf32>
        %get3A_382 = arith.index_cast %add3A_293 : i32 to index
        %get3A_383 = arith.constant 16 : index
        %get3A_384 = tpu.vector_load %arg33[%get3A_382, %get3A_383] {strides = array<i32>} : memref<16x128xf32, #tpu.memory_space<vmem>>, vector<1x16xf32>,
        %get3A_385 = vector.shape_cast %get3A_384 : vector<1x16xf32> to vector<16xf32>
        %mul3A_386 = arith.mulf %get3A_373, %get3A_381 : vector<16xf32>
        %add3A_387 = arith.addf %mul3A_386, %get3A_385 : vector<16xf32>
        %mul3A_388 = arith.mulf %get3A_377, %get3A_381 : vector<16xf32>
        %add3A_389 = arith.addf %mul3A_388, %get3A_385 : vector<16xf32>
        %max3A_390 = arith.maximumf %get3A_357, %get3A_365 : vector<16xf32>
        %min3A_391 = arith.minimumf %get3A_361, %get3A_369 : vector<16xf32>
        %max3A_392 = arith.maximumf %max3A_390, %add3A_387 : vector<16xf32>
        %min3A_393 = arith.minimumf %min3A_391, %add3A_389 : vector<16xf32>
        %sub3A_394 = arith.subf %min3A_393, %max3A_392 : vector<16xf32>
        %sub3A_395 = arith.subf %min3A_391, %max3A_390 : vector<16xf32>
        %sub3A_396 = arith.subf %add3A_389, %add3A_387 : vector<16xf32>
        %sub3A_397 = arith.subf %sub3A_396, %sub3A_395 : vector<16xf32>
        %mul3A_398 = arith.mulf %gather3A_306, %sub3A_397 : vector<16xf32>
        %add3A_399 = arith.addf %sub3A_395, %mul3A_398 : vector<16xf32>
        %mul3A_400 = arith.mulf %sub3A_394, %sub3A_394 : vector<16xf32>
        %add3A_401 = arith.addf %add3A_351, %mul3A_400 : vector<16xf32>
        %mul3A_402 = arith.mulf %add3A_399, %add3A_399 : vector<16xf32>
        %add3A_403 = arith.addf %add3A_353, %mul3A_402 : vector<16xf32>
        %get3A_404 = arith.index_cast %add3A_293 : i32 to index
        %get3A_405 = arith.constant 32 : index
        %get3A_406 = tpu.vector_load %arg26[%get3A_404, %get3A_405] {strides = array<i32>} : memref<16x128xf32, #tpu.memory_space<vmem>>, vector<1x16xf32>,
        %get3A_407 = vector.shape_cast %get3A_406 : vector<1x16xf32> to vector<16xf32>
        %get3A_408 = arith.index_cast %add3A_293 : i32 to index
        %get3A_409 = arith.constant 32 : index
        %get3A_410 = tpu.vector_load %arg27[%get3A_408, %get3A_409] {strides = array<i32>} : memref<16x128xf32, #tpu.memory_space<vmem>>, vector<1x16xf32>,
        %get3A_411 = vector.shape_cast %get3A_410 : vector<1x16xf32> to vector<16xf32>
        %get3A_412 = arith.index_cast %add3A_293 : i32 to index
        %get3A_413 = arith.constant 32 : index
        %get3A_414 = tpu.vector_load %arg28[%get3A_412, %get3A_413] {strides = array<i32>} : memref<16x128xf32, #tpu.memory_space<vmem>>, vector<1x16xf32>,
        %get3A_415 = vector.shape_cast %get3A_414 : vector<1x16xf32> to vector<16xf32>
        %get3A_416 = arith.index_cast %add3A_293 : i32 to index
        %get3A_417 = arith.constant 32 : index
        %get3A_418 = tpu.vector_load %arg29[%get3A_416, %get3A_417] {strides = array<i32>} : memref<16x128xf32, #tpu.memory_space<vmem>>, vector<1x16xf32>,
        %get3A_419 = vector.shape_cast %get3A_418 : vector<1x16xf32> to vector<16xf32>
        %get3A_420 = arith.index_cast %add3A_293 : i32 to index
        %get3A_421 = arith.constant 32 : index
        %get3A_422 = tpu.vector_load %arg30[%get3A_420, %get3A_421] {strides = array<i32>} : memref<16x128xf32, #tpu.memory_space<vmem>>, vector<1x16xf32>,
        %get3A_423 = vector.shape_cast %get3A_422 : vector<1x16xf32> to vector<16xf32>
        %get3A_424 = arith.index_cast %add3A_293 : i32 to index
        %get3A_425 = arith.constant 32 : index
        %get3A_426 = tpu.vector_load %arg31[%get3A_424, %get3A_425] {strides = array<i32>} : memref<16x128xf32, #tpu.memory_space<vmem>>, vector<1x16xf32>,
        %get3A_427 = vector.shape_cast %get3A_426 : vector<1x16xf32> to vector<16xf32>
        %get3A_428 = arith.index_cast %add3A_293 : i32 to index
        %get3A_429 = arith.constant 32 : index
        %get3A_430 = tpu.vector_load %arg32[%get3A_428, %get3A_429] {strides = array<i32>} : memref<16x128xf32, #tpu.memory_space<vmem>>, vector<1x16xf32>,
        %get3A_431 = vector.shape_cast %get3A_430 : vector<1x16xf32> to vector<16xf32>
        %get3A_432 = arith.index_cast %add3A_293 : i32 to index
        %get3A_433 = arith.constant 32 : index
        %get3A_434 = tpu.vector_load %arg33[%get3A_432, %get3A_433] {strides = array<i32>} : memref<16x128xf32, #tpu.memory_space<vmem>>, vector<1x16xf32>,
        %get3A_435 = vector.shape_cast %get3A_434 : vector<1x16xf32> to vector<16xf32>
        %mul3A_436 = arith.mulf %get3A_423, %get3A_431 : vector<16xf32>
        %add3A_437 = arith.addf %mul3A_436, %get3A_435 : vector<16xf32>
        %mul3A_438 = arith.mulf %get3A_427, %get3A_431 : vector<16xf32>
        %add3A_439 = arith.addf %mul3A_438, %get3A_435 : vector<16xf32>
        %max3A_440 = arith.maximumf %get3A_407, %get3A_415 : vector<16xf32>
        %min3A_441 = arith.minimumf %get3A_411, %get3A_419 : vector<16xf32>
        %max3A_442 = arith.maximumf %max3A_440, %add3A_437 : vector<16xf32>
        %min3A_443 = arith.minimumf %min3A_441, %add3A_439 : vector<16xf32>
        %sub3A_444 = arith.subf %min3A_443, %max3A_442 : vector<16xf32>
        %sub3A_445 = arith.subf %min3A_441, %max3A_440 : vector<16xf32>
        %sub3A_446 = arith.subf %add3A_439, %add3A_437 : vector<16xf32>
        %sub3A_447 = arith.subf %sub3A_446, %sub3A_445 : vector<16xf32>
        %mul3A_448 = arith.mulf %gather3A_306, %sub3A_447 : vector<16xf32>
        %add3A_449 = arith.addf %sub3A_445, %mul3A_448 : vector<16xf32>
        %mul3A_450 = arith.mulf %sub3A_444, %sub3A_444 : vector<16xf32>
        %add3A_451 = arith.addf %add3A_401, %mul3A_450 : vector<16xf32>
        %mul3A_452 = arith.mulf %add3A_449, %add3A_449 : vector<16xf32>
        %add3A_453 = arith.addf %add3A_403, %mul3A_452 : vector<16xf32>
        %get3A_454 = arith.index_cast %add3A_293 : i32 to index
        %get3A_455 = arith.constant 48 : index
        %get3A_456 = tpu.vector_load %arg26[%get3A_454, %get3A_455] {strides = array<i32>} : memref<16x128xf32, #tpu.memory_space<vmem>>, vector<1x16xf32>,
        %get3A_457 = vector.shape_cast %get3A_456 : vector<1x16xf32> to vector<16xf32>
        %get3A_458 = arith.index_cast %add3A_293 : i32 to index
        %get3A_459 = arith.constant 48 : index
        %get3A_460 = tpu.vector_load %arg27[%get3A_458, %get3A_459] {strides = array<i32>} : memref<16x128xf32, #tpu.memory_space<vmem>>, vector<1x16xf32>,
        %get3A_461 = vector.shape_cast %get3A_460 : vector<1x16xf32> to vector<16xf32>
        %get3A_462 = arith.index_cast %add3A_293 : i32 to index
        %get3A_463 = arith.constant 48 : index
        %get3A_464 = tpu.vector_load %arg28[%get3A_462, %get3A_463] {strides = array<i32>} : memref<16x128xf32, #tpu.memory_space<vmem>>, vector<1x16xf32>,
        %get3A_465 = vector.shape_cast %get3A_464 : vector<1x16xf32> to vector<16xf32>
        %get3A_466 = arith.index_cast %add3A_293 : i32 to index
        %get3A_467 = arith.constant 48 : index
        %get3A_468 = tpu.vector_load %arg29[%get3A_466, %get3A_467] {strides = array<i32>} : memref<16x128xf32, #tpu.memory_space<vmem>>, vector<1x16xf32>,
        %get3A_469 = vector.shape_cast %get3A_468 : vector<1x16xf32> to vector<16xf32>
        %get3A_470 = arith.index_cast %add3A_293 : i32 to index
        %get3A_471 = arith.constant 48 : index
        %get3A_472 = tpu.vector_load %arg30[%get3A_470, %get3A_471] {strides = array<i32>} : memref<16x128xf32, #tpu.memory_space<vmem>>, vector<1x16xf32>,
        %get3A_473 = vector.shape_cast %get3A_472 : vector<1x16xf32> to vector<16xf32>
        %get3A_474 = arith.index_cast %add3A_293 : i32 to index
        %get3A_475 = arith.constant 48 : index
        %get3A_476 = tpu.vector_load %arg31[%get3A_474, %get3A_475] {strides = array<i32>} : memref<16x128xf32, #tpu.memory_space<vmem>>, vector<1x16xf32>,
        %get3A_477 = vector.shape_cast %get3A_476 : vector<1x16xf32> to vector<16xf32>
        %get3A_478 = arith.index_cast %add3A_293 : i32 to index
        %get3A_479 = arith.constant 48 : index
        %get3A_480 = tpu.vector_load %arg32[%get3A_478, %get3A_479] {strides = array<i32>} : memref<16x128xf32, #tpu.memory_space<vmem>>, vector<1x16xf32>,
        %get3A_481 = vector.shape_cast %get3A_480 : vector<1x16xf32> to vector<16xf32>
        %get3A_482 = arith.index_cast %add3A_293 : i32 to index
        %get3A_483 = arith.constant 48 : index
        %get3A_484 = tpu.vector_load %arg33[%get3A_482, %get3A_483] {strides = array<i32>} : memref<16x128xf32, #tpu.memory_space<vmem>>, vector<1x16xf32>,
        %get3A_485 = vector.shape_cast %get3A_484 : vector<1x16xf32> to vector<16xf32>
        %mul3A_486 = arith.mulf %get3A_473, %get3A_481 : vector<16xf32>
        %add3A_487 = arith.addf %mul3A_486, %get3A_485 : vector<16xf32>
        %mul3A_488 = arith.mulf %get3A_477, %get3A_481 : vector<16xf32>
        %add3A_489 = arith.addf %mul3A_488, %get3A_485 : vector<16xf32>
        %max3A_490 = arith.maximumf %get3A_457, %get3A_465 : vector<16xf32>
        %min3A_491 = arith.minimumf %get3A_461, %get3A_469 : vector<16xf32>
        %max3A_492 = arith.maximumf %max3A_490, %add3A_487 : vector<16xf32>
        %min3A_493 = arith.minimumf %min3A_491, %add3A_489 : vector<16xf32>
        %sub3A_494 = arith.subf %min3A_493, %max3A_492 : vector<16xf32>
        %sub3A_495 = arith.subf %min3A_491, %max3A_490 : vector<16xf32>
        %sub3A_496 = arith.subf %add3A_489, %add3A_487 : vector<16xf32>
        %sub3A_497 = arith.subf %sub3A_496, %sub3A_495 : vector<16xf32>
        %mul3A_498 = arith.mulf %gather3A_306, %sub3A_497 : vector<16xf32>
        %add3A_499 = arith.addf %sub3A_495, %mul3A_498 : vector<16xf32>
        %mul3A_500 = arith.mulf %sub3A_494, %sub3A_494 : vector<16xf32>
        %add3A_501 = arith.addf %add3A_451, %mul3A_500 : vector<16xf32>
        %mul3A_502 = arith.mulf %add3A_499, %add3A_499 : vector<16xf32>
        %add3A_503 = arith.addf %add3A_453, %mul3A_502 : vector<16xf32>
        %get3A_504 = arith.index_cast %add3A_293 : i32 to index
        %get3A_505 = arith.constant 64 : index
        %get3A_506 = tpu.vector_load %arg26[%get3A_504, %get3A_505] {strides = array<i32>} : memref<16x128xf32, #tpu.memory_space<vmem>>, vector<1x16xf32>,
        %get3A_507 = vector.shape_cast %get3A_506 : vector<1x16xf32> to vector<16xf32>
        %get3A_508 = arith.index_cast %add3A_293 : i32 to index
        %get3A_509 = arith.constant 64 : index
        %get3A_510 = tpu.vector_load %arg27[%get3A_508, %get3A_509] {strides = array<i32>} : memref<16x128xf32, #tpu.memory_space<vmem>>, vector<1x16xf32>,
        %get3A_511 = vector.shape_cast %get3A_510 : vector<1x16xf32> to vector<16xf32>
        %get3A_512 = arith.index_cast %add3A_293 : i32 to index
        %get3A_513 = arith.constant 64 : index
        %get3A_514 = tpu.vector_load %arg28[%get3A_512, %get3A_513] {strides = array<i32>} : memref<16x128xf32, #tpu.memory_space<vmem>>, vector<1x16xf32>,
        %get3A_515 = vector.shape_cast %get3A_514 : vector<1x16xf32> to vector<16xf32>
        %get3A_516 = arith.index_cast %add3A_293 : i32 to index
        %get3A_517 = arith.constant 64 : index
        %get3A_518 = tpu.vector_load %arg29[%get3A_516, %get3A_517] {strides = array<i32>} : memref<16x128xf32, #tpu.memory_space<vmem>>, vector<1x16xf32>,
        %get3A_519 = vector.shape_cast %get3A_518 : vector<1x16xf32> to vector<16xf32>
        %get3A_520 = arith.index_cast %add3A_293 : i32 to index
        %get3A_521 = arith.constant 64 : index
        %get3A_522 = tpu.vector_load %arg30[%get3A_520, %get3A_521] {strides = array<i32>} : memref<16x128xf32, #tpu.memory_space<vmem>>, vector<1x16xf32>,
        %get3A_523 = vector.shape_cast %get3A_522 : vector<1x16xf32> to vector<16xf32>
        %get3A_524 = arith.index_cast %add3A_293 : i32 to index
        %get3A_525 = arith.constant 64 : index
        %get3A_526 = tpu.vector_load %arg31[%get3A_524, %get3A_525] {strides = array<i32>} : memref<16x128xf32, #tpu.memory_space<vmem>>, vector<1x16xf32>,
        %get3A_527 = vector.shape_cast %get3A_526 : vector<1x16xf32> to vector<16xf32>
        %get3A_528 = arith.index_cast %add3A_293 : i32 to index
        %get3A_529 = arith.constant 64 : index
        %get3A_530 = tpu.vector_load %arg32[%get3A_528, %get3A_529] {strides = array<i32>} : memref<16x128xf32, #tpu.memory_space<vmem>>, vector<1x16xf32>,
        %get3A_531 = vector.shape_cast %get3A_530 : vector<1x16xf32> to vector<16xf32>
        %get3A_532 = arith.index_cast %add3A_293 : i32 to index
        %get3A_533 = arith.constant 64 : index
        %get3A_534 = tpu.vector_load %arg33[%get3A_532, %get3A_533] {strides = array<i32>} : memref<16x128xf32, #tpu.memory_space<vmem>>, vector<1x16xf32>,
        %get3A_535 = vector.shape_cast %get3A_534 : vector<1x16xf32> to vector<16xf32>
        %mul3A_536 = arith.mulf %get3A_523, %get3A_531 : vector<16xf32>
        %add3A_537 = arith.addf %mul3A_536, %get3A_535 : vector<16xf32>
        %mul3A_538 = arith.mulf %get3A_527, %get3A_531 : vector<16xf32>
        %add3A_539 = arith.addf %mul3A_538, %get3A_535 : vector<16xf32>
        %max3A_540 = arith.maximumf %get3A_507, %get3A_515 : vector<16xf32>
        %min3A_541 = arith.minimumf %get3A_511, %get3A_519 : vector<16xf32>
        %max3A_542 = arith.maximumf %max3A_540, %add3A_537 : vector<16xf32>
        %min3A_543 = arith.minimumf %min3A_541, %add3A_539 : vector<16xf32>
        %sub3A_544 = arith.subf %min3A_543, %max3A_542 : vector<16xf32>
        %sub3A_545 = arith.subf %min3A_541, %max3A_540 : vector<16xf32>
        %sub3A_546 = arith.subf %add3A_539, %add3A_537 : vector<16xf32>
        %sub3A_547 = arith.subf %sub3A_546, %sub3A_545 : vector<16xf32>
        %mul3A_548 = arith.mulf %gather3A_306, %sub3A_547 : vector<16xf32>
        %add3A_549 = arith.addf %sub3A_545, %mul3A_548 : vector<16xf32>
        %mul3A_550 = arith.mulf %sub3A_544, %sub3A_544 : vector<16xf32>
        %add3A_551 = arith.addf %add3A_501, %mul3A_550 : vector<16xf32>
        %mul3A_552 = arith.mulf %add3A_549, %add3A_549 : vector<16xf32>
        %add3A_553 = arith.addf %add3A_503, %mul3A_552 : vector<16xf32>
        %get3A_554 = arith.index_cast %add3A_293 : i32 to index
        %get3A_555 = arith.constant 80 : index
        %get3A_556 = tpu.vector_load %arg26[%get3A_554, %get3A_555] {strides = array<i32>} : memref<16x128xf32, #tpu.memory_space<vmem>>, vector<1x16xf32>,
        %get3A_557 = vector.shape_cast %get3A_556 : vector<1x16xf32> to vector<16xf32>
        %get3A_558 = arith.index_cast %add3A_293 : i32 to index
        %get3A_559 = arith.constant 80 : index
        %get3A_560 = tpu.vector_load %arg27[%get3A_558, %get3A_559] {strides = array<i32>} : memref<16x128xf32, #tpu.memory_space<vmem>>, vector<1x16xf32>,
        %get3A_561 = vector.shape_cast %get3A_560 : vector<1x16xf32> to vector<16xf32>
        %get3A_562 = arith.index_cast %add3A_293 : i32 to index
        %get3A_563 = arith.constant 80 : index
        %get3A_564 = tpu.vector_load %arg28[%get3A_562, %get3A_563] {strides = array<i32>} : memref<16x128xf32, #tpu.memory_space<vmem>>, vector<1x16xf32>,
        %get3A_565 = vector.shape_cast %get3A_564 : vector<1x16xf32> to vector<16xf32>
        %get3A_566 = arith.index_cast %add3A_293 : i32 to index
        %get3A_567 = arith.constant 80 : index
        %get3A_568 = tpu.vector_load %arg29[%get3A_566, %get3A_567] {strides = array<i32>} : memref<16x128xf32, #tpu.memory_space<vmem>>, vector<1x16xf32>,
        %get3A_569 = vector.shape_cast %get3A_568 : vector<1x16xf32> to vector<16xf32>
        %get3A_570 = arith.index_cast %add3A_293 : i32 to index
        %get3A_571 = arith.constant 80 : index
        %get3A_572 = tpu.vector_load %arg30[%get3A_570, %get3A_571] {strides = array<i32>} : memref<16x128xf32, #tpu.memory_space<vmem>>, vector<1x16xf32>,
        %get3A_573 = vector.shape_cast %get3A_572 : vector<1x16xf32> to vector<16xf32>
        %get3A_574 = arith.index_cast %add3A_293 : i32 to index
        %get3A_575 = arith.constant 80 : index
        %get3A_576 = tpu.vector_load %arg31[%get3A_574, %get3A_575] {strides = array<i32>} : memref<16x128xf32, #tpu.memory_space<vmem>>, vector<1x16xf32>,
        %get3A_577 = vector.shape_cast %get3A_576 : vector<1x16xf32> to vector<16xf32>
        %get3A_578 = arith.index_cast %add3A_293 : i32 to index
        %get3A_579 = arith.constant 80 : index
        %get3A_580 = tpu.vector_load %arg32[%get3A_578, %get3A_579] {strides = array<i32>} : memref<16x128xf32, #tpu.memory_space<vmem>>, vector<1x16xf32>,
        %get3A_581 = vector.shape_cast %get3A_580 : vector<1x16xf32> to vector<16xf32>
        %get3A_582 = arith.index_cast %add3A_293 : i32 to index
        %get3A_583 = arith.constant 80 : index
        %get3A_584 = tpu.vector_load %arg33[%get3A_582, %get3A_583] {strides = array<i32>} : memref<16x128xf32, #tpu.memory_space<vmem>>, vector<1x16xf32>,
        %get3A_585 = vector.shape_cast %get3A_584 : vector<1x16xf32> to vector<16xf32>
        %mul3A_586 = arith.mulf %get3A_573, %get3A_581 : vector<16xf32>
        %add3A_587 = arith.addf %mul3A_586, %get3A_585 : vector<16xf32>
        %mul3A_588 = arith.mulf %get3A_577, %get3A_581 : vector<16xf32>
        %add3A_589 = arith.addf %mul3A_588, %get3A_585 : vector<16xf32>
        %max3A_590 = arith.maximumf %get3A_557, %get3A_565 : vector<16xf32>
        %min3A_591 = arith.minimumf %get3A_561, %get3A_569 : vector<16xf32>
        %max3A_592 = arith.maximumf %max3A_590, %add3A_587 : vector<16xf32>
        %min3A_593 = arith.minimumf %min3A_591, %add3A_589 : vector<16xf32>
        %sub3A_594 = arith.subf %min3A_593, %max3A_592 : vector<16xf32>
        %sub3A_595 = arith.subf %min3A_591, %max3A_590 : vector<16xf32>
        %sub3A_596 = arith.subf %add3A_589, %add3A_587 : vector<16xf32>
        %sub3A_597 = arith.subf %sub3A_596, %sub3A_595 : vector<16xf32>
        %mul3A_598 = arith.mulf %gather3A_306, %sub3A_597 : vector<16xf32>
        %add3A_599 = arith.addf %sub3A_595, %mul3A_598 : vector<16xf32>
        %mul3A_600 = arith.mulf %sub3A_594, %sub3A_594 : vector<16xf32>
        %add3A_601 = arith.addf %add3A_551, %mul3A_600 : vector<16xf32>
        %mul3A_602 = arith.mulf %add3A_599, %add3A_599 : vector<16xf32>
        %add3A_603 = arith.addf %add3A_553, %mul3A_602 : vector<16xf32>
        %get3A_604 = arith.index_cast %add3A_293 : i32 to index
        %get3A_605 = arith.constant 96 : index
        %get3A_606 = tpu.vector_load %arg26[%get3A_604, %get3A_605] {strides = array<i32>} : memref<16x128xf32, #tpu.memory_space<vmem>>, vector<1x16xf32>,
        %get3A_607 = vector.shape_cast %get3A_606 : vector<1x16xf32> to vector<16xf32>
        %get3A_608 = arith.index_cast %add3A_293 : i32 to index
        %get3A_609 = arith.constant 96 : index
        %get3A_610 = tpu.vector_load %arg27[%get3A_608, %get3A_609] {strides = array<i32>} : memref<16x128xf32, #tpu.memory_space<vmem>>, vector<1x16xf32>,
        %get3A_611 = vector.shape_cast %get3A_610 : vector<1x16xf32> to vector<16xf32>
        %get3A_612 = arith.index_cast %add3A_293 : i32 to index
        %get3A_613 = arith.constant 96 : index
        %get3A_614 = tpu.vector_load %arg28[%get3A_612, %get3A_613] {strides = array<i32>} : memref<16x128xf32, #tpu.memory_space<vmem>>, vector<1x16xf32>,
        %get3A_615 = vector.shape_cast %get3A_614 : vector<1x16xf32> to vector<16xf32>
        %get3A_616 = arith.index_cast %add3A_293 : i32 to index
        %get3A_617 = arith.constant 96 : index
        %get3A_618 = tpu.vector_load %arg29[%get3A_616, %get3A_617] {strides = array<i32>} : memref<16x128xf32, #tpu.memory_space<vmem>>, vector<1x16xf32>,
        %get3A_619 = vector.shape_cast %get3A_618 : vector<1x16xf32> to vector<16xf32>
        %get3A_620 = arith.index_cast %add3A_293 : i32 to index
        %get3A_621 = arith.constant 96 : index
        %get3A_622 = tpu.vector_load %arg30[%get3A_620, %get3A_621] {strides = array<i32>} : memref<16x128xf32, #tpu.memory_space<vmem>>, vector<1x16xf32>,
        %get3A_623 = vector.shape_cast %get3A_622 : vector<1x16xf32> to vector<16xf32>
        %get3A_624 = arith.index_cast %add3A_293 : i32 to index
        %get3A_625 = arith.constant 96 : index
        %get3A_626 = tpu.vector_load %arg31[%get3A_624, %get3A_625] {strides = array<i32>} : memref<16x128xf32, #tpu.memory_space<vmem>>, vector<1x16xf32>,
        %get3A_627 = vector.shape_cast %get3A_626 : vector<1x16xf32> to vector<16xf32>
        %get3A_628 = arith.index_cast %add3A_293 : i32 to index
        %get3A_629 = arith.constant 96 : index
        %get3A_630 = tpu.vector_load %arg32[%get3A_628, %get3A_629] {strides = array<i32>} : memref<16x128xf32, #tpu.memory_space<vmem>>, vector<1x16xf32>,
        %get3A_631 = vector.shape_cast %get3A_630 : vector<1x16xf32> to vector<16xf32>
        %get3A_632 = arith.index_cast %add3A_293 : i32 to index
        %get3A_633 = arith.constant 96 : index
        %get3A_634 = tpu.vector_load %arg33[%get3A_632, %get3A_633] {strides = array<i32>} : memref<16x128xf32, #tpu.memory_space<vmem>>, vector<1x16xf32>,
        %get3A_635 = vector.shape_cast %get3A_634 : vector<1x16xf32> to vector<16xf32>
        %mul3A_636 = arith.mulf %get3A_623, %get3A_631 : vector<16xf32>
        %add3A_637 = arith.addf %mul3A_636, %get3A_635 : vector<16xf32>
        %mul3A_638 = arith.mulf %get3A_627, %get3A_631 : vector<16xf32>
        %add3A_639 = arith.addf %mul3A_638, %get3A_635 : vector<16xf32>
        %max3A_640 = arith.maximumf %get3A_607, %get3A_615 : vector<16xf32>
        %min3A_641 = arith.minimumf %get3A_611, %get3A_619 : vector<16xf32>
        %max3A_642 = arith.maximumf %max3A_640, %add3A_637 : vector<16xf32>
        %min3A_643 = arith.minimumf %min3A_641, %add3A_639 : vector<16xf32>
        %sub3A_644 = arith.subf %min3A_643, %max3A_642 : vector<16xf32>
        %sub3A_645 = arith.subf %min3A_641, %max3A_640 : vector<16xf32>
        %sub3A_646 = arith.subf %add3A_639, %add3A_637 : vector<16xf32>
        %sub3A_647 = arith.subf %sub3A_646, %sub3A_645 : vector<16xf32>
        %mul3A_648 = arith.mulf %gather3A_306, %sub3A_647 : vector<16xf32>
        %add3A_649 = arith.addf %sub3A_645, %mul3A_648 : vector<16xf32>
        %mul3A_650 = arith.mulf %sub3A_644, %sub3A_644 : vector<16xf32>
        %add3A_651 = arith.addf %add3A_601, %mul3A_650 : vector<16xf32>
        %mul3A_652 = arith.mulf %add3A_649, %add3A_649 : vector<16xf32>
        %add3A_653 = arith.addf %add3A_603, %mul3A_652 : vector<16xf32>
        %get3A_654 = arith.index_cast %add3A_293 : i32 to index
        %get3A_655 = arith.constant 112 : index
        %get3A_656 = tpu.vector_load %arg26[%get3A_654, %get3A_655] {strides = array<i32>} : memref<16x128xf32, #tpu.memory_space<vmem>>, vector<1x16xf32>,
        %get3A_657 = vector.shape_cast %get3A_656 : vector<1x16xf32> to vector<16xf32>
        %get3A_658 = arith.index_cast %add3A_293 : i32 to index
        %get3A_659 = arith.constant 112 : index
        %get3A_660 = tpu.vector_load %arg27[%get3A_658, %get3A_659] {strides = array<i32>} : memref<16x128xf32, #tpu.memory_space<vmem>>, vector<1x16xf32>,
        %get3A_661 = vector.shape_cast %get3A_660 : vector<1x16xf32> to vector<16xf32>
        %get3A_662 = arith.index_cast %add3A_293 : i32 to index
        %get3A_663 = arith.constant 112 : index
        %get3A_664 = tpu.vector_load %arg28[%get3A_662, %get3A_663] {strides = array<i32>} : memref<16x128xf32, #tpu.memory_space<vmem>>, vector<1x16xf32>,
        %get3A_665 = vector.shape_cast %get3A_664 : vector<1x16xf32> to vector<16xf32>
        %get3A_666 = arith.index_cast %add3A_293 : i32 to index
        %get3A_667 = arith.constant 112 : index
        %get3A_668 = tpu.vector_load %arg29[%get3A_666, %get3A_667] {strides = array<i32>} : memref<16x128xf32, #tpu.memory_space<vmem>>, vector<1x16xf32>,
        %get3A_669 = vector.shape_cast %get3A_668 : vector<1x16xf32> to vector<16xf32>
        %get3A_670 = arith.index_cast %add3A_293 : i32 to index
        %get3A_671 = arith.constant 112 : index
        %get3A_672 = tpu.vector_load %arg30[%get3A_670, %get3A_671] {strides = array<i32>} : memref<16x128xf32, #tpu.memory_space<vmem>>, vector<1x16xf32>,
        %get3A_673 = vector.shape_cast %get3A_672 : vector<1x16xf32> to vector<16xf32>
        %get3A_674 = arith.index_cast %add3A_293 : i32 to index
        %get3A_675 = arith.constant 112 : index
        %get3A_676 = tpu.vector_load %arg31[%get3A_674, %get3A_675] {strides = array<i32>} : memref<16x128xf32, #tpu.memory_space<vmem>>, vector<1x16xf32>,
        %get3A_677 = vector.shape_cast %get3A_676 : vector<1x16xf32> to vector<16xf32>
        %get3A_678 = arith.index_cast %add3A_293 : i32 to index
        %get3A_679 = arith.constant 112 : index
        %get3A_680 = tpu.vector_load %arg32[%get3A_678, %get3A_679] {strides = array<i32>} : memref<16x128xf32, #tpu.memory_space<vmem>>, vector<1x16xf32>,
        %get3A_681 = vector.shape_cast %get3A_680 : vector<1x16xf32> to vector<16xf32>
        %get3A_682 = arith.index_cast %add3A_293 : i32 to index
        %get3A_683 = arith.constant 112 : index
        %get3A_684 = tpu.vector_load %arg33[%get3A_682, %get3A_683] {strides = array<i32>} : memref<16x128xf32, #tpu.memory_space<vmem>>, vector<1x16xf32>,
        %get3A_685 = vector.shape_cast %get3A_684 : vector<1x16xf32> to vector<16xf32>
        %mul3A_686 = arith.mulf %get3A_673, %get3A_681 : vector<16xf32>
        %add3A_687 = arith.addf %mul3A_686, %get3A_685 : vector<16xf32>
        %mul3A_688 = arith.mulf %get3A_677, %get3A_681 : vector<16xf32>
        %add3A_689 = arith.addf %mul3A_688, %get3A_685 : vector<16xf32>
        %max3A_690 = arith.maximumf %get3A_657, %get3A_665 : vector<16xf32>
        %min3A_691 = arith.minimumf %get3A_661, %get3A_669 : vector<16xf32>
        %max3A_692 = arith.maximumf %max3A_690, %add3A_687 : vector<16xf32>
        %min3A_693 = arith.minimumf %min3A_691, %add3A_689 : vector<16xf32>
        %sub3A_694 = arith.subf %min3A_693, %max3A_692 : vector<16xf32>
        %sub3A_695 = arith.subf %min3A_691, %max3A_690 : vector<16xf32>
        %sub3A_696 = arith.subf %add3A_689, %add3A_687 : vector<16xf32>
        %sub3A_697 = arith.subf %sub3A_696, %sub3A_695 : vector<16xf32>
        %mul3A_698 = arith.mulf %gather3A_306, %sub3A_697 : vector<16xf32>
        %add3A_699 = arith.addf %sub3A_695, %mul3A_698 : vector<16xf32>
        %mul3A_700 = arith.mulf %sub3A_694, %sub3A_694 : vector<16xf32>
        %add3A_701 = arith.addf %add3A_651, %mul3A_700 : vector<16xf32>
        %mul3A_702 = arith.mulf %add3A_699, %add3A_699 : vector<16xf32>
        %add3A_703 = arith.addf %add3A_653, %mul3A_702 : vector<16xf32>
        %lt3A_704 = arith.constant 0 : i32
        %lt3A_705 = vector.broadcast %lt3A_704 : i32 to vector<16xi32>
        %lt3A_706 = arith.cmpi slt, %xor3A_260, %lt3A_705 : vector<16xi32>
        %add3A_707 = arith.constant 16 : i32
        %add3A_708 = vector.broadcast %add3A_707 : i32 to vector<16xi32>
        %add3A_709 = arith.addi %xor3A_260, %add3A_708 : vector<16xi32>
        %select_n3A_710 = arith.select %lt3A_706, %add3A_709, %xor3A_260 : vector<16xi1>, vector<16xi32>
        %broadcast_in_dim3A_711 = vector.shape_cast %select_n3A_710 : vector<16xi32> to vector<16x1xi32>
        %gather3A_712 = vector.shape_cast %broadcast_in_dim3A_711 : vector<16x1xi32> to vector<16xi32>
        %gather3A_713 = tpu.dynamic_gather %add3A_701[%gather3A_712] in [0] : vector<16xf32>, vector<16xi32> -> vector<16xf32>
        %add3A_714 = arith.addf %add3A_701, %gather3A_713 : vector<16xf32>
        %lt3A_715 = arith.constant 0 : i32
        %lt3A_716 = vector.broadcast %lt3A_715 : i32 to vector<16xi32>
        %lt3A_717 = arith.cmpi slt, %xor3A_260, %lt3A_716 : vector<16xi32>
        %add3A_718 = arith.constant 16 : i32
        %add3A_719 = vector.broadcast %add3A_718 : i32 to vector<16xi32>
        %add3A_720 = arith.addi %xor3A_260, %add3A_719 : vector<16xi32>
        %select_n3A_721 = arith.select %lt3A_717, %add3A_720, %xor3A_260 : vector<16xi1>, vector<16xi32>
        %broadcast_in_dim3A_722 = vector.shape_cast %select_n3A_721 : vector<16xi32> to vector<16x1xi32>
        %gather3A_723 = vector.shape_cast %broadcast_in_dim3A_722 : vector<16x1xi32> to vector<16xi32>
        %gather3A_724 = tpu.dynamic_gather %add3A_703[%gather3A_723] in [0] : vector<16xf32>, vector<16xi32> -> vector<16xf32>
        %add3A_725 = arith.addf %add3A_703, %gather3A_724 : vector<16xf32>
        %lt3A_726 = arith.constant 0 : i32
        %lt3A_727 = vector.broadcast %lt3A_726 : i32 to vector<16xi32>
        %lt3A_728 = arith.cmpi slt, %xor3A_260, %lt3A_727 : vector<16xi32>
        %add3A_729 = arith.constant 16 : i32
        %add3A_730 = vector.broadcast %add3A_729 : i32 to vector<16xi32>
        %add3A_731 = arith.addi %xor3A_260, %add3A_730 : vector<16xi32>
        %select_n3A_732 = arith.select %lt3A_728, %add3A_731, %xor3A_260 : vector<16xi1>, vector<16xi32>
        %broadcast_in_dim3A_733 = vector.shape_cast %select_n3A_732 : vector<16xi32> to vector<16x1xi32>
        %gather3A_734 = vector.shape_cast %broadcast_in_dim3A_733 : vector<16x1xi32> to vector<16xi32>
        %gather3A_735 = tpu.dynamic_gather %add3A_725[%gather3A_734] in [0] : vector<16xf32>, vector<16xi32> -> vector<16xf32>
        %select_n3A_736 = arith.select %lt3A_257, %add3A_714, %gather3A_735 : vector<16xi1>, vector<16xf32>
        %xor3A_737 = arith.constant 4 : i32
        %xor3A_738 = vector.broadcast %xor3A_737 : i32 to vector<16xi32>
        %xor3A_739 = arith.xori %iota3A_254, %xor3A_738 : vector<16xi32>
        %lt3A_740 = arith.constant 0 : i32
        %lt3A_741 = vector.broadcast %lt3A_740 : i32 to vector<16xi32>
        %lt3A_742 = arith.cmpi slt, %xor3A_739, %lt3A_741 : vector<16xi32>
        %add3A_743 = arith.constant 16 : i32
        %add3A_744 = vector.broadcast %add3A_743 : i32 to vector<16xi32>
        %add3A_745 = arith.addi %xor3A_739, %add3A_744 : vector<16xi32>
        %select_n3A_746 = arith.select %lt3A_742, %add3A_745, %xor3A_739 : vector<16xi1>, vector<16xi32>
        %broadcast_in_dim3A_747 = vector.shape_cast %select_n3A_746 : vector<16xi32> to vector<16x1xi32>
        %gather3A_748 = vector.shape_cast %broadcast_in_dim3A_747 : vector<16x1xi32> to vector<16xi32>
        %gather3A_749 = tpu.dynamic_gather %select_n3A_736[%gather3A_748] in [0] : vector<16xf32>, vector<16xi32> -> vector<16xf32>
        %add3A_750 = arith.addf %select_n3A_736, %gather3A_749 : vector<16xf32>
        %xor3A_751 = arith.constant 2 : i32
        %xor3A_752 = vector.broadcast %xor3A_751 : i32 to vector<16xi32>
        %xor3A_753 = arith.xori %iota3A_254, %xor3A_752 : vector<16xi32>
        %lt3A_754 = arith.constant 0 : i32
        %lt3A_755 = vector.broadcast %lt3A_754 : i32 to vector<16xi32>
        %lt3A_756 = arith.cmpi slt, %xor3A_753, %lt3A_755 : vector<16xi32>
        %add3A_757 = arith.constant 16 : i32
        %add3A_758 = vector.broadcast %add3A_757 : i32 to vector<16xi32>
        %add3A_759 = arith.addi %xor3A_753, %add3A_758 : vector<16xi32>
        %select_n3A_760 = arith.select %lt3A_756, %add3A_759, %xor3A_753 : vector<16xi1>, vector<16xi32>
        %broadcast_in_dim3A_761 = vector.shape_cast %select_n3A_760 : vector<16xi32> to vector<16x1xi32>
        %gather3A_762 = vector.shape_cast %broadcast_in_dim3A_761 : vector<16x1xi32> to vector<16xi32>
        %gather3A_763 = tpu.dynamic_gather %add3A_750[%gather3A_762] in [0] : vector<16xf32>, vector<16xi32> -> vector<16xf32>
        %add3A_764 = arith.addf %add3A_750, %gather3A_763 : vector<16xf32>
        %xor3A_765 = arith.constant 1 : i32
        %xor3A_766 = vector.broadcast %xor3A_765 : i32 to vector<16xi32>
        %xor3A_767 = arith.xori %iota3A_254, %xor3A_766 : vector<16xi32>
        %lt3A_768 = arith.constant 0 : i32
        %lt3A_769 = vector.broadcast %lt3A_768 : i32 to vector<16xi32>
        %lt3A_770 = arith.cmpi slt, %xor3A_767, %lt3A_769 : vector<16xi32>
        %add3A_771 = arith.constant 16 : i32
        %add3A_772 = vector.broadcast %add3A_771 : i32 to vector<16xi32>
        %add3A_773 = arith.addi %xor3A_767, %add3A_772 : vector<16xi32>
        %select_n3A_774 = arith.select %lt3A_770, %add3A_773, %xor3A_767 : vector<16xi1>, vector<16xi32>
        %broadcast_in_dim3A_775 = vector.shape_cast %select_n3A_774 : vector<16xi32> to vector<16x1xi32>
        %gather3A_776 = vector.shape_cast %broadcast_in_dim3A_775 : vector<16x1xi32> to vector<16xi32>
        %gather3A_777 = tpu.dynamic_gather %add3A_764[%gather3A_776] in [0] : vector<16xf32>, vector<16xi32> -> vector<16xf32>
        %add3A_778 = arith.addf %add3A_764, %gather3A_777 : vector<16xf32>
        %lt3A_779 = arith.constant 0 : i32
        %lt3A_780 = vector.broadcast %lt3A_779 : i32 to vector<16xi32>
        %lt3A_781 = arith.cmpi slt, %broadcast_in_dim3A_262, %lt3A_780 : vector<16xi32>
        %add3A_782 = arith.constant 16 : i32
        %add3A_783 = vector.broadcast %add3A_782 : i32 to vector<16xi32>
        %add3A_784 = arith.addi %broadcast_in_dim3A_262, %add3A_783 : vector<16xi32>
        %select_n3A_785 = arith.select %lt3A_781, %add3A_784, %broadcast_in_dim3A_262 : vector<16xi1>, vector<16xi32>
        %broadcast_in_dim3A_786 = vector.shape_cast %select_n3A_785 : vector<16xi32> to vector<16x1xi32>
        %gather3A_787 = vector.shape_cast %broadcast_in_dim3A_786 : vector<16x1xi32> to vector<16xi32>
        %gather3A_788 = tpu.dynamic_gather %add3A_778[%gather3A_787] in [0] : vector<16xf32>, vector<16xi32> -> vector<16xf32>
        %lt3A_789 = arith.constant 0 : i32
        %lt3A_790 = vector.broadcast %lt3A_789 : i32 to vector<16xi32>
        %lt3A_791 = arith.cmpi slt, %broadcast_in_dim3A_264, %lt3A_790 : vector<16xi32>
        %add3A_792 = arith.constant 16 : i32
        %add3A_793 = vector.broadcast %add3A_792 : i32 to vector<16xi32>
        %add3A_794 = arith.addi %broadcast_in_dim3A_264, %add3A_793 : vector<16xi32>
        %select_n3A_795 = arith.select %lt3A_791, %add3A_794, %broadcast_in_dim3A_264 : vector<16xi1>, vector<16xi32>
        %broadcast_in_dim3A_796 = vector.shape_cast %select_n3A_795 : vector<16xi32> to vector<16x1xi32>
        %gather3A_797 = vector.shape_cast %broadcast_in_dim3A_796 : vector<16x1xi32> to vector<16xi32>
        %gather3A_798 = tpu.dynamic_gather %add3A_778[%gather3A_797] in [0] : vector<16xf32>, vector<16xi32> -> vector<16xf32>
        %div3A = arith.divf %gather3A_788, %gather3A_798 : vector<16xf32>
        %add3A_799 = arith.constant 1 : i32
        %add3A_800 = arith.addi %add3A_293, %add3A_799 : i32
        %add3A_801 = arith.constant 1 : i32
        %add3A_802 = arith.addi %mul3A_295, %add3A_801 : i32
        %broadcast_in_dim3A_803 = arith.constant 0.000000e+00 : f32
        %broadcast_in_dim3A_804 = vector.broadcast %broadcast_in_dim3A_803 : f32 to vector<16xf32>
        %broadcast_in_dim3A_805 = vector.broadcast %add3A_802 : i32 to vector<16xi32>
        %lt3A_806 = arith.constant 0 : i32
        %lt3A_807 = vector.broadcast %lt3A_806 : i32 to vector<16xi32>
        %lt3A_808 = arith.cmpi slt, %broadcast_in_dim3A_805, %lt3A_807 : vector<16xi32>
        %add3A_809 = arith.constant 16 : i32
        %add3A_810 = vector.broadcast %add3A_809 : i32 to vector<16xi32>
        %add3A_811 = arith.addi %broadcast_in_dim3A_805, %add3A_810 : vector<16xi32>
        %select_n3A_812 = arith.select %lt3A_808, %add3A_811, %broadcast_in_dim3A_805 : vector<16xi1>, vector<16xi32>
        %broadcast_in_dim3A_813 = vector.shape_cast %select_n3A_812 : vector<16xi32> to vector<16x1xi32>
        %gather3A_814 = vector.shape_cast %broadcast_in_dim3A_813 : vector<16x1xi32> to vector<16xi32>
        %gather3A_815 = tpu.dynamic_gather %get3A_253[%gather3A_814] in [0] : vector<16xf32>, vector<16xi32> -> vector<16xf32>
        %get3A_816 = arith.index_cast %add3A_800 : i32 to index
        %get3A_817 = arith.constant 0 : index
        %get3A_818 = tpu.vector_load %arg26[%get3A_816, %get3A_817] {strides = array<i32>} : memref<16x128xf32, #tpu.memory_space<vmem>>, vector<1x16xf32>,
        %get3A_819 = vector.shape_cast %get3A_818 : vector<1x16xf32> to vector<16xf32>
        %get3A_820 = arith.index_cast %add3A_800 : i32 to index
        %get3A_821 = arith.constant 0 : index
        %get3A_822 = tpu.vector_load %arg27[%get3A_820, %get3A_821] {strides = array<i32>} : memref<16x128xf32, #tpu.memory_space<vmem>>, vector<1x16xf32>,
        %get3A_823 = vector.shape_cast %get3A_822 : vector<1x16xf32> to vector<16xf32>
        %get3A_824 = arith.index_cast %add3A_800 : i32 to index
        %get3A_825 = arith.constant 0 : index
        %get3A_826 = tpu.vector_load %arg28[%get3A_824, %get3A_825] {strides = array<i32>} : memref<16x128xf32, #tpu.memory_space<vmem>>, vector<1x16xf32>,
        %get3A_827 = vector.shape_cast %get3A_826 : vector<1x16xf32> to vector<16xf32>
        %get3A_828 = arith.index_cast %add3A_800 : i32 to index
        %get3A_829 = arith.constant 0 : index
        %get3A_830 = tpu.vector_load %arg29[%get3A_828, %get3A_829] {strides = array<i32>} : memref<16x128xf32, #tpu.memory_space<vmem>>, vector<1x16xf32>,
        %get3A_831 = vector.shape_cast %get3A_830 : vector<1x16xf32> to vector<16xf32>
        %get3A_832 = arith.index_cast %add3A_800 : i32 to index
        %get3A_833 = arith.constant 0 : index
        %get3A_834 = tpu.vector_load %arg30[%get3A_832, %get3A_833] {strides = array<i32>} : memref<16x128xf32, #tpu.memory_space<vmem>>, vector<1x16xf32>,
        %get3A_835 = vector.shape_cast %get3A_834 : vector<1x16xf32> to vector<16xf32>
        %get3A_836 = arith.index_cast %add3A_800 : i32 to index
        %get3A_837 = arith.constant 0 : index
        %get3A_838 = tpu.vector_load %arg31[%get3A_836, %get3A_837] {strides = array<i32>} : memref<16x128xf32, #tpu.memory_space<vmem>>, vector<1x16xf32>,
        %get3A_839 = vector.shape_cast %get3A_838 : vector<1x16xf32> to vector<16xf32>
        %get3A_840 = arith.index_cast %add3A_800 : i32 to index
        %get3A_841 = arith.constant 0 : index
        %get3A_842 = tpu.vector_load %arg32[%get3A_840, %get3A_841] {strides = array<i32>} : memref<16x128xf32, #tpu.memory_space<vmem>>, vector<1x16xf32>,
        %get3A_843 = vector.shape_cast %get3A_842 : vector<1x16xf32> to vector<16xf32>
        %get3A_844 = arith.index_cast %add3A_800 : i32 to index
        %get3A_845 = arith.constant 0 : index
        %get3A_846 = tpu.vector_load %arg33[%get3A_844, %get3A_845] {strides = array<i32>} : memref<16x128xf32, #tpu.memory_space<vmem>>, vector<1x16xf32>,
        %get3A_847 = vector.shape_cast %get3A_846 : vector<1x16xf32> to vector<16xf32>
        %mul3A_848 = arith.mulf %get3A_835, %get3A_843 : vector<16xf32>
        %add3A_849 = arith.addf %mul3A_848, %get3A_847 : vector<16xf32>
        %mul3A_850 = arith.mulf %get3A_839, %get3A_843 : vector<16xf32>
        %add3A_851 = arith.addf %mul3A_850, %get3A_847 : vector<16xf32>
        %max3A_852 = arith.maximumf %get3A_819, %get3A_827 : vector<16xf32>
        %min3A_853 = arith.minimumf %get3A_823, %get3A_831 : vector<16xf32>
        %max3A_854 = arith.maximumf %max3A_852, %add3A_849 : vector<16xf32>
        %min3A_855 = arith.minimumf %min3A_853, %add3A_851 : vector<16xf32>
        %sub3A_856 = arith.subf %min3A_855, %max3A_854 : vector<16xf32>
        %sub3A_857 = arith.subf %min3A_853, %max3A_852 : vector<16xf32>
        %sub3A_858 = arith.subf %add3A_851, %add3A_849 : vector<16xf32>
        %sub3A_859 = arith.subf %sub3A_858, %sub3A_857 : vector<16xf32>
        %mul3A_860 = arith.mulf %gather3A_815, %sub3A_859 : vector<16xf32>
        %add3A_861 = arith.addf %sub3A_857, %mul3A_860 : vector<16xf32>
        %mul3A_862 = arith.mulf %sub3A_856, %sub3A_856 : vector<16xf32>
        %add3A_863 = arith.addf %broadcast_in_dim3A_804, %mul3A_862 : vector<16xf32>
        %mul3A_864 = arith.mulf %add3A_861, %add3A_861 : vector<16xf32>
        %add3A_865 = arith.addf %broadcast_in_dim3A_804, %mul3A_864 : vector<16xf32>
        %get3A_866 = arith.index_cast %add3A_800 : i32 to index
        %get3A_867 = arith.constant 16 : index
        %get3A_868 = tpu.vector_load %arg26[%get3A_866, %get3A_867] {strides = array<i32>} : memref<16x128xf32, #tpu.memory_space<vmem>>, vector<1x16xf32>,
        %get3A_869 = vector.shape_cast %get3A_868 : vector<1x16xf32> to vector<16xf32>
        %get3A_870 = arith.index_cast %add3A_800 : i32 to index
        %get3A_871 = arith.constant 16 : index
        %get3A_872 = tpu.vector_load %arg27[%get3A_870, %get3A_871] {strides = array<i32>} : memref<16x128xf32, #tpu.memory_space<vmem>>, vector<1x16xf32>,
        %get3A_873 = vector.shape_cast %get3A_872 : vector<1x16xf32> to vector<16xf32>
        %get3A_874 = arith.index_cast %add3A_800 : i32 to index
        %get3A_875 = arith.constant 16 : index
        %get3A_876 = tpu.vector_load %arg28[%get3A_874, %get3A_875] {strides = array<i32>} : memref<16x128xf32, #tpu.memory_space<vmem>>, vector<1x16xf32>,
        %get3A_877 = vector.shape_cast %get3A_876 : vector<1x16xf32> to vector<16xf32>
        %get3A_878 = arith.index_cast %add3A_800 : i32 to index
        %get3A_879 = arith.constant 16 : index
        %get3A_880 = tpu.vector_load %arg29[%get3A_878, %get3A_879] {strides = array<i32>} : memref<16x128xf32, #tpu.memory_space<vmem>>, vector<1x16xf32>,
        %get3A_881 = vector.shape_cast %get3A_880 : vector<1x16xf32> to vector<16xf32>
        %get3A_882 = arith.index_cast %add3A_800 : i32 to index
        %get3A_883 = arith.constant 16 : index
        %get3A_884 = tpu.vector_load %arg30[%get3A_882, %get3A_883] {strides = array<i32>} : memref<16x128xf32, #tpu.memory_space<vmem>>, vector<1x16xf32>,
        %get3A_885 = vector.shape_cast %get3A_884 : vector<1x16xf32> to vector<16xf32>
        %get3A_886 = arith.index_cast %add3A_800 : i32 to index
        %get3A_887 = arith.constant 16 : index
        %get3A_888 = tpu.vector_load %arg31[%get3A_886, %get3A_887] {strides = array<i32>} : memref<16x128xf32, #tpu.memory_space<vmem>>, vector<1x16xf32>,
        %get3A_889 = vector.shape_cast %get3A_888 : vector<1x16xf32> to vector<16xf32>
        %get3A_890 = arith.index_cast %add3A_800 : i32 to index
        %get3A_891 = arith.constant 16 : index
        %get3A_892 = tpu.vector_load %arg32[%get3A_890, %get3A_891] {strides = array<i32>} : memref<16x128xf32, #tpu.memory_space<vmem>>, vector<1x16xf32>,
        %get3A_893 = vector.shape_cast %get3A_892 : vector<1x16xf32> to vector<16xf32>
        %get3A_894 = arith.index_cast %add3A_800 : i32 to index
        %get3A_895 = arith.constant 16 : index
        %get3A_896 = tpu.vector_load %arg33[%get3A_894, %get3A_895] {strides = array<i32>} : memref<16x128xf32, #tpu.memory_space<vmem>>, vector<1x16xf32>,
        %get3A_897 = vector.shape_cast %get3A_896 : vector<1x16xf32> to vector<16xf32>
        %mul3A_898 = arith.mulf %get3A_885, %get3A_893 : vector<16xf32>
        %add3A_899 = arith.addf %mul3A_898, %get3A_897 : vector<16xf32>
        %mul3A_900 = arith.mulf %get3A_889, %get3A_893 : vector<16xf32>
        %add3A_901 = arith.addf %mul3A_900, %get3A_897 : vector<16xf32>
        %max3A_902 = arith.maximumf %get3A_869, %get3A_877 : vector<16xf32>
        %min3A_903 = arith.minimumf %get3A_873, %get3A_881 : vector<16xf32>
        %max3A_904 = arith.maximumf %max3A_902, %add3A_899 : vector<16xf32>
        %min3A_905 = arith.minimumf %min3A_903, %add3A_901 : vector<16xf32>
        %sub3A_906 = arith.subf %min3A_905, %max3A_904 : vector<16xf32>
        %sub3A_907 = arith.subf %min3A_903, %max3A_902 : vector<16xf32>
        %sub3A_908 = arith.subf %add3A_901, %add3A_899 : vector<16xf32>
        %sub3A_909 = arith.subf %sub3A_908, %sub3A_907 : vector<16xf32>
        %mul3A_910 = arith.mulf %gather3A_815, %sub3A_909 : vector<16xf32>
        %add3A_911 = arith.addf %sub3A_907, %mul3A_910 : vector<16xf32>
        %mul3A_912 = arith.mulf %sub3A_906, %sub3A_906 : vector<16xf32>
        %add3A_913 = arith.addf %add3A_863, %mul3A_912 : vector<16xf32>
        %mul3A_914 = arith.mulf %add3A_911, %add3A_911 : vector<16xf32>
        %add3A_915 = arith.addf %add3A_865, %mul3A_914 : vector<16xf32>
        %get3A_916 = arith.index_cast %add3A_800 : i32 to index
        %get3A_917 = arith.constant 32 : index
        %get3A_918 = tpu.vector_load %arg26[%get3A_916, %get3A_917] {strides = array<i32>} : memref<16x128xf32, #tpu.memory_space<vmem>>, vector<1x16xf32>,
        %get3A_919 = vector.shape_cast %get3A_918 : vector<1x16xf32> to vector<16xf32>
        %get3A_920 = arith.index_cast %add3A_800 : i32 to index
        %get3A_921 = arith.constant 32 : index
        %get3A_922 = tpu.vector_load %arg27[%get3A_920, %get3A_921] {strides = array<i32>} : memref<16x128xf32, #tpu.memory_space<vmem>>, vector<1x16xf32>,
        %get3A_923 = vector.shape_cast %get3A_922 : vector<1x16xf32> to vector<16xf32>
        %get3A_924 = arith.index_cast %add3A_800 : i32 to index
        %get3A_925 = arith.constant 32 : index
        %get3A_926 = tpu.vector_load %arg28[%get3A_924, %get3A_925] {strides = array<i32>} : memref<16x128xf32, #tpu.memory_space<vmem>>, vector<1x16xf32>,
        %get3A_927 = vector.shape_cast %get3A_926 : vector<1x16xf32> to vector<16xf32>
        %get3A_928 = arith.index_cast %add3A_800 : i32 to index
        %get3A_929 = arith.constant 32 : index
        %get3A_930 = tpu.vector_load %arg29[%get3A_928, %get3A_929] {strides = array<i32>} : memref<16x128xf32, #tpu.memory_space<vmem>>, vector<1x16xf32>,
        %get3A_931 = vector.shape_cast %get3A_930 : vector<1x16xf32> to vector<16xf32>
        %get3A_932 = arith.index_cast %add3A_800 : i32 to index
        %get3A_933 = arith.constant 32 : index
        %get3A_934 = tpu.vector_load %arg30[%get3A_932, %get3A_933] {strides = array<i32>} : memref<16x128xf32, #tpu.memory_space<vmem>>, vector<1x16xf32>,
        %get3A_935 = vector.shape_cast %get3A_934 : vector<1x16xf32> to vector<16xf32>
        %get3A_936 = arith.index_cast %add3A_800 : i32 to index
        %get3A_937 = arith.constant 32 : index
        %get3A_938 = tpu.vector_load %arg31[%get3A_936, %get3A_937] {strides = array<i32>} : memref<16x128xf32, #tpu.memory_space<vmem>>, vector<1x16xf32>,
        %get3A_939 = vector.shape_cast %get3A_938 : vector<1x16xf32> to vector<16xf32>
        %get3A_940 = arith.index_cast %add3A_800 : i32 to index
        %get3A_941 = arith.constant 32 : index
        %get3A_942 = tpu.vector_load %arg32[%get3A_940, %get3A_941] {strides = array<i32>} : memref<16x128xf32, #tpu.memory_space<vmem>>, vector<1x16xf32>,
        %get3A_943 = vector.shape_cast %get3A_942 : vector<1x16xf32> to vector<16xf32>
        %get3A_944 = arith.index_cast %add3A_800 : i32 to index
        %get3A_945 = arith.constant 32 : index
        %get3A_946 = tpu.vector_load %arg33[%get3A_944, %get3A_945] {strides = array<i32>} : memref<16x128xf32, #tpu.memory_space<vmem>>, vector<1x16xf32>,
        %get3A_947 = vector.shape_cast %get3A_946 : vector<1x16xf32> to vector<16xf32>
        %mul3A_948 = arith.mulf %get3A_935, %get3A_943 : vector<16xf32>
        %add3A_949 = arith.addf %mul3A_948, %get3A_947 : vector<16xf32>
        %mul3A_950 = arith.mulf %get3A_939, %get3A_943 : vector<16xf32>
        %add3A_951 = arith.addf %mul3A_950, %get3A_947 : vector<16xf32>
        %max3A_952 = arith.maximumf %get3A_919, %get3A_927 : vector<16xf32>
        %min3A_953 = arith.minimumf %get3A_923, %get3A_931 : vector<16xf32>
        %max3A_954 = arith.maximumf %max3A_952, %add3A_949 : vector<16xf32>
        %min3A_955 = arith.minimumf %min3A_953, %add3A_951 : vector<16xf32>
        %sub3A_956 = arith.subf %min3A_955, %max3A_954 : vector<16xf32>
        %sub3A_957 = arith.subf %min3A_953, %max3A_952 : vector<16xf32>
        %sub3A_958 = arith.subf %add3A_951, %add3A_949 : vector<16xf32>
        %sub3A_959 = arith.subf %sub3A_958, %sub3A_957 : vector<16xf32>
        %mul3A_960 = arith.mulf %gather3A_815, %sub3A_959 : vector<16xf32>
        %add3A_961 = arith.addf %sub3A_957, %mul3A_960 : vector<16xf32>
        %mul3A_962 = arith.mulf %sub3A_956, %sub3A_956 : vector<16xf32>
        %add3A_963 = arith.addf %add3A_913, %mul3A_962 : vector<16xf32>
        %mul3A_964 = arith.mulf %add3A_961, %add3A_961 : vector<16xf32>
        %add3A_965 = arith.addf %add3A_915, %mul3A_964 : vector<16xf32>
        %get3A_966 = arith.index_cast %add3A_800 : i32 to index
        %get3A_967 = arith.constant 48 : index
        %get3A_968 = tpu.vector_load %arg26[%get3A_966, %get3A_967] {strides = array<i32>} : memref<16x128xf32, #tpu.memory_space<vmem>>, vector<1x16xf32>,
        %get3A_969 = vector.shape_cast %get3A_968 : vector<1x16xf32> to vector<16xf32>
        %get3A_970 = arith.index_cast %add3A_800 : i32 to index
        %get3A_971 = arith.constant 48 : index
        %get3A_972 = tpu.vector_load %arg27[%get3A_970, %get3A_971] {strides = array<i32>} : memref<16x128xf32, #tpu.memory_space<vmem>>, vector<1x16xf32>,
        %get3A_973 = vector.shape_cast %get3A_972 : vector<1x16xf32> to vector<16xf32>
        %get3A_974 = arith.index_cast %add3A_800 : i32 to index
        %get3A_975 = arith.constant 48 : index
        %get3A_976 = tpu.vector_load %arg28[%get3A_974, %get3A_975] {strides = array<i32>} : memref<16x128xf32, #tpu.memory_space<vmem>>, vector<1x16xf32>,
        %get3A_977 = vector.shape_cast %get3A_976 : vector<1x16xf32> to vector<16xf32>
        %get3A_978 = arith.index_cast %add3A_800 : i32 to index
        %get3A_979 = arith.constant 48 : index
        %get3A_980 = tpu.vector_load %arg29[%get3A_978, %get3A_979] {strides = array<i32>} : memref<16x128xf32, #tpu.memory_space<vmem>>, vector<1x16xf32>,
        %get3A_981 = vector.shape_cast %get3A_980 : vector<1x16xf32> to vector<16xf32>
        %get3A_982 = arith.index_cast %add3A_800 : i32 to index
        %get3A_983 = arith.constant 48 : index
        %get3A_984 = tpu.vector_load %arg30[%get3A_982, %get3A_983] {strides = array<i32>} : memref<16x128xf32, #tpu.memory_space<vmem>>, vector<1x16xf32>,
        %get3A_985 = vector.shape_cast %get3A_984 : vector<1x16xf32> to vector<16xf32>
        %get3A_986 = arith.index_cast %add3A_800 : i32 to index
        %get3A_987 = arith.constant 48 : index
        %get3A_988 = tpu.vector_load %arg31[%get3A_986, %get3A_987] {strides = array<i32>} : memref<16x128xf32, #tpu.memory_space<vmem>>, vector<1x16xf32>,
        %get3A_989 = vector.shape_cast %get3A_988 : vector<1x16xf32> to vector<16xf32>
        %get3A_990 = arith.index_cast %add3A_800 : i32 to index
        %get3A_991 = arith.constant 48 : index
        %get3A_992 = tpu.vector_load %arg32[%get3A_990, %get3A_991] {strides = array<i32>} : memref<16x128xf32, #tpu.memory_space<vmem>>, vector<1x16xf32>,
        %get3A_993 = vector.shape_cast %get3A_992 : vector<1x16xf32> to vector<16xf32>
        %get3A_994 = arith.index_cast %add3A_800 : i32 to index
        %get3A_995 = arith.constant 48 : index
        %get3A_996 = tpu.vector_load %arg33[%get3A_994, %get3A_995] {strides = array<i32>} : memref<16x128xf32, #tpu.memory_space<vmem>>, vector<1x16xf32>,
        %get3A_997 = vector.shape_cast %get3A_996 : vector<1x16xf32> to vector<16xf32>
        %mul3A_998 = arith.mulf %get3A_985, %get3A_993 : vector<16xf32>
        %add3A_999 = arith.addf %mul3A_998, %get3A_997 : vector<16xf32>
        %mul3A_1000 = arith.mulf %get3A_989, %get3A_993 : vector<16xf32>
        %add3A_1001 = arith.addf %mul3A_1000, %get3A_997 : vector<16xf32>
        %max3A_1002 = arith.maximumf %get3A_969, %get3A_977 : vector<16xf32>
        %min3A_1003 = arith.minimumf %get3A_973, %get3A_981 : vector<16xf32>
        %max3A_1004 = arith.maximumf %max3A_1002, %add3A_999 : vector<16xf32>
        %min3A_1005 = arith.minimumf %min3A_1003, %add3A_1001 : vector<16xf32>
        %sub3A_1006 = arith.subf %min3A_1005, %max3A_1004 : vector<16xf32>
        %sub3A_1007 = arith.subf %min3A_1003, %max3A_1002 : vector<16xf32>
        %sub3A_1008 = arith.subf %add3A_1001, %add3A_999 : vector<16xf32>
        %sub3A_1009 = arith.subf %sub3A_1008, %sub3A_1007 : vector<16xf32>
        %mul3A_1010 = arith.mulf %gather3A_815, %sub3A_1009 : vector<16xf32>
        %add3A_1011 = arith.addf %sub3A_1007, %mul3A_1010 : vector<16xf32>
        %mul3A_1012 = arith.mulf %sub3A_1006, %sub3A_1006 : vector<16xf32>
        %add3A_1013 = arith.addf %add3A_963, %mul3A_1012 : vector<16xf32>
        %mul3A_1014 = arith.mulf %add3A_1011, %add3A_1011 : vector<16xf32>
        %add3A_1015 = arith.addf %add3A_965, %mul3A_1014 : vector<16xf32>
        %get3A_1016 = arith.index_cast %add3A_800 : i32 to index
        %get3A_1017 = arith.constant 64 : index
        %get3A_1018 = tpu.vector_load %arg26[%get3A_1016, %get3A_1017] {strides = array<i32>} : memref<16x128xf32, #tpu.memory_space<vmem>>, vector<1x16xf32>,
        %get3A_1019 = vector.shape_cast %get3A_1018 : vector<1x16xf32> to vector<16xf32>
        %get3A_1020 = arith.index_cast %add3A_800 : i32 to index
        %get3A_1021 = arith.constant 64 : index
        %get3A_1022 = tpu.vector_load %arg27[%get3A_1020, %get3A_1021] {strides = array<i32>} : memref<16x128xf32, #tpu.memory_space<vmem>>, vector<1x16xf32>,
        %get3A_1023 = vector.shape_cast %get3A_1022 : vector<1x16xf32> to vector<16xf32>
        %get3A_1024 = arith.index_cast %add3A_800 : i32 to index
        %get3A_1025 = arith.constant 64 : index
        %get3A_1026 = tpu.vector_load %arg28[%get3A_1024, %get3A_1025] {strides = array<i32>} : memref<16x128xf32, #tpu.memory_space<vmem>>, vector<1x16xf32>,
        %get3A_1027 = vector.shape_cast %get3A_1026 : vector<1x16xf32> to vector<16xf32>
        %get3A_1028 = arith.index_cast %add3A_800 : i32 to index
        %get3A_1029 = arith.constant 64 : index
        %get3A_1030 = tpu.vector_load %arg29[%get3A_1028, %get3A_1029] {strides = array<i32>} : memref<16x128xf32, #tpu.memory_space<vmem>>, vector<1x16xf32>,
        %get3A_1031 = vector.shape_cast %get3A_1030 : vector<1x16xf32> to vector<16xf32>
        %get3A_1032 = arith.index_cast %add3A_800 : i32 to index
        %get3A_1033 = arith.constant 64 : index
        %get3A_1034 = tpu.vector_load %arg30[%get3A_1032, %get3A_1033] {strides = array<i32>} : memref<16x128xf32, #tpu.memory_space<vmem>>, vector<1x16xf32>,
        %get3A_1035 = vector.shape_cast %get3A_1034 : vector<1x16xf32> to vector<16xf32>
        %get3A_1036 = arith.index_cast %add3A_800 : i32 to index
        %get3A_1037 = arith.constant 64 : index
        %get3A_1038 = tpu.vector_load %arg31[%get3A_1036, %get3A_1037] {strides = array<i32>} : memref<16x128xf32, #tpu.memory_space<vmem>>, vector<1x16xf32>,
        %get3A_1039 = vector.shape_cast %get3A_1038 : vector<1x16xf32> to vector<16xf32>
        %get3A_1040 = arith.index_cast %add3A_800 : i32 to index
        %get3A_1041 = arith.constant 64 : index
        %get3A_1042 = tpu.vector_load %arg32[%get3A_1040, %get3A_1041] {strides = array<i32>} : memref<16x128xf32, #tpu.memory_space<vmem>>, vector<1x16xf32>,
        %get3A_1043 = vector.shape_cast %get3A_1042 : vector<1x16xf32> to vector<16xf32>
        %get3A_1044 = arith.index_cast %add3A_800 : i32 to index
        %get3A_1045 = arith.constant 64 : index
        %get3A_1046 = tpu.vector_load %arg33[%get3A_1044, %get3A_1045] {strides = array<i32>} : memref<16x128xf32, #tpu.memory_space<vmem>>, vector<1x16xf32>,
        %get3A_1047 = vector.shape_cast %get3A_1046 : vector<1x16xf32> to vector<16xf32>
        %mul3A_1048 = arith.mulf %get3A_1035, %get3A_1043 : vector<16xf32>
        %add3A_1049 = arith.addf %mul3A_1048, %get3A_1047 : vector<16xf32>
        %mul3A_1050 = arith.mulf %get3A_1039, %get3A_1043 : vector<16xf32>
        %add3A_1051 = arith.addf %mul3A_1050, %get3A_1047 : vector<16xf32>
        %max3A_1052 = arith.maximumf %get3A_1019, %get3A_1027 : vector<16xf32>
        %min3A_1053 = arith.minimumf %get3A_1023, %get3A_1031 : vector<16xf32>
        %max3A_1054 = arith.maximumf %max3A_1052, %add3A_1049 : vector<16xf32>
        %min3A_1055 = arith.minimumf %min3A_1053, %add3A_1051 : vector<16xf32>
        %sub3A_1056 = arith.subf %min3A_1055, %max3A_1054 : vector<16xf32>
        %sub3A_1057 = arith.subf %min3A_1053, %max3A_1052 : vector<16xf32>
        %sub3A_1058 = arith.subf %add3A_1051, %add3A_1049 : vector<16xf32>
        %sub3A_1059 = arith.subf %sub3A_1058, %sub3A_1057 : vector<16xf32>
        %mul3A_1060 = arith.mulf %gather3A_815, %sub3A_1059 : vector<16xf32>
        %add3A_1061 = arith.addf %sub3A_1057, %mul3A_1060 : vector<16xf32>
        %mul3A_1062 = arith.mulf %sub3A_1056, %sub3A_1056 : vector<16xf32>
        %add3A_1063 = arith.addf %add3A_1013, %mul3A_1062 : vector<16xf32>
        %mul3A_1064 = arith.mulf %add3A_1061, %add3A_1061 : vector<16xf32>
        %add3A_1065 = arith.addf %add3A_1015, %mul3A_1064 : vector<16xf32>
        %get3A_1066 = arith.index_cast %add3A_800 : i32 to index
        %get3A_1067 = arith.constant 80 : index
        %get3A_1068 = tpu.vector_load %arg26[%get3A_1066, %get3A_1067] {strides = array<i32>} : memref<16x128xf32, #tpu.memory_space<vmem>>, vector<1x16xf32>,
        %get3A_1069 = vector.shape_cast %get3A_1068 : vector<1x16xf32> to vector<16xf32>
        %get3A_1070 = arith.index_cast %add3A_800 : i32 to index
        %get3A_1071 = arith.constant 80 : index
        %get3A_1072 = tpu.vector_load %arg27[%get3A_1070, %get3A_1071] {strides = array<i32>} : memref<16x128xf32, #tpu.memory_space<vmem>>, vector<1x16xf32>,
        %get3A_1073 = vector.shape_cast %get3A_1072 : vector<1x16xf32> to vector<16xf32>
        %get3A_1074 = arith.index_cast %add3A_800 : i32 to index
        %get3A_1075 = arith.constant 80 : index
        %get3A_1076 = tpu.vector_load %arg28[%get3A_1074, %get3A_1075] {strides = array<i32>} : memref<16x128xf32, #tpu.memory_space<vmem>>, vector<1x16xf32>,
        %get3A_1077 = vector.shape_cast %get3A_1076 : vector<1x16xf32> to vector<16xf32>
        %get3A_1078 = arith.index_cast %add3A_800 : i32 to index
        %get3A_1079 = arith.constant 80 : index
        %get3A_1080 = tpu.vector_load %arg29[%get3A_1078, %get3A_1079] {strides = array<i32>} : memref<16x128xf32, #tpu.memory_space<vmem>>, vector<1x16xf32>,
        %get3A_1081 = vector.shape_cast %get3A_1080 : vector<1x16xf32> to vector<16xf32>
        %get3A_1082 = arith.index_cast %add3A_800 : i32 to index
        %get3A_1083 = arith.constant 80 : index
        %get3A_1084 = tpu.vector_load %arg30[%get3A_1082, %get3A_1083] {strides = array<i32>} : memref<16x128xf32, #tpu.memory_space<vmem>>, vector<1x16xf32>,
        %get3A_1085 = vector.shape_cast %get3A_1084 : vector<1x16xf32> to vector<16xf32>
        %get3A_1086 = arith.index_cast %add3A_800 : i32 to index
        %get3A_1087 = arith.constant 80 : index
        %get3A_1088 = tpu.vector_load %arg31[%get3A_1086, %get3A_1087] {strides = array<i32>} : memref<16x128xf32, #tpu.memory_space<vmem>>, vector<1x16xf32>,
        %get3A_1089 = vector.shape_cast %get3A_1088 : vector<1x16xf32> to vector<16xf32>
        %get3A_1090 = arith.index_cast %add3A_800 : i32 to index
        %get3A_1091 = arith.constant 80 : index
        %get3A_1092 = tpu.vector_load %arg32[%get3A_1090, %get3A_1091] {strides = array<i32>} : memref<16x128xf32, #tpu.memory_space<vmem>>, vector<1x16xf32>,
        %get3A_1093 = vector.shape_cast %get3A_1092 : vector<1x16xf32> to vector<16xf32>
        %get3A_1094 = arith.index_cast %add3A_800 : i32 to index
        %get3A_1095 = arith.constant 80 : index
        %get3A_1096 = tpu.vector_load %arg33[%get3A_1094, %get3A_1095] {strides = array<i32>} : memref<16x128xf32, #tpu.memory_space<vmem>>, vector<1x16xf32>,
        %get3A_1097 = vector.shape_cast %get3A_1096 : vector<1x16xf32> to vector<16xf32>
        %mul3A_1098 = arith.mulf %get3A_1085, %get3A_1093 : vector<16xf32>
        %add3A_1099 = arith.addf %mul3A_1098, %get3A_1097 : vector<16xf32>
        %mul3A_1100 = arith.mulf %get3A_1089, %get3A_1093 : vector<16xf32>
        %add3A_1101 = arith.addf %mul3A_1100, %get3A_1097 : vector<16xf32>
        %max3A_1102 = arith.maximumf %get3A_1069, %get3A_1077 : vector<16xf32>
        %min3A_1103 = arith.minimumf %get3A_1073, %get3A_1081 : vector<16xf32>
        %max3A_1104 = arith.maximumf %max3A_1102, %add3A_1099 : vector<16xf32>
        %min3A_1105 = arith.minimumf %min3A_1103, %add3A_1101 : vector<16xf32>
        %sub3A_1106 = arith.subf %min3A_1105, %max3A_1104 : vector<16xf32>
        %sub3A_1107 = arith.subf %min3A_1103, %max3A_1102 : vector<16xf32>
        %sub3A_1108 = arith.subf %add3A_1101, %add3A_1099 : vector<16xf32>
        %sub3A_1109 = arith.subf %sub3A_1108, %sub3A_1107 : vector<16xf32>
        %mul3A_1110 = arith.mulf %gather3A_815, %sub3A_1109 : vector<16xf32>
        %add3A_1111 = arith.addf %sub3A_1107, %mul3A_1110 : vector<16xf32>
        %mul3A_1112 = arith.mulf %sub3A_1106, %sub3A_1106 : vector<16xf32>
        %add3A_1113 = arith.addf %add3A_1063, %mul3A_1112 : vector<16xf32>
        %mul3A_1114 = arith.mulf %add3A_1111, %add3A_1111 : vector<16xf32>
        %add3A_1115 = arith.addf %add3A_1065, %mul3A_1114 : vector<16xf32>
        %get3A_1116 = arith.index_cast %add3A_800 : i32 to index
        %get3A_1117 = arith.constant 96 : index
        %get3A_1118 = tpu.vector_load %arg26[%get3A_1116, %get3A_1117] {strides = array<i32>} : memref<16x128xf32, #tpu.memory_space<vmem>>, vector<1x16xf32>,
        %get3A_1119 = vector.shape_cast %get3A_1118 : vector<1x16xf32> to vector<16xf32>
        %get3A_1120 = arith.index_cast %add3A_800 : i32 to index
        %get3A_1121 = arith.constant 96 : index
        %get3A_1122 = tpu.vector_load %arg27[%get3A_1120, %get3A_1121] {strides = array<i32>} : memref<16x128xf32, #tpu.memory_space<vmem>>, vector<1x16xf32>,
        %get3A_1123 = vector.shape_cast %get3A_1122 : vector<1x16xf32> to vector<16xf32>
        %get3A_1124 = arith.index_cast %add3A_800 : i32 to index
        %get3A_1125 = arith.constant 96 : index
        %get3A_1126 = tpu.vector_load %arg28[%get3A_1124, %get3A_1125] {strides = array<i32>} : memref<16x128xf32, #tpu.memory_space<vmem>>, vector<1x16xf32>,
        %get3A_1127 = vector.shape_cast %get3A_1126 : vector<1x16xf32> to vector<16xf32>
        %get3A_1128 = arith.index_cast %add3A_800 : i32 to index
        %get3A_1129 = arith.constant 96 : index
        %get3A_1130 = tpu.vector_load %arg29[%get3A_1128, %get3A_1129] {strides = array<i32>} : memref<16x128xf32, #tpu.memory_space<vmem>>, vector<1x16xf32>,
        %get3A_1131 = vector.shape_cast %get3A_1130 : vector<1x16xf32> to vector<16xf32>
        %get3A_1132 = arith.index_cast %add3A_800 : i32 to index
        %get3A_1133 = arith.constant 96 : index
        %get3A_1134 = tpu.vector_load %arg30[%get3A_1132, %get3A_1133] {strides = array<i32>} : memref<16x128xf32, #tpu.memory_space<vmem>>, vector<1x16xf32>,
        %get3A_1135 = vector.shape_cast %get3A_1134 : vector<1x16xf32> to vector<16xf32>
        %get3A_1136 = arith.index_cast %add3A_800 : i32 to index
        %get3A_1137 = arith.constant 96 : index
        %get3A_1138 = tpu.vector_load %arg31[%get3A_1136, %get3A_1137] {strides = array<i32>} : memref<16x128xf32, #tpu.memory_space<vmem>>, vector<1x16xf32>,
        %get3A_1139 = vector.shape_cast %get3A_1138 : vector<1x16xf32> to vector<16xf32>
        %get3A_1140 = arith.index_cast %add3A_800 : i32 to index
        %get3A_1141 = arith.constant 96 : index
        %get3A_1142 = tpu.vector_load %arg32[%get3A_1140, %get3A_1141] {strides = array<i32>} : memref<16x128xf32, #tpu.memory_space<vmem>>, vector<1x16xf32>,
        %get3A_1143 = vector.shape_cast %get3A_1142 : vector<1x16xf32> to vector<16xf32>
        %get3A_1144 = arith.index_cast %add3A_800 : i32 to index
        %get3A_1145 = arith.constant 96 : index
        %get3A_1146 = tpu.vector_load %arg33[%get3A_1144, %get3A_1145] {strides = array<i32>} : memref<16x128xf32, #tpu.memory_space<vmem>>, vector<1x16xf32>,
        %get3A_1147 = vector.shape_cast %get3A_1146 : vector<1x16xf32> to vector<16xf32>
        %mul3A_1148 = arith.mulf %get3A_1135, %get3A_1143 : vector<16xf32>
        %add3A_1149 = arith.addf %mul3A_1148, %get3A_1147 : vector<16xf32>
        %mul3A_1150 = arith.mulf %get3A_1139, %get3A_1143 : vector<16xf32>
        %add3A_1151 = arith.addf %mul3A_1150, %get3A_1147 : vector<16xf32>
        %max3A_1152 = arith.maximumf %get3A_1119, %get3A_1127 : vector<16xf32>
        %min3A_1153 = arith.minimumf %get3A_1123, %get3A_1131 : vector<16xf32>
        %max3A_1154 = arith.maximumf %max3A_1152, %add3A_1149 : vector<16xf32>
        %min3A_1155 = arith.minimumf %min3A_1153, %add3A_1151 : vector<16xf32>
        %sub3A_1156 = arith.subf %min3A_1155, %max3A_1154 : vector<16xf32>
        %sub3A_1157 = arith.subf %min3A_1153, %max3A_1152 : vector<16xf32>
        %sub3A_1158 = arith.subf %add3A_1151, %add3A_1149 : vector<16xf32>
        %sub3A_1159 = arith.subf %sub3A_1158, %sub3A_1157 : vector<16xf32>
        %mul3A_1160 = arith.mulf %gather3A_815, %sub3A_1159 : vector<16xf32>
        %add3A_1161 = arith.addf %sub3A_1157, %mul3A_1160 : vector<16xf32>
        %mul3A_1162 = arith.mulf %sub3A_1156, %sub3A_1156 : vector<16xf32>
        %add3A_1163 = arith.addf %add3A_1113, %mul3A_1162 : vector<16xf32>
        %mul3A_1164 = arith.mulf %add3A_1161, %add3A_1161 : vector<16xf32>
        %add3A_1165 = arith.addf %add3A_1115, %mul3A_1164 : vector<16xf32>
        %get3A_1166 = arith.index_cast %add3A_800 : i32 to index
        %get3A_1167 = arith.constant 112 : index
        %get3A_1168 = tpu.vector_load %arg26[%get3A_1166, %get3A_1167] {strides = array<i32>} : memref<16x128xf32, #tpu.memory_space<vmem>>, vector<1x16xf32>,
        %get3A_1169 = vector.shape_cast %get3A_1168 : vector<1x16xf32> to vector<16xf32>
        %get3A_1170 = arith.index_cast %add3A_800 : i32 to index
        %get3A_1171 = arith.constant 112 : index
        %get3A_1172 = tpu.vector_load %arg27[%get3A_1170, %get3A_1171] {strides = array<i32>} : memref<16x128xf32, #tpu.memory_space<vmem>>, vector<1x16xf32>,
        %get3A_1173 = vector.shape_cast %get3A_1172 : vector<1x16xf32> to vector<16xf32>
        %get3A_1174 = arith.index_cast %add3A_800 : i32 to index
        %get3A_1175 = arith.constant 112 : index
        %get3A_1176 = tpu.vector_load %arg28[%get3A_1174, %get3A_1175] {strides = array<i32>} : memref<16x128xf32, #tpu.memory_space<vmem>>, vector<1x16xf32>,
        %get3A_1177 = vector.shape_cast %get3A_1176 : vector<1x16xf32> to vector<16xf32>
        %get3A_1178 = arith.index_cast %add3A_800 : i32 to index
        %get3A_1179 = arith.constant 112 : index
        %get3A_1180 = tpu.vector_load %arg29[%get3A_1178, %get3A_1179] {strides = array<i32>} : memref<16x128xf32, #tpu.memory_space<vmem>>, vector<1x16xf32>,
        %get3A_1181 = vector.shape_cast %get3A_1180 : vector<1x16xf32> to vector<16xf32>
        %get3A_1182 = arith.index_cast %add3A_800 : i32 to index
        %get3A_1183 = arith.constant 112 : index
        %get3A_1184 = tpu.vector_load %arg30[%get3A_1182, %get3A_1183] {strides = array<i32>} : memref<16x128xf32, #tpu.memory_space<vmem>>, vector<1x16xf32>,
        %get3A_1185 = vector.shape_cast %get3A_1184 : vector<1x16xf32> to vector<16xf32>
        %get3A_1186 = arith.index_cast %add3A_800 : i32 to index
        %get3A_1187 = arith.constant 112 : index
        %get3A_1188 = tpu.vector_load %arg31[%get3A_1186, %get3A_1187] {strides = array<i32>} : memref<16x128xf32, #tpu.memory_space<vmem>>, vector<1x16xf32>,
        %get3A_1189 = vector.shape_cast %get3A_1188 : vector<1x16xf32> to vector<16xf32>
        %get3A_1190 = arith.index_cast %add3A_800 : i32 to index
        %get3A_1191 = arith.constant 112 : index
        %get3A_1192 = tpu.vector_load %arg32[%get3A_1190, %get3A_1191] {strides = array<i32>} : memref<16x128xf32, #tpu.memory_space<vmem>>, vector<1x16xf32>,
        %get3A_1193 = vector.shape_cast %get3A_1192 : vector<1x16xf32> to vector<16xf32>
        %get3A_1194 = arith.index_cast %add3A_800 : i32 to index
        %get3A_1195 = arith.constant 112 : index
        %get3A_1196 = tpu.vector_load %arg33[%get3A_1194, %get3A_1195] {strides = array<i32>} : memref<16x128xf32, #tpu.memory_space<vmem>>, vector<1x16xf32>,
        %get3A_1197 = vector.shape_cast %get3A_1196 : vector<1x16xf32> to vector<16xf32>
        %mul3A_1198 = arith.mulf %get3A_1185, %get3A_1193 : vector<16xf32>
        %add3A_1199 = arith.addf %mul3A_1198, %get3A_1197 : vector<16xf32>
        %mul3A_1200 = arith.mulf %get3A_1189, %get3A_1193 : vector<16xf32>
        %add3A_1201 = arith.addf %mul3A_1200, %get3A_1197 : vector<16xf32>
        %max3A_1202 = arith.maximumf %get3A_1169, %get3A_1177 : vector<16xf32>
        %min3A_1203 = arith.minimumf %get3A_1173, %get3A_1181 : vector<16xf32>
        %max3A_1204 = arith.maximumf %max3A_1202, %add3A_1199 : vector<16xf32>
        %min3A_1205 = arith.minimumf %min3A_1203, %add3A_1201 : vector<16xf32>
        %sub3A_1206 = arith.subf %min3A_1205, %max3A_1204 : vector<16xf32>
        %sub3A_1207 = arith.subf %min3A_1203, %max3A_1202 : vector<16xf32>
        %sub3A_1208 = arith.subf %add3A_1201, %add3A_1199 : vector<16xf32>
        %sub3A_1209 = arith.subf %sub3A_1208, %sub3A_1207 : vector<16xf32>
        %mul3A_1210 = arith.mulf %gather3A_815, %sub3A_1209 : vector<16xf32>
        %add3A_1211 = arith.addf %sub3A_1207, %mul3A_1210 : vector<16xf32>
        %mul3A_1212 = arith.mulf %sub3A_1206, %sub3A_1206 : vector<16xf32>
        %add3A_1213 = arith.addf %add3A_1163, %mul3A_1212 : vector<16xf32>
        %mul3A_1214 = arith.mulf %add3A_1211, %add3A_1211 : vector<16xf32>
        %add3A_1215 = arith.addf %add3A_1165, %mul3A_1214 : vector<16xf32>
        %lt3A_1216 = arith.constant 0 : i32
        %lt3A_1217 = vector.broadcast %lt3A_1216 : i32 to vector<16xi32>
        %lt3A_1218 = arith.cmpi slt, %xor3A_260, %lt3A_1217 : vector<16xi32>
        %add3A_1219 = arith.constant 16 : i32
        %add3A_1220 = vector.broadcast %add3A_1219 : i32 to vector<16xi32>
        %add3A_1221 = arith.addi %xor3A_260, %add3A_1220 : vector<16xi32>
        %select_n3A_1222 = arith.select %lt3A_1218, %add3A_1221, %xor3A_260 : vector<16xi1>, vector<16xi32>
        %broadcast_in_dim3A_1223 = vector.shape_cast %select_n3A_1222 : vector<16xi32> to vector<16x1xi32>
        %gather3A_1224 = vector.shape_cast %broadcast_in_dim3A_1223 : vector<16x1xi32> to vector<16xi32>
        %gather3A_1225 = tpu.dynamic_gather %add3A_1213[%gather3A_1224] in [0] : vector<16xf32>, vector<16xi32> -> vector<16xf32>
        %add3A_1226 = arith.addf %add3A_1213, %gather3A_1225 : vector<16xf32>
        %lt3A_1227 = arith.constant 0 : i32
        %lt3A_1228 = vector.broadcast %lt3A_1227 : i32 to vector<16xi32>
        %lt3A_1229 = arith.cmpi slt, %xor3A_260, %lt3A_1228 : vector<16xi32>
        %add3A_1230 = arith.constant 16 : i32
        %add3A_1231 = vector.broadcast %add3A_1230 : i32 to vector<16xi32>
        %add3A_1232 = arith.addi %xor3A_260, %add3A_1231 : vector<16xi32>
        %select_n3A_1233 = arith.select %lt3A_1229, %add3A_1232, %xor3A_260 : vector<16xi1>, vector<16xi32>
        %broadcast_in_dim3A_1234 = vector.shape_cast %select_n3A_1233 : vector<16xi32> to vector<16x1xi32>
        %gather3A_1235 = vector.shape_cast %broadcast_in_dim3A_1234 : vector<16x1xi32> to vector<16xi32>
        %gather3A_1236 = tpu.dynamic_gather %add3A_1215[%gather3A_1235] in [0] : vector<16xf32>, vector<16xi32> -> vector<16xf32>
        %add3A_1237 = arith.addf %add3A_1215, %gather3A_1236 : vector<16xf32>
        %lt3A_1238 = arith.constant 0 : i32
        %lt3A_1239 = vector.broadcast %lt3A_1238 : i32 to vector<16xi32>
        %lt3A_1240 = arith.cmpi slt, %xor3A_260, %lt3A_1239 : vector<16xi32>
        %add3A_1241 = arith.constant 16 : i32
        %add3A_1242 = vector.broadcast %add3A_1241 : i32 to vector<16xi32>
        %add3A_1243 = arith.addi %xor3A_260, %add3A_1242 : vector<16xi32>
        %select_n3A_1244 = arith.select %lt3A_1240, %add3A_1243, %xor3A_260 : vector<16xi1>, vector<16xi32>
        %broadcast_in_dim3A_1245 = vector.shape_cast %select_n3A_1244 : vector<16xi32> to vector<16x1xi32>
        %gather3A_1246 = vector.shape_cast %broadcast_in_dim3A_1245 : vector<16x1xi32> to vector<16xi32>
        %gather3A_1247 = tpu.dynamic_gather %add3A_1237[%gather3A_1246] in [0] : vector<16xf32>, vector<16xi32> -> vector<16xf32>
        %select_n3A_1248 = arith.select %lt3A_257, %add3A_1226, %gather3A_1247 : vector<16xi1>, vector<16xf32>
        %xor3A_1249 = arith.constant 4 : i32
        %xor3A_1250 = vector.broadcast %xor3A_1249 : i32 to vector<16xi32>
        %xor3A_1251 = arith.xori %iota3A_254, %xor3A_1250 : vector<16xi32>
        %lt3A_1252 = arith.constant 0 : i32
        %lt3A_1253 = vector.broadcast %lt3A_1252 : i32 to vector<16xi32>
        %lt3A_1254 = arith.cmpi slt, %xor3A_1251, %lt3A_1253 : vector<16xi32>
        %add3A_1255 = arith.constant 16 : i32
        %add3A_1256 = vector.broadcast %add3A_1255 : i32 to vector<16xi32>
        %add3A_1257 = arith.addi %xor3A_1251, %add3A_1256 : vector<16xi32>
        %select_n3A_1258 = arith.select %lt3A_1254, %add3A_1257, %xor3A_1251 : vector<16xi1>, vector<16xi32>
        %broadcast_in_dim3A_1259 = vector.shape_cast %select_n3A_1258 : vector<16xi32> to vector<16x1xi32>
        %gather3A_1260 = vector.shape_cast %broadcast_in_dim3A_1259 : vector<16x1xi32> to vector<16xi32>
        %gather3A_1261 = tpu.dynamic_gather %select_n3A_1248[%gather3A_1260] in [0] : vector<16xf32>, vector<16xi32> -> vector<16xf32>
        %add3A_1262 = arith.addf %select_n3A_1248, %gather3A_1261 : vector<16xf32>
        %xor3A_1263 = arith.constant 2 : i32
        %xor3A_1264 = vector.broadcast %xor3A_1263 : i32 to vector<16xi32>
        %xor3A_1265 = arith.xori %iota3A_254, %xor3A_1264 : vector<16xi32>
        %lt3A_1266 = arith.constant 0 : i32
        %lt3A_1267 = vector.broadcast %lt3A_1266 : i32 to vector<16xi32>
        %lt3A_1268 = arith.cmpi slt, %xor3A_1265, %lt3A_1267 : vector<16xi32>
        %add3A_1269 = arith.constant 16 : i32
        %add3A_1270 = vector.broadcast %add3A_1269 : i32 to vector<16xi32>
        %add3A_1271 = arith.addi %xor3A_1265, %add3A_1270 : vector<16xi32>
        %select_n3A_1272 = arith.select %lt3A_1268, %add3A_1271, %xor3A_1265 : vector<16xi1>, vector<16xi32>
        %broadcast_in_dim3A_1273 = vector.shape_cast %select_n3A_1272 : vector<16xi32> to vector<16x1xi32>
        %gather3A_1274 = vector.shape_cast %broadcast_in_dim3A_1273 : vector<16x1xi32> to vector<16xi32>
        %gather3A_1275 = tpu.dynamic_gather %add3A_1262[%gather3A_1274] in [0] : vector<16xf32>, vector<16xi32> -> vector<16xf32>
        %add3A_1276 = arith.addf %add3A_1262, %gather3A_1275 : vector<16xf32>
        %xor3A_1277 = arith.constant 1 : i32
        %xor3A_1278 = vector.broadcast %xor3A_1277 : i32 to vector<16xi32>
        %xor3A_1279 = arith.xori %iota3A_254, %xor3A_1278 : vector<16xi32>
        %lt3A_1280 = arith.constant 0 : i32
        %lt3A_1281 = vector.broadcast %lt3A_1280 : i32 to vector<16xi32>
        %lt3A_1282 = arith.cmpi slt, %xor3A_1279, %lt3A_1281 : vector<16xi32>
        %add3A_1283 = arith.constant 16 : i32
        %add3A_1284 = vector.broadcast %add3A_1283 : i32 to vector<16xi32>
        %add3A_1285 = arith.addi %xor3A_1279, %add3A_1284 : vector<16xi32>
        %select_n3A_1286 = arith.select %lt3A_1282, %add3A_1285, %xor3A_1279 : vector<16xi1>, vector<16xi32>
        %broadcast_in_dim3A_1287 = vector.shape_cast %select_n3A_1286 : vector<16xi32> to vector<16x1xi32>
        %gather3A_1288 = vector.shape_cast %broadcast_in_dim3A_1287 : vector<16x1xi32> to vector<16xi32>
        %gather3A_1289 = tpu.dynamic_gather %add3A_1276[%gather3A_1288] in [0] : vector<16xf32>, vector<16xi32> -> vector<16xf32>
        %add3A_1290 = arith.addf %add3A_1276, %gather3A_1289 : vector<16xf32>
        %lt3A_1291 = arith.constant 0 : i32
        %lt3A_1292 = vector.broadcast %lt3A_1291 : i32 to vector<16xi32>
        %lt3A_1293 = arith.cmpi slt, %broadcast_in_dim3A_262, %lt3A_1292 : vector<16xi32>
        %add3A_1294 = arith.constant 16 : i32
        %add3A_1295 = vector.broadcast %add3A_1294 : i32 to vector<16xi32>
        %add3A_1296 = arith.addi %broadcast_in_dim3A_262, %add3A_1295 : vector<16xi32>
        %select_n3A_1297 = arith.select %lt3A_1293, %add3A_1296, %broadcast_in_dim3A_262 : vector<16xi1>, vector<16xi32>
        %broadcast_in_dim3A_1298 = vector.shape_cast %select_n3A_1297 : vector<16xi32> to vector<16x1xi32>
        %gather3A_1299 = vector.shape_cast %broadcast_in_dim3A_1298 : vector<16x1xi32> to vector<16xi32>
        %gather3A_1300 = tpu.dynamic_gather %add3A_1290[%gather3A_1299] in [0] : vector<16xf32>, vector<16xi32> -> vector<16xf32>
        %lt3A_1301 = arith.constant 0 : i32
        %lt3A_1302 = vector.broadcast %lt3A_1301 : i32 to vector<16xi32>
        %lt3A_1303 = arith.cmpi slt, %broadcast_in_dim3A_264, %lt3A_1302 : vector<16xi32>
        %add3A_1304 = arith.constant 16 : i32
        %add3A_1305 = vector.broadcast %add3A_1304 : i32 to vector<16xi32>
        %add3A_1306 = arith.addi %broadcast_in_dim3A_264, %add3A_1305 : vector<16xi32>
        %select_n3A_1307 = arith.select %lt3A_1303, %add3A_1306, %broadcast_in_dim3A_264 : vector<16xi1>, vector<16xi32>
        %broadcast_in_dim3A_1308 = vector.shape_cast %select_n3A_1307 : vector<16xi32> to vector<16x1xi32>
        %gather3A_1309 = vector.shape_cast %broadcast_in_dim3A_1308 : vector<16x1xi32> to vector<16xi32>
        %gather3A_1310 = tpu.dynamic_gather %add3A_1290[%gather3A_1309] in [0] : vector<16xf32>, vector<16xi32> -> vector<16xf32>
        %div3A_1311 = arith.divf %gather3A_1300, %gather3A_1310 : vector<16xf32>
        %eq3A = vector.broadcast %mul3A_295 : i32 to vector<16xi32>
        %eq3A_1312 = arith.cmpi eq, %iota3A_254, %eq3A : vector<16xi32>
        %select_n3A_1313 = arith.select %eq3A_1312, %div3A, %scan3A_288 : vector<16xi1>, vector<16xf32>
        %add3A_1314 = arith.constant 1 : i32
        %add3A_1315 = arith.addi %mul3A_295, %add3A_1314 : i32
        %eq3A_1316 = vector.broadcast %add3A_1315 : i32 to vector<16xi32>
        %eq3A_1317 = arith.cmpi eq, %iota3A_254, %eq3A_1316 : vector<16xi32>
        %select_n3A_1318 = arith.select %eq3A_1317, %div3A_1311, %select_n3A_1313 : vector<16xi1>, vector<16xf32>
        scf.yield %select_n3A_1318 : vector<16xf32>
      }
      %scan3A_272 = arith.constant 8 : i32
      %swap3A_273 = arith.index_cast %add3A_250 : i32 to index
      %swap3A_274 = tpu.vector_load %arg17[%swap3A_273] {strides = array<i32>} : memref<512xf32, #tpu.memory_space<vmem>>, vector<16xf32>,
      %swap3A_275 = vector.shape_cast %swap3A_274 : vector<16xf32> to vector<16xf32>
      %swap3A_276 = vector.shape_cast %scan3A_271 : vector<16xf32> to vector<16xf32>
      tpu.vector_store %arg17[%swap3A_273], %swap3A_276 {strides = array<i32>} : memref<512xf32, #tpu.memory_space<vmem>>, vector<16xf32>,
      %scan3A_277 = arith.constant 1 : i32
      %add3A_278 = arith.constant 1 : i32
      %add3A_279 = arith.addi %mul3A_108, %add3A_278 : i32
      %add3A_280 = arith.constant 2 : i32
      %add3A_281 = arith.addi %add3A_279, %add3A_280 : i32
      %lt3A_282 = arith.constant 32 : i32
      %lt3A_283 = arith.cmpi slt, %add3A_281, %lt3A_282 : i32
      %convert_element_type3A_284 = arith.extui %lt3A_283 : i1 to i32
      %cond3A_285 = arith.constant 0 : i32
      %cond3A_286 = arith.cmpi ne, %convert_element_type3A_284, %cond3A_285 : i32
      scf.if %cond3A_286 {
        %add3A_287 = arith.constant 1 : i32
        %add3A_288 = arith.addi %mul3A_108, %add3A_287 : i32
        %add3A_289 = arith.constant 2 : i32
        %add3A_290 = arith.addi %add3A_288, %add3A_289 : i32
        %mul3A_291 = arith.constant 16 : i32
        %mul3A_292 = arith.muli %add3A_290, %mul3A_291 : i32
        %dma_start3A_293 = tpu.memref_slice %arg12[%mul3A_292] : memref<512xi32, #tpu.memory_space<vmem>> -> memref<16xi32, #tpu.memory_space<vmem>>
        %dma_start3A_294 = arith.constant 0 : i32
        %dma_start3A_295 = arith.constant 0 : i32
        %dma_start3A_296 = tpu.memref_slice %arg2[%dma_start3A_294, %dma_start3A_295] : memref<100000x128xf32, #tpu.memory_space<hbm>> -> memref<100000x128xf32, #tpu.memory_space<hbm>>
        tpu.enqueue_indirect_dma source(%dma_start3A_296 : memref<100000x128xf32, #tpu.memory_space<hbm>>) target(%arg26 : memref<16x128xf32, #tpu.memory_space<vmem>>) offsets(%dma_start3A_293 : memref<16xi32, #tpu.memory_space<vmem>>) semaphore(%arg35 : memref<!tpu.dma_semaphore, #tpu.memory_space<semaphore_mem>>)
        %mul3A_297 = arith.constant 16 : i32
        %mul3A_298 = arith.muli %add3A_290, %mul3A_297 : i32
        %dma_start3A_299 = tpu.memref_slice %arg12[%mul3A_298] : memref<512xi32, #tpu.memory_space<vmem>> -> memref<16xi32, #tpu.memory_space<vmem>>
        %dma_start3A_300 = arith.constant 0 : i32
        %dma_start3A_301 = arith.constant 0 : i32
        %dma_start3A_302 = tpu.memref_slice %arg3[%dma_start3A_300, %dma_start3A_301] : memref<100000x128xf32, #tpu.memory_space<hbm>> -> memref<100000x128xf32, #tpu.memory_space<hbm>>
        tpu.enqueue_indirect_dma source(%dma_start3A_302 : memref<100000x128xf32, #tpu.memory_space<hbm>>) target(%arg27 : memref<16x128xf32, #tpu.memory_space<vmem>>) offsets(%dma_start3A_299 : memref<16xi32, #tpu.memory_space<vmem>>) semaphore(%arg35 : memref<!tpu.dma_semaphore, #tpu.memory_space<semaphore_mem>>)
        %mul3A_303 = arith.constant 16 : i32
        %mul3A_304 = arith.muli %add3A_290, %mul3A_303 : i32
        %dma_start3A_305 = tpu.memref_slice %arg13[%mul3A_304] : memref<512xi32, #tpu.memory_space<vmem>> -> memref<16xi32, #tpu.memory_space<vmem>>
        %dma_start3A_306 = arith.constant 0 : i32
        %dma_start3A_307 = arith.constant 0 : i32
        %dma_start3A_308 = tpu.memref_slice %arg2[%dma_start3A_306, %dma_start3A_307] : memref<100000x128xf32, #tpu.memory_space<hbm>> -> memref<100000x128xf32, #tpu.memory_space<hbm>>
        tpu.enqueue_indirect_dma source(%dma_start3A_308 : memref<100000x128xf32, #tpu.memory_space<hbm>>) target(%arg28 : memref<16x128xf32, #tpu.memory_space<vmem>>) offsets(%dma_start3A_305 : memref<16xi32, #tpu.memory_space<vmem>>) semaphore(%arg35 : memref<!tpu.dma_semaphore, #tpu.memory_space<semaphore_mem>>)
        %mul3A_309 = arith.constant 16 : i32
        %mul3A_310 = arith.muli %add3A_290, %mul3A_309 : i32
        %dma_start3A_311 = tpu.memref_slice %arg13[%mul3A_310] : memref<512xi32, #tpu.memory_space<vmem>> -> memref<16xi32, #tpu.memory_space<vmem>>
        %dma_start3A_312 = arith.constant 0 : i32
        %dma_start3A_313 = arith.constant 0 : i32
        %dma_start3A_314 = tpu.memref_slice %arg3[%dma_start3A_312, %dma_start3A_313] : memref<100000x128xf32, #tpu.memory_space<hbm>> -> memref<100000x128xf32, #tpu.memory_space<hbm>>
        tpu.enqueue_indirect_dma source(%dma_start3A_314 : memref<100000x128xf32, #tpu.memory_space<hbm>>) target(%arg29 : memref<16x128xf32, #tpu.memory_space<vmem>>) offsets(%dma_start3A_311 : memref<16xi32, #tpu.memory_space<vmem>>) semaphore(%arg35 : memref<!tpu.dma_semaphore, #tpu.memory_space<semaphore_mem>>)
        %mul3A_315 = arith.constant 16 : i32
        %mul3A_316 = arith.muli %add3A_290, %mul3A_315 : i32
        %dma_start3A_317 = tpu.memref_slice %arg14[%mul3A_316] : memref<512xi32, #tpu.memory_space<vmem>> -> memref<16xi32, #tpu.memory_space<vmem>>
        %dma_start3A_318 = arith.constant 0 : i32
        %dma_start3A_319 = arith.constant 0 : i32
        %dma_start3A_320 = tpu.memref_slice %arg2[%dma_start3A_318, %dma_start3A_319] : memref<100000x128xf32, #tpu.memory_space<hbm>> -> memref<100000x128xf32, #tpu.memory_space<hbm>>
        tpu.enqueue_indirect_dma source(%dma_start3A_320 : memref<100000x128xf32, #tpu.memory_space<hbm>>) target(%arg30 : memref<16x128xf32, #tpu.memory_space<vmem>>) offsets(%dma_start3A_317 : memref<16xi32, #tpu.memory_space<vmem>>) semaphore(%arg35 : memref<!tpu.dma_semaphore, #tpu.memory_space<semaphore_mem>>)
        %mul3A_321 = arith.constant 16 : i32
        %mul3A_322 = arith.muli %add3A_290, %mul3A_321 : i32
        %dma_start3A_323 = tpu.memref_slice %arg14[%mul3A_322] : memref<512xi32, #tpu.memory_space<vmem>> -> memref<16xi32, #tpu.memory_space<vmem>>
        %dma_start3A_324 = arith.constant 0 : i32
        %dma_start3A_325 = arith.constant 0 : i32
        %dma_start3A_326 = tpu.memref_slice %arg3[%dma_start3A_324, %dma_start3A_325] : memref<100000x128xf32, #tpu.memory_space<hbm>> -> memref<100000x128xf32, #tpu.memory_space<hbm>>
        tpu.enqueue_indirect_dma source(%dma_start3A_326 : memref<100000x128xf32, #tpu.memory_space<hbm>>) target(%arg31 : memref<16x128xf32, #tpu.memory_space<vmem>>) offsets(%dma_start3A_323 : memref<16xi32, #tpu.memory_space<vmem>>) semaphore(%arg35 : memref<!tpu.dma_semaphore, #tpu.memory_space<semaphore_mem>>)
        %mul3A_327 = arith.constant 16 : i32
        %mul3A_328 = arith.muli %add3A_290, %mul3A_327 : i32
        %dma_start3A_329 = tpu.memref_slice %arg15[%mul3A_328] : memref<512xi32, #tpu.memory_space<vmem>> -> memref<16xi32, #tpu.memory_space<vmem>>
        %dma_start3A_330 = arith.constant 0 : i32
        %dma_start3A_331 = arith.constant 0 : i32
        %dma_start3A_332 = tpu.memref_slice %arg4[%dma_start3A_330, %dma_start3A_331] : memref<1512x128xf32, #tpu.memory_space<hbm>> -> memref<1512x128xf32, #tpu.memory_space<hbm>>
        tpu.enqueue_indirect_dma source(%dma_start3A_332 : memref<1512x128xf32, #tpu.memory_space<hbm>>) target(%arg32 : memref<16x128xf32, #tpu.memory_space<vmem>>) offsets(%dma_start3A_329 : memref<16xi32, #tpu.memory_space<vmem>>) semaphore(%arg35 : memref<!tpu.dma_semaphore, #tpu.memory_space<semaphore_mem>>)
        %mul3A_333 = arith.constant 16 : i32
        %mul3A_334 = arith.muli %add3A_290, %mul3A_333 : i32
        %dma_start3A_335 = tpu.memref_slice %arg15[%mul3A_334] : memref<512xi32, #tpu.memory_space<vmem>> -> memref<16xi32, #tpu.memory_space<vmem>>
        %dma_start3A_336 = arith.constant 0 : i32
        %dma_start3A_337 = arith.constant 0 : i32
        %dma_start3A_338 = tpu.memref_slice %arg5[%dma_start3A_336, %dma_start3A_337] : memref<1512x128xf32, #tpu.memory_space<hbm>> -> memref<1512x128xf32, #tpu.memory_space<hbm>>
        tpu.enqueue_indirect_dma source(%dma_start3A_338 : memref<1512x128xf32, #tpu.memory_space<hbm>>) target(%arg33 : memref<16x128xf32, #tpu.memory_space<vmem>>) offsets(%dma_start3A_335 : memref<16xi32, #tpu.memory_space<vmem>>) semaphore(%arg35 : memref<!tpu.dma_semaphore, #tpu.memory_space<semaphore_mem>>)
      } else {
      }
    }
    %scan3A_105 = arith.constant 16 : i32
    "tpu.region"() ({
      %run_scoped3A = tpu.sem_alloc : memref<!tpu.dma_semaphore, #tpu.memory_space<semaphore_mem>>
      %dma_start3A_106 = tpu.memref_slice %arg11[%mul3A_2] : memref<16384xf32, #tpu.memory_space<hbm>> -> memref<512xf32, #tpu.memory_space<hbm>>
      %dma_start3A_107 = tpu.memref_slice %arg11[%mul3A_2] : memref<16384xf32, #tpu.memory_space<hbm>> -> memref<512xf32, #tpu.memory_space<hbm>>
      tpu.enqueue_dma source(%arg17 : memref<512xf32, #tpu.memory_space<vmem>>) target(%dma_start3A_107 : memref<512xf32, #tpu.memory_space<hbm>>) target_semaphore(%run_scoped3A : memref<!tpu.dma_semaphore, #tpu.memory_space<semaphore_mem>>)
      %dma_wait3A_108 = tpu.memref_slice %arg11[%mul3A_2] : memref<16384xf32, #tpu.memory_space<hbm>> -> memref<512xf32, #tpu.memory_space<hbm>>
      %dma_wait3A_109 = tpu.memref_slice %arg11[%mul3A_2] : memref<16384xf32, #tpu.memory_space<hbm>> -> memref<512xf32, #tpu.memory_space<hbm>>
      tpu.wait_dma2 semaphore(%run_scoped3A : memref<!tpu.dma_semaphore, #tpu.memory_space<semaphore_mem>>) src(%arg17 : memref<512xf32, #tpu.memory_space<vmem>>) dst(%dma_wait3A_109 : memref<512xf32, #tpu.memory_space<hbm>>)
      tpu.yield
    }) : () -> ()
    return
  }
}

</mosaic_0001>

<sc_bundles>
// kernel: kernel.3.cloned.1.call-start
scs
__scs_entry_jumppad:
0x0: {  	(pc) =	sbr.rel $0x88, $3  }
0x1: {  	(tag) =	ssettag $0x0;
	lr =	simm.s32 $0x1  }
0x2: {  	[smem:$0x3F9C] =	sst lr;
	_ =	strace $0xD0000000  }
0x3: {  	_ = 	snop  }
0x4: {  	_ = 	snop  }
0x5: {  	_ = 	snop  }
0x6: {  	_ = 	snop  }
0x7: {  	_ = 	snop  }
__scs_overlays_trampoline_lowered:
0x8: {  	[smem:$0x3FAB] =	sst s0  }
0x9: {  	[smem:$0x3FAC] =	sst s1  }
0xa: {  	[smem:$0x3FAD] =	sst s2  }
0xb: {  	[smem:$0x3FAE] =	sst s3  }
0xc: {  	[smem:$0x3FAF] =	sst s4  }
0xd: {  	[smem:$0x3FB0] =	sst s5  }
0xe: {  	[smem:$0x3FB1] =	sst s6  }
0xf: {  	[smem:$0x3FB2] =	sst s7  }
0x10: {  	[smem:$0x3FB3] =	sst s8  }
0x11: {  	[smem:$0x3FB4] =	sst s9;
	s0 =	simm.s32 @!p0 $0x0  }
0x12: {  	s1 =	sld [smem:$0x3F9A];
	s0 =	simm.s32 @p0 $0x1  }
0x13: {  	[smem:$0x3FB5] =	sst s0;
	s0 =	simm.s32 @!p1 $0x0  }
0x14: {  	s2 =	sld [smem:$0x3F99];
	s0 =	simm.s32 @p1 $0x1  }
0x15: {  	[smem:$0x3FB6] =	sst s0;
	s0 =	simm.s32 @!p2 $0x0  }
0x16: {  	s3 =	sld [smem:$0x3FDB];
	s0 =	simm.s32 @p2 $0x1  }
0x17: {  	s4 =	simm.s32 $0x1BF5;
	[smem:$0x3FB8] =	sst s0  }
0x18: {  	s0 =	sld [smem:$0x3F9B];
	_ =	swait.ge [sflag:s4], $0x0  }
0x19: {  	s7 =	sld [smem:$0x3F9C]  }
0x1a: {  	s8 =	sadd.s32 $0xFFFFE003, lr  }
0x1b: {  	s9 =	sadd.s32 $0xFFFFFEF7, lr;
	s5 =	simm.s32 $0xFFFFFFFF;
	p2 =	slt.u32 s8, $0xFFFFF086  }
0x1c: {  	p1 =	slt.u32 s9, $0xF7A;
	s5 =	simm.s32 @!p2 $0x0  }
0x1d: {  	s5 =	simm.s32 @p1 $0x1;
	p0 =	seq.s32 s7, s2  }
0x1e: {  	s7 =	smul.u32 @!p0 $0xF7A, s2;
	p2 =	seq.s32 @!p0 s5, $0x0  }
0x1f: {  	s9 =	smul.u32 $0xF7A, s1;
	s8 =	simm.s32 @!p0 $0x1BF5;
	p2 =	por !p2, p0  }
0x20: {  	[sflag:s8] =	ssyncset.s32 @!p0 $0xFFFFF086;
	s6 =	sadd.s32 @!p0 s3, s7;
	s7 =	simm.s32 @!p0 $0x108  }
0x21: {  	s3 =	sadd.s32 s3, s9;
	s6 =	sadd.s32 @!p0 $0x88, s6;
	s7 =	simm.s32 @p2 $0x1082  }
0x22: {  	[simem:s7], [sflag:s8] =	dma.local @!p0 [hbm:s6], $0xF7A  }
0x23: {  	s9 =	sor.u32 $0xD0000000, s2;
	s6 =	simm.s32 $0x108;
	_ =	swait.ge @!p0 [sflag:s8], $0x0  }
0x24: {  	s3 =	sadd.s32 $0x88, s3;
	s6 =	simm.s32 @!p1 $0x1082;
	[sflag:s4] =	ssyncset.s32 $0xFFFFF086  }
0x25: {  	[simem:s6], [sflag:s4] =	dma.local [hbm:s3], $0xF7A  }
0x26: {  	[smem:$0x3F9C] =	sst s1;
	(tag) =	ssettag s2;
	_ =	strace s9  }
0x27: {  	s1 =	sld [smem:$0x3FAC]  }
0x28: {  	s2 =	sld [smem:$0x3FAD]  }
0x29: {  	s4 =	sld [smem:$0x3FAF]  }
0x2a: {  	p0 =	seq.s32 s5, $0x0;
	s5 =	sld [smem:$0x3FB0]  }
0x2b: {  	s6 =	sld [smem:$0x3FB1]  }
0x2c: {  	s7 =	sld [smem:$0x3FB2]  }
0x2d: {  	s3 =	simm.s32 $0x108;
	s8 =	sld [smem:$0x3FB3]  }
0x2e: {  	s3 =	simm.s32 @!p0 $0x1082;
	s9 =	sld [smem:$0x3FB4]  }
0x2f: {  	lr =	sadd.s32 s0, s3;
	s0 =	sld [smem:$0x3FAB]  }
0x30: {  	s3 =	sld [smem:$0x3FAE]  }
0x31: {  	[smem:$0x3FB7] =	sst s10  }
0x32: {  	s10 =	sld [smem:$0x3FB5];
	_ =	sdelay $0x3  }
0x33: {  	p0 =	seq.s32 s10, $0x1;
	s10 =	sld [smem:$0x3FB7];
	_ =	sdelay $0x3  }
0x34: {  	[smem:$0x3FB7] =	sst s10  }
0x35: {  	s10 =	sld [smem:$0x3FB6];
	_ =	sdelay $0x3  }
0x36: {  	p1 =	seq.s32 s10, $0x1;
	s10 =	sld [smem:$0x3FB7];
	_ =	sdelay $0x3  }
0x37: {  	[smem:$0x3FB7] =	sst s10  }
0x38: {  	s10 =	sld [smem:$0x3FB8]  }
0x39: {  	_ = 	snop;
	(pc) =	sbr.ind lr, $3  }
0x3a: {  	_ = 	snop  }
0x3b: {  	_ = 	snop  }
0x3c: {  	p2 =	seq.s32 s10, $0x1;
	s10 =	sld [smem:$0x3FB7]  }
0x3d: {  	_ =	shalt  }
0x3e: {  	_ =	shalt  }
0x3f: {  	_ =	shalt  }
0x40: {  	_ =	shalt  }
0x41: {  	_ =	shalt  }
0x42: {  	_ =	shalt  }
0x43: {  	_ =	shalt  }
0x44: {  	_ =	shalt  }
0x45: {  	_ =	shalt  }
0x46: {  	_ =	shalt  }
0x47: {  	_ =	shalt  }
0x48: {  	_ =	shalt  }
0x49: {  	_ =	shalt  }
0x4a: {  	_ =	shalt  }
0x4b: {  	_ =	shalt  }
0x4c: {  	_ =	shalt  }
0x4d: {  	_ =	shalt  }
0x4e: {  	_ =	shalt  }
0x4f: {  	_ =	shalt  }
0x50: {  	_ =	shalt  }
0x51: {  	_ =	shalt  }
0x52: {  	_ =	shalt  }
0x53: {  	_ =	shalt  }
0x54: {  	_ =	shalt  }
0x55: {  	_ =	shalt  }
0x56: {  	_ =	shalt  }
0x57: {  	_ =	shalt  }
0x58: {  	_ =	shalt  }
0x59: {  	_ =	shalt  }
0x5a: {  	_ =	shalt  }
0x5b: {  	_ =	shalt  }
0x5c: {  	_ =	shalt  }
0x5d: {  	_ =	shalt  }
0x5e: {  	_ =	shalt  }
0x5f: {  	_ =	shalt  }
0x60: {  	_ =	shalt  }
0x61: {  	_ =	shalt  }
0x62: {  	_ =	shalt  }
0x63: {  	_ =	shalt  }
0x64: {  	_ =	shalt  }
0x65: {  	_ =	shalt  }
0x66: {  	_ =	shalt  }
0x67: {  	_ =	shalt  }
0x68: {  	_ =	shalt  }
0x69: {  	_ =	shalt  }
0x6a: {  	_ =	shalt  }
0x6b: {  	_ =	shalt  }
0x6c: {  	_ =	shalt  }
0x6d: {  	_ =	shalt  }
0x6e: {  	_ =	shalt  }
0x6f: {  	_ =	shalt  }
0x70: {  	_ =	shalt  }
0x71: {  	_ =	shalt  }
0x72: {  	_ =	shalt  }
0x73: {  	_ =	shalt  }
0x74: {  	_ =	shalt  }
0x75: {  	_ =	shalt  }
0x76: {  	_ =	shalt  }
0x77: {  	_ =	shalt  }
0x78: {  	_ =	shalt  }
0x79: {  	_ =	shalt  }
0x7a: {  	_ =	shalt  }
0x7b: {  	_ =	shalt  }
0x7c: {  	_ =	shalt  }
0x7d: {  	_ =	shalt  }
0x7e: {  	_ =	shalt  }
0x7f: {  	_ =	shalt  }
0x80: {  	_ =	shalt  }
0x81: {  	_ =	shalt  }
0x82: {  	_ =	shalt  }
0x83: {  	_ =	shalt  }
0x84: {  	_ =	shalt  }
0x85: {  	_ =	shalt  }
0x86: {  	_ =	shalt  }
0x87: {  	_ =	shalt  }
.Lfunc_end0:
.L_simem_size_0:
called_computation_lowered:
.L_overlay_start_0:
0x88: {  	s2 =	sld [smem:$0x3FD9]  }
0x89: {  	s3 =	sld [smem:$0x3FFE];
	_ =	sdelay $0x1  }
0x8a: {  	s1 =	srdreg.scid  }
0x8b: {  	s0 =	sand.u32 $0x1, s1  }
0x8c: {  	s17 =	sshll.u32 s0, $0xA;
	s2 =	sadd.s32 s3, s2  }
0x8d: {  	s2 =	sadd.s32 s2, s17  }
0x8e: {  	[smem:$0x3FC3] =	sst s2  }
0x8f: {  	_ = 	snop  }
0x90: {  	s2 =	sld [smem:$0x3FC9]  }
0x91: {  	s18 =	sld [smem:$0x3FC8]  }
0x92: {  	s4 =	sld [smem:$0x3FD0];
	(tm) =	ssettm $0x1  }
0x93: {  	s5 =	sld [smem:$0x3FFB];
	_ =	sdelay $0x3  }
0x94: {  	_ =	strace s5  }
0x95: {  	s5 =	sld [smem:$0x3FFC];
	_ =	sdelay $0x3  }
0x96: {  	_ =	strace s5  }
0x97: {  	s5 =	sld [smem:$0x3FFD];
	_ =	sdelay $0x3  }
0x98: {  	_ =	strace s5  }
0x99: {  	_ =	strace $0x8FFFFFFF  }
0x9a: {  	s19 =	sld [smem:$0x3FDB];
	_ =	sdelay $0x1  }
0x9b: {  	s6 =	simm.s32 $_scs_section_size  }
0x9c: {  	s7 =	simm.s32 $_size__tile_overlayer_lowered;
	s8 =	simm.s32 $_tile_overlayer_lowered  }
0x9d: {  	s22 =	simm.s32 $0x1BFF;
	s21 =	sshll.u32 s8, $0x1;
	s5 =	sadd.s32 s6, s19  }
0x9e: {  	s9 =	simm.s32 $0x0;
	s20 =	sshll.u32 s7, $0x1;
	s7 =	sadd.s32 s21, s5  }
0x9f: {  	[timem:s9], [sflag:s22] =	dma.local [hbm:s7], s20  }
0xa0: {  	_ =	swait.ge [sflag:s22], s20  }
0xa1: {  	s6 =	ssub.s32 $0x0, s20;
	[sflag:s22] =	ssyncset.done $0x0  }
0xa2: {  	[sflag:s22] =	ssyncadd.s32 s6;
	_ =	sdelay $0x1  }
0xa3: {  	s23 =	simm.s32 $0x1B8B  }
0xa4: {  	_ =	swait.ge [sflag:s23], $0x1  }
0xa5: {  	[sflag:s23] =	ssyncset.done $0x0  }
0xa6: {  	s25 =	simm.s32 $0x1B8E;
	s24 =	sld [smem:$0x3FFE];
	[sflag:s23] =	ssyncadd.s32 $0xFFFFFFFF  }
0xa7: {  	s26 =	simm.s32 $execute0_lowered;
	[smem:$0x3FD2] =	sst s25  }
0xa8: {  	s7 =	sshll.u32 s26, $0x1;
	_ =	strace $0x80000046;
	[dreg:$0x1] =	wrdreg $0xFFFFFFFF  }
0xa9: {  	s28 =	simm.s32 $_size_execute0_lowered;
	s5 =	sadd.s32 s5, s7;
	[dreg:$0x0] =	wrdreg $0x0  }
0xaa: {  	s7 =	sshll.u32 s28, $0x1;
	[dreg:$0x2] =	wrdreg s5  }
0xab: {  	[dreg:$0x3] =	wrdreg s7  }
0xac: {  	[dreg:$0x4] =	wrdreg $0xC0  }
0xad: {  	_ =	task [dreg:s9], $0x5FFFF  }
0xae: {  	[dreg:$0x1] =	wrdreg $0xFFFFFFFF  }
0xaf: {  	[dreg:$0x0] =	wrdreg $0x60  }
0xb0: {  	[dreg:$0x2] =	wrdreg s2  }
0xb1: {  	[dreg:$0x3] =	wrdreg s18  }
0xb2: {  	[dreg:$0x4] =	wrdreg s24  }
0xb3: {  	[dreg:$0x5] =	wrdreg s4  }
0xb4: {  	[dreg:$0x6] =	wrdreg $0x9  }
0xb5: {  	_ =	task.clear_ibuf [dreg:s9], $0x7FFFF;
	_ =	strace $0x90000046  }
0xb6: {  	s29 =	simm.s32 $0x9;
	_ =	strace $0x80000048  }
0xb7: {  	_ =	swait.ge [sflag:s29], $0x1  }
0xb8: {  	[sflag:s29] =	ssyncadd.s32 $0xFFFFFFFF  }
0xb9: {  	_ =	strace $0x90000048  }
0xba: {  	_ =	sfence  }
0xbb: {  	s30 =	sld [smem:$0x0];
	_ =	sdelay $0x2  }
0xbc: {  	s31 =	sshll.u32 s1, $0xD;
	s1 =	sshrl.u32 s1, $0x2  }
0xbd: {  	s3 =	sand.u32 $0x4000, s31;
	s1 =	sadd.s32 s1, s30  }
0xbe: {  	s0 =	sor.u32 s3, s0;
	s1 =	sshll.u32 s1, $0x11  }
0xbf: {  	s0 =	sor.u32 s1, s0  }
0xc0: {  	s0 =	sadd.s32 $0x8F2B, s0  }
0xc1: {  	[sflag:s0] =	ssyncadd.remote.s32 $0x1  }
0xc2: {  	_ =	sfence.sel $0xFFFF  }
0xc3: {  	[dreg:$0x0] =	wrdreg $0xFFFFFFFF;
	(pc) =	sbr.abs _section_cstart, $3  }
0xc4: {  	[dreg:$0x1] =	wrdreg $0xFFFFFFFF  }
0xc5: {  	_ =	task.clear_ibuf [dreg:s9], $0x2FFFF;
	_ =	strace $0x9FFFFFFF  }
0xc6: {  	(tm) =	ssettm $0x7FFFFFFF  }
0xc7: {  	_ =	shalt  }
tec
execute0_lowered:
.L_overlay_start_1:
0x0: {  	(tag) =	ssettag $0x1  }
0x1: {  	s1 =	rddreg [dreg:$0x0]  }
0x2: {  	s2 =	rddreg [dreg:$0x1]  }
0x3: {  	s0 =	rddreg [dreg:$0x2]  }
0x4: {  	s3 =	rddreg [dreg:$0x3];
	s5 =	srdreg.scid;
	v0 =	vimm.s32 $0xFEDCBA98;
	v1 =	vimm.s32 $0x76543210  }
0x5: {  	s4 =	simm.s32 $0x0;
	s6 =	stileid.u32;
	s12 =	simm.s32 $0x200;
	v2 =	vimm.s32 $0xBA98FEDC;
	v3 =	vimm.s32 $0x32107654  }
0x6: {  	v4 =	vimm.s32 $0xDCFE98BA;
	s13 =	simm.s32 $0x400;
	s14 =	simm.s32 $0x600;
	s18 =	simm.s32 $0x1;
	v5 =	vimm.s32 $0x54761032  }
0x7: {  	v6 =	vimm.s32 $0xEFCDAB89;
	v7 =	vimm.s32 $0x67452301;
	s19 =	simm.s32 $0x10;
	s29 =	simm.s32 $0x4C00;
	s30 =	simm.s32 $0x5400;
	v0 =	vunpack.c.l.s4.s8 v0  }
0x8: {  	s20 =	simm.s32 $0x6C00;
	s21 =	simm.s32 $0x7400;
	s22 =	simm.s32 $0x610;
	v1 =	vunpack.c.l.s4.s8 v1;
	v2 =	vunpack.c.l.s4.s8 v2;
	v3 =	vunpack.c.l.s4.s8 v3  }
0x9: {  	s23 =	simm.s32 $0x7C00;
	s28 =	simm.s32 $0x3;
	s7 =	sand.u32 $0x1, s5;
	v4 =	vunpack.c.l.s4.s8 v4;
	v5 =	vunpack.c.l.s4.s8 v5;
	v6 =	vunpack.c.l.s4.s8 v6  }
0xa: {  	[smem:$0x7FF] =	sst s4;
	s6 =	sshll.u32 s6, $0x7;
	s5 =	sadd.s32 $0x800, s0;
	v7 =	vunpack.c.l.s4.s8 v7;
	v0 =	vunpack.c.0.s8.s32 v0;
	v2 =	vunpack.c.0.s8.s32 v2  }
0xb: {  	s8 =	sshll.u32 s7, $0x6;
	_ =	strace $0x80000047;
	s9 =	ssub.s32 $0x2, s7;
	v3 =	vunpack.c.0.s8.s32 v3;
	v4 =	vunpack.c.0.s8.s32 v4;
	v1 =	vunpack.c.0.s8.s32 v1  }
0xc: {  	s8 =	sor.u32 s8, s6;
	s6 =	sadd.s32 $0x6800, s0;
	s24 =	sshrl.u32 s9, $0x1;
	v5 =	vunpack.c.0.s8.s32 v5;
	v6 =	vunpack.c.0.s8.s32 v6;
	v0 =	vand.u32 $0xF, v0  }
0xd: {  	v7 =	vunpack.c.0.s8.s32 v7;
	s7 =	sadd.s32 s0, s8;
	s0 =	ssub.s32 s9, s24;
	s16 =	sadd.s32 s3, s8;
	v2 =	vcombine.low v3, v2;
	v0 =	vcombine.low v0, v1  }
.Ltmp0:
0xe: {  	s3 =	simm.s32 $0x6400;
	s10 =	sadd.s32 $0xD000, s7;
	v59 =	vcombine.low v5, v4;
	(pc) =	sbr.rel .LBB2_1-.Ltmp0, $4  }
0xf: {  	s24 =	simm.s32 $0x8400;
	s25 =	sadd.s32 $0xC800, s7;
	v60 =	vcombine.low v7, v6;
	[dreg:$0x5] =	wrdreg s10;
	v61 =	vand.u32 $0xF, v2;
	[tilespmem:$0x1FFC0] =	vst v0  }
0x10: {  	s26 =	sadd.s32 $0xD800, s7;
	s31 =	sadd.s32 $0xE000, s7;
	[dreg:$0x6] =	wrdreg s25;
	v62 =	vand.u32 $0xF, v59;
	[tilespmem:$0x1FFD0] =	vst v61  }
0x11: {  	s17 =	smax.u32 s0, $0x1;
	s0 =	simm.s32 $0x5C00;
	[dreg:$0x7] =	wrdreg s26;
	v63 =	vand.u32 $0xF, v60;
	[tilespmem:$0x1FFE0] =	vst v62  }
0x12: {  	vm0 =	vmmov $0xff;
	[dreg:$0x8] =	wrdreg s31;
	s25 =	simm.s32 $0x2;
	s26 =	simm.s32 $0x0;
	[tilespmem:$0x1FFF0] =	vst v63  }
.LBB2_8:
0x13: {  	s26 =	sadd.s32 $0x1, s26  }
0x14: {  	p0 =	sne.s32 s26, s17  }
.Ltmp1:
0x15: {  	s8 =	rddreg [dreg:$0x8];
	s9 =	simm.s32 $0xA00;
	(pc) =	sbr.rel @!p0 .LBB2_9-.Ltmp1, $4  }
0x16: {  	[hbm4b:s8+s4] =	stream.linear.scatter [tilespmem:s9], [sflag:$0x3], $0x200, $0x38;
	[tilespmem:$0x8C00] =	vst v63  }
0x17: {  	_ =	swait.ge [sflag:s28], $0x200  }
0x18: {  	[sflag:s28] =	ssyncset.done $0x0  }
0x19: {  	[sflag:s28] =	ssyncadd.s32 $0xFFFFFE00  }
.LBB2_1:
0x1a: {  	s8 =	rddreg [dreg:$0x5]  }
0x1b: {  	[tilespmem:s4], [sflag:$0x1] =	stream.linear.gather [hbm4b:s8+s4], $0x200, $0x38;
	[tilespmem:$0x8C00] =	vst v63  }
0x1c: {  	s11 =	rddreg [dreg:$0x6]  }
0x1d: {  	[tilespmem:s12], [sflag:$0x1] =	stream.linear.gather [hbm4b:s11+s4], $0x200, $0x38;
	[tilespmem:$0x8C00] =	vst v63  }
0x1e: {  	s15 =	rddreg [dreg:$0x7]  }
0x1f: {  	[tilespmem:s13], [sflag:$0x1] =	stream.linear.gather [hbm4b:s15+s4], $0x200, $0x38;
	[tilespmem:$0x8C00] =	vst v63  }
0x20: {  	_ = 	snop  }
0x21: {  	[tilespmem:s14], [sflag:$0x1] =	stream.linear.gather [hbm4b:s16+s4], $0x200, $0x38;
	[tilespmem:$0x8C00] =	vst v63  }
0x22: {  	s31 =	simm.s32 $0x800  }
0x23: {  	[tilespmem:s31], [sflag:$0x1] =	stream.linear.gather [hbm4b:s7+s4], $0x200, $0x38;
	[tilespmem:$0x8C00] =	vst v63  }
0x24: {  	_ =	swait.ge [sflag:s18], $0x200  }
0x25: {  	[sflag:s18] =	ssyncset.done $0x0  }
0x26: {  	[sflag:s18] =	ssyncadd.s32 $0xFFFFFE00  }
0x27: {  	_ =	swait.ge [sflag:s18], $0x200  }
0x28: {  	[sflag:s18] =	ssyncset.done $0x0  }
0x29: {  	[sflag:s18] =	ssyncadd.s32 $0xFFFFFE00  }
0x2a: {  	_ =	swait.ge [sflag:s18], $0x200  }
0x2b: {  	[sflag:s18] =	ssyncset.done $0x0  }
0x2c: {  	[sflag:s18] =	ssyncadd.s32 $0xFFFFFE00  }
0x2d: {  	_ =	swait.ge [sflag:s18], $0x200  }
0x2e: {  	[sflag:s18] =	ssyncset.done $0x0  }
0x2f: {  	[sflag:s18] =	ssyncadd.s32 $0xFFFFFE00  }
0x30: {  	_ =	swait.ge [sflag:s18], $0x200  }
0x31: {  	[sflag:s18] =	ssyncset.done $0x0  }
0x32: {  	s9 =	simm.s32 $0xC00;
	[sflag:s18] =	ssyncadd.s32 $0xFFFFFE00  }
0x33: {  	[tilespmem:s9], [sflag:$0x1] =	stream.indirect.gather [hbm4b:s1+s19], $0x80, s4, s19, $0xb8;
	[tilespmem:$0x8C00] =	vst v63  }
0x34: {  	s10 =	simm.s32 $0x1400  }
0x35: {  	[tilespmem:s10], [sflag:$0x1] =	stream.indirect.gather [hbm4b:s2+s19], $0x80, s4, s19, $0xb8;
	[tilespmem:$0x8C00] =	vst v63  }
0x36: {  	s11 =	simm.s32 $0x1C00  }
0x37: {  	[tilespmem:s11], [sflag:$0x1] =	stream.indirect.gather [hbm4b:s1+s19], $0x80, s12, s19, $0xb8;
	[tilespmem:$0x8C00] =	vst v63  }
0x38: {  	s15 =	simm.s32 $0x2400  }
0x39: {  	[tilespmem:s15], [sflag:$0x1] =	stream.indirect.gather [hbm4b:s2+s19], $0x80, s12, s19, $0xb8;
	[tilespmem:$0x8C00] =	vst v63  }
0x3a: {  	s31 =	simm.s32 $0x2C00  }
0x3b: {  	[tilespmem:s31], [sflag:$0x1] =	stream.indirect.gather [hbm4b:s1+s19], $0x80, s13, s19, $0xb8;
	[tilespmem:$0x8C00] =	vst v63  }
0x3c: {  	s9 =	simm.s32 $0x3400  }
0x3d: {  	[tilespmem:s9], [sflag:$0x1] =	stream.indirect.gather [hbm4b:s2+s19], $0x80, s13, s19, $0xb8;
	[tilespmem:$0x8C00] =	vst v63  }
0x3e: {  	s10 =	simm.s32 $0x3C00  }
0x3f: {  	[tilespmem:s10], [sflag:$0x1] =	stream.indirect.gather [hbm4b:s5+s19], $0x80, s14, s19, $0xb8;
	[tilespmem:$0x8C00] =	vst v63  }
0x40: {  	s11 =	simm.s32 $0x4400  }
0x41: {  	[tilespmem:s11], [sflag:$0x1] =	stream.indirect.gather [hbm4b:s6+s19], $0x80, s14, s19, $0xb8;
	[tilespmem:$0x8C00] =	vst v63  }
0x42: {  	_ = 	snop  }
0x43: {  	[tilespmem:s29], [sflag:$0x2] =	stream.indirect.gather [hbm4b:s1+s19], $0x80, s19, s19, $0xb8;
	[tilespmem:$0x8C00] =	vst v63  }
0x44: {  	_ = 	snop  }
0x45: {  	[tilespmem:s30], [sflag:$0x2] =	stream.indirect.gather [hbm4b:s2+s19], $0x80, s19, s19, $0xb8;
	[tilespmem:$0x8C00] =	vst v63  }
0x46: {  	s15 =	simm.s32 $0x210  }
0x47: {  	[tilespmem:s0], [sflag:$0x2] =	stream.indirect.gather [hbm4b:s1+s19], $0x80, s15, s19, $0xb8;
	[tilespmem:$0x8C00] =	vst v63  }
0x48: {  	_ = 	snop  }
0x49: {  	[tilespmem:s3], [sflag:$0x2] =	stream.indirect.gather [hbm4b:s2+s19], $0x80, s15, s19, $0xb8;
	[tilespmem:$0x8C00] =	vst v63  }
0x4a: {  	s31 =	simm.s32 $0x410  }
0x4b: {  	[tilespmem:s20], [sflag:$0x2] =	stream.indirect.gather [hbm4b:s1+s19], $0x80, s31, s19, $0xb8;
	[tilespmem:$0x8C00] =	vst v63  }
0x4c: {  	_ = 	snop  }
0x4d: {  	[tilespmem:s21], [sflag:$0x2] =	stream.indirect.gather [hbm4b:s2+s19], $0x80, s31, s19, $0xb8;
	[tilespmem:$0x8C00] =	vst v63  }
0x4e: {  	_ = 	snop  }
0x4f: {  	[tilespmem:s23], [sflag:$0x2] =	stream.indirect.gather [hbm4b:s5+s19], $0x80, s22, s19, $0xb8;
	[tilespmem:$0x8C00] =	vst v63  }
0x50: {  	s8 =	simm.s32 $0x0  }
0x51: {  	[tilespmem:s24], [sflag:$0x2] =	stream.indirect.gather [hbm4b:s6+s19], $0x80, s22, s19, $0xb8;
	[tilespmem:$0x8C00] =	vst v63  }
.LBB2_2:
0x52: {  	_ =	swait.ge [sflag:s18], $0x800  }
0x53: {  	[sflag:s18] =	ssyncset.done $0x0  }
0x54: {  	[sflag:s18] =	ssyncadd.s32 $0xFFFFF800  }
0x55: {  	_ =	swait.ge [sflag:s18], $0x800  }
0x56: {  	[sflag:s18] =	ssyncset.done $0x0  }
0x57: {  	[sflag:s18] =	ssyncadd.s32 $0xFFFFF800  }
0x58: {  	_ =	swait.ge [sflag:s18], $0x800  }
0x59: {  	[sflag:s18] =	ssyncset.done $0x0  }
0x5a: {  	[sflag:s18] =	ssyncadd.s32 $0xFFFFF800  }
0x5b: {  	_ =	swait.ge [sflag:s18], $0x800  }
0x5c: {  	[sflag:s18] =	ssyncset.done $0x0  }
0x5d: {  	[sflag:s18] =	ssyncadd.s32 $0xFFFFF800  }
0x5e: {  	_ =	swait.ge [sflag:s18], $0x800  }
0x5f: {  	[sflag:s18] =	ssyncset.done $0x0  }
0x60: {  	[sflag:s18] =	ssyncadd.s32 $0xFFFFF800  }
0x61: {  	_ =	swait.ge [sflag:s18], $0x800  }
0x62: {  	[sflag:s18] =	ssyncset.done $0x0  }
0x63: {  	[sflag:s18] =	ssyncadd.s32 $0xFFFFF800  }
0x64: {  	_ =	swait.ge [sflag:s18], $0x800  }
0x65: {  	[sflag:s18] =	ssyncset.done $0x0  }
0x66: {  	[sflag:s18] =	ssyncadd.s32 $0xFFFFF800  }
0x67: {  	_ =	swait.ge [sflag:s18], $0x800  }
0x68: {  	[sflag:s18] =	ssyncset.done $0x0  }
0x69: {  	s9 =	simm.s32 $0x0;
	[sflag:s18] =	ssyncadd.s32 $0xFFFFF800  }
0x6a: {  	v0 =	vld [tilespmem:s9+$0x44E0];
	_ =	sdelay $0x4  }
0x6b: {  	[tilespmem:$0x1FD40] =	vst v0;
	v0 =	vld [tilespmem:s9+$0x1CD0];
	_ =	sdelay $0x4  }
0x6c: {  	[tilespmem:$0x1FB50] =	vst v0;
	v0 =	vld [tilespmem:s9+$0x24D0];
	_ =	sdelay $0x4  }
0x6d: {  	[tilespmem:$0x1FB80] =	vst v0;
	v0 =	vld [tilespmem:s9+$0xC50];
	_ =	sdelay $0x4  }
0x6e: {  	[tilespmem:$0x1FB60] =	vst v0;
	v0 =	vld [tilespmem:s9+$0x1C50];
	_ =	sdelay $0x4  }
0x6f: {  	[tilespmem:$0x1FB70] =	vst v0;
	v0 =	vld [tilespmem:s9+$0x2450];
	_ =	sdelay $0x4  }
0x70: {  	[tilespmem:$0x1FBB0] =	vst v0;
	v0 =	vld [tilespmem:s9+$0x44D0];
	_ =	sdelay $0x4  }
0x71: {  	[tilespmem:$0x1FD70] =	vst v0;
	v0 =	vld [tilespmem:s9+$0x2CE0];
	_ =	sdelay $0x4  }
0x72: {  	[tilespmem:$0x1FB90] =	vst v0;
	v0 =	vld [tilespmem:s9+$0x34E0];
	_ =	sdelay $0x4  }
0x73: {  	[tilespmem:$0x1FBA0] =	vst v0;
	v0 =	vld [tilespmem:s9+$0x4450];
	_ =	sdelay $0x4  }
0x74: {  	[tilespmem:$0x1FD80] =	vst v0;
	v0 =	vld [tilespmem:s9+$0x2C60];
	_ =	sdelay $0x4  }
0x75: {  	[tilespmem:$0x1FBC0] =	vst v0;
	v0 =	vld [tilespmem:s9+$0x3460];
	_ =	sdelay $0x4  }
0x76: {  	[tilespmem:$0x1FBD0] =	vst v0;
	v0 =	vld [tilespmem:s9+$0xCC0];
	_ =	sdelay $0x4  }
0x77: {  	[tilespmem:$0x1FBE0] =	vst v0;
	v0 =	vld [tilespmem:s9+$0x14C0];
	_ =	sdelay $0x4  }
0x78: {  	[tilespmem:$0x1FC00] =	vst v0;
	v0 =	vld [tilespmem:s9+$0x1CC0];
	_ =	sdelay $0x4  }
0x79: {  	[tilespmem:$0x1FBF0] =	vst v0;
	v0 =	vld [tilespmem:s9+$0x24C0];
	_ =	sdelay $0x4  }
0x7a: {  	[tilespmem:$0x1FC10] =	vst v0;
	v0 =	vld [tilespmem:s9+$0xC40];
	_ =	sdelay $0x4  }
0x7b: {  	[tilespmem:$0x1FC20] =	vst v0;
	v0 =	vld [tilespmem:s9+$0x1440];
	_ =	sdelay $0x4  }
0x7c: {  	[tilespmem:$0x1FC60] =	vst v0;
	v0 =	vld [tilespmem:s9+$0x1C40]  }
0x7d: {  	v5 =	vld [tilespmem:s9+$0xCF0]  }
0x7e: {  	v8 =	vld [tilespmem:s9+$0x1CF0]  }
0x7f: {  	v12 =	vld [tilespmem:s9+$0xCE0]  }
0x80: {  	v13 =	vld [tilespmem:s9+$0x14E0]  }
0x81: {  	[tilespmem:$0x1FC30] =	vst v0;
	v0 =	vld [tilespmem:s9+$0x2440]  }
0x82: {  	v2 =	vld [tilespmem:s9+$0xC60]  }
0x83: {  	v3 =	vld [tilespmem:s9+$0x1C60]  }
0x84: {  	v32 =	vld [tilespmem:s9+$0x1CE0]  }
0x85: {  	v34 =	vld [tilespmem:s9+$0x24E0]  }
0x86: {  	[tilespmem:$0x1FC70] =	vst v0;
	v0 =	vld [tilespmem:s9+$0x44C0]  }
0x87: {  	v11 =	vld [tilespmem:s9+$0xC70]  }
0x88: {  	v10 =	vld [tilespmem:s9+$0x1470];
	v2 =	vmax.f32 v2, v3  }
0x89: {  	v17 =	vld [tilespmem:s9+$0x1C70];
	[tilespmem:$0x1FE10] =	vst v2;
	v2 =	vmax.f32 v12, v32  }
0x8a: {  	v15 =	vld [tilespmem:s9+$0x2470];
	[tilespmem:$0x1FE20] =	vst v2  }
0x8b: {  	v2 =	vmin.f32 v13, v34;
	[tilespmem:$0x1FD90] =	vst v0;
	v0 =	vld [tilespmem:s9+$0x2CD0]  }
0x8c: {  	[tilespmem:$0x1FE30] =	vst v2;
	v2 =	vld [tilespmem:s9+$0x1410]  }
0x8d: {  	v16 =	vld [tilespmem:s9+$0x1460]  }
0x8e: {  	v35 =	vld [tilespmem:s9+$0x2460]  }
0x8f: {  	v63 =	vld [tilespmem:s9+$0xCD0]  }
0x90: {  	[tilespmem:$0x1FC40] =	vst v0;
	v0 =	vld [tilespmem:s9+$0x34D0]  }
0x91: {  	[tilespmem:$0x1FDD0] =	vst v2;
	v2 =	vld [tilespmem:$0x1FB50]  }
0x92: {  	v49 =	vld [tilespmem:s9+$0x2CF0]  }
0x93: {  	v28 =	vld [tilespmem:s9+$0x3CF0]  }
0x94: {  	v52 =	vld [tilespmem:s9+$0x2C70]  }
0x95: {  	[tilespmem:$0x1FC50] =	vst v0;
	v0 =	vld [tilespmem:s9+$0x4440]  }
0x96: {  	v31 =	vld [tilespmem:s9+$0x3C70];
	v2 =	vmax.f32 v63, v2  }
0x97: {  	[tilespmem:$0x1FE50] =	vst v2;
	v2 =	vld [tilespmem:$0x1FB60]  }
0x98: {  	v3 =	vld [tilespmem:$0x1FB70];
	_ =	sdelay $0x1  }
0x99: {  	[tilespmem:$0x1FDA0] =	vst v0;
	v0 =	vld [tilespmem:s9+$0x2C50]  }
0x9a: {  	v58 =	vmax.f32 v5, v8;
	v5 =	vmax.f32 v11, v17  }
0x9b: {  	[tilespmem:$0x1FDF0] =	vst v5;
	v5 =	vmin.f32 v10, v15;
	v15 =	vmul.f32 v28, v49  }
0x9c: {  	v49 =	vmin.f32 v16, v35;
	v16 =	vmul.f32 v31, v52;
	v52 =	vmax.f32 v2, v3;
	v2 =	vld [tilespmem:s9+$0x2410];
	_ =	sdelay $0x1  }
0x9d: {  	[tilespmem:$0x1FC80] =	vst v0;
	v0 =	vld [tilespmem:s9+$0x3450]  }
0x9e: {  	v6 =	vld [tilespmem:s9+$0x14F0]  }
0x9f: {  	v40 =	vld [tilespmem:s9+$0x14D0]  }
0xa0: {  	[tilespmem:$0x1FDE0] =	vst v2;
	v2 =	vld [tilespmem:$0x1FB80]  }
0xa1: {  	v7 =	vld [tilespmem:s9+$0x24F0]  }
0xa2: {  	[tilespmem:$0x1FC90] =	vst v0;
	v0 =	vld [tilespmem:s9+$0xCB0]  }
0xa3: {  	v53 =	vld [tilespmem:s9+$0x44F0]  }
0xa4: {  	v14 =	vld [tilespmem:s9+$0x4470]  }
0xa5: {  	v42 =	vld [tilespmem:s9+$0x3CE0];
	v2 =	vmin.f32 v40, v2  }
0xa6: {  	[tilespmem:$0x1FE60] =	vst v2;
	v2 =	vld [tilespmem:$0x1FB90]  }
0xa7: {  	[tilespmem:$0x1FCA0] =	vst v0;
	v0 =	vld [tilespmem:s9+$0x14B0]  }
0xa8: {  	v36 =	vld [tilespmem:s9+$0x34F0]  }
0xa9: {  	v61 =	vld [tilespmem:s9+$0x4460]  }
0xaa: {  	v47 =	vld [tilespmem:s9+$0x3470]  }
0xab: {  	v11 =	vmul.f32 v42, v2;
	v2 =	vld [tilespmem:$0x1FBA0]  }
0xac: {  	[tilespmem:$0x1FCC0] =	vst v0;
	v0 =	vld [tilespmem:s9+$0x1CB0]  }
0xad: {  	v44 =	vld [tilespmem:s9+$0x1450]  }
0xae: {  	v45 =	vld [tilespmem:s9+$0x3C60]  }
0xaf: {  	v56 =	vld [tilespmem:s9+$0x3CD0]  }
0xb0: {  	v42 =	vmul.f32 v42, v2;
	v2 =	vld [tilespmem:$0x1FBB0]  }
0xb1: {  	[tilespmem:$0x1FCB0] =	vst v0;
	v0 =	vld [tilespmem:s9+$0x24B0]  }
0xb2: {  	v59 =	vld [tilespmem:s9+$0x3C50]  }
0xb3: {  	v54 =	vld [tilespmem:s9+$0xC30]  }
0xb4: {  	v41 =	vld [tilespmem:s9+$0x1C30]  }
0xb5: {  	v35 =	vmin.f32 v44, v2;
	v2 =	vld [tilespmem:$0x1FBC0]  }
0xb6: {  	[tilespmem:$0x1FCD0] =	vst v0;
	v0 =	vld [tilespmem:s9+$0x1430]  }
0xb7: {  	v50 =	vld [tilespmem:s9+$0x2C40]  }
0xb8: {  	v62 =	vld [tilespmem:s9+$0x3440]  }
0xb9: {  	v55 =	vld [tilespmem:s9+$0xCA0]  }
0xba: {  	v12 =	vmul.f32 v45, v2;
	v2 =	vld [tilespmem:$0x1FBD0]  }
0xbb: {  	[tilespmem:$0x1FCE0] =	vst v0;
	v0 =	vld [tilespmem:s9+$0x2430]  }
0xbc: {  	v4 =	vld [tilespmem:s9+$0x14A0]  }
0xbd: {  	v46 =	vld [tilespmem:s9+$0x1CA0]  }
0xbe: {  	v43 =	vld [tilespmem:s9+$0x24A0]  }
0xbf: {  	v45 =	vmul.f32 v45, v2;
	v2 =	vld [tilespmem:$0x1FBE0]  }
0xc0: {  	[tilespmem:$0x1FCF0] =	vst v0;
	v0 =	vld [tilespmem:s9+$0x44B0]  }
0xc1: {  	v3 =	vld [tilespmem:$0x1FBF0]  }
0xc2: {  	v30 =	vld [tilespmem:s9+$0x1480]  }
0xc3: {  	v26 =	vld [tilespmem:s9+$0x2480]  }
0xc4: {  	v27 =	vld [tilespmem:s9+$0xC90]  }
0xc5: {  	[tilespmem:$0x1FDB0] =	vst v0;
	v0 =	vld [tilespmem:s9+$0x34C0]  }
0xc6: {  	v2 =	vmax.f32 v2, v3;
	v3 =	vld [tilespmem:$0x1FC10]  }
0xc7: {  	[tilespmem:$0x1FE70] =	vst v2;
	v2 =	vld [tilespmem:$0x1FC00]  }
0xc8: {  	v25 =	vld [tilespmem:s9+$0x1490]  }
0xc9: {  	v20 =	vld [tilespmem:s9+$0x1C90]  }
0xca: {  	[tilespmem:$0x1FD00] =	vst v0;
	v0 =	vld [tilespmem:s9+$0x4430]  }
0xcb: {  	v21 =	vld [tilespmem:s9+$0x2490]  }
0xcc: {  	[tilespmem:$0x1FD10] =	vst v4;
	v4 =	vld [tilespmem:s9+$0x2CB0];
	v2 =	vmin.f32 v2, v3  }
0xcd: {  	[tilespmem:$0x1FE80] =	vst v2;
	v2 =	vld [tilespmem:$0x1FC20]  }
0xce: {  	v3 =	vld [tilespmem:$0x1FC30]  }
0xcf: {  	[tilespmem:$0x1FDC0] =	vst v0;
	v0 =	vld [tilespmem:s9+$0x3C40]  }
0xd0: {  	v22 =	vld [tilespmem:s9+$0xC00]  }
0xd1: {  	v23 =	vld [tilespmem:s9+$0x1400]  }
0xd2: {  	[tilespmem:$0x1FD20] =	vst v4;
	v4 =	vld [tilespmem:s9+$0x34B0]  }
0xd3: {  	v28 =	vmul.f32 v28, v36;
	v36 =	vmax.f32 v2, v3;
	v2 =	vld [tilespmem:$0x1FC40]  }
0xd4: {  	v50 =	vmul.f32 v0, v50;
	v62 =	vmul.f32 v0, v62;
	v0 =	vld [tilespmem:$0x1FD10]  }
0xd5: {  	v19 =	vld [tilespmem:s9+$0x1C00]  }
0xd6: {  	v18 =	vld [tilespmem:s9+$0x2400]  }
0xd7: {  	v17 =	vld [tilespmem:s9+$0xC10]  }
0xd8: {  	v48 =	vmin.f32 v6, v7;
	[tilespmem:$0x1FE00] =	vst v5;
	v6 =	vmul.f32 v56, v2;
	v2 =	vld [tilespmem:$0x1FC50]  }
0xd9: {  	v46 =	vmax.f32 v55, v46;
	v5 =	vld [tilespmem:s9+$0x1C10];
	[tilespmem:$0x1FD30] =	vst v4;
	v55 =	vmin.f32 v0, v43;
	v0 =	vmin.f32 v30, v26  }
0xda: {  	v51 =	vld [tilespmem:s9+$0x2CC0];
	[tilespmem:$0x1FED0] =	vst v0;
	v0 =	vmax.f32 v27, v20  }
0xdb: {  	v1 =	vld [tilespmem:s9+$0x3CC0];
	[tilespmem:$0x1FF00] =	vst v0;
	v0 =	vmin.f32 v25, v21  }
0xdc: {  	v3 =	vld [tilespmem:$0x1FC70];
	[tilespmem:$0x1FEF0] =	vst v0;
	v0 =	vmax.f32 v22, v19  }
0xdd: {  	v56 =	vmul.f32 v56, v2;
	v2 =	vld [tilespmem:$0x1FC60];
	[tilespmem:$0x1FF30] =	vst v0;
	v0 =	vmin.f32 v23, v18  }
0xde: {  	v4 =	vld [tilespmem:s9+$0x3CB0];
	[tilespmem:$0x1FF20] =	vst v0;
	v0 =	vmax.f32 v17, v5  }
0xdf: {  	[tilespmem:$0x1FF50] =	vst v0;
	v0 =	vld [tilespmem:$0x1FD20]  }
0xe0: {  	v38 =	vld [tilespmem:s9+$0xC20]  }
0xe1: {  	v9 =	vld [tilespmem:s9+$0x2C30]  }
0xe2: {  	v34 =	vmin.f32 v2, v3;
	v2 =	vld [tilespmem:$0x1FC80]  }
0xe3: {  	v39 =	vld [tilespmem:s9+$0x1420]  }
0xe4: {  	v17 =	vadd.f32 v53, v15;
	v15 =	vmul.f32 v4, v0;
	v0 =	vld [tilespmem:$0x1FD30]  }
0xe5: {  	v33 =	vld [tilespmem:s9+$0x1C20]  }
0xe6: {  	[tilespmem:$0x1FD50] =	vst v9;
	v9 =	vld [tilespmem:s9+$0x3430]  }
0xe7: {  	v8 =	vmul.f32 v59, v2;
	v2 =	vld [tilespmem:$0x1FC90]  }
0xe8: {  	v37 =	vld [tilespmem:s9+$0x2420]  }
0xe9: {  	v4 =	vmul.f32 v4, v0;
	v0 =	vld [tilespmem:$0x1FD40]  }
0xea: {  	v57 =	vld [tilespmem:s9+$0x44A0]  }
0xeb: {  	v31 =	vmul.f32 v31, v47;
	[tilespmem:$0x1FD60] =	vst v9;
	v9 =	vld [tilespmem:s9+$0x3C30]  }
0xec: {  	v59 =	vmul.f32 v59, v2;
	v2 =	vld [tilespmem:$0x1FCA0]  }
0xed: {  	v3 =	vld [tilespmem:$0x1FCB0];
	v21 =	vadd.f32 v14, v16;
	v22 =	vadd.f32 v14, v31  }
0xee: {  	v14 =	vadd.f32 v0, v11;
	v23 =	vadd.f32 v0, v42;
	v0 =	vld [tilespmem:$0x1FD50]  }
0xef: {  	v60 =	vld [tilespmem:s9+$0x4420]  }
0xf0: {  	v29 =	vld [tilespmem:s9+$0xC80]  }
0xf1: {  	v24 =	vld [tilespmem:s9+$0x1C80]  }
0xf2: {  	v40 =	vmax.f32 v2, v3;
	v2 =	vld [tilespmem:$0x1FCC0]  }
0xf3: {  	v25 =	vmul.f32 v9, v0;
	v0 =	vld [tilespmem:$0x1FD60]  }
0xf4: {  	v3 =	vld [tilespmem:$0x1FCD0]  }
0xf5: {  	v7 =	vld [tilespmem:s9+$0x34A0]  }
0xf6: {  	v41 =	vmax.f32 v54, v41;
	v54 =	vld [tilespmem:s9+$0x3CA0]  }
0xf7: {  	v38 =	vmax.f32 v38, v33;
	v33 =	vld [tilespmem:s9+$0x3420]  }
0xf8: {  	v9 =	vmul.f32 v9, v0;
	v0 =	vld [tilespmem:$0x1FD70]  }
0xf9: {  	v47 =	vmin.f32 v2, v3;
	v3 =	vld [tilespmem:$0x1FCE0]  }
0xfa: {  	v63 =	vld [tilespmem:$0x1FCF0]  }
0xfb: {  	v37 =	vmin.f32 v39, v37;
	v39 =	vld [tilespmem:s9+$0x3C00]  }
0xfc: {  	v10 =	vld [tilespmem:s9+$0x2CA0]  }
0xfd: {  	v6 =	vadd.f32 v0, v6;
	v42 =	vadd.f32 v0, v56;
	v0 =	vld [tilespmem:$0x1FD80]  }
0xfe: {  	v13 =	vld [tilespmem:s9+$0x4480]  }
0xff: {  	v32 =	vmin.f32 v3, v63;
	v3 =	vld [tilespmem:$0x1FD00]  }
0x100: {  	v44 =	vld [tilespmem:s9+$0x4490]  }
0x101: {  	v7 =	vmul.f32 v54, v7;
	v2 =	vld [tilespmem:s9+$0x4400]  }
0x102: {  	v10 =	vmul.f32 v54, v10;
	v8 =	vadd.f32 v0, v8;
	v54 =	vadd.f32 v0, v59;
	v0 =	vld [tilespmem:$0x1FD90]  }
0x103: {  	v63 =	vmax.f32 v29, v24;
	v24 =	vld [tilespmem:s9+$0x3C20]  }
0x104: {  	v51 =	vmul.f32 v1, v51;
	v3 =	vmul.f32 v1, v3;
	v1 =	vld [tilespmem:s9+$0x2C20]  }
0x105: {  	v43 =	vld [tilespmem:s9+$0x2C10]  }
0x106: {  	v11 =	vld [tilespmem:$0x1FDB0]  }
0x107: {  	v51 =	vadd.f32 v0, v51;
	v3 =	vadd.f32 v0, v3;
	v0 =	vld [tilespmem:$0x1FDA0]  }
0x108: {  	v20 =	vld [tilespmem:s9+$0x2C80]  }
0x109: {  	v27 =	vld [tilespmem:s9+$0x3490]  }
0x10a: {  	v16 =	vld [tilespmem:s9+$0x2C90]  }
0x10b: {  	v18 =	vadd.f32 v53, v28;
	v28 =	vadd.f32 v61, v45;
	v45 =	vld [tilespmem:s9+$0x2C00]  }
0x10c: {  	v4 =	vadd.f32 v11, v4;
	v56 =	vld [tilespmem:s9+$0x3400];
	v50 =	vadd.f32 v0, v50  }
0x10d: {  	v62 =	vadd.f32 v0, v62;
	v0 =	vadd.f32 v11, v15;
	v11 =	vld [tilespmem:$0x1FDC0]  }
0x10e: {  	v19 =	vld [tilespmem:s9+$0x3C80]  }
0x10f: {  	v5 =	vld [tilespmem:s9+$0x3480]  }
0x110: {  	v31 =	vld [tilespmem:s9+$0x3C90]  }
0x111: {  	v29 =	vadd.f32 v61, v12;
	v53 =	vadd.f32 v57, v7;
	v7 =	vld [tilespmem:$0x1FDD0];
	v45 =	vmul.f32 v39, v45  }
0x112: {  	v1 =	vmul.f32 v24, v1;
	v56 =	vmul.f32 v39, v56;
	v61 =	vadd.f32 v11, v9;
	v9 =	vld [tilespmem:$0x1FDE0]  }
0x113: {  	v24 =	vmul.f32 v24, v33;
	v45 =	vadd.f32 v2, v45;
	v15 =	vmul.f32 v19, v20;
	v20 =	vld [tilespmem:s9+$0x3C10]  }
0x114: {  	v5 =	vmul.f32 v19, v5;
	v56 =	vadd.f32 v2, v56;
	v2 =	vsub.f32 v18, v17;
	v19 =	vld [tilespmem:s9+$0x3410]  }
0x115: {  	v16 =	vmul.f32 v31, v16;
	v27 =	vmul.f32 v31, v27;
	v31 =	vadd.f32 v57, v10;
	v10 =	vld [tilespmem:s9+$0x4410]  }
0x116: {  	v1 =	vadd.f32 v60, v1;
	v57 =	vadd.f32 v60, v24;
	[tilespmem:$0x1FF80] =	vst v2;
	v2 =	vld [tilespmem:$0x1FDF0]  }
0x117: {  	v60 =	vadd.f32 v44, v16;
	v26 =	vadd.f32 v44, v27;
	v44 =	vmin.f32 v7, v9;
	v7 =	vld [tilespmem:$0x1FE00]  }
0x118: {  	v59 =	vadd.f32 v13, v15  }
0x119: {  	v13 =	vadd.f32 v13, v5;
	v5 =	vmul.f32 v20, v43;
	v15 =	vmul.f32 v20, v19  }
0x11a: {  	v25 =	vadd.f32 v11, v25;
	v11 =	vsub.f32 v48, v58  }
0x11b: {  	v39 =	vadd.f32 v10, v5;
	v43 =	vadd.f32 v10, v15;
	v10 =	vmin.f32 v48, v18  }
0x11c: {  	v9 =	vld [tilespmem:$0x1FE30];
	v18 =	vsub.f32 v7, v2;
	v48 =	vmin.f32 v7, v22;
	v7 =	vsub.f32 v28, v29  }
0x11d: {  	v5 =	vmax.f32 v2, v21;
	v2 =	vld [tilespmem:$0x1FE10]  }
0x11e: {  	[tilespmem:$0x1FF90] =	vst v7;
	v7 =	vld [tilespmem:$0x1FE20];
	_ =	sdelay $0x4  }
0x11f: {  	v15 =	vsub.f32 v49, v2;
	v2 =	vmax.f32 v2, v29;
	v19 =	vsub.f32 v9, v7  }
0x120: {  	v29 =	vmax.f32 v7, v14;
	v7 =	vmin.f32 v9, v23;
	v9 =	vsub.f32 v23, v14;
	_ =	sdelay $0x1  }
0x121: {  	[tilespmem:$0x1FFB0] =	vst v9;
	v9 =	vsub.f32 v35, v52  }
0x122: {  	v33 =	vsub.f32 v54, v8;
	v52 =	vmax.f32 v52, v8;
	v8 =	vld [tilespmem:$0x1FE50]  }
0x123: {  	[tilespmem:$0x1FE40] =	vst v9;
	v9 =	vld [tilespmem:$0x1FE60];
	_ =	sdelay $0x3  }
0x124: {  	v30 =	vmax.f32 v58, v17;
	v58 =	vsub.f32 v42, v6;
	v49 =	vmin.f32 v49, v28  }
0x125: {  	v35 =	vmin.f32 v35, v54;
	v28 =	vsub.f32 v9, v8;
	v54 =	vmin.f32 v9, v42;
	v9 =	vld [tilespmem:$0x1FE70]  }
0x126: {  	v14 =	vsub.f32 v34, v36;
	v8 =	vmax.f32 v8, v6;
	v6 =	vmax.f32 v36, v50;
	v36 =	vld [tilespmem:$0x1FE80];
	_ =	sdelay $0x3  }
0x127: {  	v17 =	vsub.f32 v22, v21;
	v16 =	vmax.f32 v40, v0  }
0x128: {  	v22 =	vsub.f32 v62, v50;
	v42 =	vmin.f32 v34, v62;
	v12 =	vsub.f32 v36, v9  }
0x129: {  	v62 =	vmin.f32 v36, v3;
	v36 =	vsub.f32 v4, v0;
	v0 =	vsub.f32 v48, v5;
	_ =	sdelay $0x1  }
0x12a: {  	[tilespmem:$0x1FEA0] =	vst v0;
	v0 =	vsub.f32 v55, v46;
	_ =	sdelay $0x1  }
0x12b: {  	[tilespmem:$0x1FEB0] =	vst v0;
	v0 =	vmax.f32 v46, v31;
	v46 =	vsub.f32 v49, v2;
	v2 =	vsub.f32 v37, v38;
	_ =	sdelay $0x1  }
0x12c: {  	[tilespmem:$0x1FEC0] =	vst v2;
	v2 =	vld [tilespmem:$0x1FED0];
	_ =	sdelay $0x1  }
0x12d: {  	v27 =	vsub.f32 v3, v51  }
0x12e: {  	v20 =	vsub.f32 v61, v25;
	v23 =	vsub.f32 v47, v40;
	v40 =	vmin.f32 v47, v4  }
0x12f: {  	v47 =	vmax.f32 v38, v1;
	v3 =	vsub.f32 v32, v41;
	v41 =	vmax.f32 v41, v25;
	v5 =	vld [tilespmem:$0x1FF00]  }
0x130: {  	v25 =	vsub.f32 v57, v1;
	v1 =	vsub.f32 v2, v63;
	v49 =	vmin.f32 v2, v13;
	v2 =	vld [tilespmem:$0x1FEF0];
	_ =	sdelay $0x3  }
0x131: {  	v24 =	vsub.f32 v13, v59;
	[tilespmem:$0x1FE90] =	vst v3;
	v13 =	vsub.f32 v42, v6;
	v6 =	vld [tilespmem:$0x1FF30]  }
0x132: {  	v3 =	vsub.f32 v35, v52;
	v52 =	vmax.f32 v5, v60;
	[tilespmem:$0x1FEE0] =	vst v1;
	v1 =	vsub.f32 v2, v5;
	v5 =	vld [tilespmem:$0x1FF20];
	_ =	sdelay $0x3  }
0x133: {  	v32 =	vmin.f32 v32, v61;
	v61 =	vsub.f32 v10, v30  }
0x134: {  	v30 =	vsub.f32 v26, v60;
	v26 =	vmin.f32 v2, v26;
	v2 =	vsub.f32 v5, v6;
	_ =	sdelay $0x1  }
0x135: {  	[tilespmem:$0x1FF40] =	vst v2;
	v2 =	vld [tilespmem:$0x1FF50];
	_ =	sdelay $0x3  }
0x136: {  	v4 =	vmin.f32 v55, v53  }
0x137: {  	v42 =	vsub.f32 v4, v0;
	v0 =	vsub.f32 v44, v2;
	_ =	sdelay $0x1  }
0x138: {  	v4 =	vmin.f32 v44, v43;
	[tilespmem:$0x1FF60] =	vst v0;
	v0 =	vmax.f32 v2, v39  }
0x139: {  	v55 =	vsub.f32 v4, v0;
	v0 =	vld [tilespmem:$0x1FF80];
	_ =	sdelay $0x4  }
0x13a: {  	v21 =	vsub.f32 v53, v31;
	v53 =	vsub.f32 v0, v11;
	v0 =	vld [tilespmem:$0x1FF90];
	_ =	sdelay $0x1  }
0x13b: {  	v8 =	vsub.f32 v54, v8;
	v50 =	vmax.f32 v9, v51;
	v10 =	vmovc v15;
	v15 =	vsub.f32 v7, v29  }
0x13c: {  	s9 =	sshll.u32 s8, $0x5;
	v48 =	vmin.f32 v37, v57;
	v35 =	vsub.f32 v62, v50;
	v37 =	vsub.f32 v32, v41  }
0x13d: {  	s11 =	simm.s32 $0x1;
	v7 =	vmax.f32 v63, v59;
	v38 =	vsub.f32 v40, v16;
	v40 =	vsub.f32 v48, v47;
	[tilespmem:$0x1FF10] =	vst v1;
	v1 =	vld [tilespmem:s9+$0x800]  }
0x13e: {  	s10 =	simm.s32 $0x0;
	v51 =	vmov s11;
	v48 =	vsub.f32 v49, v7;
	v49 =	vsub.f32 v0, v10;
	v0 =	vld [tilespmem:$0x1FFB0]  }
0x13f: {  	v41 =	vsub.f32 v43, v39;
	v32 =	vmov s10;
	v47 =	vsub.f32 v17, v18  }
0x140: {  	v57 =	vmax.f32 v6, v45;
	v52 =	vsub.f32 v26, v52;
	v59 =	vmin.f32 v5, v56  }
0x141: {  	v62 =	vmovc v18;
	v43 =	vmul.f32 v15, v15;
	v6 =	vsub.f32 v56, v45;
	v54 =	vsub.f32 v59, v57  }
0x142: {  	v60 =	vmovc v11;
	v63 =	vmovc v19;
	v26 =	vperm.xlane v1, v32;
	[tilespmem:$0x1FFA0] =	vst v1;
	v44 =	vmul.f32 v46, v46;
	v2 =	vimm.f32 $0.0e+00  }
0x143: {  	s11 =	simm.s32 $0x400;
	v39 =	vsub.f32 v58, v28;
	[tilespmem:$0x1FF70] =	vst v2;
	v4 =	vperm.xlane v1, v51;
	v50 =	vsub.f32 v0, v19  }
.LBB2_3:
0x144: {  	s31 =	sshra.s32 s11, $0x2  }
0x145: {  	v1 =	vld [tilespmem:s31+$0x14F0];
	_ =	sdelay $0x4  }
0x146: {  	[tilespmem:$0x1F660] =	vst v1;
	v1 =	vld [tilespmem:s31+$0x1CF0];
	_ =	sdelay $0x4  }
0x147: {  	[tilespmem:$0x1F610] =	vst v1;
	v1 =	vld [tilespmem:s31+$0x24F0];
	_ =	sdelay $0x4  }
0x148: {  	[tilespmem:$0x1F670] =	vst v1;
	v1 =	vld [tilespmem:s31+$0xC70];
	_ =	sdelay $0x3  }
0x149: {  	v57 =	vmul.f32 v38, v38;
	v38 =	vld [tilespmem:$0x1FEC0]  }
0x14a: {  	[tilespmem:$0x1F620] =	vst v1;
	v1 =	vld [tilespmem:s31+$0x1470];
	_ =	sdelay $0x1  }
0x14b: {  	v19 =	vld [tilespmem:$0x1FF40]  }
0x14c: {  	v0 =	vld [tilespmem:s31+$0xCF0]  }
0x14d: {  	v2 =	vld [tilespmem:s31+$0x1C70]  }
0x14e: {  	[tilespmem:$0x1F640] =	vst v1;
	v1 =	vsub.f32 v25, v38;
	v25 =	vld [tilespmem:$0x1FEE0]  }
0x14f: {  	v11 =	vld [tilespmem:$0x1FE40]  }
0x150: {  	v31 =	vld [tilespmem:$0x1FF60]  }
0x151: {  	v45 =	vmul.f32 v8, v8;
	v7 =	vld [tilespmem:$0x1FE90];
	v50 =	vmul.f32 v50, v4  }
0x152: {  	v8 =	vsub.f32 v27, v12;
	v22 =	vsub.f32 v22, v14;
	[tilespmem:$0x1F600] =	vst v0;
	v0 =	vmul.f32 v35, v35;
	v35 =	vld [tilespmem:$0x1FEB0]  }
0x153: {  	v39 =	vmul.f32 v39, v4;
	v6 =	vsub.f32 v6, v19;
	[tilespmem:$0x1F630] =	vst v2;
	v2 =	vsub.f32 v24, v25;
	v24 =	vld [tilespmem:$0x1FF10]  }
0x154: {  	v34 =	vsub.f32 v36, v23;
	v36 =	vmul.f32 v48, v48;
	v48 =	vmul.f32 v53, v4  }
0x155: {  	v53 =	vmul.f32 v22, v26;
	v22 =	vsub.f32 v41, v31;
	v6 =	vmul.f32 v6, v26  }
0x156: {  	v56 =	vsub.f32 v33, v11;
	v20 =	vsub.f32 v20, v7;
	v8 =	vmul.f32 v8, v4  }
0x157: {  	v33 =	vmul.f32 v34, v4;
	v22 =	vmul.f32 v22, v26;
	v6 =	vadd.f32 v6, v19  }
0x158: {  	v20 =	vmul.f32 v20, v26;
	v5 =	vsub.f32 v21, v35;
	v30 =	vsub.f32 v30, v24  }
0x159: {  	v19 =	vadd.f32 v22, v31;
	v1 =	vmul.f32 v1, v26;
	v2 =	vmul.f32 v2, v4  }
0x15a: {  	v21 =	vmul.f32 v30, v4;
	v4 =	vmul.f32 v5, v4  }
0x15b: {  	v1 =	vadd.f32 v1, v38;
	v5 =	vmul.f32 v6, v6;
	v6 =	vmul.f32 v19, v19  }
0x15c: {  	v49 =	vmul.f32 v49, v26  }
0x15d: {  	v1 =	vmul.f32 v1, v1;
	v5 =	vadd.f32 v6, v5;
	v6 =	vadd.f32 v20, v7  }
0x15e: {  	v18 =	vadd.f32 v49, v10  }
0x15f: {  	v10 =	vld [tilespmem:s31+$0x24E0];
	v1 =	vadd.f32 v1, v5;
	v5 =	vmul.f32 v6, v6;
	v6 =	vadd.f32 v53, v14  }
0x160: {  	v46 =	vmul.f32 v3, v3;
	v15 =	vld [tilespmem:s31+$0x2470]  }
0x161: {  	v3 =	vmul.f32 v13, v13;
	v1 =	vadd.f32 v5, v1;
	v5 =	vmul.f32 v6, v6;
	v6 =	vld [tilespmem:s31+$0x2C70]  }
0x162: {  	v13 =	vmul.f32 v37, v37;
	v37 =	vmul.f32 v52, v52;
	v7 =	vld [tilespmem:s31+$0x34F0];
	_ =	sdelay $0x1  }
0x163: {  	v59 =	vmul.f32 v42, v42;
	v34 =	vadd.f32 v37, v36;
	[tilespmem:$0x1F6C0] =	vst v10;
	v10 =	vld [tilespmem:s31+$0xC60]  }
0x164: {  	[tilespmem:$0x1F650] =	vst v15  }
0x165: {  	v15 =	vld [tilespmem:s31+$0x44F0];
	[tilespmem:$0x1F6F0] =	vst v6;
	v6 =	vadd.f32 v59, v34  }
0x166: {  	[tilespmem:$0x1F6E0] =	vst v7;
	v7 =	vld [tilespmem:s31+$0x4460]  }
0x167: {  	v6 =	vadd.f32 v57, v6  }
0x168: {  	[tilespmem:$0x1F680] =	vst v10;
	v10 =	vld [tilespmem:s31+$0x1460]  }
0x169: {  	v0 =	vadd.f32 v0, v6;
	v6 =	vld [tilespmem:s31+$0x1CD0]  }
0x16a: {  	[tilespmem:$0x1F880] =	vst v15;
	v15 =	vld [tilespmem:s31+$0x4470]  }
0x16b: {  	[tilespmem:$0x1F8E0] =	vst v7;
	v7 =	vld [tilespmem:s31+$0x3470]  }
0x16c: {  	v58 =	vmul.f32 v40, v40;
	v40 =	vmul.f32 v54, v54  }
0x16d: {  	v42 =	vmul.f32 v55, v55;
	v52 =	vmul.f32 v56, v26;
	[tilespmem:$0x1F6D0] =	vst v10;
	v10 =	vld [tilespmem:s31+$0x44E0]  }
0x16e: {  	v2 =	vadd.f32 v2, v25;
	v21 =	vadd.f32 v21, v24;
	[tilespmem:$0x1F710] =	vst v6;
	v6 =	vld [tilespmem:s31+$0x24D0]  }
0x16f: {  	v47 =	vmul.f32 v47, v26;
	v55 =	vadd.f32 v42, v40;
	v37 =	vadd.f32 v52, v11;
	[tilespmem:$0x1F8A0] =	vst v15;
	v15 =	vld [tilespmem:s31+$0xCE0]  }
0x170: {  	v2 =	vmul.f32 v2, v2;
	v4 =	vadd.f32 v4, v35;
	v19 =	vmul.f32 v21, v21;
	[tilespmem:$0x1F700] =	vst v7;
	v7 =	vld [tilespmem:s31+$0xCD0]  }
0x171: {  	v16 =	vadd.f32 v47, v62;
	v1 =	vadd.f32 v5, v1;
	v5 =	vmul.f32 v37, v37  }
0x172: {  	[tilespmem:$0x1F8D0] =	vst v10;
	v10 =	vadd.f32 v33, v23;
	v4 =	vmul.f32 v4, v4;
	v2 =	vadd.f32 v19, v2  }
0x173: {  	v8 =	vadd.f32 v8, v12;
	v1 =	vadd.f32 v5, v1;
	v5 =	vmul.f32 v18, v18;
	[tilespmem:$0x1F750] =	vst v6;
	v6 =	vld [tilespmem:s31+$0xC50]  }
0x174: {  	[tilespmem:$0x1F690] =	vst v15;
	v15 =	vld [tilespmem:s31+$0x14E0];
	v2 =	vadd.f32 v4, v2;
	v4 =	vmul.f32 v10, v10;
	v10 =	vadd.f32 v58, v55  }
0x175: {  	v39 =	vadd.f32 v39, v28;
	v1 =	vadd.f32 v5, v1;
	v5 =	vmul.f32 v16, v16;
	[tilespmem:$0x1F720] =	vst v7;
	v7 =	vld [tilespmem:s31+$0x14D0]  }
0x176: {  	v2 =	vadd.f32 v4, v2;
	v4 =	vmul.f32 v8, v8;
	v8 =	vadd.f32 v13, v10  }
0x177: {  	v36 =	vadd.f32 v50, v63;
	v1 =	vadd.f32 v5, v1;
	v5 =	vld [tilespmem:s31+$0x1450]  }
0x178: {  	v2 =	vadd.f32 v4, v2;
	v4 =	vmul.f32 v39, v39;
	v3 =	vadd.f32 v3, v8;
	[tilespmem:$0x1F730] =	vst v6;
	v6 =	vld [tilespmem:$0x1FEA0]  }
0x179: {  	[tilespmem:$0x1F6B0] =	vst v15;
	v15 =	vadd.f32 v48, v60  }
0x17a: {  	v2 =	vadd.f32 v4, v2;
	v4 =	vmul.f32 v36, v36;
	v3 =	vadd.f32 v46, v3;
	[tilespmem:$0x1F740] =	vst v7;
	v7 =	vld [tilespmem:$0x1FFC0]  }
0x17b: {  	v0 =	vadd.f32 v45, v0  }
0x17c: {  	v2 =	vadd.f32 v4, v2;
	v4 =	vmul.f32 v15, v15;
	v3 =	vadd.f32 v44, v3  }
0x17d: {  	[tilespmem:$0x1F760] =	vst v5;
	v0 =	vadd.f32 v43, v0;
	v5 =	vmul.f32 v61, v61;
	v6 =	vmul.f32 v6, v6  }
0x17e: {  	v2 =	vadd.f32 v4, v2  }
0x17f: {  	v0 =	vadd.f32 v5, v0;
	v4 =	vperm.xlane v1, v7;
	v3 =	vadd.f32 v6, v3;
	v6 =	vld [tilespmem:s31+$0x2450];
	_ =	sdelay $0x1  }
0x180: {  	v1 =	vadd.f32 v1, v4;
	v4 =	vperm.xlane v0, v7;
	_ =	sdelay $0x1  }
0x181: {  	v0 =	vadd.f32 v0, v4;
	v4 =	vld [tilespmem:s31+$0x4450]  }
0x182: {  	[tilespmem:$0x1F770] =	vst v6;
	v6 =	vld [tilespmem:s31+$0x44D0];
	_ =	sdelay $0x2  }
0x183: {  	v5 =	vperm.xlane v2, v7  }
0x184: {  	[tilespmem:$0x1F900] =	vst v4  }
0x185: {  	v2 =	vadd.f32 v2, v5;
	v4 =	vld [tilespmem:$0x1FFD0];
	[tilespmem:$0x1F8F0] =	vst v6;
	v6 =	vperm.xlane v3, v7;
	_ =	sdelay $0x1  }
0x186: {  	v1 =	vperm.xlane v1, v7;
	v2 =	vperm.xlane v2, v7;
	v3 =	vadd.f32 v3, v6;
	_ =	sdelay $0x1  }
0x187: {  	v0 =	vsel vm0, v0, v2;
	v2 =	vld [tilespmem:s31+$0x3460];
	v1 =	vsel vm0, v3, v1  }
0x188: {  	v3 =	vperm.xlane v1, v4;
	_ =	sdelay $0x1  }
0x189: {  	v1 =	vadd.f32 v1, v3;
	v3 =	vld [tilespmem:$0x1FFE0];
	_ =	sdelay $0x1  }
0x18a: {  	[tilespmem:$0x1F790] =	vst v2;
	v2 =	vperm.xlane v0, v4;
	_ =	sdelay $0x1  }
0x18b: {  	v0 =	vadd.f32 v0, v2  }
0x18c: {  	v2 =	vperm.xlane v1, v3  }
0x18d: {  	v3 =	vperm.xlane v0, v3  }
0x18e: {  	v1 =	vadd.f32 v1, v2;
	v2 =	vld [tilespmem:s31+$0x1440]  }
0x18f: {  	v0 =	vadd.f32 v0, v3;
	v3 =	vld [tilespmem:$0x1FFF0];
	_ =	sdelay $0x4  }
0x190: {  	[tilespmem:$0x1F7C0] =	vst v2;
	v2 =	vperm.xlane v1, v3;
	_ =	sdelay $0x1  }
0x191: {  	v1 =	vadd.f32 v1, v2;
	v2 =	vld [tilespmem:s31+$0x44C0];
	_ =	sdelay $0x4  }
0x192: {  	[tilespmem:$0x1F910] =	vst v2;
	v2 =	vld [tilespmem:s31+$0x2CD0];
	_ =	sdelay $0x1  }
0x193: {  	v3 =	vperm.xlane v0, v3;
	_ =	sdelay $0x1  }
0x194: {  	v0 =	vadd.f32 v0, v3;
	v3 =	vimm.s32 $0x8  }
0x195: {  	[tilespmem:$0x1F7A0] =	vst v2;
	v2 =	vperm.xlane v1, v3;
	_ =	sdelay $0x1  }
0x196: {  	(erf) = vrcp.f32 v2;
	v2 =	vld [tilespmem:s31+$0x4440];
	_ =	sdelay $0x4  }
0x197: {  	[tilespmem:$0x1F920] =	vst v2;
	v2 =	vld [tilespmem:s31+$0x2C50];
	_ =	sdelay $0x4  }
0x198: {  	[tilespmem:$0x1F7E0] =	vst v2;
	v2 =	vld [tilespmem:s31+$0x3450];
	_ =	sdelay $0x4  }
0x199: {  	[tilespmem:$0x1F7F0] =	vst v2;
	v2 =	vld [tilespmem:s31+$0xCB0];
	_ =	sdelay $0x4  }
0x19a: {  	[tilespmem:$0x1F800] =	vst v2;
	v2 =	vld [tilespmem:s31+$0x14B0];
	_ =	sdelay $0x4  }
0x19b: {  	[tilespmem:$0x1F820] =	vst v2;
	v2 =	vld [tilespmem:s31+$0x1CB0];
	_ =	sdelay $0x3  }
0x19c: {  	v7 =	vld [tilespmem:s31+$0x2440]  }
0x19d: {  	v3 =	vperm.xlane v0, v3;
	[tilespmem:$0x1F810] =	vst v2;
	v2 =	vld [tilespmem:s31+$0x24B0];
	_ =	sdelay $0x1  }
0x19e: {  	(erf) = vrcp.f32 v3;
	_ =	sdelay $0x1  }
0x19f: {  	[tilespmem:$0x1F7D0] =	vst v7  }
0x1a0: {  	v7 =	vld [tilespmem:s31+$0x34D0];
	[tilespmem:$0x1F830] =	vst v2;
	v2 =	vimm.s32 $0x0  }
0x1a1: {  	v1 =	vperm.xlane v1, v2;
	v0 =	vperm.xlane v0, v2;
	v2 =	vld [tilespmem:s31+$0x1430];
	_ =	sdelay $0x1  }
0x1a2: {  	v3 =	vld [tilespmem:$0x1FF70];
	_ =	sdelay $0x1  }
0x1a3: {  	[tilespmem:$0x1F7B0] =	vst v7;
	v7 =	vpop (erf)  }
0x1a4: {  	v1 =	vmul.f32 v7, v1;
	v7 =	vpop (erf);
	[tilespmem:$0x1F840] =	vst v2;
	v2 =	vlaneseq.u32  }
0x1a5: {  	v0 =	vmul.f32 v7, v0;
	vm1 =	veq.s32 v32, v2  }
0x1a6: {  	v1 =	vsel vm1, v1, v3;
	vm1 =	veq.s32 v51, v2  }
0x1a7: {  	v0 =	vsel vm1, v0, v1  }
0x1a8: {  	[tilespmem:$0x1FF70] =	vst v0;
	v0 =	vld [tilespmem:s31+$0x4430];
	_ =	sdelay $0x4  }
0x1a9: {  	[tilespmem:$0x1F940] =	vst v0;
	v0 =	vld [tilespmem:s31+$0x14A0];
	_ =	sdelay $0x4  }
0x1aa: {  	[tilespmem:$0x1F850] =	vst v0;
	v0 =	vld [tilespmem:s31+$0x24A0];
	_ =	sdelay $0x4  }
0x1ab: {  	[tilespmem:$0x1F860] =	vst v0;
	v0 =	vld [tilespmem:s31+$0x44A0];
	_ =	sdelay $0x4  }
0x1ac: {  	[tilespmem:$0x1F950] =	vst v0;
	v0 =	vld [tilespmem:s31+$0x34B0];
	_ =	sdelay $0x4  }
0x1ad: {  	[tilespmem:$0x1F870] =	vst v0;
	v0 =	vld [tilespmem:s31+$0x4420];
	_ =	sdelay $0x4  }
0x1ae: {  	[tilespmem:$0x1F960] =	vst v0;
	v0 =	vld [tilespmem:s31+$0x2C30];
	_ =	sdelay $0x4  }
0x1af: {  	[tilespmem:$0x1F890] =	vst v0;
	v0 =	vld [tilespmem:s31+$0x3430];
	_ =	sdelay $0x3  }
0x1b0: {  	v1 =	vld [tilespmem:$0x1F610]  }
0x1b1: {  	[tilespmem:$0x1F8C0] =	vst v0;
	v0 =	vld [tilespmem:$0x1F600];
	_ =	sdelay $0x4  }
0x1b2: {  	v15 =	vmax.f32 v0, v1;
	v0 =	vld [tilespmem:$0x1F620]  }
0x1b3: {  	v1 =	vld [tilespmem:$0x1F630];
	_ =	sdelay $0x4  }
0x1b4: {  	v42 =	vmax.f32 v0, v1;
	v0 =	vld [tilespmem:$0x1F640]  }
0x1b5: {  	v1 =	vld [tilespmem:$0x1F650];
	_ =	sdelay $0x4  }
0x1b6: {  	v14 =	vmin.f32 v0, v1;
	v0 =	vld [tilespmem:$0x1F660]  }
0x1b7: {  	v1 =	vld [tilespmem:$0x1F670];
	_ =	sdelay $0x2  }
0x1b8: {  	v17 =	vld [tilespmem:s31+$0x1CE0]  }
0x1b9: {  	v24 =	vld [tilespmem:s31+$0x1C60]  }
0x1ba: {  	v7 =	vmin.f32 v0, v1;
	v0 =	vld [tilespmem:$0x1F680];
	_ =	sdelay $0x2  }
0x1bb: {  	[tilespmem:$0x1F6A0] =	vst v17  }
0x1bc: {  	v1 =	vld [tilespmem:$0x1F6A0]  }
0x1bd: {  	v17 =	vmax.f32 v0, v24;
	v0 =	vld [tilespmem:$0x1F690];
	_ =	sdelay $0x4  }
0x1be: {  	v12 =	vmax.f32 v0, v1;
	v0 =	vld [tilespmem:$0x1F6B0]  }
0x1bf: {  	v1 =	vld [tilespmem:$0x1F6C0];
	_ =	sdelay $0x3  }
0x1c0: {  	v50 =	vld [tilespmem:s31+$0x2460]  }
0x1c1: {  	v10 =	vmin.f32 v0, v1;
	v0 =	vld [tilespmem:$0x1F6D0];
	_ =	sdelay $0x3  }
0x1c2: {  	v20 =	vld [tilespmem:s31+$0x3CF0]  }
0x1c3: {  	v51 =	vmin.f32 v0, v50;
	v0 =	vld [tilespmem:$0x1F6E0];
	_ =	sdelay $0x4  }
0x1c4: {  	v0 =	vmul.f32 v20, v0  }
0x1c5: {  	v11 =	vld [tilespmem:s31+$0x3C70]  }
0x1c6: {  	[tilespmem:$0x1F8B0] =	vst v0;
	v0 =	vld [tilespmem:$0x1F6F0];
	_ =	sdelay $0x4  }
0x1c7: {  	v53 =	vmul.f32 v11, v0;
	v0 =	vld [tilespmem:$0x1F700];
	_ =	sdelay $0x3  }
0x1c8: {  	v1 =	vld [tilespmem:$0x1F720]  }
0x1c9: {  	v60 =	vmul.f32 v11, v0;
	v0 =	vld [tilespmem:$0x1F710];
	_ =	sdelay $0x3  }
0x1ca: {  	v19 =	vld [tilespmem:s31+$0x1C50]  }
0x1cb: {  	v11 =	vmax.f32 v1, v0;
	v0 =	vld [tilespmem:$0x1F730];
	_ =	sdelay $0x3  }
0x1cc: {  	v1 =	vld [tilespmem:$0x1F750]  }
0x1cd: {  	v50 =	vmax.f32 v0, v19;
	v0 =	vld [tilespmem:$0x1F740];
	_ =	sdelay $0x3  }
0x1ce: {  	v5 =	vld [tilespmem:s31+$0x34E0]  }
0x1cf: {  	v9 =	vmin.f32 v0, v1;
	v0 =	vld [tilespmem:$0x1F760]  }
0x1d0: {  	v1 =	vld [tilespmem:$0x1F770];
	_ =	sdelay $0x1  }
0x1d1: {  	v54 =	vld [tilespmem:s31+$0x3CE0]  }
0x1d2: {  	v47 =	vld [tilespmem:s31+$0x2CE0]  }
0x1d3: {  	v52 =	vld [tilespmem:s31+$0x2CF0];
	[tilespmem:$0x1F780] =	vst v5  }
0x1d4: {  	v8 =	vmin.f32 v0, v1;
	v0 =	vld [tilespmem:$0x1F780];
	_ =	sdelay $0x2  }
0x1d5: {  	v57 =	vld [tilespmem:s31+$0x3C60]  }
0x1d6: {  	v56 =	vmul.f32 v20, v52;
	v6 =	vld [tilespmem:s31+$0x2C60]  }
0x1d7: {  	v52 =	vmul.f32 v54, v47;
	v54 =	vmul.f32 v54, v0;
	v0 =	vld [tilespmem:$0x1F790];
	_ =	sdelay $0x3  }
0x1d8: {  	v63 =	vld [tilespmem:s31+$0x3CD0]  }
0x1d9: {  	v48 =	vmul.f32 v57, v6;
	v57 =	vmul.f32 v57, v0;
	v0 =	vld [tilespmem:$0x1F7A0]  }
0x1da: {  	v41 =	vld [tilespmem:s31+$0x1C40]  }
0x1db: {  	v55 =	vld [tilespmem:s31+$0xC40]  }
0x1dc: {  	v5 =	vld [tilespmem:s31+$0x1CC0]  }
0x1dd: {  	v4 =	vld [tilespmem:s31+$0xCC0]  }
0x1de: {  	v47 =	vmul.f32 v63, v0;
	v0 =	vld [tilespmem:$0x1F7B0];
	_ =	sdelay $0x3  }
0x1df: {  	v1 =	vld [tilespmem:$0x1F7D0]  }
0x1e0: {  	v6 =	vmax.f32 v4, v5;
	v5 =	vmax.f32 v55, v41;
	v55 =	vmul.f32 v63, v0;
	v0 =	vld [tilespmem:$0x1F7C0]  }
0x1e1: {  	v29 =	vld [tilespmem:s31+$0x3C30]  }
0x1e2: {  	v49 =	vld [tilespmem:s31+$0x2430]  }
0x1e3: {  	v62 =	vld [tilespmem:s31+$0xCA0]  }
0x1e4: {  	v43 =	vld [tilespmem:s31+$0x3C50]  }
0x1e5: {  	v63 =	vmin.f32 v0, v1;
	v0 =	vld [tilespmem:$0x1F7E0]  }
0x1e6: {  	v40 =	vld [tilespmem:s31+$0x1CA0]  }
0x1e7: {  	v38 =	vld [tilespmem:s31+$0x3440]  }
0x1e8: {  	v2 =	vld [tilespmem:s31+$0x44B0]  }
0x1e9: {  	v58 =	vld [tilespmem:s31+$0x1C30]  }
0x1ea: {  	v41 =	vmul.f32 v43, v0;
	v0 =	vld [tilespmem:$0x1F7F0]  }
0x1eb: {  	v39 =	vld [tilespmem:s31+$0x2C40]  }
0x1ec: {  	v61 =	vld [tilespmem:s31+$0xC30]  }
0x1ed: {  	[tilespmem:$0x1F930] =	vst v2;
	v2 =	vld [tilespmem:s31+$0x3C40]  }
0x1ee: {  	v1 =	vld [tilespmem:$0x1F810]  }
0x1ef: {  	v43 =	vmul.f32 v43, v0;
	v0 =	vld [tilespmem:$0x1F800]  }
0x1f0: {  	v28 =	vld [tilespmem:s31+$0x2480]  }
0x1f1: {  	v37 =	vld [tilespmem:s31+$0xC20]  }
0x1f2: {  	v59 =	vld [tilespmem:s31+$0x1C20]  }
0x1f3: {  	v39 =	vmul.f32 v2, v39;
	v38 =	vmul.f32 v2, v38;
	v2 =	vld [tilespmem:$0x1F850]  }
0x1f4: {  	v4 =	vmax.f32 v61, v58;
	v58 =	vmax.f32 v0, v1;
	v0 =	vld [tilespmem:$0x1F820]  }
0x1f5: {  	v1 =	vld [tilespmem:$0x1F830]  }
0x1f6: {  	v62 =	vmax.f32 v62, v40;
	v40 =	vld [tilespmem:$0x1F860]  }
0x1f7: {  	v23 =	vld [tilespmem:s31+$0x14C0]  }
0x1f8: {  	v18 =	vld [tilespmem:s31+$0x24C0]  }
0x1f9: {  	v27 =	vld [tilespmem:s31+$0x2490]  }
0x1fa: {  	v31 =	vld [tilespmem:s31+$0x3CB0];
	v61 =	vmin.f32 v0, v1  }
0x1fb: {  	v22 =	vld [tilespmem:s31+$0x2400];
	v1 =	vmax.f32 v37, v59;
	v59 =	vmin.f32 v2, v40;
	v2 =	vsub.f32 v7, v15  }
0x1fc: {  	v33 =	vld [tilespmem:s31+$0xC90]  }
0x1fd: {  	v26 =	vld [tilespmem:s31+$0xC00];
	v3 =	vmin.f32 v23, v18;
	[tilespmem:$0x1FAD0] =	vst v2;
	v2 =	vsub.f32 v14, v42  }
0x1fe: {  	v25 =	vld [tilespmem:s31+$0x1C90];
	[tilespmem:$0x1FA20] =	vst v3  }
0x1ff: {  	v30 =	vld [tilespmem:s31+$0xC80];
	[tilespmem:$0x1FAE0] =	vst v2;
	v2 =	vsub.f32 v10, v12  }
0x200: {  	v35 =	vld [tilespmem:s31+$0x1490];
	[tilespmem:$0x1F990] =	vst v42  }
0x201: {  	v21 =	vld [tilespmem:s31+$0x1C00];
	[tilespmem:$0x1FAB0] =	vst v2;
	v2 =	vsub.f32 v51, v17  }
0x202: {  	v13 =	vld [tilespmem:s31+$0x2420];
	[tilespmem:$0x1F9A0] =	vst v14  }
0x203: {  	v34 =	vld [tilespmem:s31+$0x1420];
	[tilespmem:$0x1FB00] =	vst v2;
	v2 =	vsub.f32 v9, v11  }
0x204: {  	v16 =	vld [tilespmem:s31+$0x1C80];
	[tilespmem:$0x1F980] =	vst v7  }
0x205: {  	v46 =	vld [tilespmem:s31+$0x2CC0];
	[tilespmem:$0x1FB20] =	vst v2;
	v2 =	vsub.f32 v8, v50  }
0x206: {  	v36 =	vld [tilespmem:s31+$0x2CB0];
	[tilespmem:$0x1F9C0] =	vst v17  }
0x207: {  	v0 =	vld [tilespmem:$0x1F840];
	[tilespmem:$0x1FE40] =	vst v2;
	v2 =	vsub.f32 v3, v6  }
0x208: {  	v44 =	vld [tilespmem:s31+$0x34C0];
	[tilespmem:$0x1F9B0] =	vst v12  }
0x209: {  	v23 =	vld [tilespmem:s31+$0x1410];
	[tilespmem:$0x1FB10] =	vst v2;
	v2 =	vsub.f32 v63, v5  }
0x20a: {  	v18 =	vld [tilespmem:s31+$0x1C10];
	[tilespmem:$0x1F9D0] =	vst v10  }
0x20b: {  	v20 =	vld [tilespmem:s31+$0xC10];
	[tilespmem:$0x1FB40] =	vst v2;
	v2 =	vsub.f32 v61, v58  }
0x20c: {  	v19 =	vld [tilespmem:s31+$0x2410];
	[tilespmem:$0x1FA00] =	vst v8;
	v0 =	vmin.f32 v0, v49  }
0x20d: {  	v13 =	vmin.f32 v34, v13;
	v34 =	vld [tilespmem:s31+$0x2CA0];
	[tilespmem:$0x1FB30] =	vst v2;
	v2 =	vsub.f32 v0, v4  }
0x20e: {  	v45 =	vld [tilespmem:s31+$0x3CC0];
	[tilespmem:$0x1FA60] =	vst v1  }
0x20f: {  	v32 =	vld [tilespmem:s31+$0x1480];
	v10 =	vmax.f32 v33, v25;
	v8 =	vmin.f32 v35, v27;
	[tilespmem:$0x1FE90] =	vst v2;
	v2 =	vsub.f32 v59, v62  }
0x210: {  	v24 =	vld [tilespmem:s31+$0x1400];
	[tilespmem:$0x1FA50] =	vst v0;
	v0 =	vsub.f32 v13, v1;
	v1 =	vsub.f32 v8, v10  }
0x211: {  	v37 =	vld [tilespmem:s31+$0x34A0];
	v42 =	vmax.f32 v20, v18;
	[tilespmem:$0x1FEB0] =	vst v2;
	v2 =	vmin.f32 v23, v19  }
0x212: {  	v40 =	vld [tilespmem:s31+$0x3CA0];
	[tilespmem:$0x1FF10] =	vst v1;
	v1 =	vsub.f32 v2, v42  }
0x213: {  	[tilespmem:$0x1F9F0] =	vst v9;
	v14 =	vld [tilespmem:s31+$0x2C20]  }
0x214: {  	[tilespmem:$0x1FF60] =	vst v1;
	v1 =	vld [tilespmem:$0x1F870]  }
0x215: {  	v16 =	vmax.f32 v30, v16;
	v7 =	vmin.f32 v32, v28;
	v12 =	vld [tilespmem:s31+$0x2C90];
	[tilespmem:$0x1FEC0] =	vst v0  }
0x216: {  	v3 =	vmin.f32 v24, v22;
	v0 =	vsub.f32 v7, v16;
	[tilespmem:$0x1FAF0] =	vst v2;
	v2 =	vld [tilespmem:$0x1F890]  }
0x217: {  	v17 =	vld [tilespmem:s31+$0x3420];
	v9 =	vmax.f32 v26, v21;
	[tilespmem:$0x1FAC0] =	vst v3  }
0x218: {  	[tilespmem:$0x1FEE0] =	vst v0;
	v0 =	vsub.f32 v3, v9;
	v3 =	vld [tilespmem:$0x1F8B0]  }
0x219: {  	[tilespmem:$0x1F970] =	vst v15;
	v15 =	vmul.f32 v31, v1;
	v1 =	vld [tilespmem:$0x1F880]  }
0x21a: {  	[tilespmem:$0x1F9E0] =	vst v11;
	v11 =	vld [tilespmem:s31+$0x2C00]  }
0x21b: {  	v36 =	vmul.f32 v31, v36;
	v31 =	vmul.f32 v29, v2;
	v2 =	vld [tilespmem:$0x1F8A0]  }
0x21c: {  	v26 =	vld [tilespmem:s31+$0x3410]  }
0x21d: {  	[tilespmem:$0x1FA10] =	vst v6;
	v6 =	vld [tilespmem:s31+$0x3C20]  }
0x21e: {  	v20 =	vadd.f32 v1, v56;
	v35 =	vadd.f32 v1, v3;
	v1 =	vld [tilespmem:$0x1F8C0]  }
0x21f: {  	v24 =	vld [tilespmem:s31+$0x3C90]  }
0x220: {  	v28 =	vadd.f32 v2, v53;
	v33 =	vadd.f32 v2, v60;
	v2 =	vld [tilespmem:$0x1F8E0]  }
0x221: {  	[tilespmem:$0x1FA40] =	vst v4;
	v4 =	vld [tilespmem:s31+$0x2C80]  }
0x222: {  	[tilespmem:$0x1FA90] =	vst v10;
	v10 =	vld [tilespmem:s31+$0x3490]  }
0x223: {  	[tilespmem:$0x1FA70] =	vst v16;
	v16 =	vmul.f32 v29, v1;
	v1 =	vld [tilespmem:$0x1F8D0]  }
0x224: {  	[tilespmem:$0x1FA80] =	vst v7;
	v7 =	vld [tilespmem:s31+$0x3C80]  }
0x225: {  	v25 =	vadd.f32 v2, v48;
	v57 =	vadd.f32 v2, v57;
	v2 =	vld [tilespmem:$0x1F900]  }
0x226: {  	[tilespmem:$0x1FAA0] =	vst v9;
	v9 =	vmul.f32 v6, v14;
	v14 =	vld [tilespmem:$0x1F940]  }
0x227: {  	v19 =	vld [tilespmem:s31+$0x3C00]  }
0x228: {  	v27 =	vadd.f32 v1, v52;
	v54 =	vadd.f32 v1, v54;
	v1 =	vld [tilespmem:$0x1F8F0]  }
0x229: {  	[tilespmem:$0x1FF40] =	vst v0;
	v0 =	vld [tilespmem:s31+$0x3480]  }
0x22a: {  	[tilespmem:$0x1FA30] =	vst v5;
	v5 =	vmul.f32 v6, v17;
	v21 =	vadd.f32 v2, v41;
	v6 =	vadd.f32 v2, v43;
	v2 =	vld [tilespmem:$0x1F920]  }
0x22b: {  	v31 =	vadd.f32 v14, v31;
	v16 =	vadd.f32 v14, v16;
	v14 =	vld [tilespmem:$0x1F950]  }
0x22c: {  	v46 =	vmul.f32 v45, v46;
	v44 =	vmul.f32 v45, v44;
	v23 =	vld [tilespmem:$0x1F960]  }
0x22d: {  	v34 =	vmul.f32 v40, v34;
	v22 =	vadd.f32 v1, v47;
	v29 =	vadd.f32 v1, v55;
	v1 =	vld [tilespmem:$0x1F910]  }
0x22e: {  	v37 =	vmul.f32 v40, v37;
	v12 =	vmul.f32 v24, v12;
	v53 =	vld [tilespmem:s31+$0x3400]  }
0x22f: {  	v39 =	vadd.f32 v2, v39;
	v38 =	vadd.f32 v2, v38;
	v2 =	vmul.f32 v7, v0;
	v0 =	vld [tilespmem:$0x1F930]  }
0x230: {  	v10 =	vmul.f32 v24, v10;
	v24 =	vadd.f32 v14, v34;
	v37 =	vadd.f32 v14, v37;
	v14 =	vld [tilespmem:$0x1F9D0]  }
0x231: {  	v56 =	vld [tilespmem:s31+$0x2C10]  }
0x232: {  	v17 =	vadd.f32 v1, v46;
	v44 =	vadd.f32 v1, v44;
	v1 =	vld [tilespmem:s31+$0x3C10]  }
0x233: {  	v30 =	vld [tilespmem:s31+$0x4400]  }
0x234: {  	v4 =	vmul.f32 v7, v4;
	v7 =	vadd.f32 v0, v36;
	v15 =	vadd.f32 v0, v15;
	v0 =	vld [tilespmem:s31+$0x4410]  }
0x235: {  	v34 =	vmin.f32 v14, v54;
	v14 =	vld [tilespmem:$0x1F9E0]  }
0x236: {  	v11 =	vmul.f32 v19, v11;
	v19 =	vmul.f32 v19, v53  }
0x237: {  	v40 =	vadd.f32 v23, v5;
	v5 =	vmul.f32 v1, v56;
	v1 =	vmul.f32 v1, v26  }
0x238: {  	v18 =	vadd.f32 v30, v19  }
0x239: {  	v19 =	vadd.f32 v0, v5;
	v0 =	vadd.f32 v0, v1;
	v1 =	vld [tilespmem:$0x1F970]  }
0x23a: {  	v43 =	vmax.f32 v50, v21;
	v50 =	vmax.f32 v14, v22;
	v14 =	vld [tilespmem:$0x1F9F0];
	_ =	sdelay $0x2  }
0x23b: {  	v45 =	vld [tilespmem:s31+$0x4490]  }
0x23c: {  	v3 =	vmax.f32 v1, v20;
	v1 =	vld [tilespmem:$0x1F980]  }
0x23d: {  	v48 =	vmin.f32 v14, v29;
	v14 =	vld [tilespmem:$0x1FA00];
	_ =	sdelay $0x2  }
0x23e: {  	v49 =	vld [tilespmem:s31+$0x4480]  }
0x23f: {  	v26 =	vmin.f32 v1, v35;
	v1 =	vld [tilespmem:$0x1F990]  }
0x240: {  	v12 =	vadd.f32 v45, v12;
	v10 =	vadd.f32 v45, v10;
	v45 =	vmin.f32 v14, v6;
	v14 =	vld [tilespmem:$0x1FA10];
	_ =	sdelay $0x3  }
0x241: {  	v4 =	vadd.f32 v49, v4;
	v46 =	vadd.f32 v49, v2;
	v49 =	vmax.f32 v1, v28;
	v1 =	vld [tilespmem:$0x1F9A0]  }
0x242: {  	v52 =	vmax.f32 v14, v17;
	v14 =	vld [tilespmem:$0x1FA20];
	_ =	sdelay $0x1  }
0x243: {  	v56 =	vmin.f32 v61, v15;
	v61 =	vsub.f32 v26, v3;
	v3 =	vld [tilespmem:$0x1FA90]  }
0x244: {  	v9 =	vadd.f32 v23, v9;
	v2 =	vld [tilespmem:$0x1F9C0]  }
0x245: {  	v28 =	vsub.f32 v33, v28;
	v5 =	vmin.f32 v1, v33;
	v33 =	vsub.f32 v6, v21;
	v6 =	vld [tilespmem:$0x1FA60]  }
0x246: {  	v11 =	vadd.f32 v30, v11;
	v23 =	vsub.f32 v35, v20;
	v53 =	vmin.f32 v14, v44;
	v14 =	vld [tilespmem:$0x1FA30]  }
0x247: {  	v51 =	vmin.f32 v51, v57;
	v57 =	vsub.f32 v57, v25;
	v30 =	vsub.f32 v10, v12  }
0x248: {  	v10 =	vmin.f32 v8, v10;
	v36 =	vsub.f32 v15, v7;
	v20 =	vld [tilespmem:$0x1FA50];
	v12 =	vmax.f32 v3, v12  }
0x249: {  	v47 =	vmax.f32 v58, v7;
	v35 =	vsub.f32 v53, v52;
	v52 =	vsub.f32 v10, v12;
	v10 =	vld [tilespmem:$0x1FB00]  }
0x24a: {  	v2 =	vmax.f32 v2, v25;
	v25 =	vsub.f32 v40, v9;
	v7 =	vmax.f32 v6, v9;
	v9 =	vld [tilespmem:$0x1FA70]  }
0x24b: {  	v55 =	vmax.f32 v14, v39;
	v14 =	vld [tilespmem:$0x1FA40];
	v5 =	vsub.f32 v5, v49  }
0x24c: {  	v1 =	vld [tilespmem:$0x1F9B0]  }
0x24d: {  	v63 =	vmin.f32 v63, v38;
	v15 =	vmin.f32 v13, v40;
	v29 =	vsub.f32 v29, v22;
	[tilespmem:$0x1FEA0] =	vst v5;
	v5 =	vld [tilespmem:$0x1FA80]  }
0x24e: {  	v22 =	vsub.f32 v38, v39;
	v39 =	vmax.f32 v62, v24;
	v21 =	vsub.f32 v37, v24;
	v62 =	vld [tilespmem:$0x1FAE0]  }
0x24f: {  	v24 =	vsub.f32 v46, v4;
	v13 =	vsub.f32 v63, v55;
	v4 =	vmax.f32 v9, v4;
	v9 =	vld [tilespmem:$0x1FAA0]  }
0x250: {  	v63 =	vld [tilespmem:$0x1FAB0];
	v60 =	vmax.f32 v14, v31;
	v14 =	vsub.f32 v54, v27;
	v54 =	vmin.f32 v20, v16  }
0x251: {  	v58 =	vmin.f32 v59, v37;
	v2 =	vsub.f32 v51, v2;
	v37 =	vsub.f32 v54, v60;
	v60 =	vld [tilespmem:$0x1FAD0]  }
0x252: {  	s10 =	sadd.s32 $0x2, s10;
	v38 =	vsub.f32 v56, v47;
	v40 =	vsub.f32 v15, v7;
	v7 =	vld [tilespmem:$0x1FAF0];
	v5 =	vmin.f32 v5, v46  }
0x253: {  	v32 =	vmov s10;
	v8 =	vsub.f32 v48, v50;
	v48 =	vsub.f32 v5, v4;
	v4 =	vld [tilespmem:$0x1FFA0]  }
0x254: {  	v41 =	vsub.f32 v0, v19;
	v6 =	vsub.f32 v18, v11;
	v11 =	vmax.f32 v9, v11;
	v9 =	vld [tilespmem:$0x1FAC0]  }
0x255: {  	s15 =	sadd.s32 $0x1, s10;
	v3 =	vsub.f32 v45, v43;
	v1 =	vmax.f32 v1, v27;
	v47 =	vsub.f32 v28, v62;
	v28 =	vld [tilespmem:$0x1FB20]  }
0x256: {  	p0 =	sne.s32 s11, $0x1C00;
	v51 =	vmov s15;
	v49 =	vsub.f32 v57, v10;
	v1 =	vsub.f32 v34, v1  }
.Ltmp2:
0x257: {  	v27 =	vsub.f32 v44, v17;
	v20 =	vsub.f32 v16, v31;
	v44 =	vmul.f32 v2, v2;
	(pc) =	sbr.rel @p0 .LBB2_3-.Ltmp2, $4  }
0x258: {  	v50 =	vsub.f32 v14, v63;
	v43 =	vmul.f32 v1, v1;
	v0 =	vmin.f32 v7, v0  }
0x259: {  	v12 =	vld [tilespmem:$0x1FB10];
	v53 =	vsub.f32 v23, v60;
	v26 =	vperm.xlane v4, v32;
	v59 =	vmin.f32 v9, v18  }
0x25a: {  	v14 =	vld [tilespmem:$0x1FB40];
	v18 =	vmax.f32 v42, v19;
	v42 =	vsub.f32 v58, v39;
	v39 =	vsub.f32 v29, v28  }
0x25b: {  	s11 =	sadd.s32 $0x400, s11;
	v23 =	vld [tilespmem:$0x1FB30];
	v4 =	vperm.xlane v4, v51;
	v54 =	vsub.f32 v59, v11;
	v55 =	vsub.f32 v0, v18  }
0x25c: {  	v1 =	vmul.f32 v3, v3;
	v2 =	vmul.f32 v8, v8  }
0x25d: {  	v3 =	vmul.f32 v13, v13;
	v7 =	vmul.f32 v35, v35  }
0x25e: {  	v45 =	vld [tilespmem:$0x1FE40];
	v8 =	vmul.f32 v37, v37;
	v11 =	vmul.f32 v38, v38  }
0x25f: {  	v13 =	vmul.f32 v42, v42;
	v16 =	vmul.f32 v48, v48;
	v46 =	vld [tilespmem:$0x1FEE0]  }
0x260: {  	v17 =	vmul.f32 v52, v52;
	v58 =	vld [tilespmem:$0x1FF10];
	v18 =	vmul.f32 v54, v54  }
0x261: {  	v59 =	vld [tilespmem:$0x1FF40];
	v19 =	vmul.f32 v55, v55;
	v29 =	vmul.f32 v39, v4;
	v5 =	vsub.f32 v27, v12  }
0x262: {  	v37 =	vmovc v10;
	v31 =	vld [tilespmem:$0x1FF60];
	v27 =	vmul.f32 v50, v4;
	v16 =	vadd.f32 v17, v16;
	v10 =	vsub.f32 v22, v14  }
0x263: {  	v54 =	vld [tilespmem:$0x1FEB0];
	v34 =	vmovc v14;
	v22 =	vmul.f32 v47, v26;
	v18 =	vadd.f32 v19, v18;
	v14 =	vsub.f32 v36, v23  }
0x264: {  	v36 =	vld [tilespmem:$0x1FE90];
	v56 =	vmovc v23;
	v23 =	vmul.f32 v53, v4;
	v5 =	vmul.f32 v5, v4;
	v13 =	vadd.f32 v13, v16  }
0x265: {  	v55 =	vld [tilespmem:$0x1FEC0];
	v0 =	vsub.f32 v33, v45;
	v33 =	vmovc v12;
	v12 =	vmul.f32 v40, v40;
	v24 =	vsub.f32 v24, v46  }
0x266: {  	v57 =	vmovc v28;
	v28 =	vsub.f32 v30, v58;
	v6 =	vsub.f32 v6, v59;
	v10 =	vmul.f32 v10, v26  }
0x267: {  	v30 =	vsub.f32 v41, v31;
	v17 =	vadd.f32 v22, v62;
	v14 =	vmul.f32 v14, v4  }
0x268: {  	v22 =	vadd.f32 v23, v60;
	v5 =	vadd.f32 v5, v33;
	v6 =	vmul.f32 v6, v26  }
0x269: {  	v23 =	vmul.f32 v30, v26;
	v10 =	vadd.f32 v10, v34;
	v15 =	vsub.f32 v20, v36  }
0x26a: {  	v20 =	vsub.f32 v21, v54;
	v21 =	vsub.f32 v25, v55;
	v25 =	vmul.f32 v49, v26  }
0x26b: {  	v19 =	vmul.f32 v24, v4;
	v6 =	vadd.f32 v6, v59;
	v23 =	vadd.f32 v23, v31  }
0x26c: {  	v15 =	vmul.f32 v15, v26;
	v24 =	vadd.f32 v25, v37;
	v21 =	vmul.f32 v21, v26  }
0x26d: {  	v25 =	vadd.f32 v27, v63;
	v27 =	vmul.f32 v28, v4;
	v4 =	vmul.f32 v20, v4  }
0x26e: {  	v6 =	vmul.f32 v6, v6;
	v20 =	vmul.f32 v23, v23;
	v21 =	vadd.f32 v21, v55  }
0x26f: {  	v0 =	vmul.f32 v0, v26;
	v19 =	vadd.f32 v19, v46;
	v26 =	vadd.f32 v27, v58  }
0x270: {  	v6 =	vadd.f32 v20, v6;
	v15 =	vadd.f32 v15, v36;
	v20 =	vmul.f32 v21, v21  }
0x271: {  	v19 =	vmul.f32 v19, v19;
	v4 =	vadd.f32 v4, v54;
	v23 =	vmul.f32 v26, v26  }
0x272: {  	v12 =	vadd.f32 v12, v18;
	v15 =	vmul.f32 v15, v15;
	v6 =	vadd.f32 v20, v6  }
0x273: {  	v14 =	vadd.f32 v14, v56;
	v4 =	vmul.f32 v4, v4;
	v19 =	vadd.f32 v23, v19  }
0x274: {  	v0 =	vadd.f32 v0, v45;
	v10 =	vmul.f32 v10, v10;
	v6 =	vadd.f32 v15, v6  }
0x275: {  	v8 =	vadd.f32 v8, v12;
	v14 =	vmul.f32 v14, v14;
	v4 =	vadd.f32 v4, v19  }
0x276: {  	v28 =	vadd.f32 v29, v57;
	v0 =	vmul.f32 v0, v0;
	v6 =	vadd.f32 v10, v6  }
0x277: {  	v5 =	vmul.f32 v5, v5;
	v4 =	vadd.f32 v14, v4;
	v10 =	vadd.f32 v11, v13  }
0x278: {  	v3 =	vadd.f32 v3, v8;
	v0 =	vadd.f32 v0, v6;
	v6 =	vmul.f32 v24, v24  }
0x279: {  	v4 =	vadd.f32 v5, v4;
	v5 =	vmul.f32 v28, v28;
	v7 =	vadd.f32 v7, v10  }
0x27a: {  	v1 =	vadd.f32 v1, v3;
	v0 =	vadd.f32 v6, v0;
	v6 =	vld [tilespmem:$0x1FEA0]  }
0x27b: {  	v4 =	vadd.f32 v5, v4;
	v5 =	vmul.f32 v25, v25;
	v2 =	vadd.f32 v2, v7;
	v7 =	vld [tilespmem:$0x1FFC0]  }
0x27c: {  	v3 =	vmul.f32 v17, v17  }
0x27d: {  	v1 =	vadd.f32 v44, v1;
	v4 =	vadd.f32 v5, v4;
	v5 =	vmul.f32 v22, v22  }
0x27e: {  	v0 =	vadd.f32 v3, v0;
	v2 =	vadd.f32 v43, v2  }
0x27f: {  	v3 =	vmul.f32 v61, v61;
	v4 =	vadd.f32 v5, v4;
	v6 =	vmul.f32 v6, v6  }
0x280: {  	v5 =	vperm.xlane v0, v7  }
0x281: {  	v2 =	vadd.f32 v3, v2;
	v3 =	vperm.xlane v4, v7;
	v1 =	vadd.f32 v6, v1  }
0x282: {  	v0 =	vadd.f32 v0, v5  }
0x283: {  	v5 =	vperm.xlane v2, v7;
	v3 =	vadd.f32 v4, v3;
	v4 =	vld [tilespmem:$0x1FFD0];
	v6 =	vperm.xlane v1, v7  }
0x284: {  	v0 =	vperm.xlane v0, v7  }
0x285: {  	v2 =	vadd.f32 v2, v5;
	v3 =	vperm.xlane v3, v7;
	v1 =	vadd.f32 v1, v6;
	_ =	sdelay $0x1  }
0x286: {  	v2 =	vsel vm0, v2, v3;
	v0 =	vsel vm0, v1, v0  }
0x287: {  	v3 =	vperm.xlane v2, v4;
	v1 =	vperm.xlane v0, v4;
	_ =	sdelay $0x1  }
0x288: {  	v0 =	vadd.f32 v0, v1;
	v1 =	vadd.f32 v2, v3;
	v3 =	vld [tilespmem:$0x1FFE0];
	_ =	sdelay $0x4  }
0x289: {  	v2 =	vperm.xlane v0, v3;
	v3 =	vperm.xlane v1, v3;
	_ =	sdelay $0x1  }
0x28a: {  	v1 =	vadd.f32 v1, v3;
	v3 =	vld [tilespmem:$0x1FFF0];
	_ =	sdelay $0x2  }
0x28b: {  	v0 =	vadd.f32 v0, v2;
	_ =	sdelay $0x1  }
0x28c: {  	v2 =	vperm.xlane v0, v3  }
0x28d: {  	v3 =	vperm.xlane v1, v3  }
0x28e: {  	v0 =	vadd.f32 v0, v2  }
0x28f: {  	v1 =	vadd.f32 v1, v3;
	v3 =	vimm.s32 $0x8  }
0x290: {  	v2 =	vperm.xlane v0, v3  }
0x291: {  	v3 =	vperm.xlane v1, v3  }
0x292: {  	(erf) = vrcp.f32 v2  }
0x293: {  	(erf) = vrcp.f32 v3;
	_ =	sdelay $0x4  }
0x294: {  	v2 =	vimm.s32 $0x0;
	_ =	sdelay $0x1  }
0x295: {  	v0 =	vperm.xlane v0, v2;
	v3 =	vld [tilespmem:$0x1FF70]  }
0x296: {  	v1 =	vperm.xlane v1, v2;
	v2 =	vpop (erf)  }
0x297: {  	v0 =	vmul.f32 v2, v0;
	v2 =	vpop (erf)  }
0x298: {  	v1 =	vmul.f32 v2, v1;
	v2 =	vlaneseq.u32  }
0x299: {  	vm1 =	veq.s32 v32, v2  }
0x29a: {  	v0 =	vsel vm1, v0, v3;
	vm1 =	veq.s32 v51, v2  }
0x29b: {  	p0 =	seq.s32 s8, $0xF;
	v0 =	vsel vm1, v1, v0  }
0x29c: {  	s10 =	sadd.s32 @!p0 $0x20, s9;
	s11 =	simm.s32 @!p0 $0x10;
	s15 =	simm.s32 @!p0 $0xC00;
	[tilespmem:s9+$0xA00] =	vst v0  }
0x29d: {  	[tilespmem:s15], [sflag:$0x1] =	stream.indirect.gather @!p0 [hbm4b:s1+s11], $0x80, s10, s11, $0xb8;
	[tilespmem:$0x8C00] =	vst v63  }
0x29e: {  	s15 =	simm.s32 @!p0 $0x1400  }
0x29f: {  	[tilespmem:s15], [sflag:$0x1] =	stream.indirect.gather @!p0 [hbm4b:s2+s11], $0x80, s10, s11, $0xb8;
	[tilespmem:$0x8C00] =	vst v63  }
0x2a0: {  	s10 =	sadd.s32 @!p0 $0x220, s9;
	s15 =	simm.s32 @!p0 $0x1C00  }
0x2a1: {  	[tilespmem:s15], [sflag:$0x1] =	stream.indirect.gather @!p0 [hbm4b:s1+s11], $0x80, s10, s11, $0xb8;
	[tilespmem:$0x8C00] =	vst v63  }
0x2a2: {  	s15 =	simm.s32 @!p0 $0x2400  }
0x2a3: {  	[tilespmem:s15], [sflag:$0x1] =	stream.indirect.gather @!p0 [hbm4b:s2+s11], $0x80, s10, s11, $0xb8;
	[tilespmem:$0x8C00] =	vst v63  }
0x2a4: {  	s10 =	sadd.s32 @!p0 $0x420, s9;
	s15 =	simm.s32 @!p0 $0x2C00  }
0x2a5: {  	[tilespmem:s15], [sflag:$0x1] =	stream.indirect.gather @!p0 [hbm4b:s1+s11], $0x80, s10, s11, $0xb8;
	[tilespmem:$0x8C00] =	vst v63  }
0x2a6: {  	s15 =	simm.s32 @!p0 $0x3400  }
0x2a7: {  	[tilespmem:s15], [sflag:$0x1] =	stream.indirect.gather @!p0 [hbm4b:s2+s11], $0x80, s10, s11, $0xb8;
	[tilespmem:$0x8C00] =	vst v63  }
0x2a8: {  	s10 =	sadd.s32 @!p0 $0x620, s9;
	s15 =	simm.s32 @!p0 $0x3C00  }
0x2a9: {  	[tilespmem:s15], [sflag:$0x1] =	stream.indirect.gather @!p0 [hbm4b:s5+s11], $0x80, s10, s11, $0xb8;
	[tilespmem:$0x8C00] =	vst v63  }
0x2aa: {  	s15 =	simm.s32 @!p0 $0x4400  }
0x2ab: {  	[tilespmem:s15], [sflag:$0x1] =	stream.indirect.gather @!p0 [hbm4b:s6+s11], $0x80, s10, s11, $0xb8;
	[tilespmem:$0x8C00] =	vst v63  }
0x2ac: {  	_ =	swait.ge [sflag:s25], $0x800  }
0x2ad: {  	[sflag:s25] =	ssyncset.done $0x0  }
0x2ae: {  	[sflag:s25] =	ssyncadd.s32 $0xFFFFF800  }
0x2af: {  	_ =	swait.ge [sflag:s25], $0x800  }
0x2b0: {  	[sflag:s25] =	ssyncset.done $0x0  }
0x2b1: {  	[sflag:s25] =	ssyncadd.s32 $0xFFFFF800  }
0x2b2: {  	_ =	swait.ge [sflag:s25], $0x800  }
0x2b3: {  	[sflag:s25] =	ssyncset.done $0x0  }
0x2b4: {  	[sflag:s25] =	ssyncadd.s32 $0xFFFFF800  }
0x2b5: {  	_ =	swait.ge [sflag:s25], $0x800  }
0x2b6: {  	[sflag:s25] =	ssyncset.done $0x0  }
0x2b7: {  	[sflag:s25] =	ssyncadd.s32 $0xFFFFF800  }
0x2b8: {  	_ =	swait.ge [sflag:s25], $0x800  }
0x2b9: {  	[sflag:s25] =	ssyncset.done $0x0  }
0x2ba: {  	[sflag:s25] =	ssyncadd.s32 $0xFFFFF800  }
0x2bb: {  	_ =	swait.ge [sflag:s25], $0x800  }
0x2bc: {  	[sflag:s25] =	ssyncset.done $0x0  }
0x2bd: {  	[sflag:s25] =	ssyncadd.s32 $0xFFFFF800  }
0x2be: {  	_ =	swait.ge [sflag:s25], $0x800  }
0x2bf: {  	[sflag:s25] =	ssyncset.done $0x0  }
0x2c0: {  	[sflag:s25] =	ssyncadd.s32 $0xFFFFF800  }
0x2c1: {  	_ =	swait.ge [sflag:s25], $0x800  }
0x2c2: {  	[sflag:s25] =	ssyncset.done $0x0  }
0x2c3: {  	s11 =	simm.s32 $0x0;
	[sflag:s25] =	ssyncadd.s32 $0xFFFFF800  }
0x2c4: {  	v0 =	vld [tilespmem:s11+$0x5CD0];
	_ =	sdelay $0x4  }
0x2c5: {  	[tilespmem:$0x1F1A0] =	vst v0;
	v0 =	vld [tilespmem:s11+$0x64D0];
	_ =	sdelay $0x4  }
0x2c6: {  	[tilespmem:$0x1F1D0] =	vst v0;
	v0 =	vld [tilespmem:s11+$0x4C50];
	_ =	sdelay $0x4  }
0x2c7: {  	[tilespmem:$0x1F1B0] =	vst v0;
	v0 =	vld [tilespmem:s11+$0x5C50];
	_ =	sdelay $0x4  }
0x2c8: {  	[tilespmem:$0x1F1C0] =	vst v0;
	v0 =	vld [tilespmem:s11+$0x6450];
	_ =	sdelay $0x4  }
0x2c9: {  	[tilespmem:$0x1F200] =	vst v0;
	v0 =	vld [tilespmem:s11+$0x84D0];
	_ =	sdelay $0x4  }
0x2ca: {  	[tilespmem:$0x1F3C0] =	vst v0;
	v0 =	vld [tilespmem:s11+$0x6CE0];
	_ =	sdelay $0x4  }
0x2cb: {  	[tilespmem:$0x1F1E0] =	vst v0;
	v0 =	vld [tilespmem:s11+$0x74E0];
	_ =	sdelay $0x4  }
0x2cc: {  	[tilespmem:$0x1F1F0] =	vst v0;
	v0 =	vld [tilespmem:s11+$0x8450];
	_ =	sdelay $0x3  }
0x2cd: {  	v15 =	vld [tilespmem:s11+$0x4CE0]  }
0x2ce: {  	[tilespmem:$0x1F3D0] =	vst v0;
	v0 =	vld [tilespmem:s11+$0x6C60]  }
0x2cf: {  	v16 =	vld [tilespmem:s11+$0x54E0]  }
0x2d0: {  	v5 =	vld [tilespmem:s11+$0x4C60]  }
0x2d1: {  	v3 =	vld [tilespmem:s11+$0x5C60]  }
0x2d2: {  	v34 =	vld [tilespmem:s11+$0x5CE0]  }
0x2d3: {  	[tilespmem:$0x1F210] =	vst v0;
	v0 =	vld [tilespmem:s11+$0x7460]  }
0x2d4: {  	v35 =	vld [tilespmem:s11+$0x64E0];
	_ =	sdelay $0x1  }
0x2d5: {  	v6 =	vld [tilespmem:s11+$0x4CF0];
	v3 =	vmax.f32 v5, v3  }
0x2d6: {  	v10 =	vld [tilespmem:s11+$0x5CF0];
	[tilespmem:$0x1F460] =	vst v3  }
0x2d7: {  	v3 =	vmax.f32 v15, v34;
	[tilespmem:$0x1F220] =	vst v0;
	v0 =	vld [tilespmem:s11+$0x4CC0]  }
0x2d8: {  	v12 =	vld [tilespmem:s11+$0x4C70];
	[tilespmem:$0x1F470] =	vst v3;
	v3 =	vmin.f32 v16, v35  }
0x2d9: {  	[tilespmem:$0x1F480] =	vst v3;
	v3 =	vld [tilespmem:s11+$0x5410]  }
0x2da: {  	v11 =	vld [tilespmem:s11+$0x5470]  }
0x2db: {  	v18 =	vld [tilespmem:s11+$0x5C70]  }
0x2dc: {  	[tilespmem:$0x1F230] =	vst v0;
	v0 =	vld [tilespmem:s11+$0x54C0]  }
0x2dd: {  	v58 =	vld [tilespmem:s11+$0x4CD0]  }
0x2de: {  	[tilespmem:$0x1F420] =	vst v3;
	v3 =	vld [tilespmem:$0x1F1A0]  }
0x2df: {  	v17 =	vld [tilespmem:s11+$0x6470];
	_ =	sdelay $0x1  }
0x2e0: {  	[tilespmem:$0x1F250] =	vst v0;
	v0 =	vld [tilespmem:s11+$0x5CC0]  }
0x2e1: {  	v53 =	vmax.f32 v6, v10;
	v6 =	vmax.f32 v12, v18  }
0x2e2: {  	[tilespmem:$0x1F440] =	vst v6;
	v3 =	vmax.f32 v58, v3  }
0x2e3: {  	v6 =	vmin.f32 v11, v17;
	[tilespmem:$0x1F4A0] =	vst v3;
	v3 =	vld [tilespmem:$0x1F1B0]  }
0x2e4: {  	[tilespmem:$0x1F450] =	vst v6;
	v6 =	vld [tilespmem:$0x1F1C0]  }
0x2e5: {  	[tilespmem:$0x1F240] =	vst v0;
	v0 =	vld [tilespmem:s11+$0x64C0];
	_ =	sdelay $0x3  }
0x2e6: {  	v58 =	vmax.f32 v3, v6;
	v3 =	vld [tilespmem:s11+$0x6410]  }
0x2e7: {  	[tilespmem:$0x1F260] =	vst v0;
	v0 =	vld [tilespmem:s11+$0x4C40];
	_ =	sdelay $0x2  }
0x2e8: {  	v38 =	vld [tilespmem:s11+$0x54D0]  }
0x2e9: {  	[tilespmem:$0x1F430] =	vst v3;
	v3 =	vld [tilespmem:$0x1F1D0]  }
0x2ea: {  	[tilespmem:$0x1F270] =	vst v0;
	v0 =	vld [tilespmem:s11+$0x5440]  }
0x2eb: {  	v7 =	vld [tilespmem:s11+$0x54F0]  }
0x2ec: {  	v8 =	vld [tilespmem:s11+$0x64F0]  }
0x2ed: {  	v44 =	vld [tilespmem:s11+$0x84F0]  }
0x2ee: {  	v42 =	vld [tilespmem:s11+$0x7CE0]  }
0x2ef: {  	v3 =	vmin.f32 v38, v3;
	[tilespmem:$0x1F2B0] =	vst v0;
	v0 =	vld [tilespmem:s11+$0x5C40]  }
0x2f0: {  	[tilespmem:$0x1F4B0] =	vst v3;
	v3 =	vld [tilespmem:$0x1F1E0]  }
0x2f1: {  	v14 =	vld [tilespmem:s11+$0x8470]  }
0x2f2: {  	v26 =	vld [tilespmem:s11+$0x5460]  }
0x2f3: {  	v48 =	vld [tilespmem:s11+$0x6CF0]  }
0x2f4: {  	[tilespmem:$0x1F280] =	vst v0;
	v0 =	vld [tilespmem:s11+$0x6440]  }
0x2f5: {  	v11 =	vmul.f32 v42, v3;
	v3 =	vld [tilespmem:$0x1F1F0]  }
0x2f6: {  	v37 =	vld [tilespmem:s11+$0x74F0]  }
0x2f7: {  	v28 =	vld [tilespmem:s11+$0x7CF0]  }
0x2f8: {  	v39 =	vld [tilespmem:s11+$0x5450]  }
0x2f9: {  	[tilespmem:$0x1F2C0] =	vst v0;
	v0 =	vld [tilespmem:s11+$0x84C0]  }
0x2fa: {  	v42 =	vmul.f32 v42, v3;
	v3 =	vld [tilespmem:$0x1F200]  }
0x2fb: {  	v36 =	vld [tilespmem:s11+$0x6460]  }
0x2fc: {  	v63 =	vld [tilespmem:s11+$0x84E0]  }
0x2fd: {  	v45 =	vld [tilespmem:s11+$0x7C60]  }
0x2fe: {  	[tilespmem:$0x1F3E0] =	vst v0;
	v0 =	vld [tilespmem:s11+$0x6CD0]  }
0x2ff: {  	v15 =	vmul.f32 v28, v48;
	v28 =	vmul.f32 v28, v37;
	v37 =	vmin.f32 v39, v3;
	v3 =	vld [tilespmem:$0x1F210]  }
0x300: {  	v46 =	vld [tilespmem:s11+$0x8460]  }
0x301: {  	v57 =	vld [tilespmem:s11+$0x6C70]  }
0x302: {  	v40 =	vld [tilespmem:s11+$0x7470]  }
0x303: {  	[tilespmem:$0x1F290] =	vst v0;
	v0 =	vld [tilespmem:s11+$0x74D0]  }
0x304: {  	v12 =	vmul.f32 v45, v3;
	v3 =	vld [tilespmem:$0x1F220]  }
0x305: {  	v31 =	vld [tilespmem:s11+$0x7C70]  }
0x306: {  	v56 =	vld [tilespmem:s11+$0x7CD0]  }
0x307: {  	v59 =	vld [tilespmem:s11+$0x7C50]  }
0x308: {  	[tilespmem:$0x1F2A0] =	vst v0;
	v0 =	vld [tilespmem:s11+$0x8440]  }
0x309: {  	v45 =	vmul.f32 v45, v3;
	v3 =	vld [tilespmem:$0x1F230]  }
0x30a: {  	v6 =	vld [tilespmem:$0x1F240]  }
0x30b: {  	v55 =	vld [tilespmem:s11+$0x4C30]  }
0x30c: {  	v41 =	vld [tilespmem:s11+$0x5C30]  }
0x30d: {  	[tilespmem:$0x1F3F0] =	vst v0;
	v0 =	vld [tilespmem:s11+$0x6C50]  }
0x30e: {  	v51 =	vld [tilespmem:s11+$0x6CC0]  }
0x30f: {  	v3 =	vmax.f32 v3, v6;
	v6 =	vld [tilespmem:$0x1F260]  }
0x310: {  	[tilespmem:$0x1F4C0] =	vst v3;
	v3 =	vld [tilespmem:$0x1F250]  }
0x311: {  	v1 =	vld [tilespmem:s11+$0x7CC0]  }
0x312: {  	[tilespmem:$0x1F2D0] =	vst v0;
	v0 =	vld [tilespmem:s11+$0x7450]  }
0x313: {  	v50 =	vld [tilespmem:s11+$0x6C40]  }
0x314: {  	v62 =	vld [tilespmem:s11+$0x7440]  }
0x315: {  	v54 =	vld [tilespmem:s11+$0x4CA0];
	v3 =	vmin.f32 v3, v6  }
0x316: {  	[tilespmem:$0x1F4D0] =	vst v3;
	v3 =	vld [tilespmem:$0x1F270]  }
0x317: {  	[tilespmem:$0x1F2E0] =	vst v0;
	v0 =	vld [tilespmem:s11+$0x4CB0]  }
0x318: {  	v6 =	vld [tilespmem:$0x1F280]  }
0x319: {  	v2 =	vld [tilespmem:s11+$0x54A0]  }
0x31a: {  	v47 =	vld [tilespmem:s11+$0x5CA0]  }
0x31b: {  	v32 =	vld [tilespmem:s11+$0x4C20]  }
0x31c: {  	[tilespmem:$0x1F2F0] =	vst v0;
	v0 =	vld [tilespmem:s11+$0x54B0]  }
0x31d: {  	v38 =	vmax.f32 v3, v6;
	v3 =	vld [tilespmem:$0x1F290]  }
0x31e: {  	v43 =	vld [tilespmem:s11+$0x5420]  }
0x31f: {  	v33 =	vld [tilespmem:s11+$0x5C20]  }
0x320: {  	v13 =	vld [tilespmem:s11+$0x6420]  }
0x321: {  	[tilespmem:$0x1F310] =	vst v0;
	v0 =	vld [tilespmem:s11+$0x5CB0]  }
0x322: {  	v6 =	vmul.f32 v56, v3;
	v3 =	vld [tilespmem:$0x1F2A0]  }
0x323: {  	v61 =	vld [tilespmem:s11+$0x84A0]  }
0x324: {  	[tilespmem:$0x1F360] =	vst v2;
	v2 =	vld [tilespmem:s11+$0x64A0]  }
0x325: {  	v49 =	vmin.f32 v7, v8;
	v7 =	vld [tilespmem:$0x1F2C0]  }
0x326: {  	[tilespmem:$0x1F300] =	vst v0;
	v0 =	vld [tilespmem:s11+$0x64B0]  }
0x327: {  	v56 =	vmul.f32 v56, v3;
	v3 =	vld [tilespmem:$0x1F2B0]  }
0x328: {  	v4 =	vld [tilespmem:s11+$0x7CB0]  }
0x329: {  	v29 =	vld [tilespmem:s11+$0x4C80]  }
0x32a: {  	[tilespmem:$0x1F370] =	vst v2;
	v2 =	vld [tilespmem:s11+$0x6CB0]  }
0x32b: {  	[tilespmem:$0x1F320] =	vst v0;
	v0 =	vld [tilespmem:s11+$0x5430]  }
0x32c: {  	v34 =	vmin.f32 v3, v7;
	v3 =	vld [tilespmem:$0x1F2D0]  }
0x32d: {  	v30 =	vld [tilespmem:s11+$0x5480]  }
0x32e: {  	v27 =	vld [tilespmem:s11+$0x4C90]  }
0x32f: {  	[tilespmem:$0x1F380] =	vst v2;
	v2 =	vld [tilespmem:s11+$0x74B0]  }
0x330: {  	[tilespmem:$0x1F330] =	vst v0;
	v0 =	vld [tilespmem:s11+$0x6430]  }
0x331: {  	v8 =	vmul.f32 v59, v3;
	v3 =	vld [tilespmem:$0x1F2E0]  }
0x332: {  	v25 =	vld [tilespmem:s11+$0x5490]  }
0x333: {  	v20 =	vld [tilespmem:s11+$0x5C90]  }
0x334: {  	[tilespmem:$0x1F390] =	vst v2;
	v2 =	vld [tilespmem:s11+$0x6C30]  }
0x335: {  	[tilespmem:$0x1F340] =	vst v0;
	v0 =	vld [tilespmem:s11+$0x84B0]  }
0x336: {  	v59 =	vmul.f32 v59, v3;
	v3 =	vld [tilespmem:$0x1F2F0]  }
0x337: {  	v16 =	vmul.f32 v31, v57;
	v31 =	vmul.f32 v31, v40;
	v40 =	vld [tilespmem:$0x1F300]  }
0x338: {  	v21 =	vld [tilespmem:s11+$0x6490]  }
0x339: {  	v22 =	vld [tilespmem:s11+$0x4C00]  }
0x33a: {  	[tilespmem:$0x1F400] =	vst v0;
	v0 =	vld [tilespmem:s11+$0x74C0]  }
0x33b: {  	[tilespmem:$0x1F3A0] =	vst v2;
	v2 =	vld [tilespmem:s11+$0x7430]  }
0x33c: {  	v48 =	vmax.f32 v3, v40;
	v3 =	vld [tilespmem:$0x1F310]  }
0x33d: {  	v39 =	vmax.f32 v55, v41;
	v41 =	vld [tilespmem:$0x1F320]  }
0x33e: {  	v23 =	vld [tilespmem:s11+$0x5400]  }
0x33f: {  	[tilespmem:$0x1F350] =	vst v0;
	v0 =	vld [tilespmem:s11+$0x8430]  }
0x340: {  	v19 =	vld [tilespmem:s11+$0x5C00]  }
0x341: {  	[tilespmem:$0x1F3B0] =	vst v2;
	v2 =	vld [tilespmem:s11+$0x6480]  }
0x342: {  	v40 =	vmin.f32 v3, v41;
	v3 =	vld [tilespmem:$0x1F330]  }
0x343: {  	v57 =	vld [tilespmem:$0x1F340]  }
0x344: {  	[tilespmem:$0x1F410] =	vst v0;
	v0 =	vld [tilespmem:s11+$0x7C40]  }
0x345: {  	v18 =	vld [tilespmem:s11+$0x6400]  }
0x346: {  	v5 =	vld [tilespmem:s11+$0x5C10]  }
0x347: {  	v17 =	vld [tilespmem:s11+$0x4C10]  }
0x348: {  	v52 =	vmin.f32 v26, v36;
	v36 =	vmin.f32 v3, v57;
	v57 =	vmin.f32 v43, v13;
	v13 =	vld [tilespmem:$0x1F360]  }
0x349: {  	v2 =	vmin.f32 v30, v2;
	v50 =	vmul.f32 v0, v50;
	v0 =	vmul.f32 v0, v62;
	v62 =	vld [tilespmem:$0x1F370]  }
0x34a: {  	v24 =	vld [tilespmem:s11+$0x5C80];
	[tilespmem:$0x1F520] =	vst v2;
	v2 =	vmax.f32 v27, v20  }
0x34b: {  	v60 =	vld [tilespmem:s11+$0x8420];
	[tilespmem:$0x1F550] =	vst v2;
	v2 =	vmin.f32 v25, v21  }
0x34c: {  	v9 =	vld [tilespmem:s11+$0x7C30];
	[tilespmem:$0x1F540] =	vst v2;
	v2 =	vmax.f32 v22, v19  }
0x34d: {  	v26 =	vld [tilespmem:s11+$0x8480];
	[tilespmem:$0x1F580] =	vst v2;
	v2 =	vmin.f32 v23, v18  }
0x34e: {  	v10 =	vld [tilespmem:s11+$0x6CA0];
	v22 =	vadd.f32 v14, v31;
	[tilespmem:$0x1F570] =	vst v2;
	v2 =	vmax.f32 v17, v5;
	v62 =	vmin.f32 v13, v62  }
0x34f: {  	v13 =	vmax.f32 v29, v24;
	v29 =	vadd.f32 v14, v16;
	v14 =	vadd.f32 v63, v11;
	v11 =	vld [tilespmem:$0x1F3C0]  }
0x350: {  	[tilespmem:$0x1F5A0] =	vst v2;
	v2 =	vld [tilespmem:$0x1F380]  }
0x351: {  	v47 =	vmax.f32 v54, v47;
	v54 =	vmax.f32 v32, v33;
	v33 =	vld [tilespmem:s11+$0x7420]  }
0x352: {  	v55 =	vld [tilespmem:s11+$0x7CA0]  }
0x353: {  	v23 =	vadd.f32 v63, v42;
	v7 =	vld [tilespmem:s11+$0x74A0]  }
0x354: {  	v6 =	vadd.f32 v11, v6;
	v42 =	vadd.f32 v11, v56;
	v11 =	vld [tilespmem:$0x1F3D0]  }
0x355: {  	v17 =	vadd.f32 v44, v15;
	v15 =	vmul.f32 v4, v2;
	v2 =	vld [tilespmem:$0x1F390]  }
0x356: {  	v20 =	vld [tilespmem:s11+$0x6C80]  }
0x357: {  	v3 =	vld [tilespmem:$0x1F350]  }
0x358: {  	v27 =	vld [tilespmem:s11+$0x7490];
	v10 =	vmul.f32 v55, v10  }
0x359: {  	v7 =	vmul.f32 v55, v7;
	v8 =	vadd.f32 v11, v8;
	v55 =	vadd.f32 v11, v59;
	v11 =	vld [tilespmem:$0x1F3E0]  }
0x35a: {  	v4 =	vmul.f32 v4, v2;
	v2 =	vld [tilespmem:$0x1F3A0]  }
0x35b: {  	v19 =	vld [tilespmem:s11+$0x7C80]  }
0x35c: {  	v51 =	vmul.f32 v1, v51;
	v31 =	vld [tilespmem:s11+$0x7C90];
	v3 =	vmul.f32 v1, v3  }
0x35d: {  	v5 =	vld [tilespmem:s11+$0x7480]  }
0x35e: {  	v51 =	vadd.f32 v11, v51;
	v3 =	vadd.f32 v11, v3;
	v11 =	vld [tilespmem:$0x1F3F0]  }
0x35f: {  	v25 =	vmul.f32 v9, v2;
	v2 =	vld [tilespmem:$0x1F3B0]  }
0x360: {  	v18 =	vadd.f32 v44, v28;
	v28 =	vadd.f32 v46, v45;
	v45 =	vld [tilespmem:s11+$0x6C00]  }
0x361: {  	v41 =	vld [tilespmem:s11+$0x8400]  }
0x362: {  	v43 =	vld [tilespmem:s11+$0x6C10]  }
0x363: {  	v50 =	vadd.f32 v11, v50;
	v0 =	vadd.f32 v11, v0;
	v11 =	vld [tilespmem:$0x1F400]  }
0x364: {  	v1 =	vld [tilespmem:s11+$0x6C20]  }
0x365: {  	v24 =	vld [tilespmem:s11+$0x7C20]  }
0x366: {  	v16 =	vld [tilespmem:s11+$0x6C90]  }
0x367: {  	v56 =	vld [tilespmem:s11+$0x7400]  }
0x368: {  	[tilespmem:$0x1F510] =	vst v13;
	v13 =	vadd.f32 v11, v15;
	v4 =	vadd.f32 v11, v4;
	v11 =	vld [tilespmem:$0x1F410]  }
0x369: {  	v27 =	vmul.f32 v31, v27;
	v59 =	vld [tilespmem:s11+$0x7C00]  }
0x36a: {  	v9 =	vmul.f32 v9, v2;
	v15 =	vmul.f32 v19, v20;
	v20 =	vld [tilespmem:s11+$0x7C10]  }
0x36b: {  	v1 =	vmul.f32 v24, v1;
	v16 =	vmul.f32 v31, v16;
	v31 =	vadd.f32 v61, v10;
	v10 =	vld [tilespmem:s11+$0x8410]  }
0x36c: {  	v24 =	vmul.f32 v24, v33;
	v61 =	vadd.f32 v61, v7;
	v7 =	vld [tilespmem:$0x1F420]  }
0x36d: {  	v5 =	vmul.f32 v19, v5;
	v1 =	vadd.f32 v60, v1;
	v63 =	vadd.f32 v11, v9;
	v9 =	vld [tilespmem:$0x1F430]  }
0x36e: {  	v45 =	vmul.f32 v59, v45;
	v56 =	vmul.f32 v59, v56;
	v59 =	vadd.f32 v60, v24  }
0x36f: {  	v35 =	vld [tilespmem:s11+$0x8490];
	v60 =	vadd.f32 v26, v15;
	v26 =	vadd.f32 v26, v5;
	v5 =	vmul.f32 v20, v43  }
0x370: {  	v45 =	vadd.f32 v41, v45;
	v19 =	vld [tilespmem:s11+$0x7410]  }
0x371: {  	v56 =	vadd.f32 v41, v56;
	v41 =	vadd.f32 v10, v5;
	v5 =	vld [tilespmem:$0x1F440]  }
0x372: {  	v44 =	vmin.f32 v7, v9;
	v7 =	vld [tilespmem:$0x1F450];
	_ =	sdelay $0x1  }
0x373: {  	v32 =	vadd.f32 v35, v27  }
0x374: {  	v2 =	vadd.f32 v46, v12;
	v46 =	vadd.f32 v35, v16;
	v35 =	vmax.f32 v53, v17  }
0x375: {  	v24 =	vsub.f32 v18, v17;
	v15 =	vmul.f32 v20, v19;
	v19 =	vsub.f32 v49, v53  }
0x376: {  	v17 =	vsub.f32 v7, v5;
	v53 =	vmin.f32 v7, v22;
	v7 =	vsub.f32 v22, v29;
	_ =	sdelay $0x1  }
0x377: {  	[tilespmem:$0x1F5D0] =	vst v7;
	v7 =	vld [tilespmem:$0x1F460];
	_ =	sdelay $0x3  }
0x378: {  	v12 =	vadd.f32 v11, v25  }
0x379: {  	v11 =	vsub.f32 v52, v7;
	v7 =	vmax.f32 v7, v2;
	v2 =	vsub.f32 v28, v2  }
0x37a: {  	v9 =	vld [tilespmem:$0x1F480]  }
0x37b: {  	[tilespmem:$0x1F5E0] =	vst v2;
	v2 =	vld [tilespmem:$0x1F470];
	_ =	sdelay $0x2  }
0x37c: {  	v30 =	vmin.f32 v49, v18;
	v33 =	vsub.f32 v55, v8;
	v49 =	vmin.f32 v52, v28  }
0x37d: {  	v43 =	vadd.f32 v10, v15;
	v15 =	vmin.f32 v9, v23;
	v52 =	vmax.f32 v58, v8;
	v8 =	vld [tilespmem:$0x1F4A0]  }
0x37e: {  	v27 =	vsub.f32 v9, v2;
	v10 =	vmax.f32 v2, v14;
	v9 =	vsub.f32 v23, v14;
	v14 =	vld [tilespmem:$0x1F4B0];
	_ =	sdelay $0x1  }
0x37f: {  	v2 =	vsub.f32 v37, v58;
	_ =	sdelay $0x1  }
0x380: {  	v25 =	vsub.f32 v34, v38;
	v22 =	vsub.f32 v0, v50;
	[tilespmem:$0x1F490] =	vst v2;
	v2 =	vmin.f32 v37, v55  }
0x381: {  	v28 =	vsub.f32 v14, v8;
	v8 =	vmax.f32 v8, v6;
	v37 =	vmin.f32 v14, v42  }
0x382: {  	v42 =	vsub.f32 v42, v6;
	v6 =	vmax.f32 v38, v50;
	v38 =	vmin.f32 v34, v0;
	v0 =	vld [tilespmem:$0x1F4C0]  }
0x383: {  	v14 =	vld [tilespmem:$0x1F4D0];
	_ =	sdelay $0x4  }
0x384: {  	v23 =	vsub.f32 v14, v0;
	v50 =	vmax.f32 v0, v51;
	v0 =	vsub.f32 v36, v39;
	_ =	sdelay $0x1  }
0x385: {  	[tilespmem:$0x1F4E0] =	vst v0;
	v0 =	vsub.f32 v62, v47;
	_ =	sdelay $0x1  }
0x386: {  	v5 =	vmax.f32 v5, v29;
	[tilespmem:$0x1F4F0] =	vst v0;
	v0 =	vsub.f32 v57, v54  }
0x387: {  	v21 =	vsub.f32 v4, v13;
	v29 =	vsub.f32 v53, v5;
	v5 =	vld [tilespmem:$0x1F520]  }
0x388: {  	v16 =	vmax.f32 v48, v13;
	v20 =	vsub.f32 v63, v12;
	[tilespmem:$0x1F500] =	vst v0;
	v0 =	vsub.f32 v2, v52;
	v2 =	vld [tilespmem:$0x1F510]  }
0x389: {  	v34 =	vsub.f32 v3, v51;
	v55 =	vmin.f32 v14, v3;
	v3 =	vmax.f32 v39, v12  }
0x38a: {  	v39 =	vmin.f32 v36, v63;
	v63 =	vsub.f32 v40, v48;
	v40 =	vmin.f32 v40, v4  }
0x38b: {  	v4 =	vmax.f32 v47, v31;
	v14 =	vsub.f32 v49, v7;
	v48 =	vmax.f32 v54, v1  }
0x38c: {  	v49 =	vmin.f32 v57, v59;
	v47 =	vmin.f32 v62, v61;
	v62 =	vmovc v17;
	v17 =	vsub.f32 v59, v1  }
0x38d: {  	v57 =	vsub.f32 v15, v10;
	v1 =	vsub.f32 v5, v2;
	v15 =	vmax.f32 v2, v60;
	v2 =	vld [tilespmem:$0x1F540]  }
0x38e: {  	v18 =	vsub.f32 v26, v60;
	v26 =	vmin.f32 v5, v26;
	v5 =	vld [tilespmem:$0x1F550];
	_ =	sdelay $0x3  }
0x38f: {  	v8 =	vsub.f32 v37, v8;
	v37 =	vsub.f32 v39, v3;
	v3 =	vld [tilespmem:$0x1F580]  }
0x390: {  	[tilespmem:$0x1F530] =	vst v1;
	v1 =	vsub.f32 v2, v5;
	v58 =	vmax.f32 v5, v46;
	v5 =	vld [tilespmem:$0x1F570];
	_ =	sdelay $0x3  }
0x391: {  	v53 =	vsub.f32 v24, v19;
	v13 =	vsub.f32 v38, v6;
	v59 =	vmin.f32 v2, v32  }
0x392: {  	v2 =	vsub.f32 v5, v3;
	v3 =	vmax.f32 v3, v45;
	v60 =	vmin.f32 v5, v56  }
0x393: {  	v6 =	vsub.f32 v56, v45;
	v54 =	vsub.f32 v60, v3;
	v3 =	vld [tilespmem:$0x1F5D0]  }
0x394: {  	v38 =	vsub.f32 v40, v16;
	v40 =	vsub.f32 v47, v4;
	v4 =	vld [tilespmem:$0x1F5A0]  }
0x395: {  	v42 =	vsub.f32 v42, v28;
	v12 =	vmov v11;
	v11 =	vsub.f32 v61, v31;
	[tilespmem:$0x1F560] =	vst v1;
	v1 =	vld [tilespmem:s9+$0x810]  }
0x396: {  	v31 =	vsub.f32 v30, v35;
	v7 =	vsub.f32 v32, v46  }
0x397: {  	v35 =	vsub.f32 v55, v50;
	v39 =	vsub.f32 v49, v48  }
0x398: {  	s15 =	simm.s32 $0x1;
	v50 =	vsub.f32 v9, v27;
	v47 =	vsub.f32 v3, v62;
	v3 =	vld [tilespmem:$0x1F5E0]  }
0x399: {  	v51 =	vmov s15;
	v48 =	vsub.f32 v26, v15;
	[tilespmem:$0x1F590] =	vst v2;
	v2 =	vsub.f32 v44, v4  }
0x39a: {  	v52 =	vsub.f32 v59, v58;
	v4 =	vmax.f32 v4, v41;
	v41 =	vsub.f32 v43, v41;
	[tilespmem:$0x1F5F0] =	vst v1  }
0x39b: {  	s11 =	simm.s32 $0x0;
	v43 =	vmin.f32 v44, v43;
	v44 =	vmul.f32 v14, v14;
	[tilespmem:$0x1F5B0] =	vst v2;
	v2 =	vimm.f32 $0.0e+00  }
0x39c: {  	v61 =	vmovc v19;
	v55 =	vsub.f32 v43, v4;
	v4 =	vperm.xlane v1, v51;
	[tilespmem:$0x1F5C0] =	vst v2;
	v2 =	vmov s11  }
0x39d: {  	s31 =	simm.s32 $0x400;
	s10 =	sor.u32 $0x10, s9;
	v43 =	vmul.f32 v57, v57;
	v26 =	vperm.xlane v1, v2;
	v14 =	vmovc v2;
	v49 =	vsub.f32 v3, v12  }
.LBB2_5:
0x39e: {  	s15 =	sshra.s32 s31, $0x2;
	v32 =	vld [tilespmem:$0x1F560]  }
0x39f: {  	v1 =	vld [tilespmem:s15+$0x54F0];
	_ =	sdelay $0x3  }
0x3a0: {  	v30 =	vsub.f32 v7, v32;
	v7 =	vld [tilespmem:s15+$0x84F0]  }
0x3a1: {  	[tilespmem:$0x1ECE0] =	vst v1;
	v1 =	vld [tilespmem:s15+$0x5CF0];
	_ =	sdelay $0x2  }
0x3a2: {  	v46 =	vmul.f32 v0, v0;
	v0 =	vld [tilespmem:s15+$0x4CF0]  }
0x3a3: {  	[tilespmem:$0x1EF20] =	vst v7;
	v7 =	vld [tilespmem:s15+$0x8470]  }
0x3a4: {  	[tilespmem:$0x1EC90] =	vst v1;
	v1 =	vld [tilespmem:s15+$0x64F0];
	_ =	sdelay $0x1  }
0x3a5: {  	v19 =	vld [tilespmem:$0x1F490]  }
0x3a6: {  	[tilespmem:$0x1EC80] =	vst v0;
	v0 =	vmul.f32 v35, v35;
	v35 =	vld [tilespmem:$0x1F4F0]  }
0x3a7: {  	v45 =	vmul.f32 v8, v8;
	[tilespmem:$0x1EF40] =	vst v7;
	v7 =	vld [tilespmem:$0x1F5B0]  }
0x3a8: {  	v3 =	vmul.f32 v13, v13;
	v58 =	vmul.f32 v39, v39;
	[tilespmem:$0x1ECF0] =	vst v1;
	v1 =	vld [tilespmem:s15+$0x4C70]  }
0x3a9: {  	v10 =	vld [tilespmem:$0x1F4E0];
	v36 =	vmul.f32 v48, v48;
	v39 =	vmul.f32 v54, v54  }
0x3aa: {  	v48 =	vmul.f32 v53, v4;
	v53 =	vmul.f32 v42, v4;
	v42 =	vld [tilespmem:$0x1F590]  }
0x3ab: {  	v60 =	vmul.f32 v55, v55;
	v13 =	vmul.f32 v37, v37;
	v2 =	vld [tilespmem:s15+$0x5C70];
	v22 =	vsub.f32 v22, v25  }
0x3ac: {  	v57 =	vmul.f32 v38, v38;
	v8 =	vsub.f32 v34, v23;
	v5 =	vsub.f32 v11, v35;
	v11 =	vld [tilespmem:$0x1F500]  }
0x3ad: {  	v56 =	vsub.f32 v33, v19;
	v54 =	vmul.f32 v22, v26;
	v22 =	vsub.f32 v41, v7;
	[tilespmem:$0x1ECA0] =	vst v1;
	v1 =	vld [tilespmem:s15+$0x5470]  }
0x3ae: {  	v37 =	vmul.f32 v52, v52;
	v38 =	vld [tilespmem:$0x1F530];
	v34 =	vsub.f32 v21, v63;
	v20 =	vsub.f32 v20, v10  }
0x3af: {  	v6 =	vsub.f32 v6, v42;
	v52 =	vmul.f32 v56, v26;
	v22 =	vmul.f32 v22, v26  }
0x3b0: {  	v33 =	vmul.f32 v34, v4;
	v34 =	vadd.f32 v60, v39;
	v60 =	vadd.f32 v37, v36  }
0x3b1: {  	v36 =	vadd.f32 v52, v19;
	v19 =	vadd.f32 v22, v7;
	v7 =	vld [tilespmem:s15+$0x5460]  }
0x3b2: {  	v50 =	vmul.f32 v50, v4;
	v6 =	vmul.f32 v6, v26;
	[tilespmem:$0x1ECC0] =	vst v1;
	v1 =	vsub.f32 v17, v11  }
0x3b3: {  	[tilespmem:$0x1ECB0] =	vst v2;
	v2 =	vsub.f32 v18, v38;
	v8 =	vmul.f32 v8, v4;
	v20 =	vmul.f32 v20, v26  }
0x3b4: {  	v21 =	vmul.f32 v30, v4;
	v6 =	vadd.f32 v6, v42;
	v1 =	vmul.f32 v1, v26  }
0x3b5: {  	v2 =	vmul.f32 v2, v4;
	v4 =	vmul.f32 v5, v4  }
0x3b6: {  	v5 =	vmul.f32 v6, v6;
	v6 =	vmul.f32 v19, v19;
	[tilespmem:$0x1ED50] =	vst v7;
	v7 =	vld [tilespmem:s15+$0x84E0];
	v1 =	vadd.f32 v1, v11;
	_ =	sdelay $0x1  }
0x3b7: {  	v5 =	vadd.f32 v6, v5;
	v6 =	vadd.f32 v20, v10;
	v1 =	vmul.f32 v1, v1;
	_ =	sdelay $0x1  }
0x3b8: {  	v1 =	vadd.f32 v1, v5;
	v5 =	vmul.f32 v6, v6;
	v6 =	vadd.f32 v54, v25  }
0x3b9: {  	[tilespmem:$0x1EF80] =	vst v7;
	v7 =	vld [tilespmem:s15+$0x6CF0]  }
0x3ba: {  	v1 =	vadd.f32 v5, v1;
	v5 =	vmul.f32 v6, v6;
	v6 =	vld [tilespmem:s15+$0x6C70];
	_ =	sdelay $0x2  }
0x3bb: {  	v59 =	vmul.f32 v40, v40  }
0x3bc: {  	[tilespmem:$0x1ED60] =	vst v7  }
0x3bd: {  	v7 =	vld [tilespmem:s15+$0x74F0];
	[tilespmem:$0x1ED80] =	vst v6;
	v6 =	vadd.f32 v59, v60;
	_ =	sdelay $0x1  }
0x3be: {  	v6 =	vadd.f32 v57, v6;
	_ =	sdelay $0x1  }
0x3bf: {  	v0 =	vadd.f32 v0, v6;
	v6 =	vld [tilespmem:s15+$0x5CD0]  }
0x3c0: {  	v21 =	vadd.f32 v21, v32;
	v2 =	vadd.f32 v2, v38;
	[tilespmem:$0x1ED70] =	vst v7;
	v7 =	vld [tilespmem:s15+$0x8460];
	_ =	sdelay $0x1  }
0x3c1: {  	v2 =	vmul.f32 v2, v2;
	v4 =	vadd.f32 v4, v35;
	v19 =	vmul.f32 v21, v21  }
0x3c2: {  	v15 =	vld [tilespmem:s15+$0x4CE0]  }
0x3c3: {  	v4 =	vmul.f32 v4, v4;
	v2 =	vadd.f32 v19, v2;
	v10 =	vadd.f32 v33, v63;
	[tilespmem:$0x1EDA0] =	vst v6;
	v6 =	vld [tilespmem:s15+$0x64D0]  }
0x3c4: {  	v47 =	vmul.f32 v47, v26;
	v49 =	vmul.f32 v49, v26;
	v8 =	vadd.f32 v8, v23;
	[tilespmem:$0x1EF90] =	vst v7;
	v7 =	vld [tilespmem:s15+$0x7470]  }
0x3c5: {  	v2 =	vadd.f32 v4, v2;
	v4 =	vmul.f32 v10, v10;
	v10 =	vadd.f32 v58, v34  }
0x3c6: {  	v18 =	vadd.f32 v49, v12;
	v1 =	vadd.f32 v5, v1;
	v5 =	vmul.f32 v36, v36  }
0x3c7: {  	[tilespmem:$0x1ED10] =	vst v15;
	v15 =	vld [tilespmem:s15+$0x54E0];
	v2 =	vadd.f32 v4, v2;
	v4 =	vmul.f32 v8, v8;
	v8 =	vadd.f32 v13, v10  }
0x3c8: {  	v16 =	vadd.f32 v47, v62;
	v1 =	vadd.f32 v5, v1;
	v5 =	vmul.f32 v18, v18;
	[tilespmem:$0x1EDD0] =	vst v6;
	v6 =	vld [tilespmem:s15+$0x4C50]  }
0x3c9: {  	v3 =	vadd.f32 v3, v8;
	[tilespmem:$0x1ED90] =	vst v7;
	v7 =	vld [tilespmem:s15+$0x54D0]  }
0x3ca: {  	v37 =	vadd.f32 v53, v28;
	v1 =	vadd.f32 v5, v1;
	v5 =	vmul.f32 v16, v16  }
0x3cb: {  	v17 =	vadd.f32 v50, v27;
	v3 =	vadd.f32 v46, v3  }
0x3cc: {  	[tilespmem:$0x1ED30] =	vst v15;
	v2 =	vadd.f32 v4, v2;
	v4 =	vmul.f32 v37, v37;
	v1 =	vadd.f32 v5, v1;
	v5 =	vld [tilespmem:s15+$0x5450]  }
0x3cd: {  	v3 =	vadd.f32 v44, v3;
	[tilespmem:$0x1EDB0] =	vst v6;
	v6 =	vmul.f32 v29, v29  }
0x3ce: {  	v15 =	vadd.f32 v48, v61;
	v2 =	vadd.f32 v4, v2;
	v4 =	vmul.f32 v17, v17;
	[tilespmem:$0x1EDC0] =	vst v7;
	v7 =	vld [tilespmem:$0x1FFC0]  }
0x3cf: {  	v0 =	vadd.f32 v45, v0;
	v3 =	vadd.f32 v6, v3;
	v6 =	vld [tilespmem:s15+$0x6450]  }
0x3d0: {  	v2 =	vadd.f32 v4, v2  }
0x3d1: {  	v4 =	vmul.f32 v15, v15;
	[tilespmem:$0x1EDF0] =	vst v5;
	v0 =	vadd.f32 v43, v0;
	v5 =	vmul.f32 v31, v31;
	_ =	sdelay $0x1  }
0x3d2: {  	v2 =	vadd.f32 v4, v2;
	v0 =	vadd.f32 v5, v0;
	v4 =	vperm.xlane v1, v7  }
0x3d3: {  	[tilespmem:$0x1EDE0] =	vst v6;
	v6 =	vld [tilespmem:s15+$0x84D0]  }
0x3d4: {  	v1 =	vadd.f32 v1, v4;
	v4 =	vperm.xlane v0, v7;
	_ =	sdelay $0x1  }
0x3d5: {  	v0 =	vadd.f32 v0, v4;
	v4 =	vld [tilespmem:s15+$0x8450];
	_ =	sdelay $0x1  }
0x3d6: {  	[tilespmem:$0x1EFA0] =	vst v6;
	v6 =	vperm.xlane v3, v7;
	_ =	sdelay $0x1  }
0x3d7: {  	v1 =	vperm.xlane v1, v7;
	v3 =	vadd.f32 v3, v6  }
0x3d8: {  	[tilespmem:$0x1EFB0] =	vst v4;
	v4 =	vld [tilespmem:$0x1FFD0]  }
0x3d9: {  	v1 =	vsel vm0, v3, v1;
	v3 =	vld [tilespmem:s15+$0x6C60];
	_ =	sdelay $0x2  }
0x3da: {  	v5 =	vperm.xlane v2, v7;
	_ =	sdelay $0x1  }
0x3db: {  	v2 =	vadd.f32 v2, v5;
	[tilespmem:$0x1EE00] =	vst v3;
	v3 =	vperm.xlane v1, v4;
	_ =	sdelay $0x1  }
0x3dc: {  	v2 =	vperm.xlane v2, v7;
	v1 =	vadd.f32 v1, v3;
	v3 =	vld [tilespmem:s15+$0x4CC0];
	_ =	sdelay $0x1  }
0x3dd: {  	v0 =	vsel vm0, v0, v2;
	v2 =	vld [tilespmem:s15+$0x7460];
	_ =	sdelay $0x2  }
0x3de: {  	[tilespmem:$0x1EE30] =	vst v3;
	v3 =	vld [tilespmem:$0x1FFE0];
	_ =	sdelay $0x1  }
0x3df: {  	[tilespmem:$0x1EE20] =	vst v2;
	v2 =	vperm.xlane v0, v4;
	_ =	sdelay $0x1  }
0x3e0: {  	v0 =	vadd.f32 v0, v2  }
0x3e1: {  	v2 =	vperm.xlane v1, v3  }
0x3e2: {  	v3 =	vperm.xlane v0, v3  }
0x3e3: {  	v1 =	vadd.f32 v1, v2;
	v2 =	vld [tilespmem:s15+$0x4C40]  }
0x3e4: {  	v0 =	vadd.f32 v0, v3;
	v3 =	vld [tilespmem:$0x1FFF0];
	_ =	sdelay $0x4  }
0x3e5: {  	[tilespmem:$0x1EE40] =	vst v2;
	v2 =	vperm.xlane v1, v3;
	_ =	sdelay $0x1  }
0x3e6: {  	v1 =	vadd.f32 v1, v2;
	v2 =	vld [tilespmem:s15+$0x84C0];
	_ =	sdelay $0x4  }
0x3e7: {  	[tilespmem:$0x1EFC0] =	vst v2;
	v2 =	vld [tilespmem:s15+$0x6CD0];
	_ =	sdelay $0x1  }
0x3e8: {  	v3 =	vperm.xlane v0, v3;
	_ =	sdelay $0x1  }
0x3e9: {  	v0 =	vadd.f32 v0, v3;
	v3 =	vimm.s32 $0x8  }
0x3ea: {  	[tilespmem:$0x1EE60] =	vst v2;
	v2 =	vperm.xlane v1, v3;
	_ =	sdelay $0x1  }
0x3eb: {  	(erf) = vrcp.f32 v2;
	v2 =	vld [tilespmem:s15+$0x8440];
	_ =	sdelay $0x4  }
0x3ec: {  	[tilespmem:$0x1EFD0] =	vst v2;
	v2 =	vld [tilespmem:s15+$0x6C50];
	_ =	sdelay $0x4  }
0x3ed: {  	[tilespmem:$0x1EE90] =	vst v2;
	v2 =	vld [tilespmem:s15+$0x7450];
	_ =	sdelay $0x4  }
0x3ee: {  	[tilespmem:$0x1EEA0] =	vst v2;
	v2 =	vld [tilespmem:s15+$0x4CB0];
	_ =	sdelay $0x4  }
0x3ef: {  	[tilespmem:$0x1EEB0] =	vst v2;
	v2 =	vld [tilespmem:s15+$0x54B0];
	_ =	sdelay $0x4  }
0x3f0: {  	[tilespmem:$0x1EED0] =	vst v2;
	v2 =	vld [tilespmem:s15+$0x5CB0];
	_ =	sdelay $0x1  }
0x3f1: {  	v3 =	vperm.xlane v0, v3;
	_ =	sdelay $0x1  }
0x3f2: {  	(erf) = vrcp.f32 v3  }
0x3f3: {  	[tilespmem:$0x1EEC0] =	vst v2;
	v2 =	vld [tilespmem:s15+$0x64B0];
	_ =	sdelay $0x4  }
0x3f4: {  	v3 =	vld [tilespmem:$0x1F5C0];
	[tilespmem:$0x1EEE0] =	vst v2;
	v2 =	vimm.s32 $0x0  }
0x3f5: {  	v1 =	vperm.xlane v1, v2  }
0x3f6: {  	v7 =	vpop (erf);
	v0 =	vperm.xlane v0, v2  }
0x3f7: {  	v2 =	vlaneseq.u32;
	v1 =	vmul.f32 v7, v1;
	v7 =	vpop (erf)  }
0x3f8: {  	vm1 =	veq.s32 v14, v2;
	v0 =	vmul.f32 v7, v0  }
0x3f9: {  	v1 =	vsel vm1, v1, v3;
	vm1 =	veq.s32 v51, v2  }
0x3fa: {  	v0 =	vsel vm1, v0, v1  }
0x3fb: {  	[tilespmem:$0x1F5C0] =	vst v0;
	v0 =	vld [tilespmem:s15+$0x8430];
	_ =	sdelay $0x4  }
0x3fc: {  	[tilespmem:$0x1EFF0] =	vst v0;
	v0 =	vld [tilespmem:s15+$0x54A0];
	_ =	sdelay $0x4  }
0x3fd: {  	[tilespmem:$0x1EEF0] =	vst v0;
	v0 =	vld [tilespmem:s15+$0x64A0];
	_ =	sdelay $0x4  }
0x3fe: {  	[tilespmem:$0x1EF00] =	vst v0;
	v0 =	vld [tilespmem:s15+$0x84A0];
	_ =	sdelay $0x4  }
0x3ff: {  	[tilespmem:$0x1F000] =	vst v0;
	v0 =	vld [tilespmem:s15+$0x74B0];
	_ =	sdelay $0x4  }
0x400: {  	[tilespmem:$0x1EF10] =	vst v0;
	v0 =	vld [tilespmem:s15+$0x8420];
	_ =	sdelay $0x4  }
0x401: {  	[tilespmem:$0x1F010] =	vst v0;
	v0 =	vld [tilespmem:s15+$0x6C30];
	_ =	sdelay $0x4  }
0x402: {  	[tilespmem:$0x1EF30] =	vst v0;
	v0 =	vld [tilespmem:s15+$0x7430];
	_ =	sdelay $0x2  }
0x403: {  	v9 =	vld [tilespmem:s15+$0x6470]  }
0x404: {  	v1 =	vld [tilespmem:$0x1EC90]  }
0x405: {  	[tilespmem:$0x1EF60] =	vst v0;
	v0 =	vld [tilespmem:$0x1EC80];
	_ =	sdelay $0x3  }
0x406: {  	[tilespmem:$0x1ECD0] =	vst v9;
	v9 =	vld [tilespmem:s15+$0x5CE0]  }
0x407: {  	v13 =	vmax.f32 v0, v1;
	v0 =	vld [tilespmem:$0x1ECA0]  }
0x408: {  	v1 =	vld [tilespmem:$0x1ECB0];
	_ =	sdelay $0x3  }
0x409: {  	[tilespmem:$0x1ED20] =	vst v9;
	v9 =	vld [tilespmem:s15+$0x64E0]  }
0x40a: {  	v42 =	vmax.f32 v0, v1;
	v0 =	vld [tilespmem:$0x1ECC0]  }
0x40b: {  	v1 =	vld [tilespmem:$0x1ECD0];
	_ =	sdelay $0x3  }
0x40c: {  	[tilespmem:$0x1ED40] =	vst v9;
	v9 =	vld [tilespmem:s15+$0x4C60]  }
0x40d: {  	v12 =	vmin.f32 v0, v1;
	v0 =	vld [tilespmem:$0x1ECE0]  }
0x40e: {  	v1 =	vld [tilespmem:$0x1ECF0];
	_ =	sdelay $0x3  }
0x40f: {  	[tilespmem:$0x1ED00] =	vst v9;
	v50 =	vld [tilespmem:s15+$0x5C60]  }
0x410: {  	v7 =	vmin.f32 v0, v1;
	v0 =	vld [tilespmem:$0x1ED00];
	_ =	sdelay $0x3  }
0x411: {  	v1 =	vld [tilespmem:$0x1ED20]  }
0x412: {  	v48 =	vmax.f32 v0, v50;
	v0 =	vld [tilespmem:$0x1ED10];
	_ =	sdelay $0x4  }
0x413: {  	v51 =	vmax.f32 v0, v1;
	v0 =	vld [tilespmem:$0x1ED30]  }
0x414: {  	v1 =	vld [tilespmem:$0x1ED40];
	_ =	sdelay $0x3  }
0x415: {  	v52 =	vld [tilespmem:s15+$0x6460]  }
0x416: {  	v10 =	vmin.f32 v0, v1;
	v0 =	vld [tilespmem:$0x1ED50];
	_ =	sdelay $0x3  }
0x417: {  	v20 =	vld [tilespmem:s15+$0x7CF0]  }
0x418: {  	v50 =	vmin.f32 v0, v52;
	v0 =	vld [tilespmem:$0x1ED60];
	_ =	sdelay $0x4  }
0x419: {  	v56 =	vmul.f32 v20, v0;
	v0 =	vld [tilespmem:$0x1ED70];
	_ =	sdelay $0x4  }
0x41a: {  	v0 =	vmul.f32 v20, v0  }
0x41b: {  	v41 =	vld [tilespmem:s15+$0x7C70]  }
0x41c: {  	[tilespmem:$0x1EF50] =	vst v0;
	v0 =	vld [tilespmem:$0x1ED80];
	_ =	sdelay $0x4  }
0x41d: {  	v52 =	vmul.f32 v41, v0;
	v0 =	vld [tilespmem:$0x1ED90];
	_ =	sdelay $0x4  }
0x41e: {  	v53 =	vld [tilespmem:s15+$0x4CD0];
	v0 =	vmul.f32 v41, v0  }
0x41f: {  	v5 =	vld [tilespmem:s15+$0x74E0]  }
0x420: {  	[tilespmem:$0x1EF70] =	vst v0;
	v0 =	vld [tilespmem:$0x1EDA0];
	_ =	sdelay $0x2  }
0x421: {  	v4 =	vld [tilespmem:s15+$0x5C40]  }
0x422: {  	v8 =	vld [tilespmem:s15+$0x5C50]  }
0x423: {  	[tilespmem:$0x1EE10] =	vst v5;
	v5 =	vmax.f32 v53, v0;
	v0 =	vld [tilespmem:$0x1EDB0]  }
0x424: {  	v9 =	vld [tilespmem:s15+$0x6CE0]  }
0x425: {  	v54 =	vld [tilespmem:s15+$0x7CE0]  }
0x426: {  	[tilespmem:$0x1EE50] =	vst v4;
	v4 =	vld [tilespmem:s15+$0x6440]  }
0x427: {  	v1 =	vld [tilespmem:$0x1EDD0]  }
0x428: {  	v6 =	vmax.f32 v0, v8;
	v0 =	vld [tilespmem:$0x1EDC0];
	_ =	sdelay $0x2  }
0x429: {  	v46 =	vmul.f32 v54, v9;
	v9 =	vld [tilespmem:$0x1EDF0]  }
0x42a: {  	[tilespmem:$0x1EE80] =	vst v4;
	v4 =	vld [tilespmem:s15+$0x74D0]  }
0x42b: {  	v8 =	vmin.f32 v0, v1;
	v0 =	vld [tilespmem:$0x1EDE0];
	_ =	sdelay $0x3  }
0x42c: {  	v57 =	vld [tilespmem:s15+$0x7C60]  }
0x42d: {  	[tilespmem:$0x1EE70] =	vst v4;
	v4 =	vmin.f32 v9, v0;
	v0 =	vld [tilespmem:$0x1EE00];
	_ =	sdelay $0x4  }
0x42e: {  	v43 =	vmul.f32 v57, v0;
	v0 =	vld [tilespmem:$0x1EE10];
	_ =	sdelay $0x4  }
0x42f: {  	v54 =	vmul.f32 v54, v0;
	v0 =	vld [tilespmem:$0x1EE20];
	_ =	sdelay $0x2  }
0x430: {  	v55 =	vld [tilespmem:s15+$0x54C0]  }
0x431: {  	v37 =	vld [tilespmem:s15+$0x5CC0]  }
0x432: {  	v57 =	vmul.f32 v57, v0;
	v0 =	vld [tilespmem:$0x1EE30]  }
0x433: {  	v40 =	vld [tilespmem:s15+$0x4C20]  }
0x434: {  	v24 =	vld [tilespmem:s15+$0x6490]  }
0x435: {  	v47 =	vld [tilespmem:s15+$0x6CC0]  }
0x436: {  	v1 =	vld [tilespmem:$0x1EE50]  }
0x437: {  	v53 =	vmax.f32 v0, v37;
	v0 =	vld [tilespmem:$0x1EE40]  }
0x438: {  	v62 =	vld [tilespmem:s15+$0x4CA0]  }
0x439: {  	v49 =	vld [tilespmem:s15+$0x6430]  }
0x43a: {  	v39 =	vld [tilespmem:s15+$0x6C40]  }
0x43b: {  	v63 =	vld [tilespmem:s15+$0x7CD0]  }
0x43c: {  	v3 =	vmax.f32 v0, v1;
	v0 =	vld [tilespmem:$0x1EE60]  }
0x43d: {  	v28 =	vld [tilespmem:s15+$0x7CB0]  }
0x43e: {  	v30 =	vld [tilespmem:s15+$0x5C20]  }
0x43f: {  	v45 =	vld [tilespmem:s15+$0x64C0]  }
0x440: {  	v2 =	vld [tilespmem:s15+$0x84B0]  }
0x441: {  	v41 =	vmul.f32 v63, v0;
	v0 =	vld [tilespmem:$0x1EE70]  }
0x442: {  	v38 =	vld [tilespmem:s15+$0x7440]  }
0x443: {  	v61 =	vld [tilespmem:s15+$0x5440]  }
0x444: {  	v11 =	vld [tilespmem:s15+$0x7CC0]  }
0x445: {  	[tilespmem:$0x1EFE0] =	vst v2;
	v2 =	vld [tilespmem:s15+$0x7C40]  }
0x446: {  	v55 =	vmin.f32 v55, v45;
	v45 =	vmul.f32 v63, v0;
	v0 =	vld [tilespmem:$0x1EE80]  }
0x447: {  	v44 =	vld [tilespmem:s15+$0x74C0]  }
0x448: {  	v34 =	vld [tilespmem:s15+$0x7C50]  }
0x449: {  	v59 =	vld [tilespmem:s15+$0x5CA0]  }
0x44a: {  	v39 =	vmul.f32 v2, v39;
	v38 =	vmul.f32 v2, v38;
	v2 =	vld [tilespmem:$0x1EEF0]  }
0x44b: {  	v63 =	vmin.f32 v61, v0;
	v0 =	vld [tilespmem:$0x1EE90]  }
0x44c: {  	v47 =	vmul.f32 v11, v47;
	v44 =	vmul.f32 v11, v44;
	v11 =	vld [tilespmem:$0x1EF00]  }
0x44d: {  	v23 =	vld [tilespmem:s15+$0x6420]  }
0x44e: {  	v32 =	vld [tilespmem:s15+$0x4C90]  }
0x44f: {  	v35 =	vld [tilespmem:s15+$0x6CB0]  }
0x450: {  	v37 =	vmul.f32 v34, v0;
	v0 =	vld [tilespmem:$0x1EEA0]  }
0x451: {  	v26 =	vld [tilespmem:s15+$0x4C80];
	v62 =	vmax.f32 v62, v59;
	v59 =	vmin.f32 v2, v11;
	v2 =	vsub.f32 v7, v13  }
0x452: {  	v60 =	vld [tilespmem:s15+$0x5C30]  }
0x453: {  	v31 =	vld [tilespmem:s15+$0x4C30];
	[tilespmem:$0x1F140] =	vst v2;
	v2 =	vsub.f32 v12, v42  }
0x454: {  	v1 =	vld [tilespmem:$0x1EEC0]  }
0x455: {  	[tilespmem:$0x1F130] =	vst v2;
	v2 =	vsub.f32 v10, v51;
	v34 =	vmul.f32 v34, v0;
	v0 =	vld [tilespmem:$0x1EEB0]  }
0x456: {  	v33 =	vld [tilespmem:s15+$0x5490]  }
0x457: {  	v19 =	vld [tilespmem:s15+$0x5C90];
	[tilespmem:$0x1F190] =	vst v2;
	v2 =	vsub.f32 v50, v48  }
0x458: {  	v58 =	vld [tilespmem:s15+$0x5430]  }
0x459: {  	v17 =	vld [tilespmem:s15+$0x4C10];
	[tilespmem:$0x1F150] =	vst v2;
	v2 =	vsub.f32 v8, v5  }
0x45a: {  	v31 =	vmax.f32 v31, v60;
	v60 =	vmax.f32 v0, v1;
	v0 =	vld [tilespmem:$0x1EED0]  }
0x45b: {  	[tilespmem:$0x1F180] =	vst v2;
	v2 =	vsub.f32 v4, v6;
	v1 =	vld [tilespmem:$0x1EEE0]  }
0x45c: {  	v36 =	vld [tilespmem:s15+$0x5420]  }
0x45d: {  	v18 =	vld [tilespmem:s15+$0x5C80];
	[tilespmem:$0x1F490] =	vst v2;
	v2 =	vsub.f32 v55, v53  }
0x45e: {  	v14 =	vld [tilespmem:s15+$0x6410];
	[tilespmem:$0x1F060] =	vst v10  }
0x45f: {  	v20 =	vld [tilespmem:s15+$0x5410];
	[tilespmem:$0x1F160] =	vst v2;
	v2 =	vsub.f32 v63, v3  }
0x460: {  	v9 =	vld [tilespmem:s15+$0x5C10];
	[tilespmem:$0x1F090] =	vst v4;
	v61 =	vmin.f32 v0, v1  }
0x461: {  	v22 =	vld [tilespmem:s15+$0x4C00];
	[tilespmem:$0x1F170] =	vst v2;
	v0 =	vmin.f32 v58, v49;
	v2 =	vsub.f32 v61, v60  }
0x462: {  	v27 =	vld [tilespmem:s15+$0x7C30];
	v10 =	vmax.f32 v32, v19;
	v4 =	vmin.f32 v33, v24;
	[tilespmem:$0x1F0A0] =	vst v0  }
0x463: {  	v21 =	vld [tilespmem:s15+$0x5400];
	v1 =	vmax.f32 v40, v30;
	v30 =	vmin.f32 v36, v23;
	[tilespmem:$0x1F110] =	vst v2;
	v2 =	vsub.f32 v0, v31  }
0x464: {  	v25 =	vld [tilespmem:s15+$0x6480];
	[tilespmem:$0x1F0B0] =	vst v1;
	v0 =	vsub.f32 v30, v1;
	v1 =	vsub.f32 v4, v10  }
0x465: {  	v15 =	vld [tilespmem:s15+$0x6400];
	v11 =	vmax.f32 v26, v18;
	[tilespmem:$0x1F040] =	vst v42;
	v42 =	vmin.f32 v20, v14;
	v26 =	vmax.f32 v17, v9  }
0x466: {  	v29 =	vld [tilespmem:s15+$0x5480];
	[tilespmem:$0x1F560] =	vst v1;
	v1 =	vsub.f32 v42, v26  }
0x467: {  	v16 =	vld [tilespmem:s15+$0x5C00];
	[tilespmem:$0x1F020] =	vst v13  }
0x468: {  	[tilespmem:$0x1F5B0] =	vst v1;
	v1 =	vld [tilespmem:$0x1EF10]  }
0x469: {  	v18 =	vld [tilespmem:s15+$0x7CA0];
	[tilespmem:$0x1F050] =	vst v12  }
0x46a: {  	[tilespmem:$0x1F030] =	vst v7;
	v19 =	vld [tilespmem:s15+$0x6C20]  }
0x46b: {  	v7 =	vmin.f32 v29, v25;
	v32 =	vld [tilespmem:s15+$0x7C00];
	[tilespmem:$0x1F4E0] =	vst v2;
	v2 =	vsub.f32 v59, v62  }
0x46c: {  	[tilespmem:$0x1F0E0] =	vst v7;
	v9 =	vld [tilespmem:$0x1EF50]  }
0x46d: {  	[tilespmem:$0x1F4F0] =	vst v2;
	v2 =	vsub.f32 v7, v11;
	v7 =	vmul.f32 v28, v1;
	v1 =	vld [tilespmem:$0x1EF20]  }
0x46e: {  	[tilespmem:$0x1F070] =	vst v5;
	v5 =	vld [tilespmem:s15+$0x7420]  }
0x46f: {  	[tilespmem:$0x1F080] =	vst v8;
	v8 =	vmov v6;
	v6 =	vld [tilespmem:s15+$0x7C20];
	v13 =	vmov v3;
	v3 =	vmin.f32 v21, v15  }
0x470: {  	v12 =	vmax.f32 v22, v16;
	[tilespmem:$0x1F120] =	vst v3;
	v58 =	vld [tilespmem:s15+$0x8490]  }
0x471: {  	[tilespmem:$0x1F530] =	vst v2;
	v2 =	vsub.f32 v3, v12;
	v3 =	vld [tilespmem:$0x1EF30]  }
0x472: {  	v40 =	vmul.f32 v28, v35;
	v15 =	vadd.f32 v1, v56;
	v35 =	vadd.f32 v1, v9;
	v1 =	vld [tilespmem:$0x1EF60]  }
0x473: {  	v23 =	vld [tilespmem:s15+$0x6CA0]  }
0x474: {  	v36 =	vld [tilespmem:s15+$0x74A0]  }
0x475: {  	[tilespmem:$0x1F0F0] =	vst v4;
	v4 =	vld [tilespmem:s15+$0x7C80]  }
0x476: {  	v20 =	vmul.f32 v27, v3;
	v3 =	vld [tilespmem:$0x1EF40]  }
0x477: {  	v16 =	vmul.f32 v27, v1;
	v1 =	vld [tilespmem:$0x1EF70]  }
0x478: {  	[tilespmem:$0x1F0C0] =	vst v30;
	v30 =	vld [tilespmem:s15+$0x6C90]  }
0x479: {  	v14 =	vmov v10;
	v10 =	vld [tilespmem:s15+$0x7C90]  }
0x47a: {  	[tilespmem:$0x1F500] =	vst v0;
	v0 =	vld [tilespmem:s15+$0x6C80]  }
0x47b: {  	v9 =	vld [tilespmem:$0x1EFD0]  }
0x47c: {  	v33 =	vadd.f32 v3, v1;
	v1 =	vld [tilespmem:$0x1EF80]  }
0x47d: {  	v23 =	vmul.f32 v18, v23;
	v18 =	vmul.f32 v18, v36;
	v36 =	vld [tilespmem:s15+$0x7400]  }
0x47e: {  	v28 =	vadd.f32 v3, v52;
	v3 =	vld [tilespmem:$0x1EF90]  }
0x47f: {  	[tilespmem:$0x1F0D0] =	vst v11;
	v11 =	vld [tilespmem:s15+$0x7490]  }
0x480: {  	v39 =	vadd.f32 v9, v39;
	v38 =	vadd.f32 v9, v38;
	v9 =	vld [tilespmem:$0x1EFF0]  }
0x481: {  	v27 =	vadd.f32 v1, v46;
	v54 =	vadd.f32 v1, v54;
	v1 =	vld [tilespmem:$0x1EFA0]  }
0x482: {  	[tilespmem:$0x1F100] =	vst v12;
	v12 =	vld [tilespmem:s15+$0x6C00]  }
0x483: {  	v24 =	vadd.f32 v3, v43;
	v57 =	vadd.f32 v3, v57;
	v3 =	vld [tilespmem:$0x1EFB0]  }
0x484: {  	[tilespmem:$0x1F590] =	vst v2;
	v2 =	vld [tilespmem:s15+$0x7480]  }
0x485: {  	v20 =	vadd.f32 v9, v20;
	v16 =	vadd.f32 v9, v16;
	v9 =	vld [tilespmem:$0x1F000]  }
0x486: {  	v22 =	vadd.f32 v1, v41;
	v29 =	vadd.f32 v1, v45;
	v1 =	vld [tilespmem:$0x1EFC0]  }
0x487: {  	v19 =	vmul.f32 v6, v19;
	v5 =	vmul.f32 v6, v5;
	v56 =	vld [tilespmem:s15+$0x7410]  }
0x488: {  	v21 =	vadd.f32 v3, v37;
	v6 =	vadd.f32 v3, v34;
	v3 =	vmul.f32 v4, v0;
	v0 =	vld [tilespmem:$0x1EFE0]  }
0x489: {  	v52 =	vld [tilespmem:s15+$0x6C10]  }
0x48a: {  	v30 =	vmul.f32 v10, v30;
	v10 =	vmul.f32 v10, v11;
	v11 =	vadd.f32 v9, v23;
	v23 =	vld [tilespmem:$0x1F010]  }
0x48b: {  	v17 =	vadd.f32 v1, v47;
	v44 =	vadd.f32 v1, v44;
	v1 =	vld [tilespmem:s15+$0x7C10]  }
0x48c: {  	v49 =	vld [tilespmem:s15+$0x8480]  }
0x48d: {  	v2 =	vmul.f32 v4, v2;
	v4 =	vadd.f32 v0, v40;
	v7 =	vadd.f32 v0, v7;
	v0 =	vld [tilespmem:s15+$0x8410];
	_ =	sdelay $0x1  }
0x48e: {  	v36 =	vmul.f32 v32, v36;
	v12 =	vmul.f32 v32, v12;
	v10 =	vadd.f32 v58, v10  }
0x48f: {  	v32 =	vadd.f32 v23, v5;
	v5 =	vmul.f32 v1, v52;
	v1 =	vmul.f32 v1, v56  }
0x490: {  	v3 =	vadd.f32 v49, v3;
	v47 =	vadd.f32 v49, v2  }
0x491: {  	v49 =	vadd.f32 v58, v30;
	v58 =	vadd.f32 v0, v1;
	v1 =	vld [tilespmem:$0x1F030];
	_ =	sdelay $0x3  }
0x492: {  	v25 =	vld [tilespmem:s15+$0x8400]  }
0x493: {  	v40 =	vmin.f32 v1, v35;
	v1 =	vld [tilespmem:$0x1F040];
	_ =	sdelay $0x3  }
0x494: {  	v12 =	vadd.f32 v25, v12;
	v19 =	vadd.f32 v23, v19  }
0x495: {  	v23 =	vadd.f32 v25, v36;
	v25 =	vadd.f32 v0, v5;
	v5 =	vmax.f32 v1, v28;
	v1 =	vld [tilespmem:$0x1F050]  }
0x496: {  	v43 =	vmax.f32 v8, v21;
	v8 =	vld [tilespmem:$0x1F070];
	_ =	sdelay $0x3  }
0x497: {  	v30 =	vmin.f32 v1, v33  }
0x498: {  	v1 =	vmax.f32 v51, v27;
	v51 =	vmin.f32 v50, v57;
	v50 =	vmax.f32 v8, v22;
	v8 =	vld [tilespmem:$0x1F080];
	_ =	sdelay $0x4  }
0x499: {  	v2 =	vmax.f32 v48, v24;
	v48 =	vmin.f32 v8, v29;
	v8 =	vld [tilespmem:$0x1F090];
	_ =	sdelay $0x4  }
0x49a: {  	v45 =	vmin.f32 v8, v6;
	v8 =	vld [tilespmem:$0x1F0A0];
	_ =	sdelay $0x2  }
0x49b: {  	v18 =	vadd.f32 v9, v18;
	v24 =	vsub.f32 v57, v24  }
0x49c: {  	v36 =	vld [tilespmem:$0x1F060];
	v46 =	vmax.f32 v60, v4;
	v60 =	vmax.f32 v31, v20;
	v34 =	vsub.f32 v44, v17  }
0x49d: {  	v20 =	vsub.f32 v16, v20;
	v52 =	vmax.f32 v53, v17;
	v37 =	vmin.f32 v8, v16;
	v8 =	vld [tilespmem:$0x1F0D0]  }
0x49e: {  	v53 =	vmin.f32 v55, v44;
	v55 =	vmax.f32 v13, v39;
	v56 =	vmin.f32 v61, v7;
	v0 =	vld [tilespmem:$0x1F020]  }
0x49f: {  	v61 =	vmax.f32 v62, v11;
	v11 =	vsub.f32 v18, v11;
	v13 =	vld [tilespmem:$0x1F100];
	v28 =	vsub.f32 v33, v28  }
0x4a0: {  	s11 =	sadd.s32 $0x2, s11;
	v63 =	vmin.f32 v63, v38;
	v33 =	vsub.f32 v6, v21;
	v21 =	vsub.f32 v7, v4;
	v4 =	vld [tilespmem:$0x1F0B0]  }
0x4a1: {  	v9 =	vmov s11;
	v57 =	vsub.f32 v29, v22;
	v29 =	vsub.f32 v30, v5;
	v5 =	vld [tilespmem:$0x1F0E0]  }
0x4a2: {  	v16 =	vmin.f32 v59, v18;
	v18 =	vsub.f32 v47, v3;
	v3 =	vmax.f32 v8, v3;
	v8 =	vld [tilespmem:$0x1F0F0]  }
0x4a3: {  	v17 =	vsub.f32 v32, v19;
	v41 =	vsub.f32 v58, v25;
	v0 =	vmax.f32 v0, v15;
	v6 =	vld [tilespmem:$0x1F0C0]  }
0x4a4: {  	v36 =	vmin.f32 v36, v54;
	v62 =	vld [tilespmem:$0x1F130];
	v15 =	vsub.f32 v35, v15;
	v31 =	vsub.f32 v40, v0  }
0x4a5: {  	v25 =	vmax.f32 v26, v25;
	v27 =	vsub.f32 v54, v27;
	v22 =	vsub.f32 v38, v39;
	v30 =	vld [tilespmem:$0x1F120]  }
0x4a6: {  	v7 =	vsub.f32 v10, v49;
	v2 =	vsub.f32 v51, v2;
	v5 =	vmin.f32 v5, v47  }
0x4a7: {  	s15 =	sadd.s32 $0x1, s11;
	v10 =	vmin.f32 v8, v10;
	v8 =	vsub.f32 v48, v50;
	v48 =	vsub.f32 v5, v3;
	v3 =	vld [tilespmem:$0x1F5F0]  }
0x4a8: {  	v51 =	vmov s15;
	v4 =	vmax.f32 v4, v19;
	v19 =	vmin.f32 v6, v32  }
0x4a9: {  	v6 =	vsub.f32 v23, v12;
	v12 =	vmax.f32 v13, v12;
	v47 =	vsub.f32 v28, v62;
	v28 =	vld [tilespmem:$0x1F180]  }
0x4aa: {  	v13 =	vsub.f32 v63, v55;
	v23 =	vmin.f32 v30, v23;
	v40 =	vsub.f32 v16, v61;
	v61 =	vld [tilespmem:$0x1F140]  }
0x4ab: {  	v39 =	vsub.f32 v19, v4;
	v4 =	vmin.f32 v42, v58;
	v54 =	vsub.f32 v23, v12;
	v12 =	vld [tilespmem:$0x1F150]  }
0x4ac: {  	p1 =	sne.s32 s31, $0x1C00;
	v55 =	vsub.f32 v4, v25;
	v26 =	vperm.xlane v3, v9;
	v4 =	vperm.xlane v3, v51;
	v3 =	vld [tilespmem:$0x1F190]  }
.Ltmp3:
0x4ad: {  	v35 =	vsub.f32 v53, v52;
	v38 =	vsub.f32 v56, v46;
	(pc) =	sbr.rel @p1 .LBB2_5-.Ltmp3, $4  }
0x4ae: {  	v14 =	vmax.f32 v14, v49;
	v1 =	vsub.f32 v36, v1;
	v0 =	vsub.f32 v45, v43  }
0x4af: {  	v44 =	vmul.f32 v2, v2;
	v63 =	vld [tilespmem:$0x1F110];
	v37 =	vsub.f32 v37, v60;
	v42 =	vsub.f32 v57, v28  }
0x4b0: {  	v43 =	vmul.f32 v1, v1;
	v23 =	vld [tilespmem:$0x1F160];
	v53 =	vsub.f32 v15, v61;
	v49 =	vsub.f32 v24, v12  }
0x4b1: {  	s31 =	sadd.s32 $0x400, s31;
	v25 =	vld [tilespmem:$0x1F170];
	v52 =	vsub.f32 v10, v14;
	v14 =	vmovc v9;
	v50 =	vsub.f32 v27, v3;
	v27 =	vmov v3  }
0x4b2: {  	v0 =	vmul.f32 v0, v0  }
0x4b3: {  	v2 =	vmul.f32 v8, v8;
	v3 =	vmul.f32 v13, v13  }
0x4b4: {  	v46 =	vld [tilespmem:$0x1F490];
	v8 =	vmul.f32 v35, v35;
	v9 =	vmul.f32 v37, v37  }
0x4b5: {  	v13 =	vmul.f32 v39, v39;
	v36 =	vld [tilespmem:$0x1F4E0];
	v56 =	vmul.f32 v54, v54  }
0x4b6: {  	v57 =	vmul.f32 v55, v55;
	v39 =	vld [tilespmem:$0x1F4F0];
	v58 =	vmul.f32 v47, v26  }
0x4b7: {  	v24 =	vmul.f32 v53, v4;
	v59 =	vmul.f32 v49, v26;
	v47 =	vld [tilespmem:$0x1F530];
	v15 =	vsub.f32 v21, v63  }
0x4b8: {  	v45 =	vmovc v12;
	v32 =	vld [tilespmem:$0x1F560];
	v60 =	vmul.f32 v50, v4;
	v21 =	vadd.f32 v57, v56;
	v56 =	vadd.f32 v58, v62  }
0x4b9: {  	v12 =	vmul.f32 v38, v38;
	v37 =	vmovc v27;
	v54 =	vld [tilespmem:$0x1F590];
	v57 =	vadd.f32 v24, v61;
	v59 =	vadd.f32 v59, v45  }
0x4ba: {  	v19 =	vmul.f32 v48, v48;
	v55 =	vld [tilespmem:$0x1F5B0];
	v5 =	vsub.f32 v34, v23;
	v60 =	vadd.f32 v60, v37  }
0x4bb: {  	v53 =	vmul.f32 v42, v4;
	v10 =	vsub.f32 v22, v25;
	v13 =	vadd.f32 v13, v21  }
0x4bc: {  	v1 =	vsub.f32 v33, v46;
	v33 =	vmovc v14;
	v14 =	vmul.f32 v40, v40;
	v16 =	vsub.f32 v20, v36;
	v40 =	vld [tilespmem:$0x1F500]  }
0x4bd: {  	v15 =	vmul.f32 v15, v4;
	v11 =	vsub.f32 v11, v39;
	v18 =	vsub.f32 v18, v47  }
0x4be: {  	v20 =	vmul.f32 v52, v52;
	v7 =	vsub.f32 v7, v32;
	v6 =	vsub.f32 v6, v54  }
0x4bf: {  	v52 =	vmovc v28;
	v5 =	vmul.f32 v5, v4;
	v30 =	vsub.f32 v41, v55;
	v10 =	vmul.f32 v10, v26  }
0x4c0: {  	v61 =	vadd.f32 v53, v52;
	v1 =	vmul.f32 v1, v26;
	v16 =	vmul.f32 v16, v26  }
0x4c1: {  	v6 =	vmul.f32 v6, v26;
	v58 =	vmul.f32 v30, v26;
	v17 =	vsub.f32 v17, v40  }
0x4c2: {  	v15 =	vadd.f32 v15, v63;
	v18 =	vmul.f32 v18, v4;
	v7 =	vmul.f32 v7, v4  }
0x4c3: {  	v34 =	vmovc v23;
	v6 =	vadd.f32 v6, v54;
	v23 =	vadd.f32 v58, v55;
	v17 =	vmul.f32 v17, v26  }
0x4c4: {  	v62 =	vmul.f32 v11, v4;
	v18 =	vadd.f32 v18, v47;
	v7 =	vadd.f32 v7, v32  }
0x4c5: {  	v6 =	vmul.f32 v6, v6;
	v26 =	vmul.f32 v23, v23;
	v17 =	vadd.f32 v17, v40  }
0x4c6: {  	v4 =	vadd.f32 v62, v39;
	v18 =	vmul.f32 v18, v18;
	v7 =	vmul.f32 v7, v7  }
0x4c7: {  	v16 =	vadd.f32 v16, v36;
	v6 =	vadd.f32 v26, v6;
	v28 =	vmul.f32 v17, v17  }
0x4c8: {  	v35 =	vmovc v25;
	v19 =	vadd.f32 v20, v19;
	v4 =	vmul.f32 v4, v4;
	v7 =	vadd.f32 v7, v18  }
0x4c9: {  	v10 =	vadd.f32 v10, v35;
	v30 =	vmul.f32 v16, v16;
	v6 =	vadd.f32 v28, v6  }
0x4ca: {  	v5 =	vadd.f32 v5, v34;
	v32 =	vmul.f32 v15, v15;
	v4 =	vadd.f32 v4, v7  }
0x4cb: {  	v1 =	vadd.f32 v1, v46;
	v10 =	vmul.f32 v10, v10;
	v6 =	vadd.f32 v30, v6  }
0x4cc: {  	v35 =	vadd.f32 v14, v19;
	v5 =	vmul.f32 v5, v5;
	v4 =	vadd.f32 v32, v4  }
0x4cd: {  	v36 =	vadd.f32 v9, v13;
	v1 =	vmul.f32 v1, v1;
	v6 =	vadd.f32 v10, v6  }
0x4ce: {  	v38 =	vmul.f32 v61, v61;
	v37 =	vadd.f32 v12, v35;
	v4 =	vadd.f32 v5, v4  }
0x4cf: {  	v39 =	vmul.f32 v59, v59;
	v3 =	vadd.f32 v3, v36;
	v1 =	vadd.f32 v1, v6  }
0x4d0: {  	v48 =	vld [tilespmem:$0x1FFC0];
	v41 =	vmul.f32 v60, v60;
	v40 =	vadd.f32 v8, v37;
	v4 =	vadd.f32 v38, v4  }
0x4d1: {  	v42 =	vmul.f32 v56, v56;
	v0 =	vadd.f32 v0, v3;
	v1 =	vadd.f32 v39, v1  }
0x4d2: {  	v45 =	vmul.f32 v57, v57;
	v2 =	vadd.f32 v2, v40;
	v4 =	vadd.f32 v41, v4  }
0x4d3: {  	v46 =	vmul.f32 v29, v29;
	v0 =	vadd.f32 v44, v0;
	v1 =	vadd.f32 v42, v1  }
0x4d4: {  	v47 =	vmul.f32 v31, v31;
	v2 =	vadd.f32 v43, v2;
	v4 =	vadd.f32 v45, v4  }
0x4d5: {  	v0 =	vadd.f32 v46, v0;
	v49 =	vperm.xlane v1, v48  }
0x4d6: {  	v2 =	vadd.f32 v47, v2;
	v50 =	vperm.xlane v4, v48  }
0x4d7: {  	v53 =	vld [tilespmem:$0x1FFD0];
	v6 =	vperm.xlane v0, v48;
	v1 =	vadd.f32 v1, v49  }
0x4d8: {  	v52 =	vperm.xlane v2, v48;
	v3 =	vadd.f32 v4, v50  }
0x4d9: {  	v0 =	vadd.f32 v0, v6;
	v1 =	vperm.xlane v1, v48  }
0x4da: {  	v2 =	vadd.f32 v2, v52;
	v3 =	vperm.xlane v3, v48  }
0x4db: {  	v55 =	vld [tilespmem:$0x1FFE0];
	v0 =	vsel vm0, v0, v1  }
0x4dc: {  	v2 =	vsel vm0, v2, v3;
	v1 =	vperm.xlane v0, v53  }
0x4dd: {  	v3 =	vperm.xlane v2, v53  }
0x4de: {  	v0 =	vadd.f32 v0, v1  }
0x4df: {  	v57 =	vld [tilespmem:$0x1FFF0];
	v54 =	vadd.f32 v2, v3  }
0x4e0: {  	v56 =	vperm.xlane v0, v55  }
0x4e1: {  	v3 =	vperm.xlane v54, v55  }
0x4e2: {  	v0 =	vadd.f32 v0, v56  }
0x4e3: {  	v1 =	vadd.f32 v54, v3  }
0x4e4: {  	v2 =	vperm.xlane v0, v57  }
0x4e5: {  	v3 =	vperm.xlane v1, v57  }
0x4e6: {  	v0 =	vadd.f32 v0, v2  }
0x4e7: {  	v58 =	vimm.s32 $0x8;
	v1 =	vadd.f32 v1, v3  }
0x4e8: {  	v2 =	vperm.xlane v0, v58  }
0x4e9: {  	v3 =	vperm.xlane v1, v58  }
0x4ea: {  	(erf) = vrcp.f32 v2  }
0x4eb: {  	(erf) = vrcp.f32 v3;
	_ =	sdelay $0x5  }
0x4ec: {  	v63 =	vld [tilespmem:$0x1F5C0];
	v59 =	vimm.s32 $0x0  }
0x4ed: {  	v0 =	vperm.xlane v0, v59  }
0x4ee: {  	v1 =	vperm.xlane v1, v59;
	v60 =	vpop (erf)  }
.Ltmp4:
0x4ef: {  	v62 =	vlaneseq.u32;
	v0 =	vmul.f32 v60, v0;
	v61 =	vpop (erf);
	(pc) =	sbr.rel @p0 .LBB2_8-.Ltmp4, $4  }
0x4f0: {  	vm1 =	veq.s32 v33, v62;
	v1 =	vmul.f32 v61, v1  }
0x4f1: {  	v0 =	vsel vm1, v0, v63;
	vm1 =	veq.s32 v51, v62  }
0x4f2: {  	v0 =	vsel vm1, v1, v0  }
0x4f3: {  	[tilespmem:s10+$0xA00] =	vst v0  }
0x4f4: {  	s10 =	sadd.s32 $0x30, s9  }
0x4f5: {  	[tilespmem:s29], [sflag:$0x2] =	stream.indirect.gather [hbm4b:s1+s19], $0x80, s10, s19, $0xb8;
	[tilespmem:$0x8C00] =	vst v63  }
0x4f6: {  	_ = 	snop  }
0x4f7: {  	[tilespmem:s30], [sflag:$0x2] =	stream.indirect.gather [hbm4b:s2+s19], $0x80, s10, s19, $0xb8;
	[tilespmem:$0x8C00] =	vst v63  }
0x4f8: {  	s11 =	sadd.s32 $0x230, s9  }
0x4f9: {  	[tilespmem:s0], [sflag:$0x2] =	stream.indirect.gather [hbm4b:s1+s19], $0x80, s11, s19, $0xb8;
	[tilespmem:$0x8C00] =	vst v63  }
0x4fa: {  	_ = 	snop  }
0x4fb: {  	[tilespmem:s3], [sflag:$0x2] =	stream.indirect.gather [hbm4b:s2+s19], $0x80, s11, s19, $0xb8;
	[tilespmem:$0x8C00] =	vst v63  }
0x4fc: {  	s15 =	sadd.s32 $0x430, s9  }
0x4fd: {  	[tilespmem:s20], [sflag:$0x2] =	stream.indirect.gather [hbm4b:s1+s19], $0x80, s15, s19, $0xb8;
	[tilespmem:$0x8C00] =	vst v63  }
0x4fe: {  	_ = 	snop  }
0x4ff: {  	[tilespmem:s21], [sflag:$0x2] =	stream.indirect.gather [hbm4b:s2+s19], $0x80, s15, s19, $0xb8;
	[tilespmem:$0x8C00] =	vst v63  }
.Ltmp5:
0x500: {  	_ = 	snop;
	(pc) =	sbr.rel .LBB2_2-.Ltmp5, $4  }
0x501: {  	s31 =	sadd.s32 $0x630, s9  }
0x502: {  	[tilespmem:s23], [sflag:$0x2] =	stream.indirect.gather [hbm4b:s5+s19], $0x80, s31, s19, $0xb8;
	[tilespmem:$0x8C00] =	vst v63  }
0x503: {  	s8 =	sadd.s32 $0x1, s8  }
0x504: {  	[tilespmem:s24], [sflag:$0x2] =	stream.indirect.gather [hbm4b:s6+s19], $0x80, s31, s19, $0xb8;
	[tilespmem:$0x8C00] =	vst v63  }
.LBB2_9:
0x505: {  	_ =	sfence.sel $0x180000  }
0x506: {  	[bflag:$0x0] =	sbarrier.arrive $0xFFFF  }
0x507: {  	_ =	strace $0x90000047  }
0x508: {  	s0 =	stileid.u32;
	[bflag:$0x2] =	sbarrier.arrive $0xFFFF  }
0x509: {  	p0 =	sne.s32 s0, $0x0;
	s0 =	rddreg [dreg:$0x4]  }
0x50a: {  	s0 =	sadd.s32 @!p0 $0x100000, s0  }
0x50b: {  	[sflag:s0] =	ssyncadd.tile.s32 @!p0 $0x1;
	_ =	shalt  }
.Lfunc_end2:
_tile_overlayer_lowered:
.L_overlay_start_2:
0x50c: {  	(tag) =	ssettag $0x2  }
0x50d: {  	s0 =	rddreg [dreg:$0x0];
	s2 =	stileid.u32  }
0x50e: {  	s1 =	rddreg [dreg:$0x1];
	p0 =	sne.s32 s2, $0x0  }
0x50f: {  	s3 =	rddreg [dreg:$0x2];
	[bflag:$0x3] =	sbarrier.arrive $0xFFFF;
	s2 =	simm.s32 @!p0 $0x1C03  }
0x510: {  	[timem:s3], [sflag:s2] =	dma.local @!p0 [hbm:s0], s1  }
0x511: {  	s0 =	simm.s32 @!p0 $0x3  }
0x512: {  	_ =	swait.ge @!p0 [sflag:s0], s1  }
0x513: {  	s1 =	ssub.s32 @!p0 $0x0, s1;
	[sflag:s0] =	ssyncset.done @!p0 $0x0  }
0x514: {  	[sflag:s0] =	ssyncadd.s32 @!p0 s1  }
0x515: {  	[bflag:$0x3] =	sbarrier.arrive $0xFFFF  }
0x516: {  	_ =	shalt  }

</sc_bundles>
